<compile_context>
chip_gen: v7x
topology: tpu7x:2x2x1
jax: 0.10.2.dev20260603
libtpu: 0.0.44.dev20260713+nightly
codegen_flags: <defaults>
</compile_context>

<pallas_src>
import functools

import jax
import jax.numpy as jnp
from jax import lax
from jax.experimental import pallas as pl
from jax.experimental.pallas import tpu as pltpu
from jax.experimental.pallas import tpu_sc as plsc

NUM_EMB = 100000
D = 1024
LANES = 16
VECS_PER_ROW = D // LANES

NUM_CORES = 2
NUM_SUBCORES = 16
NW = NUM_CORES * NUM_SUBCORES

B_TOTAL = 4 * 4096
B_PER_W = B_TOTAL // NW
CHUNK = 16
N_CHUNKS = B_PER_W // CHUNK
NBUF = 7
LOOKAHEAD = 6

SCALE = 32.0

_MESH = plsc.VectorSubcoreMesh(
    core_axis_name="c", subcore_axis_name="s",
    num_cores=NUM_CORES, num_subcores=NUM_SUBCORES,
)


@functools.partial(
    pl.kernel,
    out_type=jax.ShapeDtypeStruct((B_TOTAL, D), jnp.float32),
    mesh=_MESH,
    scratch_types=[
        pltpu.VMEM((B_PER_W,), jnp.int32),
    ]
    + [pltpu.VMEM((CHUNK, D), jnp.float32)] * NBUF
    + [pltpu.SemaphoreType.DMA] * (2 * NBUF),
)
def _gather_scale(ids_hbm, w_hbm, out_hbm, idx_v, *bufs_and_sems):
    wid = lax.axis_index("s") * NUM_CORES + lax.axis_index("c")
    base = wid * B_PER_W
    row = wid // (4096 // B_PER_W)
    col = (wid % (4096 // B_PER_W)) * B_PER_W
    pltpu.sync_copy(ids_hbm.at[row, pl.ds(col, B_PER_W)], idx_v)

    bufs = bufs_and_sems[:NBUF]
    gsems = bufs_and_sems[NBUF:2 * NBUF]
    ssems = bufs_and_sems[2 * NBUF:]

    def scale_chunk(buf):
        @plsc.parallel_loop(0, CHUNK * VECS_PER_ROW, step=1, unroll=8)
        def _(i):
            r = lax.shift_right_logical(i, 6)
            c = lax.mul(lax.bitwise_and(i, VECS_PER_ROW - 1), LANES)
            sl = (r, pl.ds(c, LANES))
            buf[sl] = buf[sl] * SCALE

    def gather(ci):
        b = ci % NBUF
        return pltpu.async_copy(
            w_hbm.at[idx_v.at[pl.ds(ci * CHUNK, CHUNK)]], bufs[b], gsems[b]
        )

    def store(ci):
        b = ci % NBUF
        return pltpu.async_copy(
            bufs[b], out_hbm.at[pl.ds(base + ci * CHUNK, CHUNK)], ssems[b]
        )

    gd = [None] * N_CHUNKS
    sd = [None] * N_CHUNKS
    for ci in range(LOOKAHEAD):
        gd[ci] = gather(ci)
    for ci in range(N_CHUNKS):
        b = ci % NBUF
        nxt = ci + LOOKAHEAD
        if nxt < N_CHUNKS:
            if nxt >= NBUF:
                sd[nxt - NBUF].wait()
            gd[nxt] = gather(nxt)
        gd[ci].wait()
        scale_chunk(bufs[b])
        sd[ci] = store(ci)
    for ci in range(N_CHUNKS - NBUF, N_CHUNKS):
        sd[ci].wait()


def kernel(input_ids, weight):
    out = _gather_scale(input_ids, weight)
    return out.reshape(input_ids.shape[0], input_ids.shape[1], D)

# --- scband reference (transcript-rebuilt; emitter-appended) ---
"""Pipeline reference for scband-gemma3-text-scaled-word-embedding-59536836657490 (READ-ONLY COPY).

The authoritative reference and input builder live on the scoring server;
editing this copy changes nothing except your own understanding.
"""

import jax, jax.numpy as jnp
import numpy as np

NUM_EMBEDDINGS = 100000
EMBEDDING_DIM = 1024
EMBED_SCALE = 32.0
BATCH = 4
SEQ_LEN = 4096


def setup_inputs(seed: int = 0) -> dict:
    key = jax.random.key(seed)
    k_ids, k_w = jax.random.split(key)
    input_ids = jax.random.randint(k_ids, (BATCH, SEQ_LEN), 0, NUM_EMBEDDINGS, dtype=jnp.int64 if jax.config.jax_enable_x64 else jnp.int32)
    # nnx.Embed default initializer is variance-scaling-ish normal; plain normal is faithful enough in scale
    weight = jax.random.normal(k_w, (NUM_EMBEDDINGS, EMBEDDING_DIM), dtype=jnp.float32) * 0.02
    return {"input_ids": input_ids, "weight": weight}


def reference(input_ids, weight):
    # Gemma3TextScaledWordEmbedding.__call__: embed lookup then scale.
    # embed_scale is stored as bf16 then cast to f32, replicate that rounding.
    embed_scale = jnp.array(EMBED_SCALE, dtype=jnp.bfloat16).astype(jnp.float32)
    emb = jnp.take(weight, input_ids, axis=0)
    return emb * embed_scale

if __name__ == "__main__":
    import jax
    _d = setup_inputs()
    print(jax.jit(kernel)(*tuple(_d.values())))

</pallas_src>

<mosaic_0001>
#map = affine_map<(d0, d1) -> (0, 0)>
module attributes {stable_mosaic.version = 14 : i64} {
  func.func @_gather_scale(%arg0: i32, %arg1: i32, %arg2: memref<4x4096xi32, #tpu.memory_space<hbm>>, %arg3: memref<100000x1024xf32, #tpu.memory_space<hbm>>, %arg4: memref<16384x1024xf32, #tpu.memory_space<hbm>>, %arg5: memref<512xi32, #tpu.memory_space<vmem>>, %arg6: memref<16x1024xf32, #tpu.memory_space<vmem>>, %arg7: memref<16x1024xf32, #tpu.memory_space<vmem>>, %arg8: memref<16x1024xf32, #tpu.memory_space<vmem>>, %arg9: memref<16x1024xf32, #tpu.memory_space<vmem>>, %arg10: memref<16x1024xf32, #tpu.memory_space<vmem>>, %arg11: memref<16x1024xf32, #tpu.memory_space<vmem>>, %arg12: memref<16x1024xf32, #tpu.memory_space<vmem>>, %arg13: memref<!tpu.dma_semaphore, #tpu.memory_space<semaphore_mem>>, %arg14: memref<!tpu.dma_semaphore, #tpu.memory_space<semaphore_mem>>, %arg15: memref<!tpu.dma_semaphore, #tpu.memory_space<semaphore_mem>>, %arg16: memref<!tpu.dma_semaphore, #tpu.memory_space<semaphore_mem>>, %arg17: memref<!tpu.dma_semaphore, #tpu.memory_space<semaphore_mem>>, %arg18: memref<!tpu.dma_semaphore, #tpu.memory_space<semaphore_mem>>, %arg19: memref<!tpu.dma_semaphore, #tpu.memory_space<semaphore_mem>>, %arg20: memref<!tpu.dma_semaphore, #tpu.memory_space<semaphore_mem>>, %arg21: memref<!tpu.dma_semaphore, #tpu.memory_space<semaphore_mem>>, %arg22: memref<!tpu.dma_semaphore, #tpu.memory_space<semaphore_mem>>, %arg23: memref<!tpu.dma_semaphore, #tpu.memory_space<semaphore_mem>>, %arg24: memref<!tpu.dma_semaphore, #tpu.memory_space<semaphore_mem>>, %arg25: memref<!tpu.dma_semaphore, #tpu.memory_space<semaphore_mem>>, %arg26: memref<!tpu.dma_semaphore, #tpu.memory_space<semaphore_mem>>) attributes {dimension_semantics = [#tpu.dimension_semantics<core_parallel>, #tpu.dimension_semantics<subcore_parallel>], iteration_bounds = array<i64: 2, 16>, scalar_prefetch = 0 : i64, scratch_operands = 22 : i64, tpu.core_type = #tpu.core_type<sc_vector_subcore>, window_params = [{transform_indices = #map}, {transform_indices = #map}, {transform_indices = #map}]} {
    %mul3A = arith.constant 2 : i32
    %mul3A_0 = arith.muli %arg1, %mul3A : i32
    %add3A = arith.addi %mul3A_0, %arg0 : i32
    %mul3A_1 = arith.constant 512 : i32
    %mul3A_2 = arith.muli %add3A, %mul3A_1 : i32
    %jit3A = arith.constant 8 : i32
    %div3A = arith.divsi %add3A, %jit3A : i32
    %sign3A = arith.constant 0 : i32
    %sign3A_3 = arith.cmpi sgt, %add3A, %sign3A : i32
    %sign3A_4 = arith.extui %sign3A_3 : i1 to i32
    %sign3A_5 = arith.constant 0 : i32
    %sign3A_6 = arith.cmpi slt, %add3A, %sign3A_5 : i32
    %sign3A_7 = arith.extui %sign3A_6 : i1 to i32
    %sign3A_8 = arith.subi %sign3A_4, %sign3A_7 : i32
    %sign3A_9 = arith.constant 0 : i32
    %sign3A_10 = arith.cmpi sgt, %jit3A, %sign3A_9 : i32
    %sign3A_11 = arith.extui %sign3A_10 : i1 to i32
    %sign3A_12 = arith.constant 0 : i32
    %sign3A_13 = arith.cmpi slt, %jit3A, %sign3A_12 : i32
    %sign3A_14 = arith.extui %sign3A_13 : i1 to i32
    %sign3A_15 = arith.subi %sign3A_11, %sign3A_14 : i32
    %ne3A = arith.cmpi ne, %sign3A_8, %sign3A_15 : i32
    %rem3A = arith.remsi %add3A, %jit3A : i32
    %ne3A_16 = arith.constant 0 : i32
    %ne3A_17 = arith.cmpi ne, %rem3A, %ne3A_16 : i32
    %and3A = arith.andi %ne3A, %ne3A_17 : i1
    %sub3A = arith.constant 1 : i32
    %sub3A_18 = arith.subi %div3A, %sub3A : i32
    %select_n3A = arith.select %and3A, %sub3A_18, %div3A : i32
    %jit3A_19 = arith.constant 8 : i32
    %eq3A = arith.constant 0 : i32
    %eq3A_20 = arith.cmpi eq, %jit3A_19, %eq3A : i32
    %jit3A_21 = arith.constant 1 : i32
    %select_n3A_22 = arith.select %eq3A_20, %jit3A_21, %jit3A_19 : i32
    %rem3A_23 = arith.remsi %add3A, %select_n3A_22 : i32
    %ne3A_24 = arith.constant 0 : i32
    %ne3A_25 = arith.cmpi ne, %rem3A_23, %ne3A_24 : i32
    %lt3A = arith.constant 0 : i32
    %lt3A_26 = arith.cmpi slt, %rem3A_23, %lt3A : i32
    %lt3A_27 = arith.constant 0 : i32
    %lt3A_28 = arith.cmpi slt, %select_n3A_22, %lt3A_27 : i32
    %ne3A_29 = arith.xori %lt3A_26, %lt3A_28 : i1
    %and3A_30 = arith.andi %ne3A_29, %ne3A_25 : i1
    %add3A_31 = arith.addi %rem3A_23, %select_n3A_22 : i32
    %select_n3A_32 = arith.select %and3A_30, %add3A_31, %rem3A_23 : i32
    %mul3A_33 = arith.constant 512 : i32
    %mul3A_34 = arith.muli %select_n3A_32, %mul3A_33 : i32
    "tpu.region"() ({
      %run_scoped3A = tpu.sem_alloc : memref<!tpu.dma_semaphore, #tpu.memory_space<semaphore_mem>>
      %dma_start3A_768 = tpu.memref_slice %arg2[%select_n3A, %mul3A_34] : memref<4x4096xi32, #tpu.memory_space<hbm>> -> memref<1x512xi32, #tpu.memory_space<hbm>>
      %dma_start3A_769 = tpu.memref_squeeze %dma_start3A_768 : memref<1x512xi32, #tpu.memory_space<hbm>> -> memref<512xi32, #tpu.memory_space<hbm>>
      %dma_start3A_770 = tpu.memref_slice %arg2[%select_n3A, %mul3A_34] : memref<4x4096xi32, #tpu.memory_space<hbm>> -> memref<1x512xi32, #tpu.memory_space<hbm>>
      %dma_start3A_771 = tpu.memref_squeeze %dma_start3A_770 : memref<1x512xi32, #tpu.memory_space<hbm>> -> memref<512xi32, #tpu.memory_space<hbm>>
      tpu.enqueue_dma source(%dma_start3A_771 : memref<512xi32, #tpu.memory_space<hbm>>) target(%arg5 : memref<512xi32, #tpu.memory_space<vmem>>) target_semaphore(%run_scoped3A : memref<!tpu.dma_semaphore, #tpu.memory_space<semaphore_mem>>)
      %dma_wait3A_772 = tpu.memref_slice %arg2[%select_n3A, %mul3A_34] : memref<4x4096xi32, #tpu.memory_space<hbm>> -> memref<1x512xi32, #tpu.memory_space<hbm>>
      %dma_wait3A_773 = tpu.memref_squeeze %dma_wait3A_772 : memref<1x512xi32, #tpu.memory_space<hbm>> -> memref<512xi32, #tpu.memory_space<hbm>>
      %dma_wait3A_774 = tpu.memref_slice %arg2[%select_n3A, %mul3A_34] : memref<4x4096xi32, #tpu.memory_space<hbm>> -> memref<1x512xi32, #tpu.memory_space<hbm>>
      %dma_wait3A_775 = tpu.memref_squeeze %dma_wait3A_774 : memref<1x512xi32, #tpu.memory_space<hbm>> -> memref<512xi32, #tpu.memory_space<hbm>>
      tpu.wait_dma2 semaphore(%run_scoped3A : memref<!tpu.dma_semaphore, #tpu.memory_space<semaphore_mem>>) src(%dma_wait3A_775 : memref<512xi32, #tpu.memory_space<hbm>>) dst(%arg5 : memref<512xi32, #tpu.memory_space<vmem>>)
      tpu.yield
    }) : () -> ()
    %dma_start3A = arith.constant 0 : i32
    %dma_start3A_35 = tpu.memref_slice %arg5[%dma_start3A] : memref<512xi32, #tpu.memory_space<vmem>> -> memref<16xi32, #tpu.memory_space<vmem>>
    %dma_start3A_36 = arith.constant 0 : i32
    %dma_start3A_37 = arith.constant 0 : i32
    %dma_start3A_38 = tpu.memref_slice %arg3[%dma_start3A_36, %dma_start3A_37] : memref<100000x1024xf32, #tpu.memory_space<hbm>> -> memref<100000x1024xf32, #tpu.memory_space<hbm>>
    tpu.enqueue_indirect_dma source(%dma_start3A_38 : memref<100000x1024xf32, #tpu.memory_space<hbm>>) target(%arg6 : memref<16x1024xf32, #tpu.memory_space<vmem>>) offsets(%dma_start3A_35 : memref<16xi32, #tpu.memory_space<vmem>>) semaphore(%arg13 : memref<!tpu.dma_semaphore, #tpu.memory_space<semaphore_mem>>)
    %dma_start3A_39 = arith.constant 16 : i32
    %dma_start3A_40 = tpu.memref_slice %arg5[%dma_start3A_39] : memref<512xi32, #tpu.memory_space<vmem>> -> memref<16xi32, #tpu.memory_space<vmem>>
    %dma_start3A_41 = arith.constant 0 : i32
    %dma_start3A_42 = arith.constant 0 : i32
    %dma_start3A_43 = tpu.memref_slice %arg3[%dma_start3A_41, %dma_start3A_42] : memref<100000x1024xf32, #tpu.memory_space<hbm>> -> memref<100000x1024xf32, #tpu.memory_space<hbm>>
    tpu.enqueue_indirect_dma source(%dma_start3A_43 : memref<100000x1024xf32, #tpu.memory_space<hbm>>) target(%arg7 : memref<16x1024xf32, #tpu.memory_space<vmem>>) offsets(%dma_start3A_40 : memref<16xi32, #tpu.memory_space<vmem>>) semaphore(%arg14 : memref<!tpu.dma_semaphore, #tpu.memory_space<semaphore_mem>>)
    %dma_start3A_44 = arith.constant 32 : i32
    %dma_start3A_45 = tpu.memref_slice %arg5[%dma_start3A_44] : memref<512xi32, #tpu.memory_space<vmem>> -> memref<16xi32, #tpu.memory_space<vmem>>
    %dma_start3A_46 = arith.constant 0 : i32
    %dma_start3A_47 = arith.constant 0 : i32
    %dma_start3A_48 = tpu.memref_slice %arg3[%dma_start3A_46, %dma_start3A_47] : memref<100000x1024xf32, #tpu.memory_space<hbm>> -> memref<100000x1024xf32, #tpu.memory_space<hbm>>
    tpu.enqueue_indirect_dma source(%dma_start3A_48 : memref<100000x1024xf32, #tpu.memory_space<hbm>>) target(%arg8 : memref<16x1024xf32, #tpu.memory_space<vmem>>) offsets(%dma_start3A_45 : memref<16xi32, #tpu.memory_space<vmem>>) semaphore(%arg15 : memref<!tpu.dma_semaphore, #tpu.memory_space<semaphore_mem>>)
    %dma_start3A_49 = arith.constant 48 : i32
    %dma_start3A_50 = tpu.memref_slice %arg5[%dma_start3A_49] : memref<512xi32, #tpu.memory_space<vmem>> -> memref<16xi32, #tpu.memory_space<vmem>>
    %dma_start3A_51 = arith.constant 0 : i32
    %dma_start3A_52 = arith.constant 0 : i32
    %dma_start3A_53 = tpu.memref_slice %arg3[%dma_start3A_51, %dma_start3A_52] : memref<100000x1024xf32, #tpu.memory_space<hbm>> -> memref<100000x1024xf32, #tpu.memory_space<hbm>>
    tpu.enqueue_indirect_dma source(%dma_start3A_53 : memref<100000x1024xf32, #tpu.memory_space<hbm>>) target(%arg9 : memref<16x1024xf32, #tpu.memory_space<vmem>>) offsets(%dma_start3A_50 : memref<16xi32, #tpu.memory_space<vmem>>) semaphore(%arg16 : memref<!tpu.dma_semaphore, #tpu.memory_space<semaphore_mem>>)
    %dma_start3A_54 = arith.constant 64 : i32
    %dma_start3A_55 = tpu.memref_slice %arg5[%dma_start3A_54] : memref<512xi32, #tpu.memory_space<vmem>> -> memref<16xi32, #tpu.memory_space<vmem>>
    %dma_start3A_56 = arith.constant 0 : i32
    %dma_start3A_57 = arith.constant 0 : i32
    %dma_start3A_58 = tpu.memref_slice %arg3[%dma_start3A_56, %dma_start3A_57] : memref<100000x1024xf32, #tpu.memory_space<hbm>> -> memref<100000x1024xf32, #tpu.memory_space<hbm>>
    tpu.enqueue_indirect_dma source(%dma_start3A_58 : memref<100000x1024xf32, #tpu.memory_space<hbm>>) target(%arg10 : memref<16x1024xf32, #tpu.memory_space<vmem>>) offsets(%dma_start3A_55 : memref<16xi32, #tpu.memory_space<vmem>>) semaphore(%arg17 : memref<!tpu.dma_semaphore, #tpu.memory_space<semaphore_mem>>)
    %dma_start3A_59 = arith.constant 80 : i32
    %dma_start3A_60 = tpu.memref_slice %arg5[%dma_start3A_59] : memref<512xi32, #tpu.memory_space<vmem>> -> memref<16xi32, #tpu.memory_space<vmem>>
    %dma_start3A_61 = arith.constant 0 : i32
    %dma_start3A_62 = arith.constant 0 : i32
    %dma_start3A_63 = tpu.memref_slice %arg3[%dma_start3A_61, %dma_start3A_62] : memref<100000x1024xf32, #tpu.memory_space<hbm>> -> memref<100000x1024xf32, #tpu.memory_space<hbm>>
    tpu.enqueue_indirect_dma source(%dma_start3A_63 : memref<100000x1024xf32, #tpu.memory_space<hbm>>) target(%arg11 : memref<16x1024xf32, #tpu.memory_space<vmem>>) offsets(%dma_start3A_60 : memref<16xi32, #tpu.memory_space<vmem>>) semaphore(%arg18 : memref<!tpu.dma_semaphore, #tpu.memory_space<semaphore_mem>>)
    %dma_start3A_64 = arith.constant 96 : i32
    %dma_start3A_65 = tpu.memref_slice %arg5[%dma_start3A_64] : memref<512xi32, #tpu.memory_space<vmem>> -> memref<16xi32, #tpu.memory_space<vmem>>
    %dma_start3A_66 = arith.constant 0 : i32
    %dma_start3A_67 = arith.constant 0 : i32
    %dma_start3A_68 = tpu.memref_slice %arg3[%dma_start3A_66, %dma_start3A_67] : memref<100000x1024xf32, #tpu.memory_space<hbm>> -> memref<100000x1024xf32, #tpu.memory_space<hbm>>
    tpu.enqueue_indirect_dma source(%dma_start3A_68 : memref<100000x1024xf32, #tpu.memory_space<hbm>>) target(%arg12 : memref<16x1024xf32, #tpu.memory_space<vmem>>) offsets(%dma_start3A_65 : memref<16xi32, #tpu.memory_space<vmem>>) semaphore(%arg19 : memref<!tpu.dma_semaphore, #tpu.memory_space<semaphore_mem>>)
    %dma_wait3A = arith.constant 0 : i32
    %dma_wait3A_69 = tpu.memref_slice %arg5[%dma_wait3A] : memref<512xi32, #tpu.memory_space<vmem>> -> memref<16xi32, #tpu.memory_space<vmem>>
    %dma_wait3A_70 = arith.constant 0 : i32
    %dma_wait3A_71 = arith.constant 0 : i32
    %dma_wait3A_72 = tpu.memref_slice %arg3[%dma_wait3A_70, %dma_wait3A_71] : memref<100000x1024xf32, #tpu.memory_space<hbm>> -> memref<100000x1024xf32, #tpu.memory_space<hbm>>
    tpu.wait_indirect_dma semaphore(%arg13 : memref<!tpu.dma_semaphore, #tpu.memory_space<semaphore_mem>>) src(%dma_wait3A_72 : memref<100000x1024xf32, #tpu.memory_space<hbm>>) dst(%arg6 : memref<16x1024xf32, #tpu.memory_space<vmem>>)
    %parallel_loop3A = arith.constant 0 : i32
    %parallel_loop3A_73 = arith.constant 1024 : i32
    %parallel_loop3A_74 = arith.constant 1 : i32
    scf.for %parallel_loop3A_768 = %parallel_loop3A to %parallel_loop3A_73 step %parallel_loop3A_74  : i32 {
      %parallel_loop3A_769 = arith.constant 6 : i32
      %parallel_loop3A_770 = arith.shrui %parallel_loop3A_768, %parallel_loop3A_769 : i32
      %parallel_loop3A_771 = arith.constant 63 : i32
      %parallel_loop3A_772 = arith.andi %parallel_loop3A_768, %parallel_loop3A_771 : i32
      %parallel_loop3A_773 = arith.constant 16 : i32
      %parallel_loop3A_774 = arith.muli %parallel_loop3A_772, %parallel_loop3A_773 : i32
      %parallel_loop3A_775 = arith.index_cast %parallel_loop3A_770 : i32 to index
      %parallel_loop3A_776 = arith.index_cast %parallel_loop3A_774 : i32 to index
      %parallel_loop3A_777 = tpu.vector_load %arg6[%parallel_loop3A_775, %parallel_loop3A_776] {strides = array<i32>} : memref<16x1024xf32, #tpu.memory_space<vmem>>, vector<1x16xf32>,
      %parallel_loop3A_778 = vector.shape_cast %parallel_loop3A_777 : vector<1x16xf32> to vector<16xf32>
      %parallel_loop3A_779 = arith.constant 3.200000e+01 : f32
      %parallel_loop3A_780 = vector.broadcast %parallel_loop3A_779 : f32 to vector<16xf32>
      %parallel_loop3A_781 = arith.mulf %parallel_loop3A_778, %parallel_loop3A_780 : vector<16xf32>
      %parallel_loop3A_782 = arith.index_cast %parallel_loop3A_770 : i32 to index
      %parallel_loop3A_783 = arith.index_cast %parallel_loop3A_774 : i32 to index
      %parallel_loop3A_784 = tpu.vector_load %arg6[%parallel_loop3A_782, %parallel_loop3A_783] {strides = array<i32>} : memref<16x1024xf32, #tpu.memory_space<vmem>>, vector<1x16xf32>,
      %parallel_loop3A_785 = vector.shape_cast %parallel_loop3A_784 : vector<1x16xf32> to vector<16xf32>
      %parallel_loop3A_786 = vector.shape_cast %parallel_loop3A_781 : vector<16xf32> to vector<1x16xf32>
      tpu.vector_store %arg6[%parallel_loop3A_782, %parallel_loop3A_783], %parallel_loop3A_786 {strides = array<i32>} : memref<16x1024xf32, #tpu.memory_space<vmem>>, vector<1x16xf32>,
    } {sc.loop_unroll_factor = 8 : i64, sc.parallel_access}
    %add3A_75 = arith.constant 0 : i32
    %add3A_76 = arith.addi %mul3A_2, %add3A_75 : i32
    %dma_start3A_77 = arith.constant 0 : i32
    %dma_start3A_78 = tpu.memref_slice %arg4[%add3A_76, %dma_start3A_77] : memref<16384x1024xf32, #tpu.memory_space<hbm>> -> memref<16x1024xf32, #tpu.memory_space<hbm>>
    %dma_start3A_79 = arith.constant 0 : i32
    %dma_start3A_80 = tpu.memref_slice %arg4[%add3A_76, %dma_start3A_79] : memref<16384x1024xf32, #tpu.memory_space<hbm>> -> memref<16x1024xf32, #tpu.memory_space<hbm>>
    tpu.enqueue_dma source(%arg6 : memref<16x1024xf32, #tpu.memory_space<vmem>>) target(%dma_start3A_80 : memref<16x1024xf32, #tpu.memory_space<hbm>>) target_semaphore(%arg20 : memref<!tpu.dma_semaphore, #tpu.memory_space<semaphore_mem>>)
    %dma_wait3A_81 = arith.constant 0 : i32
    %dma_wait3A_82 = tpu.memref_slice %arg4[%add3A_76, %dma_wait3A_81] : memref<16384x1024xf32, #tpu.memory_space<hbm>> -> memref<16x1024xf32, #tpu.memory_space<hbm>>
    %dma_wait3A_83 = arith.constant 0 : i32
    %dma_wait3A_84 = tpu.memref_slice %arg4[%add3A_76, %dma_wait3A_83] : memref<16384x1024xf32, #tpu.memory_space<hbm>> -> memref<16x1024xf32, #tpu.memory_space<hbm>>
    tpu.wait_dma2 semaphore(%arg20 : memref<!tpu.dma_semaphore, #tpu.memory_space<semaphore_mem>>) src(%arg6 : memref<16x1024xf32, #tpu.memory_space<vmem>>) dst(%dma_wait3A_84 : memref<16x1024xf32, #tpu.memory_space<hbm>>)
    %dma_start3A_85 = arith.constant 112 : i32
    %dma_start3A_86 = tpu.memref_slice %arg5[%dma_start3A_85] : memref<512xi32, #tpu.memory_space<vmem>> -> memref<16xi32, #tpu.memory_space<vmem>>
    %dma_start3A_87 = arith.constant 0 : i32
    %dma_start3A_88 = arith.constant 0 : i32
    %dma_start3A_89 = tpu.memref_slice %arg3[%dma_start3A_87, %dma_start3A_88] : memref<100000x1024xf32, #tpu.memory_space<hbm>> -> memref<100000x1024xf32, #tpu.memory_space<hbm>>
    tpu.enqueue_indirect_dma source(%dma_start3A_89 : memref<100000x1024xf32, #tpu.memory_space<hbm>>) target(%arg6 : memref<16x1024xf32, #tpu.memory_space<vmem>>) offsets(%dma_start3A_86 : memref<16xi32, #tpu.memory_space<vmem>>) semaphore(%arg13 : memref<!tpu.dma_semaphore, #tpu.memory_space<semaphore_mem>>)
    %dma_wait3A_90 = arith.constant 16 : i32
    %dma_wait3A_91 = tpu.memref_slice %arg5[%dma_wait3A_90] : memref<512xi32, #tpu.memory_space<vmem>> -> memref<16xi32, #tpu.memory_space<vmem>>
    %dma_wait3A_92 = arith.constant 0 : i32
    %dma_wait3A_93 = arith.constant 0 : i32
    %dma_wait3A_94 = tpu.memref_slice %arg3[%dma_wait3A_92, %dma_wait3A_93] : memref<100000x1024xf32, #tpu.memory_space<hbm>> -> memref<100000x1024xf32, #tpu.memory_space<hbm>>
    tpu.wait_indirect_dma semaphore(%arg14 : memref<!tpu.dma_semaphore, #tpu.memory_space<semaphore_mem>>) src(%dma_wait3A_94 : memref<100000x1024xf32, #tpu.memory_space<hbm>>) dst(%arg7 : memref<16x1024xf32, #tpu.memory_space<vmem>>)
    %parallel_loop3A_95 = arith.constant 0 : i32
    %parallel_loop3A_96 = arith.constant 1024 : i32
    %parallel_loop3A_97 = arith.constant 1 : i32
    scf.for %parallel_loop3A_768 = %parallel_loop3A_95 to %parallel_loop3A_96 step %parallel_loop3A_97  : i32 {
      %parallel_loop3A_769 = arith.constant 6 : i32
      %parallel_loop3A_770 = arith.shrui %parallel_loop3A_768, %parallel_loop3A_769 : i32
      %parallel_loop3A_771 = arith.constant 63 : i32
      %parallel_loop3A_772 = arith.andi %parallel_loop3A_768, %parallel_loop3A_771 : i32
      %parallel_loop3A_773 = arith.constant 16 : i32
      %parallel_loop3A_774 = arith.muli %parallel_loop3A_772, %parallel_loop3A_773 : i32
      %parallel_loop3A_775 = arith.index_cast %parallel_loop3A_770 : i32 to index
      %parallel_loop3A_776 = arith.index_cast %parallel_loop3A_774 : i32 to index
      %parallel_loop3A_777 = tpu.vector_load %arg7[%parallel_loop3A_775, %parallel_loop3A_776] {strides = array<i32>} : memref<16x1024xf32, #tpu.memory_space<vmem>>, vector<1x16xf32>,
      %parallel_loop3A_778 = vector.shape_cast %parallel_loop3A_777 : vector<1x16xf32> to vector<16xf32>
      %parallel_loop3A_779 = arith.constant 3.200000e+01 : f32
      %parallel_loop3A_780 = vector.broadcast %parallel_loop3A_779 : f32 to vector<16xf32>
      %parallel_loop3A_781 = arith.mulf %parallel_loop3A_778, %parallel_loop3A_780 : vector<16xf32>
      %parallel_loop3A_782 = arith.index_cast %parallel_loop3A_770 : i32 to index
      %parallel_loop3A_783 = arith.index_cast %parallel_loop3A_774 : i32 to index
      %parallel_loop3A_784 = tpu.vector_load %arg7[%parallel_loop3A_782, %parallel_loop3A_783] {strides = array<i32>} : memref<16x1024xf32, #tpu.memory_space<vmem>>, vector<1x16xf32>,
      %parallel_loop3A_785 = vector.shape_cast %parallel_loop3A_784 : vector<1x16xf32> to vector<16xf32>
      %parallel_loop3A_786 = vector.shape_cast %parallel_loop3A_781 : vector<16xf32> to vector<1x16xf32>
      tpu.vector_store %arg7[%parallel_loop3A_782, %parallel_loop3A_783], %parallel_loop3A_786 {strides = array<i32>} : memref<16x1024xf32, #tpu.memory_space<vmem>>, vector<1x16xf32>,
    } {sc.loop_unroll_factor = 8 : i64, sc.parallel_access}
    %add3A_98 = arith.constant 16 : i32
    %add3A_99 = arith.addi %mul3A_2, %add3A_98 : i32
    %dma_start3A_100 = arith.constant 0 : i32
    %dma_start3A_101 = tpu.memref_slice %arg4[%add3A_99, %dma_start3A_100] : memref<16384x1024xf32, #tpu.memory_space<hbm>> -> memref<16x1024xf32, #tpu.memory_space<hbm>>
    %dma_start3A_102 = arith.constant 0 : i32
    %dma_start3A_103 = tpu.memref_slice %arg4[%add3A_99, %dma_start3A_102] : memref<16384x1024xf32, #tpu.memory_space<hbm>> -> memref<16x1024xf32, #tpu.memory_space<hbm>>
    tpu.enqueue_dma source(%arg7 : memref<16x1024xf32, #tpu.memory_space<vmem>>) target(%dma_start3A_103 : memref<16x1024xf32, #tpu.memory_space<hbm>>) target_semaphore(%arg21 : memref<!tpu.dma_semaphore, #tpu.memory_space<semaphore_mem>>)
    %dma_wait3A_104 = arith.constant 0 : i32
    %dma_wait3A_105 = tpu.memref_slice %arg4[%add3A_99, %dma_wait3A_104] : memref<16384x1024xf32, #tpu.memory_space<hbm>> -> memref<16x1024xf32, #tpu.memory_space<hbm>>
    %dma_wait3A_106 = arith.constant 0 : i32
    %dma_wait3A_107 = tpu.memref_slice %arg4[%add3A_99, %dma_wait3A_106] : memref<16384x1024xf32, #tpu.memory_space<hbm>> -> memref<16x1024xf32, #tpu.memory_space<hbm>>
    tpu.wait_dma2 semaphore(%arg21 : memref<!tpu.dma_semaphore, #tpu.memory_space<semaphore_mem>>) src(%arg7 : memref<16x1024xf32, #tpu.memory_space<vmem>>) dst(%dma_wait3A_107 : memref<16x1024xf32, #tpu.memory_space<hbm>>)
    %dma_start3A_108 = arith.constant 128 : i32
    %dma_start3A_109 = tpu.memref_slice %arg5[%dma_start3A_108] : memref<512xi32, #tpu.memory_space<vmem>> -> memref<16xi32, #tpu.memory_space<vmem>>
    %dma_start3A_110 = arith.constant 0 : i32
    %dma_start3A_111 = arith.constant 0 : i32
    %dma_start3A_112 = tpu.memref_slice %arg3[%dma_start3A_110, %dma_start3A_111] : memref<100000x1024xf32, #tpu.memory_space<hbm>> -> memref<100000x1024xf32, #tpu.memory_space<hbm>>
    tpu.enqueue_indirect_dma source(%dma_start3A_112 : memref<100000x1024xf32, #tpu.memory_space<hbm>>) target(%arg7 : memref<16x1024xf32, #tpu.memory_space<vmem>>) offsets(%dma_start3A_109 : memref<16xi32, #tpu.memory_space<vmem>>) semaphore(%arg14 : memref<!tpu.dma_semaphore, #tpu.memory_space<semaphore_mem>>)
    %dma_wait3A_113 = arith.constant 32 : i32
    %dma_wait3A_114 = tpu.memref_slice %arg5[%dma_wait3A_113] : memref<512xi32, #tpu.memory_space<vmem>> -> memref<16xi32, #tpu.memory_space<vmem>>
    %dma_wait3A_115 = arith.constant 0 : i32
    %dma_wait3A_116 = arith.constant 0 : i32
    %dma_wait3A_117 = tpu.memref_slice %arg3[%dma_wait3A_115, %dma_wait3A_116] : memref<100000x1024xf32, #tpu.memory_space<hbm>> -> memref<100000x1024xf32, #tpu.memory_space<hbm>>
    tpu.wait_indirect_dma semaphore(%arg15 : memref<!tpu.dma_semaphore, #tpu.memory_space<semaphore_mem>>) src(%dma_wait3A_117 : memref<100000x1024xf32, #tpu.memory_space<hbm>>) dst(%arg8 : memref<16x1024xf32, #tpu.memory_space<vmem>>)
    %parallel_loop3A_118 = arith.constant 0 : i32
    %parallel_loop3A_119 = arith.constant 1024 : i32
    %parallel_loop3A_120 = arith.constant 1 : i32
    scf.for %parallel_loop3A_768 = %parallel_loop3A_118 to %parallel_loop3A_119 step %parallel_loop3A_120  : i32 {
      %parallel_loop3A_769 = arith.constant 6 : i32
      %parallel_loop3A_770 = arith.shrui %parallel_loop3A_768, %parallel_loop3A_769 : i32
      %parallel_loop3A_771 = arith.constant 63 : i32
      %parallel_loop3A_772 = arith.andi %parallel_loop3A_768, %parallel_loop3A_771 : i32
      %parallel_loop3A_773 = arith.constant 16 : i32
      %parallel_loop3A_774 = arith.muli %parallel_loop3A_772, %parallel_loop3A_773 : i32
      %parallel_loop3A_775 = arith.index_cast %parallel_loop3A_770 : i32 to index
      %parallel_loop3A_776 = arith.index_cast %parallel_loop3A_774 : i32 to index
      %parallel_loop3A_777 = tpu.vector_load %arg8[%parallel_loop3A_775, %parallel_loop3A_776] {strides = array<i32>} : memref<16x1024xf32, #tpu.memory_space<vmem>>, vector<1x16xf32>,
      %parallel_loop3A_778 = vector.shape_cast %parallel_loop3A_777 : vector<1x16xf32> to vector<16xf32>
      %parallel_loop3A_779 = arith.constant 3.200000e+01 : f32
      %parallel_loop3A_780 = vector.broadcast %parallel_loop3A_779 : f32 to vector<16xf32>
      %parallel_loop3A_781 = arith.mulf %parallel_loop3A_778, %parallel_loop3A_780 : vector<16xf32>
      %parallel_loop3A_782 = arith.index_cast %parallel_loop3A_770 : i32 to index
      %parallel_loop3A_783 = arith.index_cast %parallel_loop3A_774 : i32 to index
      %parallel_loop3A_784 = tpu.vector_load %arg8[%parallel_loop3A_782, %parallel_loop3A_783] {strides = array<i32>} : memref<16x1024xf32, #tpu.memory_space<vmem>>, vector<1x16xf32>,
      %parallel_loop3A_785 = vector.shape_cast %parallel_loop3A_784 : vector<1x16xf32> to vector<16xf32>
      %parallel_loop3A_786 = vector.shape_cast %parallel_loop3A_781 : vector<16xf32> to vector<1x16xf32>
      tpu.vector_store %arg8[%parallel_loop3A_782, %parallel_loop3A_783], %parallel_loop3A_786 {strides = array<i32>} : memref<16x1024xf32, #tpu.memory_space<vmem>>, vector<1x16xf32>,
    } {sc.loop_unroll_factor = 8 : i64, sc.parallel_access}
    %add3A_121 = arith.constant 32 : i32
    %add3A_122 = arith.addi %mul3A_2, %add3A_121 : i32
    %dma_start3A_123 = arith.constant 0 : i32
    %dma_start3A_124 = tpu.memref_slice %arg4[%add3A_122, %dma_start3A_123] : memref<16384x1024xf32, #tpu.memory_space<hbm>> -> memref<16x1024xf32, #tpu.memory_space<hbm>>
    %dma_start3A_125 = arith.constant 0 : i32
    %dma_start3A_126 = tpu.memref_slice %arg4[%add3A_122, %dma_start3A_125] : memref<16384x1024xf32, #tpu.memory_space<hbm>> -> memref<16x1024xf32, #tpu.memory_space<hbm>>
    tpu.enqueue_dma source(%arg8 : memref<16x1024xf32, #tpu.memory_space<vmem>>) target(%dma_start3A_126 : memref<16x1024xf32, #tpu.memory_space<hbm>>) target_semaphore(%arg22 : memref<!tpu.dma_semaphore, #tpu.memory_space<semaphore_mem>>)
    %dma_wait3A_127 = arith.constant 0 : i32
    %dma_wait3A_128 = tpu.memref_slice %arg4[%add3A_122, %dma_wait3A_127] : memref<16384x1024xf32, #tpu.memory_space<hbm>> -> memref<16x1024xf32, #tpu.memory_space<hbm>>
    %dma_wait3A_129 = arith.constant 0 : i32
    %dma_wait3A_130 = tpu.memref_slice %arg4[%add3A_122, %dma_wait3A_129] : memref<16384x1024xf32, #tpu.memory_space<hbm>> -> memref<16x1024xf32, #tpu.memory_space<hbm>>
    tpu.wait_dma2 semaphore(%arg22 : memref<!tpu.dma_semaphore, #tpu.memory_space<semaphore_mem>>) src(%arg8 : memref<16x1024xf32, #tpu.memory_space<vmem>>) dst(%dma_wait3A_130 : memref<16x1024xf32, #tpu.memory_space<hbm>>)
    %dma_start3A_131 = arith.constant 144 : i32
    %dma_start3A_132 = tpu.memref_slice %arg5[%dma_start3A_131] : memref<512xi32, #tpu.memory_space<vmem>> -> memref<16xi32, #tpu.memory_space<vmem>>
    %dma_start3A_133 = arith.constant 0 : i32
    %dma_start3A_134 = arith.constant 0 : i32
    %dma_start3A_135 = tpu.memref_slice %arg3[%dma_start3A_133, %dma_start3A_134] : memref<100000x1024xf32, #tpu.memory_space<hbm>> -> memref<100000x1024xf32, #tpu.memory_space<hbm>>
    tpu.enqueue_indirect_dma source(%dma_start3A_135 : memref<100000x1024xf32, #tpu.memory_space<hbm>>) target(%arg8 : memref<16x1024xf32, #tpu.memory_space<vmem>>) offsets(%dma_start3A_132 : memref<16xi32, #tpu.memory_space<vmem>>) semaphore(%arg15 : memref<!tpu.dma_semaphore, #tpu.memory_space<semaphore_mem>>)
    %dma_wait3A_136 = arith.constant 48 : i32
    %dma_wait3A_137 = tpu.memref_slice %arg5[%dma_wait3A_136] : memref<512xi32, #tpu.memory_space<vmem>> -> memref<16xi32, #tpu.memory_space<vmem>>
    %dma_wait3A_138 = arith.constant 0 : i32
    %dma_wait3A_139 = arith.constant 0 : i32
    %dma_wait3A_140 = tpu.memref_slice %arg3[%dma_wait3A_138, %dma_wait3A_139] : memref<100000x1024xf32, #tpu.memory_space<hbm>> -> memref<100000x1024xf32, #tpu.memory_space<hbm>>
    tpu.wait_indirect_dma semaphore(%arg16 : memref<!tpu.dma_semaphore, #tpu.memory_space<semaphore_mem>>) src(%dma_wait3A_140 : memref<100000x1024xf32, #tpu.memory_space<hbm>>) dst(%arg9 : memref<16x1024xf32, #tpu.memory_space<vmem>>)
    %parallel_loop3A_141 = arith.constant 0 : i32
    %parallel_loop3A_142 = arith.constant 1024 : i32
    %parallel_loop3A_143 = arith.constant 1 : i32
    scf.for %parallel_loop3A_768 = %parallel_loop3A_141 to %parallel_loop3A_142 step %parallel_loop3A_143  : i32 {
      %parallel_loop3A_769 = arith.constant 6 : i32
      %parallel_loop3A_770 = arith.shrui %parallel_loop3A_768, %parallel_loop3A_769 : i32
      %parallel_loop3A_771 = arith.constant 63 : i32
      %parallel_loop3A_772 = arith.andi %parallel_loop3A_768, %parallel_loop3A_771 : i32
      %parallel_loop3A_773 = arith.constant 16 : i32
      %parallel_loop3A_774 = arith.muli %parallel_loop3A_772, %parallel_loop3A_773 : i32
      %parallel_loop3A_775 = arith.index_cast %parallel_loop3A_770 : i32 to index
      %parallel_loop3A_776 = arith.index_cast %parallel_loop3A_774 : i32 to index
      %parallel_loop3A_777 = tpu.vector_load %arg9[%parallel_loop3A_775, %parallel_loop3A_776] {strides = array<i32>} : memref<16x1024xf32, #tpu.memory_space<vmem>>, vector<1x16xf32>,
      %parallel_loop3A_778 = vector.shape_cast %parallel_loop3A_777 : vector<1x16xf32> to vector<16xf32>
      %parallel_loop3A_779 = arith.constant 3.200000e+01 : f32
      %parallel_loop3A_780 = vector.broadcast %parallel_loop3A_779 : f32 to vector<16xf32>
      %parallel_loop3A_781 = arith.mulf %parallel_loop3A_778, %parallel_loop3A_780 : vector<16xf32>
      %parallel_loop3A_782 = arith.index_cast %parallel_loop3A_770 : i32 to index
      %parallel_loop3A_783 = arith.index_cast %parallel_loop3A_774 : i32 to index
      %parallel_loop3A_784 = tpu.vector_load %arg9[%parallel_loop3A_782, %parallel_loop3A_783] {strides = array<i32>} : memref<16x1024xf32, #tpu.memory_space<vmem>>, vector<1x16xf32>,
      %parallel_loop3A_785 = vector.shape_cast %parallel_loop3A_784 : vector<1x16xf32> to vector<16xf32>
      %parallel_loop3A_786 = vector.shape_cast %parallel_loop3A_781 : vector<16xf32> to vector<1x16xf32>
      tpu.vector_store %arg9[%parallel_loop3A_782, %parallel_loop3A_783], %parallel_loop3A_786 {strides = array<i32>} : memref<16x1024xf32, #tpu.memory_space<vmem>>, vector<1x16xf32>,
    } {sc.loop_unroll_factor = 8 : i64, sc.parallel_access}
    %add3A_144 = arith.constant 48 : i32
    %add3A_145 = arith.addi %mul3A_2, %add3A_144 : i32
    %dma_start3A_146 = arith.constant 0 : i32
    %dma_start3A_147 = tpu.memref_slice %arg4[%add3A_145, %dma_start3A_146] : memref<16384x1024xf32, #tpu.memory_space<hbm>> -> memref<16x1024xf32, #tpu.memory_space<hbm>>
    %dma_start3A_148 = arith.constant 0 : i32
    %dma_start3A_149 = tpu.memref_slice %arg4[%add3A_145, %dma_start3A_148] : memref<16384x1024xf32, #tpu.memory_space<hbm>> -> memref<16x1024xf32, #tpu.memory_space<hbm>>
    tpu.enqueue_dma source(%arg9 : memref<16x1024xf32, #tpu.memory_space<vmem>>) target(%dma_start3A_149 : memref<16x1024xf32, #tpu.memory_space<hbm>>) target_semaphore(%arg23 : memref<!tpu.dma_semaphore, #tpu.memory_space<semaphore_mem>>)
    %dma_wait3A_150 = arith.constant 0 : i32
    %dma_wait3A_151 = tpu.memref_slice %arg4[%add3A_145, %dma_wait3A_150] : memref<16384x1024xf32, #tpu.memory_space<hbm>> -> memref<16x1024xf32, #tpu.memory_space<hbm>>
    %dma_wait3A_152 = arith.constant 0 : i32
    %dma_wait3A_153 = tpu.memref_slice %arg4[%add3A_145, %dma_wait3A_152] : memref<16384x1024xf32, #tpu.memory_space<hbm>> -> memref<16x1024xf32, #tpu.memory_space<hbm>>
    tpu.wait_dma2 semaphore(%arg23 : memref<!tpu.dma_semaphore, #tpu.memory_space<semaphore_mem>>) src(%arg9 : memref<16x1024xf32, #tpu.memory_space<vmem>>) dst(%dma_wait3A_153 : memref<16x1024xf32, #tpu.memory_space<hbm>>)
    %dma_start3A_154 = arith.constant 160 : i32
    %dma_start3A_155 = tpu.memref_slice %arg5[%dma_start3A_154] : memref<512xi32, #tpu.memory_space<vmem>> -> memref<16xi32, #tpu.memory_space<vmem>>
    %dma_start3A_156 = arith.constant 0 : i32
    %dma_start3A_157 = arith.constant 0 : i32
    %dma_start3A_158 = tpu.memref_slice %arg3[%dma_start3A_156, %dma_start3A_157] : memref<100000x1024xf32, #tpu.memory_space<hbm>> -> memref<100000x1024xf32, #tpu.memory_space<hbm>>
    tpu.enqueue_indirect_dma source(%dma_start3A_158 : memref<100000x1024xf32, #tpu.memory_space<hbm>>) target(%arg9 : memref<16x1024xf32, #tpu.memory_space<vmem>>) offsets(%dma_start3A_155 : memref<16xi32, #tpu.memory_space<vmem>>) semaphore(%arg16 : memref<!tpu.dma_semaphore, #tpu.memory_space<semaphore_mem>>)
    %dma_wait3A_159 = arith.constant 64 : i32
    %dma_wait3A_160 = tpu.memref_slice %arg5[%dma_wait3A_159] : memref<512xi32, #tpu.memory_space<vmem>> -> memref<16xi32, #tpu.memory_space<vmem>>
    %dma_wait3A_161 = arith.constant 0 : i32
    %dma_wait3A_162 = arith.constant 0 : i32
    %dma_wait3A_163 = tpu.memref_slice %arg3[%dma_wait3A_161, %dma_wait3A_162] : memref<100000x1024xf32, #tpu.memory_space<hbm>> -> memref<100000x1024xf32, #tpu.memory_space<hbm>>
    tpu.wait_indirect_dma semaphore(%arg17 : memref<!tpu.dma_semaphore, #tpu.memory_space<semaphore_mem>>) src(%dma_wait3A_163 : memref<100000x1024xf32, #tpu.memory_space<hbm>>) dst(%arg10 : memref<16x1024xf32, #tpu.memory_space<vmem>>)
    %parallel_loop3A_164 = arith.constant 0 : i32
    %parallel_loop3A_165 = arith.constant 1024 : i32
    %parallel_loop3A_166 = arith.constant 1 : i32
    scf.for %parallel_loop3A_768 = %parallel_loop3A_164 to %parallel_loop3A_165 step %parallel_loop3A_166  : i32 {
      %parallel_loop3A_769 = arith.constant 6 : i32
      %parallel_loop3A_770 = arith.shrui %parallel_loop3A_768, %parallel_loop3A_769 : i32
      %parallel_loop3A_771 = arith.constant 63 : i32
      %parallel_loop3A_772 = arith.andi %parallel_loop3A_768, %parallel_loop3A_771 : i32
      %parallel_loop3A_773 = arith.constant 16 : i32
      %parallel_loop3A_774 = arith.muli %parallel_loop3A_772, %parallel_loop3A_773 : i32
      %parallel_loop3A_775 = arith.index_cast %parallel_loop3A_770 : i32 to index
      %parallel_loop3A_776 = arith.index_cast %parallel_loop3A_774 : i32 to index
      %parallel_loop3A_777 = tpu.vector_load %arg10[%parallel_loop3A_775, %parallel_loop3A_776] {strides = array<i32>} : memref<16x1024xf32, #tpu.memory_space<vmem>>, vector<1x16xf32>,
      %parallel_loop3A_778 = vector.shape_cast %parallel_loop3A_777 : vector<1x16xf32> to vector<16xf32>
      %parallel_loop3A_779 = arith.constant 3.200000e+01 : f32
      %parallel_loop3A_780 = vector.broadcast %parallel_loop3A_779 : f32 to vector<16xf32>
      %parallel_loop3A_781 = arith.mulf %parallel_loop3A_778, %parallel_loop3A_780 : vector<16xf32>
      %parallel_loop3A_782 = arith.index_cast %parallel_loop3A_770 : i32 to index
      %parallel_loop3A_783 = arith.index_cast %parallel_loop3A_774 : i32 to index
      %parallel_loop3A_784 = tpu.vector_load %arg10[%parallel_loop3A_782, %parallel_loop3A_783] {strides = array<i32>} : memref<16x1024xf32, #tpu.memory_space<vmem>>, vector<1x16xf32>,
      %parallel_loop3A_785 = vector.shape_cast %parallel_loop3A_784 : vector<1x16xf32> to vector<16xf32>
      %parallel_loop3A_786 = vector.shape_cast %parallel_loop3A_781 : vector<16xf32> to vector<1x16xf32>
      tpu.vector_store %arg10[%parallel_loop3A_782, %parallel_loop3A_783], %parallel_loop3A_786 {strides = array<i32>} : memref<16x1024xf32, #tpu.memory_space<vmem>>, vector<1x16xf32>,
    } {sc.loop_unroll_factor = 8 : i64, sc.parallel_access}
    %add3A_167 = arith.constant 64 : i32
    %add3A_168 = arith.addi %mul3A_2, %add3A_167 : i32
    %dma_start3A_169 = arith.constant 0 : i32
    %dma_start3A_170 = tpu.memref_slice %arg4[%add3A_168, %dma_start3A_169] : memref<16384x1024xf32, #tpu.memory_space<hbm>> -> memref<16x1024xf32, #tpu.memory_space<hbm>>
    %dma_start3A_171 = arith.constant 0 : i32
    %dma_start3A_172 = tpu.memref_slice %arg4[%add3A_168, %dma_start3A_171] : memref<16384x1024xf32, #tpu.memory_space<hbm>> -> memref<16x1024xf32, #tpu.memory_space<hbm>>
    tpu.enqueue_dma source(%arg10 : memref<16x1024xf32, #tpu.memory_space<vmem>>) target(%dma_start3A_172 : memref<16x1024xf32, #tpu.memory_space<hbm>>) target_semaphore(%arg24 : memref<!tpu.dma_semaphore, #tpu.memory_space<semaphore_mem>>)
    %dma_wait3A_173 = arith.constant 0 : i32
    %dma_wait3A_174 = tpu.memref_slice %arg4[%add3A_168, %dma_wait3A_173] : memref<16384x1024xf32, #tpu.memory_space<hbm>> -> memref<16x1024xf32, #tpu.memory_space<hbm>>
    %dma_wait3A_175 = arith.constant 0 : i32
    %dma_wait3A_176 = tpu.memref_slice %arg4[%add3A_168, %dma_wait3A_175] : memref<16384x1024xf32, #tpu.memory_space<hbm>> -> memref<16x1024xf32, #tpu.memory_space<hbm>>
    tpu.wait_dma2 semaphore(%arg24 : memref<!tpu.dma_semaphore, #tpu.memory_space<semaphore_mem>>) src(%arg10 : memref<16x1024xf32, #tpu.memory_space<vmem>>) dst(%dma_wait3A_176 : memref<16x1024xf32, #tpu.memory_space<hbm>>)
    %dma_start3A_177 = arith.constant 176 : i32
    %dma_start3A_178 = tpu.memref_slice %arg5[%dma_start3A_177] : memref<512xi32, #tpu.memory_space<vmem>> -> memref<16xi32, #tpu.memory_space<vmem>>
    %dma_start3A_179 = arith.constant 0 : i32
    %dma_start3A_180 = arith.constant 0 : i32
    %dma_start3A_181 = tpu.memref_slice %arg3[%dma_start3A_179, %dma_start3A_180] : memref<100000x1024xf32, #tpu.memory_space<hbm>> -> memref<100000x1024xf32, #tpu.memory_space<hbm>>
    tpu.enqueue_indirect_dma source(%dma_start3A_181 : memref<100000x1024xf32, #tpu.memory_space<hbm>>) target(%arg10 : memref<16x1024xf32, #tpu.memory_space<vmem>>) offsets(%dma_start3A_178 : memref<16xi32, #tpu.memory_space<vmem>>) semaphore(%arg17 : memref<!tpu.dma_semaphore, #tpu.memory_space<semaphore_mem>>)
    %dma_wait3A_182 = arith.constant 80 : i32
    %dma_wait3A_183 = tpu.memref_slice %arg5[%dma_wait3A_182] : memref<512xi32, #tpu.memory_space<vmem>> -> memref<16xi32, #tpu.memory_space<vmem>>
    %dma_wait3A_184 = arith.constant 0 : i32
    %dma_wait3A_185 = arith.constant 0 : i32
    %dma_wait3A_186 = tpu.memref_slice %arg3[%dma_wait3A_184, %dma_wait3A_185] : memref<100000x1024xf32, #tpu.memory_space<hbm>> -> memref<100000x1024xf32, #tpu.memory_space<hbm>>
    tpu.wait_indirect_dma semaphore(%arg18 : memref<!tpu.dma_semaphore, #tpu.memory_space<semaphore_mem>>) src(%dma_wait3A_186 : memref<100000x1024xf32, #tpu.memory_space<hbm>>) dst(%arg11 : memref<16x1024xf32, #tpu.memory_space<vmem>>)
    %parallel_loop3A_187 = arith.constant 0 : i32
    %parallel_loop3A_188 = arith.constant 1024 : i32
    %parallel_loop3A_189 = arith.constant 1 : i32
    scf.for %parallel_loop3A_768 = %parallel_loop3A_187 to %parallel_loop3A_188 step %parallel_loop3A_189  : i32 {
      %parallel_loop3A_769 = arith.constant 6 : i32
      %parallel_loop3A_770 = arith.shrui %parallel_loop3A_768, %parallel_loop3A_769 : i32
      %parallel_loop3A_771 = arith.constant 63 : i32
      %parallel_loop3A_772 = arith.andi %parallel_loop3A_768, %parallel_loop3A_771 : i32
      %parallel_loop3A_773 = arith.constant 16 : i32
      %parallel_loop3A_774 = arith.muli %parallel_loop3A_772, %parallel_loop3A_773 : i32
      %parallel_loop3A_775 = arith.index_cast %parallel_loop3A_770 : i32 to index
      %parallel_loop3A_776 = arith.index_cast %parallel_loop3A_774 : i32 to index
      %parallel_loop3A_777 = tpu.vector_load %arg11[%parallel_loop3A_775, %parallel_loop3A_776] {strides = array<i32>} : memref<16x1024xf32, #tpu.memory_space<vmem>>, vector<1x16xf32>,
      %parallel_loop3A_778 = vector.shape_cast %parallel_loop3A_777 : vector<1x16xf32> to vector<16xf32>
      %parallel_loop3A_779 = arith.constant 3.200000e+01 : f32
      %parallel_loop3A_780 = vector.broadcast %parallel_loop3A_779 : f32 to vector<16xf32>
      %parallel_loop3A_781 = arith.mulf %parallel_loop3A_778, %parallel_loop3A_780 : vector<16xf32>
      %parallel_loop3A_782 = arith.index_cast %parallel_loop3A_770 : i32 to index
      %parallel_loop3A_783 = arith.index_cast %parallel_loop3A_774 : i32 to index
      %parallel_loop3A_784 = tpu.vector_load %arg11[%parallel_loop3A_782, %parallel_loop3A_783] {strides = array<i32>} : memref<16x1024xf32, #tpu.memory_space<vmem>>, vector<1x16xf32>,
      %parallel_loop3A_785 = vector.shape_cast %parallel_loop3A_784 : vector<1x16xf32> to vector<16xf32>
      %parallel_loop3A_786 = vector.shape_cast %parallel_loop3A_781 : vector<16xf32> to vector<1x16xf32>
      tpu.vector_store %arg11[%parallel_loop3A_782, %parallel_loop3A_783], %parallel_loop3A_786 {strides = array<i32>} : memref<16x1024xf32, #tpu.memory_space<vmem>>, vector<1x16xf32>,
    } {sc.loop_unroll_factor = 8 : i64, sc.parallel_access}
    %add3A_190 = arith.constant 80 : i32
    %add3A_191 = arith.addi %mul3A_2, %add3A_190 : i32
    %dma_start3A_192 = arith.constant 0 : i32
    %dma_start3A_193 = tpu.memref_slice %arg4[%add3A_191, %dma_start3A_192] : memref<16384x1024xf32, #tpu.memory_space<hbm>> -> memref<16x1024xf32, #tpu.memory_space<hbm>>
    %dma_start3A_194 = arith.constant 0 : i32
    %dma_start3A_195 = tpu.memref_slice %arg4[%add3A_191, %dma_start3A_194] : memref<16384x1024xf32, #tpu.memory_space<hbm>> -> memref<16x1024xf32, #tpu.memory_space<hbm>>
    tpu.enqueue_dma source(%arg11 : memref<16x1024xf32, #tpu.memory_space<vmem>>) target(%dma_start3A_195 : memref<16x1024xf32, #tpu.memory_space<hbm>>) target_semaphore(%arg25 : memref<!tpu.dma_semaphore, #tpu.memory_space<semaphore_mem>>)
    %dma_wait3A_196 = arith.constant 0 : i32
    %dma_wait3A_197 = tpu.memref_slice %arg4[%add3A_191, %dma_wait3A_196] : memref<16384x1024xf32, #tpu.memory_space<hbm>> -> memref<16x1024xf32, #tpu.memory_space<hbm>>
    %dma_wait3A_198 = arith.constant 0 : i32
    %dma_wait3A_199 = tpu.memref_slice %arg4[%add3A_191, %dma_wait3A_198] : memref<16384x1024xf32, #tpu.memory_space<hbm>> -> memref<16x1024xf32, #tpu.memory_space<hbm>>
    tpu.wait_dma2 semaphore(%arg25 : memref<!tpu.dma_semaphore, #tpu.memory_space<semaphore_mem>>) src(%arg11 : memref<16x1024xf32, #tpu.memory_space<vmem>>) dst(%dma_wait3A_199 : memref<16x1024xf32, #tpu.memory_space<hbm>>)
    %dma_start3A_200 = arith.constant 192 : i32
    %dma_start3A_201 = tpu.memref_slice %arg5[%dma_start3A_200] : memref<512xi32, #tpu.memory_space<vmem>> -> memref<16xi32, #tpu.memory_space<vmem>>
    %dma_start3A_202 = arith.constant 0 : i32
    %dma_start3A_203 = arith.constant 0 : i32
    %dma_start3A_204 = tpu.memref_slice %arg3[%dma_start3A_202, %dma_start3A_203] : memref<100000x1024xf32, #tpu.memory_space<hbm>> -> memref<100000x1024xf32, #tpu.memory_space<hbm>>
    tpu.enqueue_indirect_dma source(%dma_start3A_204 : memref<100000x1024xf32, #tpu.memory_space<hbm>>) target(%arg11 : memref<16x1024xf32, #tpu.memory_space<vmem>>) offsets(%dma_start3A_201 : memref<16xi32, #tpu.memory_space<vmem>>) semaphore(%arg18 : memref<!tpu.dma_semaphore, #tpu.memory_space<semaphore_mem>>)
    %dma_wait3A_205 = arith.constant 96 : i32
    %dma_wait3A_206 = tpu.memref_slice %arg5[%dma_wait3A_205] : memref<512xi32, #tpu.memory_space<vmem>> -> memref<16xi32, #tpu.memory_space<vmem>>
    %dma_wait3A_207 = arith.constant 0 : i32
    %dma_wait3A_208 = arith.constant 0 : i32
    %dma_wait3A_209 = tpu.memref_slice %arg3[%dma_wait3A_207, %dma_wait3A_208] : memref<100000x1024xf32, #tpu.memory_space<hbm>> -> memref<100000x1024xf32, #tpu.memory_space<hbm>>
    tpu.wait_indirect_dma semaphore(%arg19 : memref<!tpu.dma_semaphore, #tpu.memory_space<semaphore_mem>>) src(%dma_wait3A_209 : memref<100000x1024xf32, #tpu.memory_space<hbm>>) dst(%arg12 : memref<16x1024xf32, #tpu.memory_space<vmem>>)
    %parallel_loop3A_210 = arith.constant 0 : i32
    %parallel_loop3A_211 = arith.constant 1024 : i32
    %parallel_loop3A_212 = arith.constant 1 : i32
    scf.for %parallel_loop3A_768 = %parallel_loop3A_210 to %parallel_loop3A_211 step %parallel_loop3A_212  : i32 {
      %parallel_loop3A_769 = arith.constant 6 : i32
      %parallel_loop3A_770 = arith.shrui %parallel_loop3A_768, %parallel_loop3A_769 : i32
      %parallel_loop3A_771 = arith.constant 63 : i32
      %parallel_loop3A_772 = arith.andi %parallel_loop3A_768, %parallel_loop3A_771 : i32
      %parallel_loop3A_773 = arith.constant 16 : i32
      %parallel_loop3A_774 = arith.muli %parallel_loop3A_772, %parallel_loop3A_773 : i32
      %parallel_loop3A_775 = arith.index_cast %parallel_loop3A_770 : i32 to index
      %parallel_loop3A_776 = arith.index_cast %parallel_loop3A_774 : i32 to index
      %parallel_loop3A_777 = tpu.vector_load %arg12[%parallel_loop3A_775, %parallel_loop3A_776] {strides = array<i32>} : memref<16x1024xf32, #tpu.memory_space<vmem>>, vector<1x16xf32>,
      %parallel_loop3A_778 = vector.shape_cast %parallel_loop3A_777 : vector<1x16xf32> to vector<16xf32>
      %parallel_loop3A_779 = arith.constant 3.200000e+01 : f32
      %parallel_loop3A_780 = vector.broadcast %parallel_loop3A_779 : f32 to vector<16xf32>
      %parallel_loop3A_781 = arith.mulf %parallel_loop3A_778, %parallel_loop3A_780 : vector<16xf32>
      %parallel_loop3A_782 = arith.index_cast %parallel_loop3A_770 : i32 to index
      %parallel_loop3A_783 = arith.index_cast %parallel_loop3A_774 : i32 to index
      %parallel_loop3A_784 = tpu.vector_load %arg12[%parallel_loop3A_782, %parallel_loop3A_783] {strides = array<i32>} : memref<16x1024xf32, #tpu.memory_space<vmem>>, vector<1x16xf32>,
      %parallel_loop3A_785 = vector.shape_cast %parallel_loop3A_784 : vector<1x16xf32> to vector<16xf32>
      %parallel_loop3A_786 = vector.shape_cast %parallel_loop3A_781 : vector<16xf32> to vector<1x16xf32>
      tpu.vector_store %arg12[%parallel_loop3A_782, %parallel_loop3A_783], %parallel_loop3A_786 {strides = array<i32>} : memref<16x1024xf32, #tpu.memory_space<vmem>>, vector<1x16xf32>,
    } {sc.loop_unroll_factor = 8 : i64, sc.parallel_access}
    %add3A_213 = arith.constant 96 : i32
    %add3A_214 = arith.addi %mul3A_2, %add3A_213 : i32
    %dma_start3A_215 = arith.constant 0 : i32
    %dma_start3A_216 = tpu.memref_slice %arg4[%add3A_214, %dma_start3A_215] : memref<16384x1024xf32, #tpu.memory_space<hbm>> -> memref<16x1024xf32, #tpu.memory_space<hbm>>
    %dma_start3A_217 = arith.constant 0 : i32
    %dma_start3A_218 = tpu.memref_slice %arg4[%add3A_214, %dma_start3A_217] : memref<16384x1024xf32, #tpu.memory_space<hbm>> -> memref<16x1024xf32, #tpu.memory_space<hbm>>
    tpu.enqueue_dma source(%arg12 : memref<16x1024xf32, #tpu.memory_space<vmem>>) target(%dma_start3A_218 : memref<16x1024xf32, #tpu.memory_space<hbm>>) target_semaphore(%arg26 : memref<!tpu.dma_semaphore, #tpu.memory_space<semaphore_mem>>)
    %dma_wait3A_219 = arith.constant 0 : i32
    %dma_wait3A_220 = tpu.memref_slice %arg4[%add3A_214, %dma_wait3A_219] : memref<16384x1024xf32, #tpu.memory_space<hbm>> -> memref<16x1024xf32, #tpu.memory_space<hbm>>
    %dma_wait3A_221 = arith.constant 0 : i32
    %dma_wait3A_222 = tpu.memref_slice %arg4[%add3A_214, %dma_wait3A_221] : memref<16384x1024xf32, #tpu.memory_space<hbm>> -> memref<16x1024xf32, #tpu.memory_space<hbm>>
    tpu.wait_dma2 semaphore(%arg26 : memref<!tpu.dma_semaphore, #tpu.memory_space<semaphore_mem>>) src(%arg12 : memref<16x1024xf32, #tpu.memory_space<vmem>>) dst(%dma_wait3A_222 : memref<16x1024xf32, #tpu.memory_space<hbm>>)
    %dma_start3A_223 = arith.constant 208 : i32
    %dma_start3A_224 = tpu.memref_slice %arg5[%dma_start3A_223] : memref<512xi32, #tpu.memory_space<vmem>> -> memref<16xi32, #tpu.memory_space<vmem>>
    %dma_start3A_225 = arith.constant 0 : i32
    %dma_start3A_226 = arith.constant 0 : i32
    %dma_start3A_227 = tpu.memref_slice %arg3[%dma_start3A_225, %dma_start3A_226] : memref<100000x1024xf32, #tpu.memory_space<hbm>> -> memref<100000x1024xf32, #tpu.memory_space<hbm>>
    tpu.enqueue_indirect_dma source(%dma_start3A_227 : memref<100000x1024xf32, #tpu.memory_space<hbm>>) target(%arg12 : memref<16x1024xf32, #tpu.memory_space<vmem>>) offsets(%dma_start3A_224 : memref<16xi32, #tpu.memory_space<vmem>>) semaphore(%arg19 : memref<!tpu.dma_semaphore, #tpu.memory_space<semaphore_mem>>)
    %dma_wait3A_228 = arith.constant 112 : i32
    %dma_wait3A_229 = tpu.memref_slice %arg5[%dma_wait3A_228] : memref<512xi32, #tpu.memory_space<vmem>> -> memref<16xi32, #tpu.memory_space<vmem>>
    %dma_wait3A_230 = arith.constant 0 : i32
    %dma_wait3A_231 = arith.constant 0 : i32
    %dma_wait3A_232 = tpu.memref_slice %arg3[%dma_wait3A_230, %dma_wait3A_231] : memref<100000x1024xf32, #tpu.memory_space<hbm>> -> memref<100000x1024xf32, #tpu.memory_space<hbm>>
    tpu.wait_indirect_dma semaphore(%arg13 : memref<!tpu.dma_semaphore, #tpu.memory_space<semaphore_mem>>) src(%dma_wait3A_232 : memref<100000x1024xf32, #tpu.memory_space<hbm>>) dst(%arg6 : memref<16x1024xf32, #tpu.memory_space<vmem>>)
    %parallel_loop3A_233 = arith.constant 0 : i32
    %parallel_loop3A_234 = arith.constant 1024 : i32
    %parallel_loop3A_235 = arith.constant 1 : i32
    scf.for %parallel_loop3A_768 = %parallel_loop3A_233 to %parallel_loop3A_234 step %parallel_loop3A_235  : i32 {
      %parallel_loop3A_769 = arith.constant 6 : i32
      %parallel_loop3A_770 = arith.shrui %parallel_loop3A_768, %parallel_loop3A_769 : i32
      %parallel_loop3A_771 = arith.constant 63 : i32
      %parallel_loop3A_772 = arith.andi %parallel_loop3A_768, %parallel_loop3A_771 : i32
      %parallel_loop3A_773 = arith.constant 16 : i32
      %parallel_loop3A_774 = arith.muli %parallel_loop3A_772, %parallel_loop3A_773 : i32
      %parallel_loop3A_775 = arith.index_cast %parallel_loop3A_770 : i32 to index
      %parallel_loop3A_776 = arith.index_cast %parallel_loop3A_774 : i32 to index
      %parallel_loop3A_777 = tpu.vector_load %arg6[%parallel_loop3A_775, %parallel_loop3A_776] {strides = array<i32>} : memref<16x1024xf32, #tpu.memory_space<vmem>>, vector<1x16xf32>,
      %parallel_loop3A_778 = vector.shape_cast %parallel_loop3A_777 : vector<1x16xf32> to vector<16xf32>
      %parallel_loop3A_779 = arith.constant 3.200000e+01 : f32
      %parallel_loop3A_780 = vector.broadcast %parallel_loop3A_779 : f32 to vector<16xf32>
      %parallel_loop3A_781 = arith.mulf %parallel_loop3A_778, %parallel_loop3A_780 : vector<16xf32>
      %parallel_loop3A_782 = arith.index_cast %parallel_loop3A_770 : i32 to index
      %parallel_loop3A_783 = arith.index_cast %parallel_loop3A_774 : i32 to index
      %parallel_loop3A_784 = tpu.vector_load %arg6[%parallel_loop3A_782, %parallel_loop3A_783] {strides = array<i32>} : memref<16x1024xf32, #tpu.memory_space<vmem>>, vector<1x16xf32>,
      %parallel_loop3A_785 = vector.shape_cast %parallel_loop3A_784 : vector<1x16xf32> to vector<16xf32>
      %parallel_loop3A_786 = vector.shape_cast %parallel_loop3A_781 : vector<16xf32> to vector<1x16xf32>
      tpu.vector_store %arg6[%parallel_loop3A_782, %parallel_loop3A_783], %parallel_loop3A_786 {strides = array<i32>} : memref<16x1024xf32, #tpu.memory_space<vmem>>, vector<1x16xf32>,
    } {sc.loop_unroll_factor = 8 : i64, sc.parallel_access}
    %add3A_236 = arith.constant 112 : i32
    %add3A_237 = arith.addi %mul3A_2, %add3A_236 : i32
    %dma_start3A_238 = arith.constant 0 : i32
    %dma_start3A_239 = tpu.memref_slice %arg4[%add3A_237, %dma_start3A_238] : memref<16384x1024xf32, #tpu.memory_space<hbm>> -> memref<16x1024xf32, #tpu.memory_space<hbm>>
    %dma_start3A_240 = arith.constant 0 : i32
    %dma_start3A_241 = tpu.memref_slice %arg4[%add3A_237, %dma_start3A_240] : memref<16384x1024xf32, #tpu.memory_space<hbm>> -> memref<16x1024xf32, #tpu.memory_space<hbm>>
    tpu.enqueue_dma source(%arg6 : memref<16x1024xf32, #tpu.memory_space<vmem>>) target(%dma_start3A_241 : memref<16x1024xf32, #tpu.memory_space<hbm>>) target_semaphore(%arg20 : memref<!tpu.dma_semaphore, #tpu.memory_space<semaphore_mem>>)
    %dma_wait3A_242 = arith.constant 0 : i32
    %dma_wait3A_243 = tpu.memref_slice %arg4[%add3A_237, %dma_wait3A_242] : memref<16384x1024xf32, #tpu.memory_space<hbm>> -> memref<16x1024xf32, #tpu.memory_space<hbm>>
    %dma_wait3A_244 = arith.constant 0 : i32
    %dma_wait3A_245 = tpu.memref_slice %arg4[%add3A_237, %dma_wait3A_244] : memref<16384x1024xf32, #tpu.memory_space<hbm>> -> memref<16x1024xf32, #tpu.memory_space<hbm>>
    tpu.wait_dma2 semaphore(%arg20 : memref<!tpu.dma_semaphore, #tpu.memory_space<semaphore_mem>>) src(%arg6 : memref<16x1024xf32, #tpu.memory_space<vmem>>) dst(%dma_wait3A_245 : memref<16x1024xf32, #tpu.memory_space<hbm>>)
    %dma_start3A_246 = arith.constant 224 : i32
    %dma_start3A_247 = tpu.memref_slice %arg5[%dma_start3A_246] : memref<512xi32, #tpu.memory_space<vmem>> -> memref<16xi32, #tpu.memory_space<vmem>>
    %dma_start3A_248 = arith.constant 0 : i32
    %dma_start3A_249 = arith.constant 0 : i32
    %dma_start3A_250 = tpu.memref_slice %arg3[%dma_start3A_248, %dma_start3A_249] : memref<100000x1024xf32, #tpu.memory_space<hbm>> -> memref<100000x1024xf32, #tpu.memory_space<hbm>>
    tpu.enqueue_indirect_dma source(%dma_start3A_250 : memref<100000x1024xf32, #tpu.memory_space<hbm>>) target(%arg6 : memref<16x1024xf32, #tpu.memory_space<vmem>>) offsets(%dma_start3A_247 : memref<16xi32, #tpu.memory_space<vmem>>) semaphore(%arg13 : memref<!tpu.dma_semaphore, #tpu.memory_space<semaphore_mem>>)
    %dma_wait3A_251 = arith.constant 128 : i32
    %dma_wait3A_252 = tpu.memref_slice %arg5[%dma_wait3A_251] : memref<512xi32, #tpu.memory_space<vmem>> -> memref<16xi32, #tpu.memory_space<vmem>>
    %dma_wait3A_253 = arith.constant 0 : i32
    %dma_wait3A_254 = arith.constant 0 : i32
    %dma_wait3A_255 = tpu.memref_slice %arg3[%dma_wait3A_253, %dma_wait3A_254] : memref<100000x1024xf32, #tpu.memory_space<hbm>> -> memref<100000x1024xf32, #tpu.memory_space<hbm>>
    tpu.wait_indirect_dma semaphore(%arg14 : memref<!tpu.dma_semaphore, #tpu.memory_space<semaphore_mem>>) src(%dma_wait3A_255 : memref<100000x1024xf32, #tpu.memory_space<hbm>>) dst(%arg7 : memref<16x1024xf32, #tpu.memory_space<vmem>>)
    %parallel_loop3A_256 = arith.constant 0 : i32
    %parallel_loop3A_257 = arith.constant 1024 : i32
    %parallel_loop3A_258 = arith.constant 1 : i32
    scf.for %parallel_loop3A_768 = %parallel_loop3A_256 to %parallel_loop3A_257 step %parallel_loop3A_258  : i32 {
      %parallel_loop3A_769 = arith.constant 6 : i32
      %parallel_loop3A_770 = arith.shrui %parallel_loop3A_768, %parallel_loop3A_769 : i32
      %parallel_loop3A_771 = arith.constant 63 : i32
      %parallel_loop3A_772 = arith.andi %parallel_loop3A_768, %parallel_loop3A_771 : i32
      %parallel_loop3A_773 = arith.constant 16 : i32
      %parallel_loop3A_774 = arith.muli %parallel_loop3A_772, %parallel_loop3A_773 : i32
      %parallel_loop3A_775 = arith.index_cast %parallel_loop3A_770 : i32 to index
      %parallel_loop3A_776 = arith.index_cast %parallel_loop3A_774 : i32 to index
      %parallel_loop3A_777 = tpu.vector_load %arg7[%parallel_loop3A_775, %parallel_loop3A_776] {strides = array<i32>} : memref<16x1024xf32, #tpu.memory_space<vmem>>, vector<1x16xf32>,
      %parallel_loop3A_778 = vector.shape_cast %parallel_loop3A_777 : vector<1x16xf32> to vector<16xf32>
      %parallel_loop3A_779 = arith.constant 3.200000e+01 : f32
      %parallel_loop3A_780 = vector.broadcast %parallel_loop3A_779 : f32 to vector<16xf32>
      %parallel_loop3A_781 = arith.mulf %parallel_loop3A_778, %parallel_loop3A_780 : vector<16xf32>
      %parallel_loop3A_782 = arith.index_cast %parallel_loop3A_770 : i32 to index
      %parallel_loop3A_783 = arith.index_cast %parallel_loop3A_774 : i32 to index
      %parallel_loop3A_784 = tpu.vector_load %arg7[%parallel_loop3A_782, %parallel_loop3A_783] {strides = array<i32>} : memref<16x1024xf32, #tpu.memory_space<vmem>>, vector<1x16xf32>,
      %parallel_loop3A_785 = vector.shape_cast %parallel_loop3A_784 : vector<1x16xf32> to vector<16xf32>
      %parallel_loop3A_786 = vector.shape_cast %parallel_loop3A_781 : vector<16xf32> to vector<1x16xf32>
      tpu.vector_store %arg7[%parallel_loop3A_782, %parallel_loop3A_783], %parallel_loop3A_786 {strides = array<i32>} : memref<16x1024xf32, #tpu.memory_space<vmem>>, vector<1x16xf32>,
    } {sc.loop_unroll_factor = 8 : i64, sc.parallel_access}
    %add3A_259 = arith.constant 128 : i32
    %add3A_260 = arith.addi %mul3A_2, %add3A_259 : i32
    %dma_start3A_261 = arith.constant 0 : i32
    %dma_start3A_262 = tpu.memref_slice %arg4[%add3A_260, %dma_start3A_261] : memref<16384x1024xf32, #tpu.memory_space<hbm>> -> memref<16x1024xf32, #tpu.memory_space<hbm>>
    %dma_start3A_263 = arith.constant 0 : i32
    %dma_start3A_264 = tpu.memref_slice %arg4[%add3A_260, %dma_start3A_263] : memref<16384x1024xf32, #tpu.memory_space<hbm>> -> memref<16x1024xf32, #tpu.memory_space<hbm>>
    tpu.enqueue_dma source(%arg7 : memref<16x1024xf32, #tpu.memory_space<vmem>>) target(%dma_start3A_264 : memref<16x1024xf32, #tpu.memory_space<hbm>>) target_semaphore(%arg21 : memref<!tpu.dma_semaphore, #tpu.memory_space<semaphore_mem>>)
    %dma_wait3A_265 = arith.constant 0 : i32
    %dma_wait3A_266 = tpu.memref_slice %arg4[%add3A_260, %dma_wait3A_265] : memref<16384x1024xf32, #tpu.memory_space<hbm>> -> memref<16x1024xf32, #tpu.memory_space<hbm>>
    %dma_wait3A_267 = arith.constant 0 : i32
    %dma_wait3A_268 = tpu.memref_slice %arg4[%add3A_260, %dma_wait3A_267] : memref<16384x1024xf32, #tpu.memory_space<hbm>> -> memref<16x1024xf32, #tpu.memory_space<hbm>>
    tpu.wait_dma2 semaphore(%arg21 : memref<!tpu.dma_semaphore, #tpu.memory_space<semaphore_mem>>) src(%arg7 : memref<16x1024xf32, #tpu.memory_space<vmem>>) dst(%dma_wait3A_268 : memref<16x1024xf32, #tpu.memory_space<hbm>>)
    %dma_start3A_269 = arith.constant 240 : i32
    %dma_start3A_270 = tpu.memref_slice %arg5[%dma_start3A_269] : memref<512xi32, #tpu.memory_space<vmem>> -> memref<16xi32, #tpu.memory_space<vmem>>
    %dma_start3A_271 = arith.constant 0 : i32
    %dma_start3A_272 = arith.constant 0 : i32
    %dma_start3A_273 = tpu.memref_slice %arg3[%dma_start3A_271, %dma_start3A_272] : memref<100000x1024xf32, #tpu.memory_space<hbm>> -> memref<100000x1024xf32, #tpu.memory_space<hbm>>
    tpu.enqueue_indirect_dma source(%dma_start3A_273 : memref<100000x1024xf32, #tpu.memory_space<hbm>>) target(%arg7 : memref<16x1024xf32, #tpu.memory_space<vmem>>) offsets(%dma_start3A_270 : memref<16xi32, #tpu.memory_space<vmem>>) semaphore(%arg14 : memref<!tpu.dma_semaphore, #tpu.memory_space<semaphore_mem>>)
    %dma_wait3A_274 = arith.constant 144 : i32
    %dma_wait3A_275 = tpu.memref_slice %arg5[%dma_wait3A_274] : memref<512xi32, #tpu.memory_space<vmem>> -> memref<16xi32, #tpu.memory_space<vmem>>
    %dma_wait3A_276 = arith.constant 0 : i32
    %dma_wait3A_277 = arith.constant 0 : i32
    %dma_wait3A_278 = tpu.memref_slice %arg3[%dma_wait3A_276, %dma_wait3A_277] : memref<100000x1024xf32, #tpu.memory_space<hbm>> -> memref<100000x1024xf32, #tpu.memory_space<hbm>>
    tpu.wait_indirect_dma semaphore(%arg15 : memref<!tpu.dma_semaphore, #tpu.memory_space<semaphore_mem>>) src(%dma_wait3A_278 : memref<100000x1024xf32, #tpu.memory_space<hbm>>) dst(%arg8 : memref<16x1024xf32, #tpu.memory_space<vmem>>)
    %parallel_loop3A_279 = arith.constant 0 : i32
    %parallel_loop3A_280 = arith.constant 1024 : i32
    %parallel_loop3A_281 = arith.constant 1 : i32
    scf.for %parallel_loop3A_768 = %parallel_loop3A_279 to %parallel_loop3A_280 step %parallel_loop3A_281  : i32 {
      %parallel_loop3A_769 = arith.constant 6 : i32
      %parallel_loop3A_770 = arith.shrui %parallel_loop3A_768, %parallel_loop3A_769 : i32
      %parallel_loop3A_771 = arith.constant 63 : i32
      %parallel_loop3A_772 = arith.andi %parallel_loop3A_768, %parallel_loop3A_771 : i32
      %parallel_loop3A_773 = arith.constant 16 : i32
      %parallel_loop3A_774 = arith.muli %parallel_loop3A_772, %parallel_loop3A_773 : i32
      %parallel_loop3A_775 = arith.index_cast %parallel_loop3A_770 : i32 to index
      %parallel_loop3A_776 = arith.index_cast %parallel_loop3A_774 : i32 to index
      %parallel_loop3A_777 = tpu.vector_load %arg8[%parallel_loop3A_775, %parallel_loop3A_776] {strides = array<i32>} : memref<16x1024xf32, #tpu.memory_space<vmem>>, vector<1x16xf32>,
      %parallel_loop3A_778 = vector.shape_cast %parallel_loop3A_777 : vector<1x16xf32> to vector<16xf32>
      %parallel_loop3A_779 = arith.constant 3.200000e+01 : f32
      %parallel_loop3A_780 = vector.broadcast %parallel_loop3A_779 : f32 to vector<16xf32>
      %parallel_loop3A_781 = arith.mulf %parallel_loop3A_778, %parallel_loop3A_780 : vector<16xf32>
      %parallel_loop3A_782 = arith.index_cast %parallel_loop3A_770 : i32 to index
      %parallel_loop3A_783 = arith.index_cast %parallel_loop3A_774 : i32 to index
      %parallel_loop3A_784 = tpu.vector_load %arg8[%parallel_loop3A_782, %parallel_loop3A_783] {strides = array<i32>} : memref<16x1024xf32, #tpu.memory_space<vmem>>, vector<1x16xf32>,
      %parallel_loop3A_785 = vector.shape_cast %parallel_loop3A_784 : vector<1x16xf32> to vector<16xf32>
      %parallel_loop3A_786 = vector.shape_cast %parallel_loop3A_781 : vector<16xf32> to vector<1x16xf32>
      tpu.vector_store %arg8[%parallel_loop3A_782, %parallel_loop3A_783], %parallel_loop3A_786 {strides = array<i32>} : memref<16x1024xf32, #tpu.memory_space<vmem>>, vector<1x16xf32>,
    } {sc.loop_unroll_factor = 8 : i64, sc.parallel_access}
    %add3A_282 = arith.constant 144 : i32
    %add3A_283 = arith.addi %mul3A_2, %add3A_282 : i32
    %dma_start3A_284 = arith.constant 0 : i32
    %dma_start3A_285 = tpu.memref_slice %arg4[%add3A_283, %dma_start3A_284] : memref<16384x1024xf32, #tpu.memory_space<hbm>> -> memref<16x1024xf32, #tpu.memory_space<hbm>>
    %dma_start3A_286 = arith.constant 0 : i32
    %dma_start3A_287 = tpu.memref_slice %arg4[%add3A_283, %dma_start3A_286] : memref<16384x1024xf32, #tpu.memory_space<hbm>> -> memref<16x1024xf32, #tpu.memory_space<hbm>>
    tpu.enqueue_dma source(%arg8 : memref<16x1024xf32, #tpu.memory_space<vmem>>) target(%dma_start3A_287 : memref<16x1024xf32, #tpu.memory_space<hbm>>) target_semaphore(%arg22 : memref<!tpu.dma_semaphore, #tpu.memory_space<semaphore_mem>>)
    %dma_wait3A_288 = arith.constant 0 : i32
    %dma_wait3A_289 = tpu.memref_slice %arg4[%add3A_283, %dma_wait3A_288] : memref<16384x1024xf32, #tpu.memory_space<hbm>> -> memref<16x1024xf32, #tpu.memory_space<hbm>>
    %dma_wait3A_290 = arith.constant 0 : i32
    %dma_wait3A_291 = tpu.memref_slice %arg4[%add3A_283, %dma_wait3A_290] : memref<16384x1024xf32, #tpu.memory_space<hbm>> -> memref<16x1024xf32, #tpu.memory_space<hbm>>
    tpu.wait_dma2 semaphore(%arg22 : memref<!tpu.dma_semaphore, #tpu.memory_space<semaphore_mem>>) src(%arg8 : memref<16x1024xf32, #tpu.memory_space<vmem>>) dst(%dma_wait3A_291 : memref<16x1024xf32, #tpu.memory_space<hbm>>)
    %dma_start3A_292 = arith.constant 256 : i32
    %dma_start3A_293 = tpu.memref_slice %arg5[%dma_start3A_292] : memref<512xi32, #tpu.memory_space<vmem>> -> memref<16xi32, #tpu.memory_space<vmem>>
    %dma_start3A_294 = arith.constant 0 : i32
    %dma_start3A_295 = arith.constant 0 : i32
    %dma_start3A_296 = tpu.memref_slice %arg3[%dma_start3A_294, %dma_start3A_295] : memref<100000x1024xf32, #tpu.memory_space<hbm>> -> memref<100000x1024xf32, #tpu.memory_space<hbm>>
    tpu.enqueue_indirect_dma source(%dma_start3A_296 : memref<100000x1024xf32, #tpu.memory_space<hbm>>) target(%arg8 : memref<16x1024xf32, #tpu.memory_space<vmem>>) offsets(%dma_start3A_293 : memref<16xi32, #tpu.memory_space<vmem>>) semaphore(%arg15 : memref<!tpu.dma_semaphore, #tpu.memory_space<semaphore_mem>>)
    %dma_wait3A_297 = arith.constant 160 : i32
    %dma_wait3A_298 = tpu.memref_slice %arg5[%dma_wait3A_297] : memref<512xi32, #tpu.memory_space<vmem>> -> memref<16xi32, #tpu.memory_space<vmem>>
    %dma_wait3A_299 = arith.constant 0 : i32
    %dma_wait3A_300 = arith.constant 0 : i32
    %dma_wait3A_301 = tpu.memref_slice %arg3[%dma_wait3A_299, %dma_wait3A_300] : memref<100000x1024xf32, #tpu.memory_space<hbm>> -> memref<100000x1024xf32, #tpu.memory_space<hbm>>
    tpu.wait_indirect_dma semaphore(%arg16 : memref<!tpu.dma_semaphore, #tpu.memory_space<semaphore_mem>>) src(%dma_wait3A_301 : memref<100000x1024xf32, #tpu.memory_space<hbm>>) dst(%arg9 : memref<16x1024xf32, #tpu.memory_space<vmem>>)
    %parallel_loop3A_302 = arith.constant 0 : i32
    %parallel_loop3A_303 = arith.constant 1024 : i32
    %parallel_loop3A_304 = arith.constant 1 : i32
    scf.for %parallel_loop3A_768 = %parallel_loop3A_302 to %parallel_loop3A_303 step %parallel_loop3A_304  : i32 {
      %parallel_loop3A_769 = arith.constant 6 : i32
      %parallel_loop3A_770 = arith.shrui %parallel_loop3A_768, %parallel_loop3A_769 : i32
      %parallel_loop3A_771 = arith.constant 63 : i32
      %parallel_loop3A_772 = arith.andi %parallel_loop3A_768, %parallel_loop3A_771 : i32
      %parallel_loop3A_773 = arith.constant 16 : i32
      %parallel_loop3A_774 = arith.muli %parallel_loop3A_772, %parallel_loop3A_773 : i32
      %parallel_loop3A_775 = arith.index_cast %parallel_loop3A_770 : i32 to index
      %parallel_loop3A_776 = arith.index_cast %parallel_loop3A_774 : i32 to index
      %parallel_loop3A_777 = tpu.vector_load %arg9[%parallel_loop3A_775, %parallel_loop3A_776] {strides = array<i32>} : memref<16x1024xf32, #tpu.memory_space<vmem>>, vector<1x16xf32>,
      %parallel_loop3A_778 = vector.shape_cast %parallel_loop3A_777 : vector<1x16xf32> to vector<16xf32>
      %parallel_loop3A_779 = arith.constant 3.200000e+01 : f32
      %parallel_loop3A_780 = vector.broadcast %parallel_loop3A_779 : f32 to vector<16xf32>
      %parallel_loop3A_781 = arith.mulf %parallel_loop3A_778, %parallel_loop3A_780 : vector<16xf32>
      %parallel_loop3A_782 = arith.index_cast %parallel_loop3A_770 : i32 to index
      %parallel_loop3A_783 = arith.index_cast %parallel_loop3A_774 : i32 to index
      %parallel_loop3A_784 = tpu.vector_load %arg9[%parallel_loop3A_782, %parallel_loop3A_783] {strides = array<i32>} : memref<16x1024xf32, #tpu.memory_space<vmem>>, vector<1x16xf32>,
      %parallel_loop3A_785 = vector.shape_cast %parallel_loop3A_784 : vector<1x16xf32> to vector<16xf32>
      %parallel_loop3A_786 = vector.shape_cast %parallel_loop3A_781 : vector<16xf32> to vector<1x16xf32>
      tpu.vector_store %arg9[%parallel_loop3A_782, %parallel_loop3A_783], %parallel_loop3A_786 {strides = array<i32>} : memref<16x1024xf32, #tpu.memory_space<vmem>>, vector<1x16xf32>,
    } {sc.loop_unroll_factor = 8 : i64, sc.parallel_access}
    %add3A_305 = arith.constant 160 : i32
    %add3A_306 = arith.addi %mul3A_2, %add3A_305 : i32
    %dma_start3A_307 = arith.constant 0 : i32
    %dma_start3A_308 = tpu.memref_slice %arg4[%add3A_306, %dma_start3A_307] : memref<16384x1024xf32, #tpu.memory_space<hbm>> -> memref<16x1024xf32, #tpu.memory_space<hbm>>
    %dma_start3A_309 = arith.constant 0 : i32
    %dma_start3A_310 = tpu.memref_slice %arg4[%add3A_306, %dma_start3A_309] : memref<16384x1024xf32, #tpu.memory_space<hbm>> -> memref<16x1024xf32, #tpu.memory_space<hbm>>
    tpu.enqueue_dma source(%arg9 : memref<16x1024xf32, #tpu.memory_space<vmem>>) target(%dma_start3A_310 : memref<16x1024xf32, #tpu.memory_space<hbm>>) target_semaphore(%arg23 : memref<!tpu.dma_semaphore, #tpu.memory_space<semaphore_mem>>)
    %dma_wait3A_311 = arith.constant 0 : i32
    %dma_wait3A_312 = tpu.memref_slice %arg4[%add3A_306, %dma_wait3A_311] : memref<16384x1024xf32, #tpu.memory_space<hbm>> -> memref<16x1024xf32, #tpu.memory_space<hbm>>
    %dma_wait3A_313 = arith.constant 0 : i32
    %dma_wait3A_314 = tpu.memref_slice %arg4[%add3A_306, %dma_wait3A_313] : memref<16384x1024xf32, #tpu.memory_space<hbm>> -> memref<16x1024xf32, #tpu.memory_space<hbm>>
    tpu.wait_dma2 semaphore(%arg23 : memref<!tpu.dma_semaphore, #tpu.memory_space<semaphore_mem>>) src(%arg9 : memref<16x1024xf32, #tpu.memory_space<vmem>>) dst(%dma_wait3A_314 : memref<16x1024xf32, #tpu.memory_space<hbm>>)
    %dma_start3A_315 = arith.constant 272 : i32
    %dma_start3A_316 = tpu.memref_slice %arg5[%dma_start3A_315] : memref<512xi32, #tpu.memory_space<vmem>> -> memref<16xi32, #tpu.memory_space<vmem>>
    %dma_start3A_317 = arith.constant 0 : i32
    %dma_start3A_318 = arith.constant 0 : i32
    %dma_start3A_319 = tpu.memref_slice %arg3[%dma_start3A_317, %dma_start3A_318] : memref<100000x1024xf32, #tpu.memory_space<hbm>> -> memref<100000x1024xf32, #tpu.memory_space<hbm>>
    tpu.enqueue_indirect_dma source(%dma_start3A_319 : memref<100000x1024xf32, #tpu.memory_space<hbm>>) target(%arg9 : memref<16x1024xf32, #tpu.memory_space<vmem>>) offsets(%dma_start3A_316 : memref<16xi32, #tpu.memory_space<vmem>>) semaphore(%arg16 : memref<!tpu.dma_semaphore, #tpu.memory_space<semaphore_mem>>)
    %dma_wait3A_320 = arith.constant 176 : i32
    %dma_wait3A_321 = tpu.memref_slice %arg5[%dma_wait3A_320] : memref<512xi32, #tpu.memory_space<vmem>> -> memref<16xi32, #tpu.memory_space<vmem>>
    %dma_wait3A_322 = arith.constant 0 : i32
    %dma_wait3A_323 = arith.constant 0 : i32
    %dma_wait3A_324 = tpu.memref_slice %arg3[%dma_wait3A_322, %dma_wait3A_323] : memref<100000x1024xf32, #tpu.memory_space<hbm>> -> memref<100000x1024xf32, #tpu.memory_space<hbm>>
    tpu.wait_indirect_dma semaphore(%arg17 : memref<!tpu.dma_semaphore, #tpu.memory_space<semaphore_mem>>) src(%dma_wait3A_324 : memref<100000x1024xf32, #tpu.memory_space<hbm>>) dst(%arg10 : memref<16x1024xf32, #tpu.memory_space<vmem>>)
    %parallel_loop3A_325 = arith.constant 0 : i32
    %parallel_loop3A_326 = arith.constant 1024 : i32
    %parallel_loop3A_327 = arith.constant 1 : i32
    scf.for %parallel_loop3A_768 = %parallel_loop3A_325 to %parallel_loop3A_326 step %parallel_loop3A_327  : i32 {
      %parallel_loop3A_769 = arith.constant 6 : i32
      %parallel_loop3A_770 = arith.shrui %parallel_loop3A_768, %parallel_loop3A_769 : i32
      %parallel_loop3A_771 = arith.constant 63 : i32
      %parallel_loop3A_772 = arith.andi %parallel_loop3A_768, %parallel_loop3A_771 : i32
      %parallel_loop3A_773 = arith.constant 16 : i32
      %parallel_loop3A_774 = arith.muli %parallel_loop3A_772, %parallel_loop3A_773 : i32
      %parallel_loop3A_775 = arith.index_cast %parallel_loop3A_770 : i32 to index
      %parallel_loop3A_776 = arith.index_cast %parallel_loop3A_774 : i32 to index
      %parallel_loop3A_777 = tpu.vector_load %arg10[%parallel_loop3A_775, %parallel_loop3A_776] {strides = array<i32>} : memref<16x1024xf32, #tpu.memory_space<vmem>>, vector<1x16xf32>,
      %parallel_loop3A_778 = vector.shape_cast %parallel_loop3A_777 : vector<1x16xf32> to vector<16xf32>
      %parallel_loop3A_779 = arith.constant 3.200000e+01 : f32
      %parallel_loop3A_780 = vector.broadcast %parallel_loop3A_779 : f32 to vector<16xf32>
      %parallel_loop3A_781 = arith.mulf %parallel_loop3A_778, %parallel_loop3A_780 : vector<16xf32>
      %parallel_loop3A_782 = arith.index_cast %parallel_loop3A_770 : i32 to index
      %parallel_loop3A_783 = arith.index_cast %parallel_loop3A_774 : i32 to index
      %parallel_loop3A_784 = tpu.vector_load %arg10[%parallel_loop3A_782, %parallel_loop3A_783] {strides = array<i32>} : memref<16x1024xf32, #tpu.memory_space<vmem>>, vector<1x16xf32>,
      %parallel_loop3A_785 = vector.shape_cast %parallel_loop3A_784 : vector<1x16xf32> to vector<16xf32>
      %parallel_loop3A_786 = vector.shape_cast %parallel_loop3A_781 : vector<16xf32> to vector<1x16xf32>
      tpu.vector_store %arg10[%parallel_loop3A_782, %parallel_loop3A_783], %parallel_loop3A_786 {strides = array<i32>} : memref<16x1024xf32, #tpu.memory_space<vmem>>, vector<1x16xf32>,
    } {sc.loop_unroll_factor = 8 : i64, sc.parallel_access}
    %add3A_328 = arith.constant 176 : i32
    %add3A_329 = arith.addi %mul3A_2, %add3A_328 : i32
    %dma_start3A_330 = arith.constant 0 : i32
    %dma_start3A_331 = tpu.memref_slice %arg4[%add3A_329, %dma_start3A_330] : memref<16384x1024xf32, #tpu.memory_space<hbm>> -> memref<16x1024xf32, #tpu.memory_space<hbm>>
    %dma_start3A_332 = arith.constant 0 : i32
    %dma_start3A_333 = tpu.memref_slice %arg4[%add3A_329, %dma_start3A_332] : memref<16384x1024xf32, #tpu.memory_space<hbm>> -> memref<16x1024xf32, #tpu.memory_space<hbm>>
    tpu.enqueue_dma source(%arg10 : memref<16x1024xf32, #tpu.memory_space<vmem>>) target(%dma_start3A_333 : memref<16x1024xf32, #tpu.memory_space<hbm>>) target_semaphore(%arg24 : memref<!tpu.dma_semaphore, #tpu.memory_space<semaphore_mem>>)
    %dma_wait3A_334 = arith.constant 0 : i32
    %dma_wait3A_335 = tpu.memref_slice %arg4[%add3A_329, %dma_wait3A_334] : memref<16384x1024xf32, #tpu.memory_space<hbm>> -> memref<16x1024xf32, #tpu.memory_space<hbm>>
    %dma_wait3A_336 = arith.constant 0 : i32
    %dma_wait3A_337 = tpu.memref_slice %arg4[%add3A_329, %dma_wait3A_336] : memref<16384x1024xf32, #tpu.memory_space<hbm>> -> memref<16x1024xf32, #tpu.memory_space<hbm>>
    tpu.wait_dma2 semaphore(%arg24 : memref<!tpu.dma_semaphore, #tpu.memory_space<semaphore_mem>>) src(%arg10 : memref<16x1024xf32, #tpu.memory_space<vmem>>) dst(%dma_wait3A_337 : memref<16x1024xf32, #tpu.memory_space<hbm>>)
    %dma_start3A_338 = arith.constant 288 : i32
    %dma_start3A_339 = tpu.memref_slice %arg5[%dma_start3A_338] : memref<512xi32, #tpu.memory_space<vmem>> -> memref<16xi32, #tpu.memory_space<vmem>>
    %dma_start3A_340 = arith.constant 0 : i32
    %dma_start3A_341 = arith.constant 0 : i32
    %dma_start3A_342 = tpu.memref_slice %arg3[%dma_start3A_340, %dma_start3A_341] : memref<100000x1024xf32, #tpu.memory_space<hbm>> -> memref<100000x1024xf32, #tpu.memory_space<hbm>>
    tpu.enqueue_indirect_dma source(%dma_start3A_342 : memref<100000x1024xf32, #tpu.memory_space<hbm>>) target(%arg10 : memref<16x1024xf32, #tpu.memory_space<vmem>>) offsets(%dma_start3A_339 : memref<16xi32, #tpu.memory_space<vmem>>) semaphore(%arg17 : memref<!tpu.dma_semaphore, #tpu.memory_space<semaphore_mem>>)
    %dma_wait3A_343 = arith.constant 192 : i32
    %dma_wait3A_344 = tpu.memref_slice %arg5[%dma_wait3A_343] : memref<512xi32, #tpu.memory_space<vmem>> -> memref<16xi32, #tpu.memory_space<vmem>>
    %dma_wait3A_345 = arith.constant 0 : i32
    %dma_wait3A_346 = arith.constant 0 : i32
    %dma_wait3A_347 = tpu.memref_slice %arg3[%dma_wait3A_345, %dma_wait3A_346] : memref<100000x1024xf32, #tpu.memory_space<hbm>> -> memref<100000x1024xf32, #tpu.memory_space<hbm>>
    tpu.wait_indirect_dma semaphore(%arg18 : memref<!tpu.dma_semaphore, #tpu.memory_space<semaphore_mem>>) src(%dma_wait3A_347 : memref<100000x1024xf32, #tpu.memory_space<hbm>>) dst(%arg11 : memref<16x1024xf32, #tpu.memory_space<vmem>>)
    %parallel_loop3A_348 = arith.constant 0 : i32
    %parallel_loop3A_349 = arith.constant 1024 : i32
    %parallel_loop3A_350 = arith.constant 1 : i32
    scf.for %parallel_loop3A_768 = %parallel_loop3A_348 to %parallel_loop3A_349 step %parallel_loop3A_350  : i32 {
      %parallel_loop3A_769 = arith.constant 6 : i32
      %parallel_loop3A_770 = arith.shrui %parallel_loop3A_768, %parallel_loop3A_769 : i32
      %parallel_loop3A_771 = arith.constant 63 : i32
      %parallel_loop3A_772 = arith.andi %parallel_loop3A_768, %parallel_loop3A_771 : i32
      %parallel_loop3A_773 = arith.constant 16 : i32
      %parallel_loop3A_774 = arith.muli %parallel_loop3A_772, %parallel_loop3A_773 : i32
      %parallel_loop3A_775 = arith.index_cast %parallel_loop3A_770 : i32 to index
      %parallel_loop3A_776 = arith.index_cast %parallel_loop3A_774 : i32 to index
      %parallel_loop3A_777 = tpu.vector_load %arg11[%parallel_loop3A_775, %parallel_loop3A_776] {strides = array<i32>} : memref<16x1024xf32, #tpu.memory_space<vmem>>, vector<1x16xf32>,
      %parallel_loop3A_778 = vector.shape_cast %parallel_loop3A_777 : vector<1x16xf32> to vector<16xf32>
      %parallel_loop3A_779 = arith.constant 3.200000e+01 : f32
      %parallel_loop3A_780 = vector.broadcast %parallel_loop3A_779 : f32 to vector<16xf32>
      %parallel_loop3A_781 = arith.mulf %parallel_loop3A_778, %parallel_loop3A_780 : vector<16xf32>
      %parallel_loop3A_782 = arith.index_cast %parallel_loop3A_770 : i32 to index
      %parallel_loop3A_783 = arith.index_cast %parallel_loop3A_774 : i32 to index
      %parallel_loop3A_784 = tpu.vector_load %arg11[%parallel_loop3A_782, %parallel_loop3A_783] {strides = array<i32>} : memref<16x1024xf32, #tpu.memory_space<vmem>>, vector<1x16xf32>,
      %parallel_loop3A_785 = vector.shape_cast %parallel_loop3A_784 : vector<1x16xf32> to vector<16xf32>
      %parallel_loop3A_786 = vector.shape_cast %parallel_loop3A_781 : vector<16xf32> to vector<1x16xf32>
      tpu.vector_store %arg11[%parallel_loop3A_782, %parallel_loop3A_783], %parallel_loop3A_786 {strides = array<i32>} : memref<16x1024xf32, #tpu.memory_space<vmem>>, vector<1x16xf32>,
    } {sc.loop_unroll_factor = 8 : i64, sc.parallel_access}
    %add3A_351 = arith.constant 192 : i32
    %add3A_352 = arith.addi %mul3A_2, %add3A_351 : i32
    %dma_start3A_353 = arith.constant 0 : i32
    %dma_start3A_354 = tpu.memref_slice %arg4[%add3A_352, %dma_start3A_353] : memref<16384x1024xf32, #tpu.memory_space<hbm>> -> memref<16x1024xf32, #tpu.memory_space<hbm>>
    %dma_start3A_355 = arith.constant 0 : i32
    %dma_start3A_356 = tpu.memref_slice %arg4[%add3A_352, %dma_start3A_355] : memref<16384x1024xf32, #tpu.memory_space<hbm>> -> memref<16x1024xf32, #tpu.memory_space<hbm>>
    tpu.enqueue_dma source(%arg11 : memref<16x1024xf32, #tpu.memory_space<vmem>>) target(%dma_start3A_356 : memref<16x1024xf32, #tpu.memory_space<hbm>>) target_semaphore(%arg25 : memref<!tpu.dma_semaphore, #tpu.memory_space<semaphore_mem>>)
    %dma_wait3A_357 = arith.constant 0 : i32
    %dma_wait3A_358 = tpu.memref_slice %arg4[%add3A_352, %dma_wait3A_357] : memref<16384x1024xf32, #tpu.memory_space<hbm>> -> memref<16x1024xf32, #tpu.memory_space<hbm>>
    %dma_wait3A_359 = arith.constant 0 : i32
    %dma_wait3A_360 = tpu.memref_slice %arg4[%add3A_352, %dma_wait3A_359] : memref<16384x1024xf32, #tpu.memory_space<hbm>> -> memref<16x1024xf32, #tpu.memory_space<hbm>>
    tpu.wait_dma2 semaphore(%arg25 : memref<!tpu.dma_semaphore, #tpu.memory_space<semaphore_mem>>) src(%arg11 : memref<16x1024xf32, #tpu.memory_space<vmem>>) dst(%dma_wait3A_360 : memref<16x1024xf32, #tpu.memory_space<hbm>>)
    %dma_start3A_361 = arith.constant 304 : i32
    %dma_start3A_362 = tpu.memref_slice %arg5[%dma_start3A_361] : memref<512xi32, #tpu.memory_space<vmem>> -> memref<16xi32, #tpu.memory_space<vmem>>
    %dma_start3A_363 = arith.constant 0 : i32
    %dma_start3A_364 = arith.constant 0 : i32
    %dma_start3A_365 = tpu.memref_slice %arg3[%dma_start3A_363, %dma_start3A_364] : memref<100000x1024xf32, #tpu.memory_space<hbm>> -> memref<100000x1024xf32, #tpu.memory_space<hbm>>
    tpu.enqueue_indirect_dma source(%dma_start3A_365 : memref<100000x1024xf32, #tpu.memory_space<hbm>>) target(%arg11 : memref<16x1024xf32, #tpu.memory_space<vmem>>) offsets(%dma_start3A_362 : memref<16xi32, #tpu.memory_space<vmem>>) semaphore(%arg18 : memref<!tpu.dma_semaphore, #tpu.memory_space<semaphore_mem>>)
    %dma_wait3A_366 = arith.constant 208 : i32
    %dma_wait3A_367 = tpu.memref_slice %arg5[%dma_wait3A_366] : memref<512xi32, #tpu.memory_space<vmem>> -> memref<16xi32, #tpu.memory_space<vmem>>
    %dma_wait3A_368 = arith.constant 0 : i32
    %dma_wait3A_369 = arith.constant 0 : i32
    %dma_wait3A_370 = tpu.memref_slice %arg3[%dma_wait3A_368, %dma_wait3A_369] : memref<100000x1024xf32, #tpu.memory_space<hbm>> -> memref<100000x1024xf32, #tpu.memory_space<hbm>>
    tpu.wait_indirect_dma semaphore(%arg19 : memref<!tpu.dma_semaphore, #tpu.memory_space<semaphore_mem>>) src(%dma_wait3A_370 : memref<100000x1024xf32, #tpu.memory_space<hbm>>) dst(%arg12 : memref<16x1024xf32, #tpu.memory_space<vmem>>)
    %parallel_loop3A_371 = arith.constant 0 : i32
    %parallel_loop3A_372 = arith.constant 1024 : i32
    %parallel_loop3A_373 = arith.constant 1 : i32
    scf.for %parallel_loop3A_768 = %parallel_loop3A_371 to %parallel_loop3A_372 step %parallel_loop3A_373  : i32 {
      %parallel_loop3A_769 = arith.constant 6 : i32
      %parallel_loop3A_770 = arith.shrui %parallel_loop3A_768, %parallel_loop3A_769 : i32
      %parallel_loop3A_771 = arith.constant 63 : i32
      %parallel_loop3A_772 = arith.andi %parallel_loop3A_768, %parallel_loop3A_771 : i32
      %parallel_loop3A_773 = arith.constant 16 : i32
      %parallel_loop3A_774 = arith.muli %parallel_loop3A_772, %parallel_loop3A_773 : i32
      %parallel_loop3A_775 = arith.index_cast %parallel_loop3A_770 : i32 to index
      %parallel_loop3A_776 = arith.index_cast %parallel_loop3A_774 : i32 to index
      %parallel_loop3A_777 = tpu.vector_load %arg12[%parallel_loop3A_775, %parallel_loop3A_776] {strides = array<i32>} : memref<16x1024xf32, #tpu.memory_space<vmem>>, vector<1x16xf32>,
      %parallel_loop3A_778 = vector.shape_cast %parallel_loop3A_777 : vector<1x16xf32> to vector<16xf32>
      %parallel_loop3A_779 = arith.constant 3.200000e+01 : f32
      %parallel_loop3A_780 = vector.broadcast %parallel_loop3A_779 : f32 to vector<16xf32>
      %parallel_loop3A_781 = arith.mulf %parallel_loop3A_778, %parallel_loop3A_780 : vector<16xf32>
      %parallel_loop3A_782 = arith.index_cast %parallel_loop3A_770 : i32 to index
      %parallel_loop3A_783 = arith.index_cast %parallel_loop3A_774 : i32 to index
      %parallel_loop3A_784 = tpu.vector_load %arg12[%parallel_loop3A_782, %parallel_loop3A_783] {strides = array<i32>} : memref<16x1024xf32, #tpu.memory_space<vmem>>, vector<1x16xf32>,
      %parallel_loop3A_785 = vector.shape_cast %parallel_loop3A_784 : vector<1x16xf32> to vector<16xf32>
      %parallel_loop3A_786 = vector.shape_cast %parallel_loop3A_781 : vector<16xf32> to vector<1x16xf32>
      tpu.vector_store %arg12[%parallel_loop3A_782, %parallel_loop3A_783], %parallel_loop3A_786 {strides = array<i32>} : memref<16x1024xf32, #tpu.memory_space<vmem>>, vector<1x16xf32>,
    } {sc.loop_unroll_factor = 8 : i64, sc.parallel_access}
    %add3A_374 = arith.constant 208 : i32
    %add3A_375 = arith.addi %mul3A_2, %add3A_374 : i32
    %dma_start3A_376 = arith.constant 0 : i32
    %dma_start3A_377 = tpu.memref_slice %arg4[%add3A_375, %dma_start3A_376] : memref<16384x1024xf32, #tpu.memory_space<hbm>> -> memref<16x1024xf32, #tpu.memory_space<hbm>>
    %dma_start3A_378 = arith.constant 0 : i32
    %dma_start3A_379 = tpu.memref_slice %arg4[%add3A_375, %dma_start3A_378] : memref<16384x1024xf32, #tpu.memory_space<hbm>> -> memref<16x1024xf32, #tpu.memory_space<hbm>>
    tpu.enqueue_dma source(%arg12 : memref<16x1024xf32, #tpu.memory_space<vmem>>) target(%dma_start3A_379 : memref<16x1024xf32, #tpu.memory_space<hbm>>) target_semaphore(%arg26 : memref<!tpu.dma_semaphore, #tpu.memory_space<semaphore_mem>>)
    %dma_wait3A_380 = arith.constant 0 : i32
    %dma_wait3A_381 = tpu.memref_slice %arg4[%add3A_375, %dma_wait3A_380] : memref<16384x1024xf32, #tpu.memory_space<hbm>> -> memref<16x1024xf32, #tpu.memory_space<hbm>>
    %dma_wait3A_382 = arith.constant 0 : i32
    %dma_wait3A_383 = tpu.memref_slice %arg4[%add3A_375, %dma_wait3A_382] : memref<16384x1024xf32, #tpu.memory_space<hbm>> -> memref<16x1024xf32, #tpu.memory_space<hbm>>
    tpu.wait_dma2 semaphore(%arg26 : memref<!tpu.dma_semaphore, #tpu.memory_space<semaphore_mem>>) src(%arg12 : memref<16x1024xf32, #tpu.memory_space<vmem>>) dst(%dma_wait3A_383 : memref<16x1024xf32, #tpu.memory_space<hbm>>)
    %dma_start3A_384 = arith.constant 320 : i32
    %dma_start3A_385 = tpu.memref_slice %arg5[%dma_start3A_384] : memref<512xi32, #tpu.memory_space<vmem>> -> memref<16xi32, #tpu.memory_space<vmem>>
    %dma_start3A_386 = arith.constant 0 : i32
    %dma_start3A_387 = arith.constant 0 : i32
    %dma_start3A_388 = tpu.memref_slice %arg3[%dma_start3A_386, %dma_start3A_387] : memref<100000x1024xf32, #tpu.memory_space<hbm>> -> memref<100000x1024xf32, #tpu.memory_space<hbm>>
    tpu.enqueue_indirect_dma source(%dma_start3A_388 : memref<100000x1024xf32, #tpu.memory_space<hbm>>) target(%arg12 : memref<16x1024xf32, #tpu.memory_space<vmem>>) offsets(%dma_start3A_385 : memref<16xi32, #tpu.memory_space<vmem>>) semaphore(%arg19 : memref<!tpu.dma_semaphore, #tpu.memory_space<semaphore_mem>>)
    %dma_wait3A_389 = arith.constant 224 : i32
    %dma_wait3A_390 = tpu.memref_slice %arg5[%dma_wait3A_389] : memref<512xi32, #tpu.memory_space<vmem>> -> memref<16xi32, #tpu.memory_space<vmem>>
    %dma_wait3A_391 = arith.constant 0 : i32
    %dma_wait3A_392 = arith.constant 0 : i32
    %dma_wait3A_393 = tpu.memref_slice %arg3[%dma_wait3A_391, %dma_wait3A_392] : memref<100000x1024xf32, #tpu.memory_space<hbm>> -> memref<100000x1024xf32, #tpu.memory_space<hbm>>
    tpu.wait_indirect_dma semaphore(%arg13 : memref<!tpu.dma_semaphore, #tpu.memory_space<semaphore_mem>>) src(%dma_wait3A_393 : memref<100000x1024xf32, #tpu.memory_space<hbm>>) dst(%arg6 : memref<16x1024xf32, #tpu.memory_space<vmem>>)
    %parallel_loop3A_394 = arith.constant 0 : i32
    %parallel_loop3A_395 = arith.constant 1024 : i32
    %parallel_loop3A_396 = arith.constant 1 : i32
    scf.for %parallel_loop3A_768 = %parallel_loop3A_394 to %parallel_loop3A_395 step %parallel_loop3A_396  : i32 {
      %parallel_loop3A_769 = arith.constant 6 : i32
      %parallel_loop3A_770 = arith.shrui %parallel_loop3A_768, %parallel_loop3A_769 : i32
      %parallel_loop3A_771 = arith.constant 63 : i32
      %parallel_loop3A_772 = arith.andi %parallel_loop3A_768, %parallel_loop3A_771 : i32
      %parallel_loop3A_773 = arith.constant 16 : i32
      %parallel_loop3A_774 = arith.muli %parallel_loop3A_772, %parallel_loop3A_773 : i32
      %parallel_loop3A_775 = arith.index_cast %parallel_loop3A_770 : i32 to index
      %parallel_loop3A_776 = arith.index_cast %parallel_loop3A_774 : i32 to index
      %parallel_loop3A_777 = tpu.vector_load %arg6[%parallel_loop3A_775, %parallel_loop3A_776] {strides = array<i32>} : memref<16x1024xf32, #tpu.memory_space<vmem>>, vector<1x16xf32>,
      %parallel_loop3A_778 = vector.shape_cast %parallel_loop3A_777 : vector<1x16xf32> to vector<16xf32>
      %parallel_loop3A_779 = arith.constant 3.200000e+01 : f32
      %parallel_loop3A_780 = vector.broadcast %parallel_loop3A_779 : f32 to vector<16xf32>
      %parallel_loop3A_781 = arith.mulf %parallel_loop3A_778, %parallel_loop3A_780 : vector<16xf32>
      %parallel_loop3A_782 = arith.index_cast %parallel_loop3A_770 : i32 to index
      %parallel_loop3A_783 = arith.index_cast %parallel_loop3A_774 : i32 to index
      %parallel_loop3A_784 = tpu.vector_load %arg6[%parallel_loop3A_782, %parallel_loop3A_783] {strides = array<i32>} : memref<16x1024xf32, #tpu.memory_space<vmem>>, vector<1x16xf32>,
      %parallel_loop3A_785 = vector.shape_cast %parallel_loop3A_784 : vector<1x16xf32> to vector<16xf32>
      %parallel_loop3A_786 = vector.shape_cast %parallel_loop3A_781 : vector<16xf32> to vector<1x16xf32>
      tpu.vector_store %arg6[%parallel_loop3A_782, %parallel_loop3A_783], %parallel_loop3A_786 {strides = array<i32>} : memref<16x1024xf32, #tpu.memory_space<vmem>>, vector<1x16xf32>,
    } {sc.loop_unroll_factor = 8 : i64, sc.parallel_access}
    %add3A_397 = arith.constant 224 : i32
    %add3A_398 = arith.addi %mul3A_2, %add3A_397 : i32
    %dma_start3A_399 = arith.constant 0 : i32
    %dma_start3A_400 = tpu.memref_slice %arg4[%add3A_398, %dma_start3A_399] : memref<16384x1024xf32, #tpu.memory_space<hbm>> -> memref<16x1024xf32, #tpu.memory_space<hbm>>
    %dma_start3A_401 = arith.constant 0 : i32
    %dma_start3A_402 = tpu.memref_slice %arg4[%add3A_398, %dma_start3A_401] : memref<16384x1024xf32, #tpu.memory_space<hbm>> -> memref<16x1024xf32, #tpu.memory_space<hbm>>
    tpu.enqueue_dma source(%arg6 : memref<16x1024xf32, #tpu.memory_space<vmem>>) target(%dma_start3A_402 : memref<16x1024xf32, #tpu.memory_space<hbm>>) target_semaphore(%arg20 : memref<!tpu.dma_semaphore, #tpu.memory_space<semaphore_mem>>)
    %dma_wait3A_403 = arith.constant 0 : i32
    %dma_wait3A_404 = tpu.memref_slice %arg4[%add3A_398, %dma_wait3A_403] : memref<16384x1024xf32, #tpu.memory_space<hbm>> -> memref<16x1024xf32, #tpu.memory_space<hbm>>
    %dma_wait3A_405 = arith.constant 0 : i32
    %dma_wait3A_406 = tpu.memref_slice %arg4[%add3A_398, %dma_wait3A_405] : memref<16384x1024xf32, #tpu.memory_space<hbm>> -> memref<16x1024xf32, #tpu.memory_space<hbm>>
    tpu.wait_dma2 semaphore(%arg20 : memref<!tpu.dma_semaphore, #tpu.memory_space<semaphore_mem>>) src(%arg6 : memref<16x1024xf32, #tpu.memory_space<vmem>>) dst(%dma_wait3A_406 : memref<16x1024xf32, #tpu.memory_space<hbm>>)
    %dma_start3A_407 = arith.constant 336 : i32
    %dma_start3A_408 = tpu.memref_slice %arg5[%dma_start3A_407] : memref<512xi32, #tpu.memory_space<vmem>> -> memref<16xi32, #tpu.memory_space<vmem>>
    %dma_start3A_409 = arith.constant 0 : i32
    %dma_start3A_410 = arith.constant 0 : i32
    %dma_start3A_411 = tpu.memref_slice %arg3[%dma_start3A_409, %dma_start3A_410] : memref<100000x1024xf32, #tpu.memory_space<hbm>> -> memref<100000x1024xf32, #tpu.memory_space<hbm>>
    tpu.enqueue_indirect_dma source(%dma_start3A_411 : memref<100000x1024xf32, #tpu.memory_space<hbm>>) target(%arg6 : memref<16x1024xf32, #tpu.memory_space<vmem>>) offsets(%dma_start3A_408 : memref<16xi32, #tpu.memory_space<vmem>>) semaphore(%arg13 : memref<!tpu.dma_semaphore, #tpu.memory_space<semaphore_mem>>)
    %dma_wait3A_412 = arith.constant 240 : i32
    %dma_wait3A_413 = tpu.memref_slice %arg5[%dma_wait3A_412] : memref<512xi32, #tpu.memory_space<vmem>> -> memref<16xi32, #tpu.memory_space<vmem>>
    %dma_wait3A_414 = arith.constant 0 : i32
    %dma_wait3A_415 = arith.constant 0 : i32
    %dma_wait3A_416 = tpu.memref_slice %arg3[%dma_wait3A_414, %dma_wait3A_415] : memref<100000x1024xf32, #tpu.memory_space<hbm>> -> memref<100000x1024xf32, #tpu.memory_space<hbm>>
    tpu.wait_indirect_dma semaphore(%arg14 : memref<!tpu.dma_semaphore, #tpu.memory_space<semaphore_mem>>) src(%dma_wait3A_416 : memref<100000x1024xf32, #tpu.memory_space<hbm>>) dst(%arg7 : memref<16x1024xf32, #tpu.memory_space<vmem>>)
    %parallel_loop3A_417 = arith.constant 0 : i32
    %parallel_loop3A_418 = arith.constant 1024 : i32
    %parallel_loop3A_419 = arith.constant 1 : i32
    scf.for %parallel_loop3A_768 = %parallel_loop3A_417 to %parallel_loop3A_418 step %parallel_loop3A_419  : i32 {
      %parallel_loop3A_769 = arith.constant 6 : i32
      %parallel_loop3A_770 = arith.shrui %parallel_loop3A_768, %parallel_loop3A_769 : i32
      %parallel_loop3A_771 = arith.constant 63 : i32
      %parallel_loop3A_772 = arith.andi %parallel_loop3A_768, %parallel_loop3A_771 : i32
      %parallel_loop3A_773 = arith.constant 16 : i32
      %parallel_loop3A_774 = arith.muli %parallel_loop3A_772, %parallel_loop3A_773 : i32
      %parallel_loop3A_775 = arith.index_cast %parallel_loop3A_770 : i32 to index
      %parallel_loop3A_776 = arith.index_cast %parallel_loop3A_774 : i32 to index
      %parallel_loop3A_777 = tpu.vector_load %arg7[%parallel_loop3A_775, %parallel_loop3A_776] {strides = array<i32>} : memref<16x1024xf32, #tpu.memory_space<vmem>>, vector<1x16xf32>,
      %parallel_loop3A_778 = vector.shape_cast %parallel_loop3A_777 : vector<1x16xf32> to vector<16xf32>
      %parallel_loop3A_779 = arith.constant 3.200000e+01 : f32
      %parallel_loop3A_780 = vector.broadcast %parallel_loop3A_779 : f32 to vector<16xf32>
      %parallel_loop3A_781 = arith.mulf %parallel_loop3A_778, %parallel_loop3A_780 : vector<16xf32>
      %parallel_loop3A_782 = arith.index_cast %parallel_loop3A_770 : i32 to index
      %parallel_loop3A_783 = arith.index_cast %parallel_loop3A_774 : i32 to index
      %parallel_loop3A_784 = tpu.vector_load %arg7[%parallel_loop3A_782, %parallel_loop3A_783] {strides = array<i32>} : memref<16x1024xf32, #tpu.memory_space<vmem>>, vector<1x16xf32>,
      %parallel_loop3A_785 = vector.shape_cast %parallel_loop3A_784 : vector<1x16xf32> to vector<16xf32>
      %parallel_loop3A_786 = vector.shape_cast %parallel_loop3A_781 : vector<16xf32> to vector<1x16xf32>
      tpu.vector_store %arg7[%parallel_loop3A_782, %parallel_loop3A_783], %parallel_loop3A_786 {strides = array<i32>} : memref<16x1024xf32, #tpu.memory_space<vmem>>, vector<1x16xf32>,
    } {sc.loop_unroll_factor = 8 : i64, sc.parallel_access}
    %add3A_420 = arith.constant 240 : i32
    %add3A_421 = arith.addi %mul3A_2, %add3A_420 : i32
    %dma_start3A_422 = arith.constant 0 : i32
    %dma_start3A_423 = tpu.memref_slice %arg4[%add3A_421, %dma_start3A_422] : memref<16384x1024xf32, #tpu.memory_space<hbm>> -> memref<16x1024xf32, #tpu.memory_space<hbm>>
    %dma_start3A_424 = arith.constant 0 : i32
    %dma_start3A_425 = tpu.memref_slice %arg4[%add3A_421, %dma_start3A_424] : memref<16384x1024xf32, #tpu.memory_space<hbm>> -> memref<16x1024xf32, #tpu.memory_space<hbm>>
    tpu.enqueue_dma source(%arg7 : memref<16x1024xf32, #tpu.memory_space<vmem>>) target(%dma_start3A_425 : memref<16x1024xf32, #tpu.memory_space<hbm>>) target_semaphore(%arg21 : memref<!tpu.dma_semaphore, #tpu.memory_space<semaphore_mem>>)
    %dma_wait3A_426 = arith.constant 0 : i32
    %dma_wait3A_427 = tpu.memref_slice %arg4[%add3A_421, %dma_wait3A_426] : memref<16384x1024xf32, #tpu.memory_space<hbm>> -> memref<16x1024xf32, #tpu.memory_space<hbm>>
    %dma_wait3A_428 = arith.constant 0 : i32
    %dma_wait3A_429 = tpu.memref_slice %arg4[%add3A_421, %dma_wait3A_428] : memref<16384x1024xf32, #tpu.memory_space<hbm>> -> memref<16x1024xf32, #tpu.memory_space<hbm>>
    tpu.wait_dma2 semaphore(%arg21 : memref<!tpu.dma_semaphore, #tpu.memory_space<semaphore_mem>>) src(%arg7 : memref<16x1024xf32, #tpu.memory_space<vmem>>) dst(%dma_wait3A_429 : memref<16x1024xf32, #tpu.memory_space<hbm>>)
    %dma_start3A_430 = arith.constant 352 : i32
    %dma_start3A_431 = tpu.memref_slice %arg5[%dma_start3A_430] : memref<512xi32, #tpu.memory_space<vmem>> -> memref<16xi32, #tpu.memory_space<vmem>>
    %dma_start3A_432 = arith.constant 0 : i32
    %dma_start3A_433 = arith.constant 0 : i32
    %dma_start3A_434 = tpu.memref_slice %arg3[%dma_start3A_432, %dma_start3A_433] : memref<100000x1024xf32, #tpu.memory_space<hbm>> -> memref<100000x1024xf32, #tpu.memory_space<hbm>>
    tpu.enqueue_indirect_dma source(%dma_start3A_434 : memref<100000x1024xf32, #tpu.memory_space<hbm>>) target(%arg7 : memref<16x1024xf32, #tpu.memory_space<vmem>>) offsets(%dma_start3A_431 : memref<16xi32, #tpu.memory_space<vmem>>) semaphore(%arg14 : memref<!tpu.dma_semaphore, #tpu.memory_space<semaphore_mem>>)
    %dma_wait3A_435 = arith.constant 256 : i32
    %dma_wait3A_436 = tpu.memref_slice %arg5[%dma_wait3A_435] : memref<512xi32, #tpu.memory_space<vmem>> -> memref<16xi32, #tpu.memory_space<vmem>>
    %dma_wait3A_437 = arith.constant 0 : i32
    %dma_wait3A_438 = arith.constant 0 : i32
    %dma_wait3A_439 = tpu.memref_slice %arg3[%dma_wait3A_437, %dma_wait3A_438] : memref<100000x1024xf32, #tpu.memory_space<hbm>> -> memref<100000x1024xf32, #tpu.memory_space<hbm>>
    tpu.wait_indirect_dma semaphore(%arg15 : memref<!tpu.dma_semaphore, #tpu.memory_space<semaphore_mem>>) src(%dma_wait3A_439 : memref<100000x1024xf32, #tpu.memory_space<hbm>>) dst(%arg8 : memref<16x1024xf32, #tpu.memory_space<vmem>>)
    %parallel_loop3A_440 = arith.constant 0 : i32
    %parallel_loop3A_441 = arith.constant 1024 : i32
    %parallel_loop3A_442 = arith.constant 1 : i32
    scf.for %parallel_loop3A_768 = %parallel_loop3A_440 to %parallel_loop3A_441 step %parallel_loop3A_442  : i32 {
      %parallel_loop3A_769 = arith.constant 6 : i32
      %parallel_loop3A_770 = arith.shrui %parallel_loop3A_768, %parallel_loop3A_769 : i32
      %parallel_loop3A_771 = arith.constant 63 : i32
      %parallel_loop3A_772 = arith.andi %parallel_loop3A_768, %parallel_loop3A_771 : i32
      %parallel_loop3A_773 = arith.constant 16 : i32
      %parallel_loop3A_774 = arith.muli %parallel_loop3A_772, %parallel_loop3A_773 : i32
      %parallel_loop3A_775 = arith.index_cast %parallel_loop3A_770 : i32 to index
      %parallel_loop3A_776 = arith.index_cast %parallel_loop3A_774 : i32 to index
      %parallel_loop3A_777 = tpu.vector_load %arg8[%parallel_loop3A_775, %parallel_loop3A_776] {strides = array<i32>} : memref<16x1024xf32, #tpu.memory_space<vmem>>, vector<1x16xf32>,
      %parallel_loop3A_778 = vector.shape_cast %parallel_loop3A_777 : vector<1x16xf32> to vector<16xf32>
      %parallel_loop3A_779 = arith.constant 3.200000e+01 : f32
      %parallel_loop3A_780 = vector.broadcast %parallel_loop3A_779 : f32 to vector<16xf32>
      %parallel_loop3A_781 = arith.mulf %parallel_loop3A_778, %parallel_loop3A_780 : vector<16xf32>
      %parallel_loop3A_782 = arith.index_cast %parallel_loop3A_770 : i32 to index
      %parallel_loop3A_783 = arith.index_cast %parallel_loop3A_774 : i32 to index
      %parallel_loop3A_784 = tpu.vector_load %arg8[%parallel_loop3A_782, %parallel_loop3A_783] {strides = array<i32>} : memref<16x1024xf32, #tpu.memory_space<vmem>>, vector<1x16xf32>,
      %parallel_loop3A_785 = vector.shape_cast %parallel_loop3A_784 : vector<1x16xf32> to vector<16xf32>
      %parallel_loop3A_786 = vector.shape_cast %parallel_loop3A_781 : vector<16xf32> to vector<1x16xf32>
      tpu.vector_store %arg8[%parallel_loop3A_782, %parallel_loop3A_783], %parallel_loop3A_786 {strides = array<i32>} : memref<16x1024xf32, #tpu.memory_space<vmem>>, vector<1x16xf32>,
    } {sc.loop_unroll_factor = 8 : i64, sc.parallel_access}
    %add3A_443 = arith.constant 256 : i32
    %add3A_444 = arith.addi %mul3A_2, %add3A_443 : i32
    %dma_start3A_445 = arith.constant 0 : i32
    %dma_start3A_446 = tpu.memref_slice %arg4[%add3A_444, %dma_start3A_445] : memref<16384x1024xf32, #tpu.memory_space<hbm>> -> memref<16x1024xf32, #tpu.memory_space<hbm>>
    %dma_start3A_447 = arith.constant 0 : i32
    %dma_start3A_448 = tpu.memref_slice %arg4[%add3A_444, %dma_start3A_447] : memref<16384x1024xf32, #tpu.memory_space<hbm>> -> memref<16x1024xf32, #tpu.memory_space<hbm>>
    tpu.enqueue_dma source(%arg8 : memref<16x1024xf32, #tpu.memory_space<vmem>>) target(%dma_start3A_448 : memref<16x1024xf32, #tpu.memory_space<hbm>>) target_semaphore(%arg22 : memref<!tpu.dma_semaphore, #tpu.memory_space<semaphore_mem>>)
    %dma_wait3A_449 = arith.constant 0 : i32
    %dma_wait3A_450 = tpu.memref_slice %arg4[%add3A_444, %dma_wait3A_449] : memref<16384x1024xf32, #tpu.memory_space<hbm>> -> memref<16x1024xf32, #tpu.memory_space<hbm>>
    %dma_wait3A_451 = arith.constant 0 : i32
    %dma_wait3A_452 = tpu.memref_slice %arg4[%add3A_444, %dma_wait3A_451] : memref<16384x1024xf32, #tpu.memory_space<hbm>> -> memref<16x1024xf32, #tpu.memory_space<hbm>>
    tpu.wait_dma2 semaphore(%arg22 : memref<!tpu.dma_semaphore, #tpu.memory_space<semaphore_mem>>) src(%arg8 : memref<16x1024xf32, #tpu.memory_space<vmem>>) dst(%dma_wait3A_452 : memref<16x1024xf32, #tpu.memory_space<hbm>>)
    %dma_start3A_453 = arith.constant 368 : i32
    %dma_start3A_454 = tpu.memref_slice %arg5[%dma_start3A_453] : memref<512xi32, #tpu.memory_space<vmem>> -> memref<16xi32, #tpu.memory_space<vmem>>
    %dma_start3A_455 = arith.constant 0 : i32
    %dma_start3A_456 = arith.constant 0 : i32
    %dma_start3A_457 = tpu.memref_slice %arg3[%dma_start3A_455, %dma_start3A_456] : memref<100000x1024xf32, #tpu.memory_space<hbm>> -> memref<100000x1024xf32, #tpu.memory_space<hbm>>
    tpu.enqueue_indirect_dma source(%dma_start3A_457 : memref<100000x1024xf32, #tpu.memory_space<hbm>>) target(%arg8 : memref<16x1024xf32, #tpu.memory_space<vmem>>) offsets(%dma_start3A_454 : memref<16xi32, #tpu.memory_space<vmem>>) semaphore(%arg15 : memref<!tpu.dma_semaphore, #tpu.memory_space<semaphore_mem>>)
    %dma_wait3A_458 = arith.constant 272 : i32
    %dma_wait3A_459 = tpu.memref_slice %arg5[%dma_wait3A_458] : memref<512xi32, #tpu.memory_space<vmem>> -> memref<16xi32, #tpu.memory_space<vmem>>
    %dma_wait3A_460 = arith.constant 0 : i32
    %dma_wait3A_461 = arith.constant 0 : i32
    %dma_wait3A_462 = tpu.memref_slice %arg3[%dma_wait3A_460, %dma_wait3A_461] : memref<100000x1024xf32, #tpu.memory_space<hbm>> -> memref<100000x1024xf32, #tpu.memory_space<hbm>>
    tpu.wait_indirect_dma semaphore(%arg16 : memref<!tpu.dma_semaphore, #tpu.memory_space<semaphore_mem>>) src(%dma_wait3A_462 : memref<100000x1024xf32, #tpu.memory_space<hbm>>) dst(%arg9 : memref<16x1024xf32, #tpu.memory_space<vmem>>)
    %parallel_loop3A_463 = arith.constant 0 : i32
    %parallel_loop3A_464 = arith.constant 1024 : i32
    %parallel_loop3A_465 = arith.constant 1 : i32
    scf.for %parallel_loop3A_768 = %parallel_loop3A_463 to %parallel_loop3A_464 step %parallel_loop3A_465  : i32 {
      %parallel_loop3A_769 = arith.constant 6 : i32
      %parallel_loop3A_770 = arith.shrui %parallel_loop3A_768, %parallel_loop3A_769 : i32
      %parallel_loop3A_771 = arith.constant 63 : i32
      %parallel_loop3A_772 = arith.andi %parallel_loop3A_768, %parallel_loop3A_771 : i32
      %parallel_loop3A_773 = arith.constant 16 : i32
      %parallel_loop3A_774 = arith.muli %parallel_loop3A_772, %parallel_loop3A_773 : i32
      %parallel_loop3A_775 = arith.index_cast %parallel_loop3A_770 : i32 to index
      %parallel_loop3A_776 = arith.index_cast %parallel_loop3A_774 : i32 to index
      %parallel_loop3A_777 = tpu.vector_load %arg9[%parallel_loop3A_775, %parallel_loop3A_776] {strides = array<i32>} : memref<16x1024xf32, #tpu.memory_space<vmem>>, vector<1x16xf32>,
      %parallel_loop3A_778 = vector.shape_cast %parallel_loop3A_777 : vector<1x16xf32> to vector<16xf32>
      %parallel_loop3A_779 = arith.constant 3.200000e+01 : f32
      %parallel_loop3A_780 = vector.broadcast %parallel_loop3A_779 : f32 to vector<16xf32>
      %parallel_loop3A_781 = arith.mulf %parallel_loop3A_778, %parallel_loop3A_780 : vector<16xf32>
      %parallel_loop3A_782 = arith.index_cast %parallel_loop3A_770 : i32 to index
      %parallel_loop3A_783 = arith.index_cast %parallel_loop3A_774 : i32 to index
      %parallel_loop3A_784 = tpu.vector_load %arg9[%parallel_loop3A_782, %parallel_loop3A_783] {strides = array<i32>} : memref<16x1024xf32, #tpu.memory_space<vmem>>, vector<1x16xf32>,
      %parallel_loop3A_785 = vector.shape_cast %parallel_loop3A_784 : vector<1x16xf32> to vector<16xf32>
      %parallel_loop3A_786 = vector.shape_cast %parallel_loop3A_781 : vector<16xf32> to vector<1x16xf32>
      tpu.vector_store %arg9[%parallel_loop3A_782, %parallel_loop3A_783], %parallel_loop3A_786 {strides = array<i32>} : memref<16x1024xf32, #tpu.memory_space<vmem>>, vector<1x16xf32>,
    } {sc.loop_unroll_factor = 8 : i64, sc.parallel_access}
    %add3A_466 = arith.constant 272 : i32
    %add3A_467 = arith.addi %mul3A_2, %add3A_466 : i32
    %dma_start3A_468 = arith.constant 0 : i32
    %dma_start3A_469 = tpu.memref_slice %arg4[%add3A_467, %dma_start3A_468] : memref<16384x1024xf32, #tpu.memory_space<hbm>> -> memref<16x1024xf32, #tpu.memory_space<hbm>>
    %dma_start3A_470 = arith.constant 0 : i32
    %dma_start3A_471 = tpu.memref_slice %arg4[%add3A_467, %dma_start3A_470] : memref<16384x1024xf32, #tpu.memory_space<hbm>> -> memref<16x1024xf32, #tpu.memory_space<hbm>>
    tpu.enqueue_dma source(%arg9 : memref<16x1024xf32, #tpu.memory_space<vmem>>) target(%dma_start3A_471 : memref<16x1024xf32, #tpu.memory_space<hbm>>) target_semaphore(%arg23 : memref<!tpu.dma_semaphore, #tpu.memory_space<semaphore_mem>>)
    %dma_wait3A_472 = arith.constant 0 : i32
    %dma_wait3A_473 = tpu.memref_slice %arg4[%add3A_467, %dma_wait3A_472] : memref<16384x1024xf32, #tpu.memory_space<hbm>> -> memref<16x1024xf32, #tpu.memory_space<hbm>>
    %dma_wait3A_474 = arith.constant 0 : i32
    %dma_wait3A_475 = tpu.memref_slice %arg4[%add3A_467, %dma_wait3A_474] : memref<16384x1024xf32, #tpu.memory_space<hbm>> -> memref<16x1024xf32, #tpu.memory_space<hbm>>
    tpu.wait_dma2 semaphore(%arg23 : memref<!tpu.dma_semaphore, #tpu.memory_space<semaphore_mem>>) src(%arg9 : memref<16x1024xf32, #tpu.memory_space<vmem>>) dst(%dma_wait3A_475 : memref<16x1024xf32, #tpu.memory_space<hbm>>)
    %dma_start3A_476 = arith.constant 384 : i32
    %dma_start3A_477 = tpu.memref_slice %arg5[%dma_start3A_476] : memref<512xi32, #tpu.memory_space<vmem>> -> memref<16xi32, #tpu.memory_space<vmem>>
    %dma_start3A_478 = arith.constant 0 : i32
    %dma_start3A_479 = arith.constant 0 : i32
    %dma_start3A_480 = tpu.memref_slice %arg3[%dma_start3A_478, %dma_start3A_479] : memref<100000x1024xf32, #tpu.memory_space<hbm>> -> memref<100000x1024xf32, #tpu.memory_space<hbm>>
    tpu.enqueue_indirect_dma source(%dma_start3A_480 : memref<100000x1024xf32, #tpu.memory_space<hbm>>) target(%arg9 : memref<16x1024xf32, #tpu.memory_space<vmem>>) offsets(%dma_start3A_477 : memref<16xi32, #tpu.memory_space<vmem>>) semaphore(%arg16 : memref<!tpu.dma_semaphore, #tpu.memory_space<semaphore_mem>>)
    %dma_wait3A_481 = arith.constant 288 : i32
    %dma_wait3A_482 = tpu.memref_slice %arg5[%dma_wait3A_481] : memref<512xi32, #tpu.memory_space<vmem>> -> memref<16xi32, #tpu.memory_space<vmem>>
    %dma_wait3A_483 = arith.constant 0 : i32
    %dma_wait3A_484 = arith.constant 0 : i32
    %dma_wait3A_485 = tpu.memref_slice %arg3[%dma_wait3A_483, %dma_wait3A_484] : memref<100000x1024xf32, #tpu.memory_space<hbm>> -> memref<100000x1024xf32, #tpu.memory_space<hbm>>
    tpu.wait_indirect_dma semaphore(%arg17 : memref<!tpu.dma_semaphore, #tpu.memory_space<semaphore_mem>>) src(%dma_wait3A_485 : memref<100000x1024xf32, #tpu.memory_space<hbm>>) dst(%arg10 : memref<16x1024xf32, #tpu.memory_space<vmem>>)
    %parallel_loop3A_486 = arith.constant 0 : i32
    %parallel_loop3A_487 = arith.constant 1024 : i32
    %parallel_loop3A_488 = arith.constant 1 : i32
    scf.for %parallel_loop3A_768 = %parallel_loop3A_486 to %parallel_loop3A_487 step %parallel_loop3A_488  : i32 {
      %parallel_loop3A_769 = arith.constant 6 : i32
      %parallel_loop3A_770 = arith.shrui %parallel_loop3A_768, %parallel_loop3A_769 : i32
      %parallel_loop3A_771 = arith.constant 63 : i32
      %parallel_loop3A_772 = arith.andi %parallel_loop3A_768, %parallel_loop3A_771 : i32
      %parallel_loop3A_773 = arith.constant 16 : i32
      %parallel_loop3A_774 = arith.muli %parallel_loop3A_772, %parallel_loop3A_773 : i32
      %parallel_loop3A_775 = arith.index_cast %parallel_loop3A_770 : i32 to index
      %parallel_loop3A_776 = arith.index_cast %parallel_loop3A_774 : i32 to index
      %parallel_loop3A_777 = tpu.vector_load %arg10[%parallel_loop3A_775, %parallel_loop3A_776] {strides = array<i32>} : memref<16x1024xf32, #tpu.memory_space<vmem>>, vector<1x16xf32>,
      %parallel_loop3A_778 = vector.shape_cast %parallel_loop3A_777 : vector<1x16xf32> to vector<16xf32>
      %parallel_loop3A_779 = arith.constant 3.200000e+01 : f32
      %parallel_loop3A_780 = vector.broadcast %parallel_loop3A_779 : f32 to vector<16xf32>
      %parallel_loop3A_781 = arith.mulf %parallel_loop3A_778, %parallel_loop3A_780 : vector<16xf32>
      %parallel_loop3A_782 = arith.index_cast %parallel_loop3A_770 : i32 to index
      %parallel_loop3A_783 = arith.index_cast %parallel_loop3A_774 : i32 to index
      %parallel_loop3A_784 = tpu.vector_load %arg10[%parallel_loop3A_782, %parallel_loop3A_783] {strides = array<i32>} : memref<16x1024xf32, #tpu.memory_space<vmem>>, vector<1x16xf32>,
      %parallel_loop3A_785 = vector.shape_cast %parallel_loop3A_784 : vector<1x16xf32> to vector<16xf32>
      %parallel_loop3A_786 = vector.shape_cast %parallel_loop3A_781 : vector<16xf32> to vector<1x16xf32>
      tpu.vector_store %arg10[%parallel_loop3A_782, %parallel_loop3A_783], %parallel_loop3A_786 {strides = array<i32>} : memref<16x1024xf32, #tpu.memory_space<vmem>>, vector<1x16xf32>,
    } {sc.loop_unroll_factor = 8 : i64, sc.parallel_access}
    %add3A_489 = arith.constant 288 : i32
    %add3A_490 = arith.addi %mul3A_2, %add3A_489 : i32
    %dma_start3A_491 = arith.constant 0 : i32
    %dma_start3A_492 = tpu.memref_slice %arg4[%add3A_490, %dma_start3A_491] : memref<16384x1024xf32, #tpu.memory_space<hbm>> -> memref<16x1024xf32, #tpu.memory_space<hbm>>
    %dma_start3A_493 = arith.constant 0 : i32
    %dma_start3A_494 = tpu.memref_slice %arg4[%add3A_490, %dma_start3A_493] : memref<16384x1024xf32, #tpu.memory_space<hbm>> -> memref<16x1024xf32, #tpu.memory_space<hbm>>
    tpu.enqueue_dma source(%arg10 : memref<16x1024xf32, #tpu.memory_space<vmem>>) target(%dma_start3A_494 : memref<16x1024xf32, #tpu.memory_space<hbm>>) target_semaphore(%arg24 : memref<!tpu.dma_semaphore, #tpu.memory_space<semaphore_mem>>)
    %dma_wait3A_495 = arith.constant 0 : i32
    %dma_wait3A_496 = tpu.memref_slice %arg4[%add3A_490, %dma_wait3A_495] : memref<16384x1024xf32, #tpu.memory_space<hbm>> -> memref<16x1024xf32, #tpu.memory_space<hbm>>
    %dma_wait3A_497 = arith.constant 0 : i32
    %dma_wait3A_498 = tpu.memref_slice %arg4[%add3A_490, %dma_wait3A_497] : memref<16384x1024xf32, #tpu.memory_space<hbm>> -> memref<16x1024xf32, #tpu.memory_space<hbm>>
    tpu.wait_dma2 semaphore(%arg24 : memref<!tpu.dma_semaphore, #tpu.memory_space<semaphore_mem>>) src(%arg10 : memref<16x1024xf32, #tpu.memory_space<vmem>>) dst(%dma_wait3A_498 : memref<16x1024xf32, #tpu.memory_space<hbm>>)
    %dma_start3A_499 = arith.constant 400 : i32
    %dma_start3A_500 = tpu.memref_slice %arg5[%dma_start3A_499] : memref<512xi32, #tpu.memory_space<vmem>> -> memref<16xi32, #tpu.memory_space<vmem>>
    %dma_start3A_501 = arith.constant 0 : i32
    %dma_start3A_502 = arith.constant 0 : i32
    %dma_start3A_503 = tpu.memref_slice %arg3[%dma_start3A_501, %dma_start3A_502] : memref<100000x1024xf32, #tpu.memory_space<hbm>> -> memref<100000x1024xf32, #tpu.memory_space<hbm>>
    tpu.enqueue_indirect_dma source(%dma_start3A_503 : memref<100000x1024xf32, #tpu.memory_space<hbm>>) target(%arg10 : memref<16x1024xf32, #tpu.memory_space<vmem>>) offsets(%dma_start3A_500 : memref<16xi32, #tpu.memory_space<vmem>>) semaphore(%arg17 : memref<!tpu.dma_semaphore, #tpu.memory_space<semaphore_mem>>)
    %dma_wait3A_504 = arith.constant 304 : i32
    %dma_wait3A_505 = tpu.memref_slice %arg5[%dma_wait3A_504] : memref<512xi32, #tpu.memory_space<vmem>> -> memref<16xi32, #tpu.memory_space<vmem>>
    %dma_wait3A_506 = arith.constant 0 : i32
    %dma_wait3A_507 = arith.constant 0 : i32
    %dma_wait3A_508 = tpu.memref_slice %arg3[%dma_wait3A_506, %dma_wait3A_507] : memref<100000x1024xf32, #tpu.memory_space<hbm>> -> memref<100000x1024xf32, #tpu.memory_space<hbm>>
    tpu.wait_indirect_dma semaphore(%arg18 : memref<!tpu.dma_semaphore, #tpu.memory_space<semaphore_mem>>) src(%dma_wait3A_508 : memref<100000x1024xf32, #tpu.memory_space<hbm>>) dst(%arg11 : memref<16x1024xf32, #tpu.memory_space<vmem>>)
    %parallel_loop3A_509 = arith.constant 0 : i32
    %parallel_loop3A_510 = arith.constant 1024 : i32
    %parallel_loop3A_511 = arith.constant 1 : i32
    scf.for %parallel_loop3A_768 = %parallel_loop3A_509 to %parallel_loop3A_510 step %parallel_loop3A_511  : i32 {
      %parallel_loop3A_769 = arith.constant 6 : i32
      %parallel_loop3A_770 = arith.shrui %parallel_loop3A_768, %parallel_loop3A_769 : i32
      %parallel_loop3A_771 = arith.constant 63 : i32
      %parallel_loop3A_772 = arith.andi %parallel_loop3A_768, %parallel_loop3A_771 : i32
      %parallel_loop3A_773 = arith.constant 16 : i32
      %parallel_loop3A_774 = arith.muli %parallel_loop3A_772, %parallel_loop3A_773 : i32
      %parallel_loop3A_775 = arith.index_cast %parallel_loop3A_770 : i32 to index
      %parallel_loop3A_776 = arith.index_cast %parallel_loop3A_774 : i32 to index
      %parallel_loop3A_777 = tpu.vector_load %arg11[%parallel_loop3A_775, %parallel_loop3A_776] {strides = array<i32>} : memref<16x1024xf32, #tpu.memory_space<vmem>>, vector<1x16xf32>,
      %parallel_loop3A_778 = vector.shape_cast %parallel_loop3A_777 : vector<1x16xf32> to vector<16xf32>
      %parallel_loop3A_779 = arith.constant 3.200000e+01 : f32
      %parallel_loop3A_780 = vector.broadcast %parallel_loop3A_779 : f32 to vector<16xf32>
      %parallel_loop3A_781 = arith.mulf %parallel_loop3A_778, %parallel_loop3A_780 : vector<16xf32>
      %parallel_loop3A_782 = arith.index_cast %parallel_loop3A_770 : i32 to index
      %parallel_loop3A_783 = arith.index_cast %parallel_loop3A_774 : i32 to index
      %parallel_loop3A_784 = tpu.vector_load %arg11[%parallel_loop3A_782, %parallel_loop3A_783] {strides = array<i32>} : memref<16x1024xf32, #tpu.memory_space<vmem>>, vector<1x16xf32>,
      %parallel_loop3A_785 = vector.shape_cast %parallel_loop3A_784 : vector<1x16xf32> to vector<16xf32>
      %parallel_loop3A_786 = vector.shape_cast %parallel_loop3A_781 : vector<16xf32> to vector<1x16xf32>
      tpu.vector_store %arg11[%parallel_loop3A_782, %parallel_loop3A_783], %parallel_loop3A_786 {strides = array<i32>} : memref<16x1024xf32, #tpu.memory_space<vmem>>, vector<1x16xf32>,
    } {sc.loop_unroll_factor = 8 : i64, sc.parallel_access}
    %add3A_512 = arith.constant 304 : i32
    %add3A_513 = arith.addi %mul3A_2, %add3A_512 : i32
    %dma_start3A_514 = arith.constant 0 : i32
    %dma_start3A_515 = tpu.memref_slice %arg4[%add3A_513, %dma_start3A_514] : memref<16384x1024xf32, #tpu.memory_space<hbm>> -> memref<16x1024xf32, #tpu.memory_space<hbm>>
    %dma_start3A_516 = arith.constant 0 : i32
    %dma_start3A_517 = tpu.memref_slice %arg4[%add3A_513, %dma_start3A_516] : memref<16384x1024xf32, #tpu.memory_space<hbm>> -> memref<16x1024xf32, #tpu.memory_space<hbm>>
    tpu.enqueue_dma source(%arg11 : memref<16x1024xf32, #tpu.memory_space<vmem>>) target(%dma_start3A_517 : memref<16x1024xf32, #tpu.memory_space<hbm>>) target_semaphore(%arg25 : memref<!tpu.dma_semaphore, #tpu.memory_space<semaphore_mem>>)
    %dma_wait3A_518 = arith.constant 0 : i32
    %dma_wait3A_519 = tpu.memref_slice %arg4[%add3A_513, %dma_wait3A_518] : memref<16384x1024xf32, #tpu.memory_space<hbm>> -> memref<16x1024xf32, #tpu.memory_space<hbm>>
    %dma_wait3A_520 = arith.constant 0 : i32
    %dma_wait3A_521 = tpu.memref_slice %arg4[%add3A_513, %dma_wait3A_520] : memref<16384x1024xf32, #tpu.memory_space<hbm>> -> memref<16x1024xf32, #tpu.memory_space<hbm>>
    tpu.wait_dma2 semaphore(%arg25 : memref<!tpu.dma_semaphore, #tpu.memory_space<semaphore_mem>>) src(%arg11 : memref<16x1024xf32, #tpu.memory_space<vmem>>) dst(%dma_wait3A_521 : memref<16x1024xf32, #tpu.memory_space<hbm>>)
    %dma_start3A_522 = arith.constant 416 : i32
    %dma_start3A_523 = tpu.memref_slice %arg5[%dma_start3A_522] : memref<512xi32, #tpu.memory_space<vmem>> -> memref<16xi32, #tpu.memory_space<vmem>>
    %dma_start3A_524 = arith.constant 0 : i32
    %dma_start3A_525 = arith.constant 0 : i32
    %dma_start3A_526 = tpu.memref_slice %arg3[%dma_start3A_524, %dma_start3A_525] : memref<100000x1024xf32, #tpu.memory_space<hbm>> -> memref<100000x1024xf32, #tpu.memory_space<hbm>>
    tpu.enqueue_indirect_dma source(%dma_start3A_526 : memref<100000x1024xf32, #tpu.memory_space<hbm>>) target(%arg11 : memref<16x1024xf32, #tpu.memory_space<vmem>>) offsets(%dma_start3A_523 : memref<16xi32, #tpu.memory_space<vmem>>) semaphore(%arg18 : memref<!tpu.dma_semaphore, #tpu.memory_space<semaphore_mem>>)
    %dma_wait3A_527 = arith.constant 320 : i32
    %dma_wait3A_528 = tpu.memref_slice %arg5[%dma_wait3A_527] : memref<512xi32, #tpu.memory_space<vmem>> -> memref<16xi32, #tpu.memory_space<vmem>>
    %dma_wait3A_529 = arith.constant 0 : i32
    %dma_wait3A_530 = arith.constant 0 : i32
    %dma_wait3A_531 = tpu.memref_slice %arg3[%dma_wait3A_529, %dma_wait3A_530] : memref<100000x1024xf32, #tpu.memory_space<hbm>> -> memref<100000x1024xf32, #tpu.memory_space<hbm>>
    tpu.wait_indirect_dma semaphore(%arg19 : memref<!tpu.dma_semaphore, #tpu.memory_space<semaphore_mem>>) src(%dma_wait3A_531 : memref<100000x1024xf32, #tpu.memory_space<hbm>>) dst(%arg12 : memref<16x1024xf32, #tpu.memory_space<vmem>>)
    %parallel_loop3A_532 = arith.constant 0 : i32
    %parallel_loop3A_533 = arith.constant 1024 : i32
    %parallel_loop3A_534 = arith.constant 1 : i32
    scf.for %parallel_loop3A_768 = %parallel_loop3A_532 to %parallel_loop3A_533 step %parallel_loop3A_534  : i32 {
      %parallel_loop3A_769 = arith.constant 6 : i32
      %parallel_loop3A_770 = arith.shrui %parallel_loop3A_768, %parallel_loop3A_769 : i32
      %parallel_loop3A_771 = arith.constant 63 : i32
      %parallel_loop3A_772 = arith.andi %parallel_loop3A_768, %parallel_loop3A_771 : i32
      %parallel_loop3A_773 = arith.constant 16 : i32
      %parallel_loop3A_774 = arith.muli %parallel_loop3A_772, %parallel_loop3A_773 : i32
      %parallel_loop3A_775 = arith.index_cast %parallel_loop3A_770 : i32 to index
      %parallel_loop3A_776 = arith.index_cast %parallel_loop3A_774 : i32 to index
      %parallel_loop3A_777 = tpu.vector_load %arg12[%parallel_loop3A_775, %parallel_loop3A_776] {strides = array<i32>} : memref<16x1024xf32, #tpu.memory_space<vmem>>, vector<1x16xf32>,
      %parallel_loop3A_778 = vector.shape_cast %parallel_loop3A_777 : vector<1x16xf32> to vector<16xf32>
      %parallel_loop3A_779 = arith.constant 3.200000e+01 : f32
      %parallel_loop3A_780 = vector.broadcast %parallel_loop3A_779 : f32 to vector<16xf32>
      %parallel_loop3A_781 = arith.mulf %parallel_loop3A_778, %parallel_loop3A_780 : vector<16xf32>
      %parallel_loop3A_782 = arith.index_cast %parallel_loop3A_770 : i32 to index
      %parallel_loop3A_783 = arith.index_cast %parallel_loop3A_774 : i32 to index
      %parallel_loop3A_784 = tpu.vector_load %arg12[%parallel_loop3A_782, %parallel_loop3A_783] {strides = array<i32>} : memref<16x1024xf32, #tpu.memory_space<vmem>>, vector<1x16xf32>,
      %parallel_loop3A_785 = vector.shape_cast %parallel_loop3A_784 : vector<1x16xf32> to vector<16xf32>
      %parallel_loop3A_786 = vector.shape_cast %parallel_loop3A_781 : vector<16xf32> to vector<1x16xf32>
      tpu.vector_store %arg12[%parallel_loop3A_782, %parallel_loop3A_783], %parallel_loop3A_786 {strides = array<i32>} : memref<16x1024xf32, #tpu.memory_space<vmem>>, vector<1x16xf32>,
    } {sc.loop_unroll_factor = 8 : i64, sc.parallel_access}
    %add3A_535 = arith.constant 320 : i32
    %add3A_536 = arith.addi %mul3A_2, %add3A_535 : i32
    %dma_start3A_537 = arith.constant 0 : i32
    %dma_start3A_538 = tpu.memref_slice %arg4[%add3A_536, %dma_start3A_537] : memref<16384x1024xf32, #tpu.memory_space<hbm>> -> memref<16x1024xf32, #tpu.memory_space<hbm>>
    %dma_start3A_539 = arith.constant 0 : i32
    %dma_start3A_540 = tpu.memref_slice %arg4[%add3A_536, %dma_start3A_539] : memref<16384x1024xf32, #tpu.memory_space<hbm>> -> memref<16x1024xf32, #tpu.memory_space<hbm>>
    tpu.enqueue_dma source(%arg12 : memref<16x1024xf32, #tpu.memory_space<vmem>>) target(%dma_start3A_540 : memref<16x1024xf32, #tpu.memory_space<hbm>>) target_semaphore(%arg26 : memref<!tpu.dma_semaphore, #tpu.memory_space<semaphore_mem>>)
    %dma_wait3A_541 = arith.constant 0 : i32
    %dma_wait3A_542 = tpu.memref_slice %arg4[%add3A_536, %dma_wait3A_541] : memref<16384x1024xf32, #tpu.memory_space<hbm>> -> memref<16x1024xf32, #tpu.memory_space<hbm>>
    %dma_wait3A_543 = arith.constant 0 : i32
    %dma_wait3A_544 = tpu.memref_slice %arg4[%add3A_536, %dma_wait3A_543] : memref<16384x1024xf32, #tpu.memory_space<hbm>> -> memref<16x1024xf32, #tpu.memory_space<hbm>>
    tpu.wait_dma2 semaphore(%arg26 : memref<!tpu.dma_semaphore, #tpu.memory_space<semaphore_mem>>) src(%arg12 : memref<16x1024xf32, #tpu.memory_space<vmem>>) dst(%dma_wait3A_544 : memref<16x1024xf32, #tpu.memory_space<hbm>>)
    %dma_start3A_545 = arith.constant 432 : i32
    %dma_start3A_546 = tpu.memref_slice %arg5[%dma_start3A_545] : memref<512xi32, #tpu.memory_space<vmem>> -> memref<16xi32, #tpu.memory_space<vmem>>
    %dma_start3A_547 = arith.constant 0 : i32
    %dma_start3A_548 = arith.constant 0 : i32
    %dma_start3A_549 = tpu.memref_slice %arg3[%dma_start3A_547, %dma_start3A_548] : memref<100000x1024xf32, #tpu.memory_space<hbm>> -> memref<100000x1024xf32, #tpu.memory_space<hbm>>
    tpu.enqueue_indirect_dma source(%dma_start3A_549 : memref<100000x1024xf32, #tpu.memory_space<hbm>>) target(%arg12 : memref<16x1024xf32, #tpu.memory_space<vmem>>) offsets(%dma_start3A_546 : memref<16xi32, #tpu.memory_space<vmem>>) semaphore(%arg19 : memref<!tpu.dma_semaphore, #tpu.memory_space<semaphore_mem>>)
    %dma_wait3A_550 = arith.constant 336 : i32
    %dma_wait3A_551 = tpu.memref_slice %arg5[%dma_wait3A_550] : memref<512xi32, #tpu.memory_space<vmem>> -> memref<16xi32, #tpu.memory_space<vmem>>
    %dma_wait3A_552 = arith.constant 0 : i32
    %dma_wait3A_553 = arith.constant 0 : i32
    %dma_wait3A_554 = tpu.memref_slice %arg3[%dma_wait3A_552, %dma_wait3A_553] : memref<100000x1024xf32, #tpu.memory_space<hbm>> -> memref<100000x1024xf32, #tpu.memory_space<hbm>>
    tpu.wait_indirect_dma semaphore(%arg13 : memref<!tpu.dma_semaphore, #tpu.memory_space<semaphore_mem>>) src(%dma_wait3A_554 : memref<100000x1024xf32, #tpu.memory_space<hbm>>) dst(%arg6 : memref<16x1024xf32, #tpu.memory_space<vmem>>)
    %parallel_loop3A_555 = arith.constant 0 : i32
    %parallel_loop3A_556 = arith.constant 1024 : i32
    %parallel_loop3A_557 = arith.constant 1 : i32
    scf.for %parallel_loop3A_768 = %parallel_loop3A_555 to %parallel_loop3A_556 step %parallel_loop3A_557  : i32 {
      %parallel_loop3A_769 = arith.constant 6 : i32
      %parallel_loop3A_770 = arith.shrui %parallel_loop3A_768, %parallel_loop3A_769 : i32
      %parallel_loop3A_771 = arith.constant 63 : i32
      %parallel_loop3A_772 = arith.andi %parallel_loop3A_768, %parallel_loop3A_771 : i32
      %parallel_loop3A_773 = arith.constant 16 : i32
      %parallel_loop3A_774 = arith.muli %parallel_loop3A_772, %parallel_loop3A_773 : i32
      %parallel_loop3A_775 = arith.index_cast %parallel_loop3A_770 : i32 to index
      %parallel_loop3A_776 = arith.index_cast %parallel_loop3A_774 : i32 to index
      %parallel_loop3A_777 = tpu.vector_load %arg6[%parallel_loop3A_775, %parallel_loop3A_776] {strides = array<i32>} : memref<16x1024xf32, #tpu.memory_space<vmem>>, vector<1x16xf32>,
      %parallel_loop3A_778 = vector.shape_cast %parallel_loop3A_777 : vector<1x16xf32> to vector<16xf32>
      %parallel_loop3A_779 = arith.constant 3.200000e+01 : f32
      %parallel_loop3A_780 = vector.broadcast %parallel_loop3A_779 : f32 to vector<16xf32>
      %parallel_loop3A_781 = arith.mulf %parallel_loop3A_778, %parallel_loop3A_780 : vector<16xf32>
      %parallel_loop3A_782 = arith.index_cast %parallel_loop3A_770 : i32 to index
      %parallel_loop3A_783 = arith.index_cast %parallel_loop3A_774 : i32 to index
      %parallel_loop3A_784 = tpu.vector_load %arg6[%parallel_loop3A_782, %parallel_loop3A_783] {strides = array<i32>} : memref<16x1024xf32, #tpu.memory_space<vmem>>, vector<1x16xf32>,
      %parallel_loop3A_785 = vector.shape_cast %parallel_loop3A_784 : vector<1x16xf32> to vector<16xf32>
      %parallel_loop3A_786 = vector.shape_cast %parallel_loop3A_781 : vector<16xf32> to vector<1x16xf32>
      tpu.vector_store %arg6[%parallel_loop3A_782, %parallel_loop3A_783], %parallel_loop3A_786 {strides = array<i32>} : memref<16x1024xf32, #tpu.memory_space<vmem>>, vector<1x16xf32>,
    } {sc.loop_unroll_factor = 8 : i64, sc.parallel_access}
    %add3A_558 = arith.constant 336 : i32
    %add3A_559 = arith.addi %mul3A_2, %add3A_558 : i32
    %dma_start3A_560 = arith.constant 0 : i32
    %dma_start3A_561 = tpu.memref_slice %arg4[%add3A_559, %dma_start3A_560] : memref<16384x1024xf32, #tpu.memory_space<hbm>> -> memref<16x1024xf32, #tpu.memory_space<hbm>>
    %dma_start3A_562 = arith.constant 0 : i32
    %dma_start3A_563 = tpu.memref_slice %arg4[%add3A_559, %dma_start3A_562] : memref<16384x1024xf32, #tpu.memory_space<hbm>> -> memref<16x1024xf32, #tpu.memory_space<hbm>>
    tpu.enqueue_dma source(%arg6 : memref<16x1024xf32, #tpu.memory_space<vmem>>) target(%dma_start3A_563 : memref<16x1024xf32, #tpu.memory_space<hbm>>) target_semaphore(%arg20 : memref<!tpu.dma_semaphore, #tpu.memory_space<semaphore_mem>>)
    %dma_wait3A_564 = arith.constant 0 : i32
    %dma_wait3A_565 = tpu.memref_slice %arg4[%add3A_559, %dma_wait3A_564] : memref<16384x1024xf32, #tpu.memory_space<hbm>> -> memref<16x1024xf32, #tpu.memory_space<hbm>>
    %dma_wait3A_566 = arith.constant 0 : i32
    %dma_wait3A_567 = tpu.memref_slice %arg4[%add3A_559, %dma_wait3A_566] : memref<16384x1024xf32, #tpu.memory_space<hbm>> -> memref<16x1024xf32, #tpu.memory_space<hbm>>
    tpu.wait_dma2 semaphore(%arg20 : memref<!tpu.dma_semaphore, #tpu.memory_space<semaphore_mem>>) src(%arg6 : memref<16x1024xf32, #tpu.memory_space<vmem>>) dst(%dma_wait3A_567 : memref<16x1024xf32, #tpu.memory_space<hbm>>)
    %dma_start3A_568 = arith.constant 448 : i32
    %dma_start3A_569 = tpu.memref_slice %arg5[%dma_start3A_568] : memref<512xi32, #tpu.memory_space<vmem>> -> memref<16xi32, #tpu.memory_space<vmem>>
    %dma_start3A_570 = arith.constant 0 : i32
    %dma_start3A_571 = arith.constant 0 : i32
    %dma_start3A_572 = tpu.memref_slice %arg3[%dma_start3A_570, %dma_start3A_571] : memref<100000x1024xf32, #tpu.memory_space<hbm>> -> memref<100000x1024xf32, #tpu.memory_space<hbm>>
    tpu.enqueue_indirect_dma source(%dma_start3A_572 : memref<100000x1024xf32, #tpu.memory_space<hbm>>) target(%arg6 : memref<16x1024xf32, #tpu.memory_space<vmem>>) offsets(%dma_start3A_569 : memref<16xi32, #tpu.memory_space<vmem>>) semaphore(%arg13 : memref<!tpu.dma_semaphore, #tpu.memory_space<semaphore_mem>>)
    %dma_wait3A_573 = arith.constant 352 : i32
    %dma_wait3A_574 = tpu.memref_slice %arg5[%dma_wait3A_573] : memref<512xi32, #tpu.memory_space<vmem>> -> memref<16xi32, #tpu.memory_space<vmem>>
    %dma_wait3A_575 = arith.constant 0 : i32
    %dma_wait3A_576 = arith.constant 0 : i32
    %dma_wait3A_577 = tpu.memref_slice %arg3[%dma_wait3A_575, %dma_wait3A_576] : memref<100000x1024xf32, #tpu.memory_space<hbm>> -> memref<100000x1024xf32, #tpu.memory_space<hbm>>
    tpu.wait_indirect_dma semaphore(%arg14 : memref<!tpu.dma_semaphore, #tpu.memory_space<semaphore_mem>>) src(%dma_wait3A_577 : memref<100000x1024xf32, #tpu.memory_space<hbm>>) dst(%arg7 : memref<16x1024xf32, #tpu.memory_space<vmem>>)
    %parallel_loop3A_578 = arith.constant 0 : i32
    %parallel_loop3A_579 = arith.constant 1024 : i32
    %parallel_loop3A_580 = arith.constant 1 : i32
    scf.for %parallel_loop3A_768 = %parallel_loop3A_578 to %parallel_loop3A_579 step %parallel_loop3A_580  : i32 {
      %parallel_loop3A_769 = arith.constant 6 : i32
      %parallel_loop3A_770 = arith.shrui %parallel_loop3A_768, %parallel_loop3A_769 : i32
      %parallel_loop3A_771 = arith.constant 63 : i32
      %parallel_loop3A_772 = arith.andi %parallel_loop3A_768, %parallel_loop3A_771 : i32
      %parallel_loop3A_773 = arith.constant 16 : i32
      %parallel_loop3A_774 = arith.muli %parallel_loop3A_772, %parallel_loop3A_773 : i32
      %parallel_loop3A_775 = arith.index_cast %parallel_loop3A_770 : i32 to index
      %parallel_loop3A_776 = arith.index_cast %parallel_loop3A_774 : i32 to index
      %parallel_loop3A_777 = tpu.vector_load %arg7[%parallel_loop3A_775, %parallel_loop3A_776] {strides = array<i32>} : memref<16x1024xf32, #tpu.memory_space<vmem>>, vector<1x16xf32>,
      %parallel_loop3A_778 = vector.shape_cast %parallel_loop3A_777 : vector<1x16xf32> to vector<16xf32>
      %parallel_loop3A_779 = arith.constant 3.200000e+01 : f32
      %parallel_loop3A_780 = vector.broadcast %parallel_loop3A_779 : f32 to vector<16xf32>
      %parallel_loop3A_781 = arith.mulf %parallel_loop3A_778, %parallel_loop3A_780 : vector<16xf32>
      %parallel_loop3A_782 = arith.index_cast %parallel_loop3A_770 : i32 to index
      %parallel_loop3A_783 = arith.index_cast %parallel_loop3A_774 : i32 to index
      %parallel_loop3A_784 = tpu.vector_load %arg7[%parallel_loop3A_782, %parallel_loop3A_783] {strides = array<i32>} : memref<16x1024xf32, #tpu.memory_space<vmem>>, vector<1x16xf32>,
      %parallel_loop3A_785 = vector.shape_cast %parallel_loop3A_784 : vector<1x16xf32> to vector<16xf32>
      %parallel_loop3A_786 = vector.shape_cast %parallel_loop3A_781 : vector<16xf32> to vector<1x16xf32>
      tpu.vector_store %arg7[%parallel_loop3A_782, %parallel_loop3A_783], %parallel_loop3A_786 {strides = array<i32>} : memref<16x1024xf32, #tpu.memory_space<vmem>>, vector<1x16xf32>,
    } {sc.loop_unroll_factor = 8 : i64, sc.parallel_access}
    %add3A_581 = arith.constant 352 : i32
    %add3A_582 = arith.addi %mul3A_2, %add3A_581 : i32
    %dma_start3A_583 = arith.constant 0 : i32
    %dma_start3A_584 = tpu.memref_slice %arg4[%add3A_582, %dma_start3A_583] : memref<16384x1024xf32, #tpu.memory_space<hbm>> -> memref<16x1024xf32, #tpu.memory_space<hbm>>
    %dma_start3A_585 = arith.constant 0 : i32
    %dma_start3A_586 = tpu.memref_slice %arg4[%add3A_582, %dma_start3A_585] : memref<16384x1024xf32, #tpu.memory_space<hbm>> -> memref<16x1024xf32, #tpu.memory_space<hbm>>
    tpu.enqueue_dma source(%arg7 : memref<16x1024xf32, #tpu.memory_space<vmem>>) target(%dma_start3A_586 : memref<16x1024xf32, #tpu.memory_space<hbm>>) target_semaphore(%arg21 : memref<!tpu.dma_semaphore, #tpu.memory_space<semaphore_mem>>)
    %dma_wait3A_587 = arith.constant 0 : i32
    %dma_wait3A_588 = tpu.memref_slice %arg4[%add3A_582, %dma_wait3A_587] : memref<16384x1024xf32, #tpu.memory_space<hbm>> -> memref<16x1024xf32, #tpu.memory_space<hbm>>
    %dma_wait3A_589 = arith.constant 0 : i32
    %dma_wait3A_590 = tpu.memref_slice %arg4[%add3A_582, %dma_wait3A_589] : memref<16384x1024xf32, #tpu.memory_space<hbm>> -> memref<16x1024xf32, #tpu.memory_space<hbm>>
    tpu.wait_dma2 semaphore(%arg21 : memref<!tpu.dma_semaphore, #tpu.memory_space<semaphore_mem>>) src(%arg7 : memref<16x1024xf32, #tpu.memory_space<vmem>>) dst(%dma_wait3A_590 : memref<16x1024xf32, #tpu.memory_space<hbm>>)
    %dma_start3A_591 = arith.constant 464 : i32
    %dma_start3A_592 = tpu.memref_slice %arg5[%dma_start3A_591] : memref<512xi32, #tpu.memory_space<vmem>> -> memref<16xi32, #tpu.memory_space<vmem>>
    %dma_start3A_593 = arith.constant 0 : i32
    %dma_start3A_594 = arith.constant 0 : i32
    %dma_start3A_595 = tpu.memref_slice %arg3[%dma_start3A_593, %dma_start3A_594] : memref<100000x1024xf32, #tpu.memory_space<hbm>> -> memref<100000x1024xf32, #tpu.memory_space<hbm>>
    tpu.enqueue_indirect_dma source(%dma_start3A_595 : memref<100000x1024xf32, #tpu.memory_space<hbm>>) target(%arg7 : memref<16x1024xf32, #tpu.memory_space<vmem>>) offsets(%dma_start3A_592 : memref<16xi32, #tpu.memory_space<vmem>>) semaphore(%arg14 : memref<!tpu.dma_semaphore, #tpu.memory_space<semaphore_mem>>)
    %dma_wait3A_596 = arith.constant 368 : i32
    %dma_wait3A_597 = tpu.memref_slice %arg5[%dma_wait3A_596] : memref<512xi32, #tpu.memory_space<vmem>> -> memref<16xi32, #tpu.memory_space<vmem>>
    %dma_wait3A_598 = arith.constant 0 : i32
    %dma_wait3A_599 = arith.constant 0 : i32
    %dma_wait3A_600 = tpu.memref_slice %arg3[%dma_wait3A_598, %dma_wait3A_599] : memref<100000x1024xf32, #tpu.memory_space<hbm>> -> memref<100000x1024xf32, #tpu.memory_space<hbm>>
    tpu.wait_indirect_dma semaphore(%arg15 : memref<!tpu.dma_semaphore, #tpu.memory_space<semaphore_mem>>) src(%dma_wait3A_600 : memref<100000x1024xf32, #tpu.memory_space<hbm>>) dst(%arg8 : memref<16x1024xf32, #tpu.memory_space<vmem>>)
    %parallel_loop3A_601 = arith.constant 0 : i32
    %parallel_loop3A_602 = arith.constant 1024 : i32
    %parallel_loop3A_603 = arith.constant 1 : i32
    scf.for %parallel_loop3A_768 = %parallel_loop3A_601 to %parallel_loop3A_602 step %parallel_loop3A_603  : i32 {
      %parallel_loop3A_769 = arith.constant 6 : i32
      %parallel_loop3A_770 = arith.shrui %parallel_loop3A_768, %parallel_loop3A_769 : i32
      %parallel_loop3A_771 = arith.constant 63 : i32
      %parallel_loop3A_772 = arith.andi %parallel_loop3A_768, %parallel_loop3A_771 : i32
      %parallel_loop3A_773 = arith.constant 16 : i32
      %parallel_loop3A_774 = arith.muli %parallel_loop3A_772, %parallel_loop3A_773 : i32
      %parallel_loop3A_775 = arith.index_cast %parallel_loop3A_770 : i32 to index
      %parallel_loop3A_776 = arith.index_cast %parallel_loop3A_774 : i32 to index
      %parallel_loop3A_777 = tpu.vector_load %arg8[%parallel_loop3A_775, %parallel_loop3A_776] {strides = array<i32>} : memref<16x1024xf32, #tpu.memory_space<vmem>>, vector<1x16xf32>,
      %parallel_loop3A_778 = vector.shape_cast %parallel_loop3A_777 : vector<1x16xf32> to vector<16xf32>
      %parallel_loop3A_779 = arith.constant 3.200000e+01 : f32
      %parallel_loop3A_780 = vector.broadcast %parallel_loop3A_779 : f32 to vector<16xf32>
      %parallel_loop3A_781 = arith.mulf %parallel_loop3A_778, %parallel_loop3A_780 : vector<16xf32>
      %parallel_loop3A_782 = arith.index_cast %parallel_loop3A_770 : i32 to index
      %parallel_loop3A_783 = arith.index_cast %parallel_loop3A_774 : i32 to index
      %parallel_loop3A_784 = tpu.vector_load %arg8[%parallel_loop3A_782, %parallel_loop3A_783] {strides = array<i32>} : memref<16x1024xf32, #tpu.memory_space<vmem>>, vector<1x16xf32>,
      %parallel_loop3A_785 = vector.shape_cast %parallel_loop3A_784 : vector<1x16xf32> to vector<16xf32>
      %parallel_loop3A_786 = vector.shape_cast %parallel_loop3A_781 : vector<16xf32> to vector<1x16xf32>
      tpu.vector_store %arg8[%parallel_loop3A_782, %parallel_loop3A_783], %parallel_loop3A_786 {strides = array<i32>} : memref<16x1024xf32, #tpu.memory_space<vmem>>, vector<1x16xf32>,
    } {sc.loop_unroll_factor = 8 : i64, sc.parallel_access}
    %add3A_604 = arith.constant 368 : i32
    %add3A_605 = arith.addi %mul3A_2, %add3A_604 : i32
    %dma_start3A_606 = arith.constant 0 : i32
    %dma_start3A_607 = tpu.memref_slice %arg4[%add3A_605, %dma_start3A_606] : memref<16384x1024xf32, #tpu.memory_space<hbm>> -> memref<16x1024xf32, #tpu.memory_space<hbm>>
    %dma_start3A_608 = arith.constant 0 : i32
    %dma_start3A_609 = tpu.memref_slice %arg4[%add3A_605, %dma_start3A_608] : memref<16384x1024xf32, #tpu.memory_space<hbm>> -> memref<16x1024xf32, #tpu.memory_space<hbm>>
    tpu.enqueue_dma source(%arg8 : memref<16x1024xf32, #tpu.memory_space<vmem>>) target(%dma_start3A_609 : memref<16x1024xf32, #tpu.memory_space<hbm>>) target_semaphore(%arg22 : memref<!tpu.dma_semaphore, #tpu.memory_space<semaphore_mem>>)
    %dma_wait3A_610 = arith.constant 0 : i32
    %dma_wait3A_611 = tpu.memref_slice %arg4[%add3A_605, %dma_wait3A_610] : memref<16384x1024xf32, #tpu.memory_space<hbm>> -> memref<16x1024xf32, #tpu.memory_space<hbm>>
    %dma_wait3A_612 = arith.constant 0 : i32
    %dma_wait3A_613 = tpu.memref_slice %arg4[%add3A_605, %dma_wait3A_612] : memref<16384x1024xf32, #tpu.memory_space<hbm>> -> memref<16x1024xf32, #tpu.memory_space<hbm>>
    tpu.wait_dma2 semaphore(%arg22 : memref<!tpu.dma_semaphore, #tpu.memory_space<semaphore_mem>>) src(%arg8 : memref<16x1024xf32, #tpu.memory_space<vmem>>) dst(%dma_wait3A_613 : memref<16x1024xf32, #tpu.memory_space<hbm>>)
    %dma_start3A_614 = arith.constant 480 : i32
    %dma_start3A_615 = tpu.memref_slice %arg5[%dma_start3A_614] : memref<512xi32, #tpu.memory_space<vmem>> -> memref<16xi32, #tpu.memory_space<vmem>>
    %dma_start3A_616 = arith.constant 0 : i32
    %dma_start3A_617 = arith.constant 0 : i32
    %dma_start3A_618 = tpu.memref_slice %arg3[%dma_start3A_616, %dma_start3A_617] : memref<100000x1024xf32, #tpu.memory_space<hbm>> -> memref<100000x1024xf32, #tpu.memory_space<hbm>>
    tpu.enqueue_indirect_dma source(%dma_start3A_618 : memref<100000x1024xf32, #tpu.memory_space<hbm>>) target(%arg8 : memref<16x1024xf32, #tpu.memory_space<vmem>>) offsets(%dma_start3A_615 : memref<16xi32, #tpu.memory_space<vmem>>) semaphore(%arg15 : memref<!tpu.dma_semaphore, #tpu.memory_space<semaphore_mem>>)
    %dma_wait3A_619 = arith.constant 384 : i32
    %dma_wait3A_620 = tpu.memref_slice %arg5[%dma_wait3A_619] : memref<512xi32, #tpu.memory_space<vmem>> -> memref<16xi32, #tpu.memory_space<vmem>>
    %dma_wait3A_621 = arith.constant 0 : i32
    %dma_wait3A_622 = arith.constant 0 : i32
    %dma_wait3A_623 = tpu.memref_slice %arg3[%dma_wait3A_621, %dma_wait3A_622] : memref<100000x1024xf32, #tpu.memory_space<hbm>> -> memref<100000x1024xf32, #tpu.memory_space<hbm>>
    tpu.wait_indirect_dma semaphore(%arg16 : memref<!tpu.dma_semaphore, #tpu.memory_space<semaphore_mem>>) src(%dma_wait3A_623 : memref<100000x1024xf32, #tpu.memory_space<hbm>>) dst(%arg9 : memref<16x1024xf32, #tpu.memory_space<vmem>>)
    %parallel_loop3A_624 = arith.constant 0 : i32
    %parallel_loop3A_625 = arith.constant 1024 : i32
    %parallel_loop3A_626 = arith.constant 1 : i32
    scf.for %parallel_loop3A_768 = %parallel_loop3A_624 to %parallel_loop3A_625 step %parallel_loop3A_626  : i32 {
      %parallel_loop3A_769 = arith.constant 6 : i32
      %parallel_loop3A_770 = arith.shrui %parallel_loop3A_768, %parallel_loop3A_769 : i32
      %parallel_loop3A_771 = arith.constant 63 : i32
      %parallel_loop3A_772 = arith.andi %parallel_loop3A_768, %parallel_loop3A_771 : i32
      %parallel_loop3A_773 = arith.constant 16 : i32
      %parallel_loop3A_774 = arith.muli %parallel_loop3A_772, %parallel_loop3A_773 : i32
      %parallel_loop3A_775 = arith.index_cast %parallel_loop3A_770 : i32 to index
      %parallel_loop3A_776 = arith.index_cast %parallel_loop3A_774 : i32 to index
      %parallel_loop3A_777 = tpu.vector_load %arg9[%parallel_loop3A_775, %parallel_loop3A_776] {strides = array<i32>} : memref<16x1024xf32, #tpu.memory_space<vmem>>, vector<1x16xf32>,
      %parallel_loop3A_778 = vector.shape_cast %parallel_loop3A_777 : vector<1x16xf32> to vector<16xf32>
      %parallel_loop3A_779 = arith.constant 3.200000e+01 : f32
      %parallel_loop3A_780 = vector.broadcast %parallel_loop3A_779 : f32 to vector<16xf32>
      %parallel_loop3A_781 = arith.mulf %parallel_loop3A_778, %parallel_loop3A_780 : vector<16xf32>
      %parallel_loop3A_782 = arith.index_cast %parallel_loop3A_770 : i32 to index
      %parallel_loop3A_783 = arith.index_cast %parallel_loop3A_774 : i32 to index
      %parallel_loop3A_784 = tpu.vector_load %arg9[%parallel_loop3A_782, %parallel_loop3A_783] {strides = array<i32>} : memref<16x1024xf32, #tpu.memory_space<vmem>>, vector<1x16xf32>,
      %parallel_loop3A_785 = vector.shape_cast %parallel_loop3A_784 : vector<1x16xf32> to vector<16xf32>
      %parallel_loop3A_786 = vector.shape_cast %parallel_loop3A_781 : vector<16xf32> to vector<1x16xf32>
      tpu.vector_store %arg9[%parallel_loop3A_782, %parallel_loop3A_783], %parallel_loop3A_786 {strides = array<i32>} : memref<16x1024xf32, #tpu.memory_space<vmem>>, vector<1x16xf32>,
    } {sc.loop_unroll_factor = 8 : i64, sc.parallel_access}
    %add3A_627 = arith.constant 384 : i32
    %add3A_628 = arith.addi %mul3A_2, %add3A_627 : i32
    %dma_start3A_629 = arith.constant 0 : i32
    %dma_start3A_630 = tpu.memref_slice %arg4[%add3A_628, %dma_start3A_629] : memref<16384x1024xf32, #tpu.memory_space<hbm>> -> memref<16x1024xf32, #tpu.memory_space<hbm>>
    %dma_start3A_631 = arith.constant 0 : i32
    %dma_start3A_632 = tpu.memref_slice %arg4[%add3A_628, %dma_start3A_631] : memref<16384x1024xf32, #tpu.memory_space<hbm>> -> memref<16x1024xf32, #tpu.memory_space<hbm>>
    tpu.enqueue_dma source(%arg9 : memref<16x1024xf32, #tpu.memory_space<vmem>>) target(%dma_start3A_632 : memref<16x1024xf32, #tpu.memory_space<hbm>>) target_semaphore(%arg23 : memref<!tpu.dma_semaphore, #tpu.memory_space<semaphore_mem>>)
    %dma_wait3A_633 = arith.constant 0 : i32
    %dma_wait3A_634 = tpu.memref_slice %arg4[%add3A_628, %dma_wait3A_633] : memref<16384x1024xf32, #tpu.memory_space<hbm>> -> memref<16x1024xf32, #tpu.memory_space<hbm>>
    %dma_wait3A_635 = arith.constant 0 : i32
    %dma_wait3A_636 = tpu.memref_slice %arg4[%add3A_628, %dma_wait3A_635] : memref<16384x1024xf32, #tpu.memory_space<hbm>> -> memref<16x1024xf32, #tpu.memory_space<hbm>>
    tpu.wait_dma2 semaphore(%arg23 : memref<!tpu.dma_semaphore, #tpu.memory_space<semaphore_mem>>) src(%arg9 : memref<16x1024xf32, #tpu.memory_space<vmem>>) dst(%dma_wait3A_636 : memref<16x1024xf32, #tpu.memory_space<hbm>>)
    %dma_start3A_637 = arith.constant 496 : i32
    %dma_start3A_638 = tpu.memref_slice %arg5[%dma_start3A_637] : memref<512xi32, #tpu.memory_space<vmem>> -> memref<16xi32, #tpu.memory_space<vmem>>
    %dma_start3A_639 = arith.constant 0 : i32
    %dma_start3A_640 = arith.constant 0 : i32
    %dma_start3A_641 = tpu.memref_slice %arg3[%dma_start3A_639, %dma_start3A_640] : memref<100000x1024xf32, #tpu.memory_space<hbm>> -> memref<100000x1024xf32, #tpu.memory_space<hbm>>
    tpu.enqueue_indirect_dma source(%dma_start3A_641 : memref<100000x1024xf32, #tpu.memory_space<hbm>>) target(%arg9 : memref<16x1024xf32, #tpu.memory_space<vmem>>) offsets(%dma_start3A_638 : memref<16xi32, #tpu.memory_space<vmem>>) semaphore(%arg16 : memref<!tpu.dma_semaphore, #tpu.memory_space<semaphore_mem>>)
    %dma_wait3A_642 = arith.constant 400 : i32
    %dma_wait3A_643 = tpu.memref_slice %arg5[%dma_wait3A_642] : memref<512xi32, #tpu.memory_space<vmem>> -> memref<16xi32, #tpu.memory_space<vmem>>
    %dma_wait3A_644 = arith.constant 0 : i32
    %dma_wait3A_645 = arith.constant 0 : i32
    %dma_wait3A_646 = tpu.memref_slice %arg3[%dma_wait3A_644, %dma_wait3A_645] : memref<100000x1024xf32, #tpu.memory_space<hbm>> -> memref<100000x1024xf32, #tpu.memory_space<hbm>>
    tpu.wait_indirect_dma semaphore(%arg17 : memref<!tpu.dma_semaphore, #tpu.memory_space<semaphore_mem>>) src(%dma_wait3A_646 : memref<100000x1024xf32, #tpu.memory_space<hbm>>) dst(%arg10 : memref<16x1024xf32, #tpu.memory_space<vmem>>)
    %parallel_loop3A_647 = arith.constant 0 : i32
    %parallel_loop3A_648 = arith.constant 1024 : i32
    %parallel_loop3A_649 = arith.constant 1 : i32
    scf.for %parallel_loop3A_768 = %parallel_loop3A_647 to %parallel_loop3A_648 step %parallel_loop3A_649  : i32 {
      %parallel_loop3A_769 = arith.constant 6 : i32
      %parallel_loop3A_770 = arith.shrui %parallel_loop3A_768, %parallel_loop3A_769 : i32
      %parallel_loop3A_771 = arith.constant 63 : i32
      %parallel_loop3A_772 = arith.andi %parallel_loop3A_768, %parallel_loop3A_771 : i32
      %parallel_loop3A_773 = arith.constant 16 : i32
      %parallel_loop3A_774 = arith.muli %parallel_loop3A_772, %parallel_loop3A_773 : i32
      %parallel_loop3A_775 = arith.index_cast %parallel_loop3A_770 : i32 to index
      %parallel_loop3A_776 = arith.index_cast %parallel_loop3A_774 : i32 to index
      %parallel_loop3A_777 = tpu.vector_load %arg10[%parallel_loop3A_775, %parallel_loop3A_776] {strides = array<i32>} : memref<16x1024xf32, #tpu.memory_space<vmem>>, vector<1x16xf32>,
      %parallel_loop3A_778 = vector.shape_cast %parallel_loop3A_777 : vector<1x16xf32> to vector<16xf32>
      %parallel_loop3A_779 = arith.constant 3.200000e+01 : f32
      %parallel_loop3A_780 = vector.broadcast %parallel_loop3A_779 : f32 to vector<16xf32>
      %parallel_loop3A_781 = arith.mulf %parallel_loop3A_778, %parallel_loop3A_780 : vector<16xf32>
      %parallel_loop3A_782 = arith.index_cast %parallel_loop3A_770 : i32 to index
      %parallel_loop3A_783 = arith.index_cast %parallel_loop3A_774 : i32 to index
      %parallel_loop3A_784 = tpu.vector_load %arg10[%parallel_loop3A_782, %parallel_loop3A_783] {strides = array<i32>} : memref<16x1024xf32, #tpu.memory_space<vmem>>, vector<1x16xf32>,
      %parallel_loop3A_785 = vector.shape_cast %parallel_loop3A_784 : vector<1x16xf32> to vector<16xf32>
      %parallel_loop3A_786 = vector.shape_cast %parallel_loop3A_781 : vector<16xf32> to vector<1x16xf32>
      tpu.vector_store %arg10[%parallel_loop3A_782, %parallel_loop3A_783], %parallel_loop3A_786 {strides = array<i32>} : memref<16x1024xf32, #tpu.memory_space<vmem>>, vector<1x16xf32>,
    } {sc.loop_unroll_factor = 8 : i64, sc.parallel_access}
    %add3A_650 = arith.constant 400 : i32
    %add3A_651 = arith.addi %mul3A_2, %add3A_650 : i32
    %dma_start3A_652 = arith.constant 0 : i32
    %dma_start3A_653 = tpu.memref_slice %arg4[%add3A_651, %dma_start3A_652] : memref<16384x1024xf32, #tpu.memory_space<hbm>> -> memref<16x1024xf32, #tpu.memory_space<hbm>>
    %dma_start3A_654 = arith.constant 0 : i32
    %dma_start3A_655 = tpu.memref_slice %arg4[%add3A_651, %dma_start3A_654] : memref<16384x1024xf32, #tpu.memory_space<hbm>> -> memref<16x1024xf32, #tpu.memory_space<hbm>>
    tpu.enqueue_dma source(%arg10 : memref<16x1024xf32, #tpu.memory_space<vmem>>) target(%dma_start3A_655 : memref<16x1024xf32, #tpu.memory_space<hbm>>) target_semaphore(%arg24 : memref<!tpu.dma_semaphore, #tpu.memory_space<semaphore_mem>>)
    %dma_wait3A_656 = arith.constant 416 : i32
    %dma_wait3A_657 = tpu.memref_slice %arg5[%dma_wait3A_656] : memref<512xi32, #tpu.memory_space<vmem>> -> memref<16xi32, #tpu.memory_space<vmem>>
    %dma_wait3A_658 = arith.constant 0 : i32
    %dma_wait3A_659 = arith.constant 0 : i32
    %dma_wait3A_660 = tpu.memref_slice %arg3[%dma_wait3A_658, %dma_wait3A_659] : memref<100000x1024xf32, #tpu.memory_space<hbm>> -> memref<100000x1024xf32, #tpu.memory_space<hbm>>
    tpu.wait_indirect_dma semaphore(%arg18 : memref<!tpu.dma_semaphore, #tpu.memory_space<semaphore_mem>>) src(%dma_wait3A_660 : memref<100000x1024xf32, #tpu.memory_space<hbm>>) dst(%arg11 : memref<16x1024xf32, #tpu.memory_space<vmem>>)
    %parallel_loop3A_661 = arith.constant 0 : i32
    %parallel_loop3A_662 = arith.constant 1024 : i32
    %parallel_loop3A_663 = arith.constant 1 : i32
    scf.for %parallel_loop3A_768 = %parallel_loop3A_661 to %parallel_loop3A_662 step %parallel_loop3A_663  : i32 {
      %parallel_loop3A_769 = arith.constant 6 : i32
      %parallel_loop3A_770 = arith.shrui %parallel_loop3A_768, %parallel_loop3A_769 : i32
      %parallel_loop3A_771 = arith.constant 63 : i32
      %parallel_loop3A_772 = arith.andi %parallel_loop3A_768, %parallel_loop3A_771 : i32
      %parallel_loop3A_773 = arith.constant 16 : i32
      %parallel_loop3A_774 = arith.muli %parallel_loop3A_772, %parallel_loop3A_773 : i32
      %parallel_loop3A_775 = arith.index_cast %parallel_loop3A_770 : i32 to index
      %parallel_loop3A_776 = arith.index_cast %parallel_loop3A_774 : i32 to index
      %parallel_loop3A_777 = tpu.vector_load %arg11[%parallel_loop3A_775, %parallel_loop3A_776] {strides = array<i32>} : memref<16x1024xf32, #tpu.memory_space<vmem>>, vector<1x16xf32>,
      %parallel_loop3A_778 = vector.shape_cast %parallel_loop3A_777 : vector<1x16xf32> to vector<16xf32>
      %parallel_loop3A_779 = arith.constant 3.200000e+01 : f32
      %parallel_loop3A_780 = vector.broadcast %parallel_loop3A_779 : f32 to vector<16xf32>
      %parallel_loop3A_781 = arith.mulf %parallel_loop3A_778, %parallel_loop3A_780 : vector<16xf32>
      %parallel_loop3A_782 = arith.index_cast %parallel_loop3A_770 : i32 to index
      %parallel_loop3A_783 = arith.index_cast %parallel_loop3A_774 : i32 to index
      %parallel_loop3A_784 = tpu.vector_load %arg11[%parallel_loop3A_782, %parallel_loop3A_783] {strides = array<i32>} : memref<16x1024xf32, #tpu.memory_space<vmem>>, vector<1x16xf32>,
      %parallel_loop3A_785 = vector.shape_cast %parallel_loop3A_784 : vector<1x16xf32> to vector<16xf32>
      %parallel_loop3A_786 = vector.shape_cast %parallel_loop3A_781 : vector<16xf32> to vector<1x16xf32>
      tpu.vector_store %arg11[%parallel_loop3A_782, %parallel_loop3A_783], %parallel_loop3A_786 {strides = array<i32>} : memref<16x1024xf32, #tpu.memory_space<vmem>>, vector<1x16xf32>,
    } {sc.loop_unroll_factor = 8 : i64, sc.parallel_access}
    %add3A_664 = arith.constant 416 : i32
    %add3A_665 = arith.addi %mul3A_2, %add3A_664 : i32
    %dma_start3A_666 = arith.constant 0 : i32
    %dma_start3A_667 = tpu.memref_slice %arg4[%add3A_665, %dma_start3A_666] : memref<16384x1024xf32, #tpu.memory_space<hbm>> -> memref<16x1024xf32, #tpu.memory_space<hbm>>
    %dma_start3A_668 = arith.constant 0 : i32
    %dma_start3A_669 = tpu.memref_slice %arg4[%add3A_665, %dma_start3A_668] : memref<16384x1024xf32, #tpu.memory_space<hbm>> -> memref<16x1024xf32, #tpu.memory_space<hbm>>
    tpu.enqueue_dma source(%arg11 : memref<16x1024xf32, #tpu.memory_space<vmem>>) target(%dma_start3A_669 : memref<16x1024xf32, #tpu.memory_space<hbm>>) target_semaphore(%arg25 : memref<!tpu.dma_semaphore, #tpu.memory_space<semaphore_mem>>)
    %dma_wait3A_670 = arith.constant 432 : i32
    %dma_wait3A_671 = tpu.memref_slice %arg5[%dma_wait3A_670] : memref<512xi32, #tpu.memory_space<vmem>> -> memref<16xi32, #tpu.memory_space<vmem>>
    %dma_wait3A_672 = arith.constant 0 : i32
    %dma_wait3A_673 = arith.constant 0 : i32
    %dma_wait3A_674 = tpu.memref_slice %arg3[%dma_wait3A_672, %dma_wait3A_673] : memref<100000x1024xf32, #tpu.memory_space<hbm>> -> memref<100000x1024xf32, #tpu.memory_space<hbm>>
    tpu.wait_indirect_dma semaphore(%arg19 : memref<!tpu.dma_semaphore, #tpu.memory_space<semaphore_mem>>) src(%dma_wait3A_674 : memref<100000x1024xf32, #tpu.memory_space<hbm>>) dst(%arg12 : memref<16x1024xf32, #tpu.memory_space<vmem>>)
    %parallel_loop3A_675 = arith.constant 0 : i32
    %parallel_loop3A_676 = arith.constant 1024 : i32
    %parallel_loop3A_677 = arith.constant 1 : i32
    scf.for %parallel_loop3A_768 = %parallel_loop3A_675 to %parallel_loop3A_676 step %parallel_loop3A_677  : i32 {
      %parallel_loop3A_769 = arith.constant 6 : i32
      %parallel_loop3A_770 = arith.shrui %parallel_loop3A_768, %parallel_loop3A_769 : i32
      %parallel_loop3A_771 = arith.constant 63 : i32
      %parallel_loop3A_772 = arith.andi %parallel_loop3A_768, %parallel_loop3A_771 : i32
      %parallel_loop3A_773 = arith.constant 16 : i32
      %parallel_loop3A_774 = arith.muli %parallel_loop3A_772, %parallel_loop3A_773 : i32
      %parallel_loop3A_775 = arith.index_cast %parallel_loop3A_770 : i32 to index
      %parallel_loop3A_776 = arith.index_cast %parallel_loop3A_774 : i32 to index
      %parallel_loop3A_777 = tpu.vector_load %arg12[%parallel_loop3A_775, %parallel_loop3A_776] {strides = array<i32>} : memref<16x1024xf32, #tpu.memory_space<vmem>>, vector<1x16xf32>,
      %parallel_loop3A_778 = vector.shape_cast %parallel_loop3A_777 : vector<1x16xf32> to vector<16xf32>
      %parallel_loop3A_779 = arith.constant 3.200000e+01 : f32
      %parallel_loop3A_780 = vector.broadcast %parallel_loop3A_779 : f32 to vector<16xf32>
      %parallel_loop3A_781 = arith.mulf %parallel_loop3A_778, %parallel_loop3A_780 : vector<16xf32>
      %parallel_loop3A_782 = arith.index_cast %parallel_loop3A_770 : i32 to index
      %parallel_loop3A_783 = arith.index_cast %parallel_loop3A_774 : i32 to index
      %parallel_loop3A_784 = tpu.vector_load %arg12[%parallel_loop3A_782, %parallel_loop3A_783] {strides = array<i32>} : memref<16x1024xf32, #tpu.memory_space<vmem>>, vector<1x16xf32>,
      %parallel_loop3A_785 = vector.shape_cast %parallel_loop3A_784 : vector<1x16xf32> to vector<16xf32>
      %parallel_loop3A_786 = vector.shape_cast %parallel_loop3A_781 : vector<16xf32> to vector<1x16xf32>
      tpu.vector_store %arg12[%parallel_loop3A_782, %parallel_loop3A_783], %parallel_loop3A_786 {strides = array<i32>} : memref<16x1024xf32, #tpu.memory_space<vmem>>, vector<1x16xf32>,
    } {sc.loop_unroll_factor = 8 : i64, sc.parallel_access}
    %add3A_678 = arith.constant 432 : i32
    %add3A_679 = arith.addi %mul3A_2, %add3A_678 : i32
    %dma_start3A_680 = arith.constant 0 : i32
    %dma_start3A_681 = tpu.memref_slice %arg4[%add3A_679, %dma_start3A_680] : memref<16384x1024xf32, #tpu.memory_space<hbm>> -> memref<16x1024xf32, #tpu.memory_space<hbm>>
    %dma_start3A_682 = arith.constant 0 : i32
    %dma_start3A_683 = tpu.memref_slice %arg4[%add3A_679, %dma_start3A_682] : memref<16384x1024xf32, #tpu.memory_space<hbm>> -> memref<16x1024xf32, #tpu.memory_space<hbm>>
    tpu.enqueue_dma source(%arg12 : memref<16x1024xf32, #tpu.memory_space<vmem>>) target(%dma_start3A_683 : memref<16x1024xf32, #tpu.memory_space<hbm>>) target_semaphore(%arg26 : memref<!tpu.dma_semaphore, #tpu.memory_space<semaphore_mem>>)
    %dma_wait3A_684 = arith.constant 448 : i32
    %dma_wait3A_685 = tpu.memref_slice %arg5[%dma_wait3A_684] : memref<512xi32, #tpu.memory_space<vmem>> -> memref<16xi32, #tpu.memory_space<vmem>>
    %dma_wait3A_686 = arith.constant 0 : i32
    %dma_wait3A_687 = arith.constant 0 : i32
    %dma_wait3A_688 = tpu.memref_slice %arg3[%dma_wait3A_686, %dma_wait3A_687] : memref<100000x1024xf32, #tpu.memory_space<hbm>> -> memref<100000x1024xf32, #tpu.memory_space<hbm>>
    tpu.wait_indirect_dma semaphore(%arg13 : memref<!tpu.dma_semaphore, #tpu.memory_space<semaphore_mem>>) src(%dma_wait3A_688 : memref<100000x1024xf32, #tpu.memory_space<hbm>>) dst(%arg6 : memref<16x1024xf32, #tpu.memory_space<vmem>>)
    %parallel_loop3A_689 = arith.constant 0 : i32
    %parallel_loop3A_690 = arith.constant 1024 : i32
    %parallel_loop3A_691 = arith.constant 1 : i32
    scf.for %parallel_loop3A_768 = %parallel_loop3A_689 to %parallel_loop3A_690 step %parallel_loop3A_691  : i32 {
      %parallel_loop3A_769 = arith.constant 6 : i32
      %parallel_loop3A_770 = arith.shrui %parallel_loop3A_768, %parallel_loop3A_769 : i32
      %parallel_loop3A_771 = arith.constant 63 : i32
      %parallel_loop3A_772 = arith.andi %parallel_loop3A_768, %parallel_loop3A_771 : i32
      %parallel_loop3A_773 = arith.constant 16 : i32
      %parallel_loop3A_774 = arith.muli %parallel_loop3A_772, %parallel_loop3A_773 : i32
      %parallel_loop3A_775 = arith.index_cast %parallel_loop3A_770 : i32 to index
      %parallel_loop3A_776 = arith.index_cast %parallel_loop3A_774 : i32 to index
      %parallel_loop3A_777 = tpu.vector_load %arg6[%parallel_loop3A_775, %parallel_loop3A_776] {strides = array<i32>} : memref<16x1024xf32, #tpu.memory_space<vmem>>, vector<1x16xf32>,
      %parallel_loop3A_778 = vector.shape_cast %parallel_loop3A_777 : vector<1x16xf32> to vector<16xf32>
      %parallel_loop3A_779 = arith.constant 3.200000e+01 : f32
      %parallel_loop3A_780 = vector.broadcast %parallel_loop3A_779 : f32 to vector<16xf32>
      %parallel_loop3A_781 = arith.mulf %parallel_loop3A_778, %parallel_loop3A_780 : vector<16xf32>
      %parallel_loop3A_782 = arith.index_cast %parallel_loop3A_770 : i32 to index
      %parallel_loop3A_783 = arith.index_cast %parallel_loop3A_774 : i32 to index
      %parallel_loop3A_784 = tpu.vector_load %arg6[%parallel_loop3A_782, %parallel_loop3A_783] {strides = array<i32>} : memref<16x1024xf32, #tpu.memory_space<vmem>>, vector<1x16xf32>,
      %parallel_loop3A_785 = vector.shape_cast %parallel_loop3A_784 : vector<1x16xf32> to vector<16xf32>
      %parallel_loop3A_786 = vector.shape_cast %parallel_loop3A_781 : vector<16xf32> to vector<1x16xf32>
      tpu.vector_store %arg6[%parallel_loop3A_782, %parallel_loop3A_783], %parallel_loop3A_786 {strides = array<i32>} : memref<16x1024xf32, #tpu.memory_space<vmem>>, vector<1x16xf32>,
    } {sc.loop_unroll_factor = 8 : i64, sc.parallel_access}
    %add3A_692 = arith.constant 448 : i32
    %add3A_693 = arith.addi %mul3A_2, %add3A_692 : i32
    %dma_start3A_694 = arith.constant 0 : i32
    %dma_start3A_695 = tpu.memref_slice %arg4[%add3A_693, %dma_start3A_694] : memref<16384x1024xf32, #tpu.memory_space<hbm>> -> memref<16x1024xf32, #tpu.memory_space<hbm>>
    %dma_start3A_696 = arith.constant 0 : i32
    %dma_start3A_697 = tpu.memref_slice %arg4[%add3A_693, %dma_start3A_696] : memref<16384x1024xf32, #tpu.memory_space<hbm>> -> memref<16x1024xf32, #tpu.memory_space<hbm>>
    tpu.enqueue_dma source(%arg6 : memref<16x1024xf32, #tpu.memory_space<vmem>>) target(%dma_start3A_697 : memref<16x1024xf32, #tpu.memory_space<hbm>>) target_semaphore(%arg20 : memref<!tpu.dma_semaphore, #tpu.memory_space<semaphore_mem>>)
    %dma_wait3A_698 = arith.constant 464 : i32
    %dma_wait3A_699 = tpu.memref_slice %arg5[%dma_wait3A_698] : memref<512xi32, #tpu.memory_space<vmem>> -> memref<16xi32, #tpu.memory_space<vmem>>
    %dma_wait3A_700 = arith.constant 0 : i32
    %dma_wait3A_701 = arith.constant 0 : i32
    %dma_wait3A_702 = tpu.memref_slice %arg3[%dma_wait3A_700, %dma_wait3A_701] : memref<100000x1024xf32, #tpu.memory_space<hbm>> -> memref<100000x1024xf32, #tpu.memory_space<hbm>>
    tpu.wait_indirect_dma semaphore(%arg14 : memref<!tpu.dma_semaphore, #tpu.memory_space<semaphore_mem>>) src(%dma_wait3A_702 : memref<100000x1024xf32, #tpu.memory_space<hbm>>) dst(%arg7 : memref<16x1024xf32, #tpu.memory_space<vmem>>)
    %parallel_loop3A_703 = arith.constant 0 : i32
    %parallel_loop3A_704 = arith.constant 1024 : i32
    %parallel_loop3A_705 = arith.constant 1 : i32
    scf.for %parallel_loop3A_768 = %parallel_loop3A_703 to %parallel_loop3A_704 step %parallel_loop3A_705  : i32 {
      %parallel_loop3A_769 = arith.constant 6 : i32
      %parallel_loop3A_770 = arith.shrui %parallel_loop3A_768, %parallel_loop3A_769 : i32
      %parallel_loop3A_771 = arith.constant 63 : i32
      %parallel_loop3A_772 = arith.andi %parallel_loop3A_768, %parallel_loop3A_771 : i32
      %parallel_loop3A_773 = arith.constant 16 : i32
      %parallel_loop3A_774 = arith.muli %parallel_loop3A_772, %parallel_loop3A_773 : i32
      %parallel_loop3A_775 = arith.index_cast %parallel_loop3A_770 : i32 to index
      %parallel_loop3A_776 = arith.index_cast %parallel_loop3A_774 : i32 to index
      %parallel_loop3A_777 = tpu.vector_load %arg7[%parallel_loop3A_775, %parallel_loop3A_776] {strides = array<i32>} : memref<16x1024xf32, #tpu.memory_space<vmem>>, vector<1x16xf32>,
      %parallel_loop3A_778 = vector.shape_cast %parallel_loop3A_777 : vector<1x16xf32> to vector<16xf32>
      %parallel_loop3A_779 = arith.constant 3.200000e+01 : f32
      %parallel_loop3A_780 = vector.broadcast %parallel_loop3A_779 : f32 to vector<16xf32>
      %parallel_loop3A_781 = arith.mulf %parallel_loop3A_778, %parallel_loop3A_780 : vector<16xf32>
      %parallel_loop3A_782 = arith.index_cast %parallel_loop3A_770 : i32 to index
      %parallel_loop3A_783 = arith.index_cast %parallel_loop3A_774 : i32 to index
      %parallel_loop3A_784 = tpu.vector_load %arg7[%parallel_loop3A_782, %parallel_loop3A_783] {strides = array<i32>} : memref<16x1024xf32, #tpu.memory_space<vmem>>, vector<1x16xf32>,
      %parallel_loop3A_785 = vector.shape_cast %parallel_loop3A_784 : vector<1x16xf32> to vector<16xf32>
      %parallel_loop3A_786 = vector.shape_cast %parallel_loop3A_781 : vector<16xf32> to vector<1x16xf32>
      tpu.vector_store %arg7[%parallel_loop3A_782, %parallel_loop3A_783], %parallel_loop3A_786 {strides = array<i32>} : memref<16x1024xf32, #tpu.memory_space<vmem>>, vector<1x16xf32>,
    } {sc.loop_unroll_factor = 8 : i64, sc.parallel_access}
    %add3A_706 = arith.constant 464 : i32
    %add3A_707 = arith.addi %mul3A_2, %add3A_706 : i32
    %dma_start3A_708 = arith.constant 0 : i32
    %dma_start3A_709 = tpu.memref_slice %arg4[%add3A_707, %dma_start3A_708] : memref<16384x1024xf32, #tpu.memory_space<hbm>> -> memref<16x1024xf32, #tpu.memory_space<hbm>>
    %dma_start3A_710 = arith.constant 0 : i32
    %dma_start3A_711 = tpu.memref_slice %arg4[%add3A_707, %dma_start3A_710] : memref<16384x1024xf32, #tpu.memory_space<hbm>> -> memref<16x1024xf32, #tpu.memory_space<hbm>>
    tpu.enqueue_dma source(%arg7 : memref<16x1024xf32, #tpu.memory_space<vmem>>) target(%dma_start3A_711 : memref<16x1024xf32, #tpu.memory_space<hbm>>) target_semaphore(%arg21 : memref<!tpu.dma_semaphore, #tpu.memory_space<semaphore_mem>>)
    %dma_wait3A_712 = arith.constant 480 : i32
    %dma_wait3A_713 = tpu.memref_slice %arg5[%dma_wait3A_712] : memref<512xi32, #tpu.memory_space<vmem>> -> memref<16xi32, #tpu.memory_space<vmem>>
    %dma_wait3A_714 = arith.constant 0 : i32
    %dma_wait3A_715 = arith.constant 0 : i32
    %dma_wait3A_716 = tpu.memref_slice %arg3[%dma_wait3A_714, %dma_wait3A_715] : memref<100000x1024xf32, #tpu.memory_space<hbm>> -> memref<100000x1024xf32, #tpu.memory_space<hbm>>
    tpu.wait_indirect_dma semaphore(%arg15 : memref<!tpu.dma_semaphore, #tpu.memory_space<semaphore_mem>>) src(%dma_wait3A_716 : memref<100000x1024xf32, #tpu.memory_space<hbm>>) dst(%arg8 : memref<16x1024xf32, #tpu.memory_space<vmem>>)
    %parallel_loop3A_717 = arith.constant 0 : i32
    %parallel_loop3A_718 = arith.constant 1024 : i32
    %parallel_loop3A_719 = arith.constant 1 : i32
    scf.for %parallel_loop3A_768 = %parallel_loop3A_717 to %parallel_loop3A_718 step %parallel_loop3A_719  : i32 {
      %parallel_loop3A_769 = arith.constant 6 : i32
      %parallel_loop3A_770 = arith.shrui %parallel_loop3A_768, %parallel_loop3A_769 : i32
      %parallel_loop3A_771 = arith.constant 63 : i32
      %parallel_loop3A_772 = arith.andi %parallel_loop3A_768, %parallel_loop3A_771 : i32
      %parallel_loop3A_773 = arith.constant 16 : i32
      %parallel_loop3A_774 = arith.muli %parallel_loop3A_772, %parallel_loop3A_773 : i32
      %parallel_loop3A_775 = arith.index_cast %parallel_loop3A_770 : i32 to index
      %parallel_loop3A_776 = arith.index_cast %parallel_loop3A_774 : i32 to index
      %parallel_loop3A_777 = tpu.vector_load %arg8[%parallel_loop3A_775, %parallel_loop3A_776] {strides = array<i32>} : memref<16x1024xf32, #tpu.memory_space<vmem>>, vector<1x16xf32>,
      %parallel_loop3A_778 = vector.shape_cast %parallel_loop3A_777 : vector<1x16xf32> to vector<16xf32>
      %parallel_loop3A_779 = arith.constant 3.200000e+01 : f32
      %parallel_loop3A_780 = vector.broadcast %parallel_loop3A_779 : f32 to vector<16xf32>
      %parallel_loop3A_781 = arith.mulf %parallel_loop3A_778, %parallel_loop3A_780 : vector<16xf32>
      %parallel_loop3A_782 = arith.index_cast %parallel_loop3A_770 : i32 to index
      %parallel_loop3A_783 = arith.index_cast %parallel_loop3A_774 : i32 to index
      %parallel_loop3A_784 = tpu.vector_load %arg8[%parallel_loop3A_782, %parallel_loop3A_783] {strides = array<i32>} : memref<16x1024xf32, #tpu.memory_space<vmem>>, vector<1x16xf32>,
      %parallel_loop3A_785 = vector.shape_cast %parallel_loop3A_784 : vector<1x16xf32> to vector<16xf32>
      %parallel_loop3A_786 = vector.shape_cast %parallel_loop3A_781 : vector<16xf32> to vector<1x16xf32>
      tpu.vector_store %arg8[%parallel_loop3A_782, %parallel_loop3A_783], %parallel_loop3A_786 {strides = array<i32>} : memref<16x1024xf32, #tpu.memory_space<vmem>>, vector<1x16xf32>,
    } {sc.loop_unroll_factor = 8 : i64, sc.parallel_access}
    %add3A_720 = arith.constant 480 : i32
    %add3A_721 = arith.addi %mul3A_2, %add3A_720 : i32
    %dma_start3A_722 = arith.constant 0 : i32
    %dma_start3A_723 = tpu.memref_slice %arg4[%add3A_721, %dma_start3A_722] : memref<16384x1024xf32, #tpu.memory_space<hbm>> -> memref<16x1024xf32, #tpu.memory_space<hbm>>
    %dma_start3A_724 = arith.constant 0 : i32
    %dma_start3A_725 = tpu.memref_slice %arg4[%add3A_721, %dma_start3A_724] : memref<16384x1024xf32, #tpu.memory_space<hbm>> -> memref<16x1024xf32, #tpu.memory_space<hbm>>
    tpu.enqueue_dma source(%arg8 : memref<16x1024xf32, #tpu.memory_space<vmem>>) target(%dma_start3A_725 : memref<16x1024xf32, #tpu.memory_space<hbm>>) target_semaphore(%arg22 : memref<!tpu.dma_semaphore, #tpu.memory_space<semaphore_mem>>)
    %dma_wait3A_726 = arith.constant 496 : i32
    %dma_wait3A_727 = tpu.memref_slice %arg5[%dma_wait3A_726] : memref<512xi32, #tpu.memory_space<vmem>> -> memref<16xi32, #tpu.memory_space<vmem>>
    %dma_wait3A_728 = arith.constant 0 : i32
    %dma_wait3A_729 = arith.constant 0 : i32
    %dma_wait3A_730 = tpu.memref_slice %arg3[%dma_wait3A_728, %dma_wait3A_729] : memref<100000x1024xf32, #tpu.memory_space<hbm>> -> memref<100000x1024xf32, #tpu.memory_space<hbm>>
    tpu.wait_indirect_dma semaphore(%arg16 : memref<!tpu.dma_semaphore, #tpu.memory_space<semaphore_mem>>) src(%dma_wait3A_730 : memref<100000x1024xf32, #tpu.memory_space<hbm>>) dst(%arg9 : memref<16x1024xf32, #tpu.memory_space<vmem>>)
    %parallel_loop3A_731 = arith.constant 0 : i32
    %parallel_loop3A_732 = arith.constant 1024 : i32
    %parallel_loop3A_733 = arith.constant 1 : i32
    scf.for %parallel_loop3A_768 = %parallel_loop3A_731 to %parallel_loop3A_732 step %parallel_loop3A_733  : i32 {
      %parallel_loop3A_769 = arith.constant 6 : i32
      %parallel_loop3A_770 = arith.shrui %parallel_loop3A_768, %parallel_loop3A_769 : i32
      %parallel_loop3A_771 = arith.constant 63 : i32
      %parallel_loop3A_772 = arith.andi %parallel_loop3A_768, %parallel_loop3A_771 : i32
      %parallel_loop3A_773 = arith.constant 16 : i32
      %parallel_loop3A_774 = arith.muli %parallel_loop3A_772, %parallel_loop3A_773 : i32
      %parallel_loop3A_775 = arith.index_cast %parallel_loop3A_770 : i32 to index
      %parallel_loop3A_776 = arith.index_cast %parallel_loop3A_774 : i32 to index
      %parallel_loop3A_777 = tpu.vector_load %arg9[%parallel_loop3A_775, %parallel_loop3A_776] {strides = array<i32>} : memref<16x1024xf32, #tpu.memory_space<vmem>>, vector<1x16xf32>,
      %parallel_loop3A_778 = vector.shape_cast %parallel_loop3A_777 : vector<1x16xf32> to vector<16xf32>
      %parallel_loop3A_779 = arith.constant 3.200000e+01 : f32
      %parallel_loop3A_780 = vector.broadcast %parallel_loop3A_779 : f32 to vector<16xf32>
      %parallel_loop3A_781 = arith.mulf %parallel_loop3A_778, %parallel_loop3A_780 : vector<16xf32>
      %parallel_loop3A_782 = arith.index_cast %parallel_loop3A_770 : i32 to index
      %parallel_loop3A_783 = arith.index_cast %parallel_loop3A_774 : i32 to index
      %parallel_loop3A_784 = tpu.vector_load %arg9[%parallel_loop3A_782, %parallel_loop3A_783] {strides = array<i32>} : memref<16x1024xf32, #tpu.memory_space<vmem>>, vector<1x16xf32>,
      %parallel_loop3A_785 = vector.shape_cast %parallel_loop3A_784 : vector<1x16xf32> to vector<16xf32>
      %parallel_loop3A_786 = vector.shape_cast %parallel_loop3A_781 : vector<16xf32> to vector<1x16xf32>
      tpu.vector_store %arg9[%parallel_loop3A_782, %parallel_loop3A_783], %parallel_loop3A_786 {strides = array<i32>} : memref<16x1024xf32, #tpu.memory_space<vmem>>, vector<1x16xf32>,
    } {sc.loop_unroll_factor = 8 : i64, sc.parallel_access}
    %add3A_734 = arith.constant 496 : i32
    %add3A_735 = arith.addi %mul3A_2, %add3A_734 : i32
    %dma_start3A_736 = arith.constant 0 : i32
    %dma_start3A_737 = tpu.memref_slice %arg4[%add3A_735, %dma_start3A_736] : memref<16384x1024xf32, #tpu.memory_space<hbm>> -> memref<16x1024xf32, #tpu.memory_space<hbm>>
    %dma_start3A_738 = arith.constant 0 : i32
    %dma_start3A_739 = tpu.memref_slice %arg4[%add3A_735, %dma_start3A_738] : memref<16384x1024xf32, #tpu.memory_space<hbm>> -> memref<16x1024xf32, #tpu.memory_space<hbm>>
    tpu.enqueue_dma source(%arg9 : memref<16x1024xf32, #tpu.memory_space<vmem>>) target(%dma_start3A_739 : memref<16x1024xf32, #tpu.memory_space<hbm>>) target_semaphore(%arg23 : memref<!tpu.dma_semaphore, #tpu.memory_space<semaphore_mem>>)
    %dma_wait3A_740 = arith.constant 0 : i32
    %dma_wait3A_741 = tpu.memref_slice %arg4[%add3A_651, %dma_wait3A_740] : memref<16384x1024xf32, #tpu.memory_space<hbm>> -> memref<16x1024xf32, #tpu.memory_space<hbm>>
    %dma_wait3A_742 = arith.constant 0 : i32
    %dma_wait3A_743 = tpu.memref_slice %arg4[%add3A_651, %dma_wait3A_742] : memref<16384x1024xf32, #tpu.memory_space<hbm>> -> memref<16x1024xf32, #tpu.memory_space<hbm>>
    tpu.wait_dma2 semaphore(%arg24 : memref<!tpu.dma_semaphore, #tpu.memory_space<semaphore_mem>>) src(%arg10 : memref<16x1024xf32, #tpu.memory_space<vmem>>) dst(%dma_wait3A_743 : memref<16x1024xf32, #tpu.memory_space<hbm>>)
    %dma_wait3A_744 = arith.constant 0 : i32
    %dma_wait3A_745 = tpu.memref_slice %arg4[%add3A_665, %dma_wait3A_744] : memref<16384x1024xf32, #tpu.memory_space<hbm>> -> memref<16x1024xf32, #tpu.memory_space<hbm>>
    %dma_wait3A_746 = arith.constant 0 : i32
    %dma_wait3A_747 = tpu.memref_slice %arg4[%add3A_665, %dma_wait3A_746] : memref<16384x1024xf32, #tpu.memory_space<hbm>> -> memref<16x1024xf32, #tpu.memory_space<hbm>>
    tpu.wait_dma2 semaphore(%arg25 : memref<!tpu.dma_semaphore, #tpu.memory_space<semaphore_mem>>) src(%arg11 : memref<16x1024xf32, #tpu.memory_space<vmem>>) dst(%dma_wait3A_747 : memref<16x1024xf32, #tpu.memory_space<hbm>>)
    %dma_wait3A_748 = arith.constant 0 : i32
    %dma_wait3A_749 = tpu.memref_slice %arg4[%add3A_679, %dma_wait3A_748] : memref<16384x1024xf32, #tpu.memory_space<hbm>> -> memref<16x1024xf32, #tpu.memory_space<hbm>>
    %dma_wait3A_750 = arith.constant 0 : i32
    %dma_wait3A_751 = tpu.memref_slice %arg4[%add3A_679, %dma_wait3A_750] : memref<16384x1024xf32, #tpu.memory_space<hbm>> -> memref<16x1024xf32, #tpu.memory_space<hbm>>
    tpu.wait_dma2 semaphore(%arg26 : memref<!tpu.dma_semaphore, #tpu.memory_space<semaphore_mem>>) src(%arg12 : memref<16x1024xf32, #tpu.memory_space<vmem>>) dst(%dma_wait3A_751 : memref<16x1024xf32, #tpu.memory_space<hbm>>)
    %dma_wait3A_752 = arith.constant 0 : i32
    %dma_wait3A_753 = tpu.memref_slice %arg4[%add3A_693, %dma_wait3A_752] : memref<16384x1024xf32, #tpu.memory_space<hbm>> -> memref<16x1024xf32, #tpu.memory_space<hbm>>
    %dma_wait3A_754 = arith.constant 0 : i32
    %dma_wait3A_755 = tpu.memref_slice %arg4[%add3A_693, %dma_wait3A_754] : memref<16384x1024xf32, #tpu.memory_space<hbm>> -> memref<16x1024xf32, #tpu.memory_space<hbm>>
    tpu.wait_dma2 semaphore(%arg20 : memref<!tpu.dma_semaphore, #tpu.memory_space<semaphore_mem>>) src(%arg6 : memref<16x1024xf32, #tpu.memory_space<vmem>>) dst(%dma_wait3A_755 : memref<16x1024xf32, #tpu.memory_space<hbm>>)
    %dma_wait3A_756 = arith.constant 0 : i32
    %dma_wait3A_757 = tpu.memref_slice %arg4[%add3A_707, %dma_wait3A_756] : memref<16384x1024xf32, #tpu.memory_space<hbm>> -> memref<16x1024xf32, #tpu.memory_space<hbm>>
    %dma_wait3A_758 = arith.constant 0 : i32
    %dma_wait3A_759 = tpu.memref_slice %arg4[%add3A_707, %dma_wait3A_758] : memref<16384x1024xf32, #tpu.memory_space<hbm>> -> memref<16x1024xf32, #tpu.memory_space<hbm>>
    tpu.wait_dma2 semaphore(%arg21 : memref<!tpu.dma_semaphore, #tpu.memory_space<semaphore_mem>>) src(%arg7 : memref<16x1024xf32, #tpu.memory_space<vmem>>) dst(%dma_wait3A_759 : memref<16x1024xf32, #tpu.memory_space<hbm>>)
    %dma_wait3A_760 = arith.constant 0 : i32
    %dma_wait3A_761 = tpu.memref_slice %arg4[%add3A_721, %dma_wait3A_760] : memref<16384x1024xf32, #tpu.memory_space<hbm>> -> memref<16x1024xf32, #tpu.memory_space<hbm>>
    %dma_wait3A_762 = arith.constant 0 : i32
    %dma_wait3A_763 = tpu.memref_slice %arg4[%add3A_721, %dma_wait3A_762] : memref<16384x1024xf32, #tpu.memory_space<hbm>> -> memref<16x1024xf32, #tpu.memory_space<hbm>>
    tpu.wait_dma2 semaphore(%arg22 : memref<!tpu.dma_semaphore, #tpu.memory_space<semaphore_mem>>) src(%arg8 : memref<16x1024xf32, #tpu.memory_space<vmem>>) dst(%dma_wait3A_763 : memref<16x1024xf32, #tpu.memory_space<hbm>>)
    %dma_wait3A_764 = arith.constant 0 : i32
    %dma_wait3A_765 = tpu.memref_slice %arg4[%add3A_735, %dma_wait3A_764] : memref<16384x1024xf32, #tpu.memory_space<hbm>> -> memref<16x1024xf32, #tpu.memory_space<hbm>>
    %dma_wait3A_766 = arith.constant 0 : i32
    %dma_wait3A_767 = tpu.memref_slice %arg4[%add3A_735, %dma_wait3A_766] : memref<16384x1024xf32, #tpu.memory_space<hbm>> -> memref<16x1024xf32, #tpu.memory_space<hbm>>
    tpu.wait_dma2 semaphore(%arg23 : memref<!tpu.dma_semaphore, #tpu.memory_space<semaphore_mem>>) src(%arg9 : memref<16x1024xf32, #tpu.memory_space<vmem>>) dst(%dma_wait3A_767 : memref<16x1024xf32, #tpu.memory_space<hbm>>)
    return
  }
}

</mosaic_0001>

<sc_bundles>
// kernel: kernel.3.cloned.1.call-start
scs
__scs_entry_jumppad:
0x0: {  	(pc) =	sbr.rel $0x88, $3  }
0x1: {  	(tag) =	ssettag $0x0;
	lr =	simm.s32 $0x1  }
0x2: {  	[smem:$0x3F9F] =	sst lr;
	_ =	strace $0xD0000000  }
0x3: {  	_ = 	snop  }
0x4: {  	_ = 	snop  }
0x5: {  	_ = 	snop  }
0x6: {  	_ = 	snop  }
0x7: {  	_ = 	snop  }
__scs_overlays_trampoline_lowered:
0x8: {  	[smem:$0x3FAE] =	sst s0  }
0x9: {  	[smem:$0x3FAF] =	sst s1  }
0xa: {  	[smem:$0x3FB0] =	sst s2  }
0xb: {  	[smem:$0x3FB1] =	sst s3  }
0xc: {  	[smem:$0x3FB2] =	sst s4  }
0xd: {  	[smem:$0x3FB3] =	sst s5  }
0xe: {  	[smem:$0x3FB4] =	sst s6  }
0xf: {  	[smem:$0x3FB5] =	sst s7  }
0x10: {  	[smem:$0x3FB6] =	sst s8  }
0x11: {  	[smem:$0x3FB7] =	sst s9;
	s0 =	simm.s32 @!p0 $0x0  }
0x12: {  	s1 =	sld [smem:$0x3F9D];
	s0 =	simm.s32 @p0 $0x1  }
0x13: {  	[smem:$0x3FB8] =	sst s0;
	s0 =	simm.s32 @!p1 $0x0  }
0x14: {  	s2 =	sld [smem:$0x3F9C];
	s0 =	simm.s32 @p1 $0x1  }
0x15: {  	[smem:$0x3FB9] =	sst s0;
	s0 =	simm.s32 @!p2 $0x0  }
0x16: {  	s3 =	sld [smem:$0x3FDB];
	s0 =	simm.s32 @p2 $0x1  }
0x17: {  	s4 =	simm.s32 $0x1BF5;
	[smem:$0x3FBB] =	sst s0  }
0x18: {  	s0 =	sld [smem:$0x3F9E];
	_ =	swait.ge [sflag:s4], $0x0  }
0x19: {  	s7 =	sld [smem:$0x3F9F]  }
0x1a: {  	s8 =	sadd.s32 $0xFFFFE003, lr  }
0x1b: {  	s9 =	sadd.s32 $0xFFFFFEF7, lr;
	s5 =	simm.s32 $0xFFFFFFFF;
	p2 =	slt.u32 s8, $0xFFFFF086  }
0x1c: {  	p1 =	slt.u32 s9, $0xF7A;
	s5 =	simm.s32 @!p2 $0x0  }
0x1d: {  	s5 =	simm.s32 @p1 $0x1;
	p0 =	seq.s32 s7, s2  }
0x1e: {  	s7 =	smul.u32 @!p0 $0xF7A, s2;
	p2 =	seq.s32 @!p0 s5, $0x0  }
0x1f: {  	s9 =	smul.u32 $0xF7A, s1;
	s8 =	simm.s32 @!p0 $0x1BF5;
	p2 =	por !p2, p0  }
0x20: {  	[sflag:s8] =	ssyncset.s32 @!p0 $0xFFFFF086;
	s6 =	sadd.s32 @!p0 s3, s7;
	s7 =	simm.s32 @!p0 $0x108  }
0x21: {  	s3 =	sadd.s32 s3, s9;
	s6 =	sadd.s32 @!p0 $0x88, s6;
	s7 =	simm.s32 @p2 $0x1082  }
0x22: {  	[simem:s7], [sflag:s8] =	dma.local @!p0 [hbm:s6], $0xF7A  }
0x23: {  	s9 =	sor.u32 $0xD0000000, s2;
	s6 =	simm.s32 $0x108;
	_ =	swait.ge @!p0 [sflag:s8], $0x0  }
0x24: {  	s3 =	sadd.s32 $0x88, s3;
	s6 =	simm.s32 @!p1 $0x1082;
	[sflag:s4] =	ssyncset.s32 $0xFFFFF086  }
0x25: {  	[simem:s6], [sflag:s4] =	dma.local [hbm:s3], $0xF7A  }
0x26: {  	[smem:$0x3F9F] =	sst s1;
	(tag) =	ssettag s2;
	_ =	strace s9  }
0x27: {  	s1 =	sld [smem:$0x3FAF]  }
0x28: {  	s2 =	sld [smem:$0x3FB0]  }
0x29: {  	s4 =	sld [smem:$0x3FB2]  }
0x2a: {  	p0 =	seq.s32 s5, $0x0;
	s5 =	sld [smem:$0x3FB3]  }
0x2b: {  	s6 =	sld [smem:$0x3FB4]  }
0x2c: {  	s7 =	sld [smem:$0x3FB5]  }
0x2d: {  	s3 =	simm.s32 $0x108;
	s8 =	sld [smem:$0x3FB6]  }
0x2e: {  	s3 =	simm.s32 @!p0 $0x1082;
	s9 =	sld [smem:$0x3FB7]  }
0x2f: {  	lr =	sadd.s32 s0, s3;
	s0 =	sld [smem:$0x3FAE]  }
0x30: {  	s3 =	sld [smem:$0x3FB1]  }
0x31: {  	[smem:$0x3FBA] =	sst s10  }
0x32: {  	s10 =	sld [smem:$0x3FB8];
	_ =	sdelay $0x3  }
0x33: {  	p0 =	seq.s32 s10, $0x1;
	s10 =	sld [smem:$0x3FBA];
	_ =	sdelay $0x3  }
0x34: {  	[smem:$0x3FBA] =	sst s10  }
0x35: {  	s10 =	sld [smem:$0x3FB9];
	_ =	sdelay $0x3  }
0x36: {  	p1 =	seq.s32 s10, $0x1;
	s10 =	sld [smem:$0x3FBA];
	_ =	sdelay $0x3  }
0x37: {  	[smem:$0x3FBA] =	sst s10  }
0x38: {  	s10 =	sld [smem:$0x3FBB]  }
0x39: {  	_ = 	snop;
	(pc) =	sbr.ind lr, $3  }
0x3a: {  	_ = 	snop  }
0x3b: {  	_ = 	snop  }
0x3c: {  	p2 =	seq.s32 s10, $0x1;
	s10 =	sld [smem:$0x3FBA]  }
0x3d: {  	_ =	shalt  }
0x3e: {  	_ =	shalt  }
0x3f: {  	_ =	shalt  }
0x40: {  	_ =	shalt  }
0x41: {  	_ =	shalt  }
0x42: {  	_ =	shalt  }
0x43: {  	_ =	shalt  }
0x44: {  	_ =	shalt  }
0x45: {  	_ =	shalt  }
0x46: {  	_ =	shalt  }
0x47: {  	_ =	shalt  }
0x48: {  	_ =	shalt  }
0x49: {  	_ =	shalt  }
0x4a: {  	_ =	shalt  }
0x4b: {  	_ =	shalt  }
0x4c: {  	_ =	shalt  }
0x4d: {  	_ =	shalt  }
0x4e: {  	_ =	shalt  }
0x4f: {  	_ =	shalt  }
0x50: {  	_ =	shalt  }
0x51: {  	_ =	shalt  }
0x52: {  	_ =	shalt  }
0x53: {  	_ =	shalt  }
0x54: {  	_ =	shalt  }
0x55: {  	_ =	shalt  }
0x56: {  	_ =	shalt  }
0x57: {  	_ =	shalt  }
0x58: {  	_ =	shalt  }
0x59: {  	_ =	shalt  }
0x5a: {  	_ =	shalt  }
0x5b: {  	_ =	shalt  }
0x5c: {  	_ =	shalt  }
0x5d: {  	_ =	shalt  }
0x5e: {  	_ =	shalt  }
0x5f: {  	_ =	shalt  }
0x60: {  	_ =	shalt  }
0x61: {  	_ =	shalt  }
0x62: {  	_ =	shalt  }
0x63: {  	_ =	shalt  }
0x64: {  	_ =	shalt  }
0x65: {  	_ =	shalt  }
0x66: {  	_ =	shalt  }
0x67: {  	_ =	shalt  }
0x68: {  	_ =	shalt  }
0x69: {  	_ =	shalt  }
0x6a: {  	_ =	shalt  }
0x6b: {  	_ =	shalt  }
0x6c: {  	_ =	shalt  }
0x6d: {  	_ =	shalt  }
0x6e: {  	_ =	shalt  }
0x6f: {  	_ =	shalt  }
0x70: {  	_ =	shalt  }
0x71: {  	_ =	shalt  }
0x72: {  	_ =	shalt  }
0x73: {  	_ =	shalt  }
0x74: {  	_ =	shalt  }
0x75: {  	_ =	shalt  }
0x76: {  	_ =	shalt  }
0x77: {  	_ =	shalt  }
0x78: {  	_ =	shalt  }
0x79: {  	_ =	shalt  }
0x7a: {  	_ =	shalt  }
0x7b: {  	_ =	shalt  }
0x7c: {  	_ =	shalt  }
0x7d: {  	_ =	shalt  }
0x7e: {  	_ =	shalt  }
0x7f: {  	_ =	shalt  }
0x80: {  	_ =	shalt  }
0x81: {  	_ =	shalt  }
0x82: {  	_ =	shalt  }
0x83: {  	_ =	shalt  }
0x84: {  	_ =	shalt  }
0x85: {  	_ =	shalt  }
0x86: {  	_ =	shalt  }
0x87: {  	_ =	shalt  }
.Lfunc_end0:
.L_simem_size_0:
called_computation_lowered:
.L_overlay_start_0:
0x88: {  	s2 =	sld [smem:$0x3FD9]  }
0x89: {  	s3 =	sld [smem:$0x3FFE];
	_ =	sdelay $0x1  }
0x8a: {  	s1 =	srdreg.scid  }
0x8b: {  	s0 =	sand.u32 $0x1, s1  }
0x8c: {  	s18 =	sshll.u32 s0, $0xA;
	s2 =	sadd.s32 s3, s2  }
0x8d: {  	s2 =	sadd.s32 s2, s18  }
0x8e: {  	[smem:$0x3FC6] =	sst s2  }
0x8f: {  	_ = 	snop  }
0x90: {  	s2 =	sld [smem:$0x3FC9]  }
0x91: {  	s19 =	sld [smem:$0x3FC8]  }
0x92: {  	s4 =	sld [smem:$0x3FD0];
	(tm) =	ssettm $0x1  }
0x93: {  	s5 =	sld [smem:$0x3FFB];
	_ =	sdelay $0x3  }
0x94: {  	_ =	strace s5  }
0x95: {  	s5 =	sld [smem:$0x3FFC];
	_ =	sdelay $0x3  }
0x96: {  	_ =	strace s5  }
0x97: {  	s5 =	sld [smem:$0x3FFD];
	_ =	sdelay $0x3  }
0x98: {  	_ =	strace s5  }
0x99: {  	_ =	strace $0x8FFFFFFF  }
0x9a: {  	s20 =	sld [smem:$0x3FDB];
	_ =	sdelay $0x1  }
0x9b: {  	s6 =	simm.s32 $_scs_section_size  }
0x9c: {  	s7 =	simm.s32 $_size__tile_overlayer_lowered;
	s8 =	simm.s32 $_tile_overlayer_lowered  }
0x9d: {  	s23 =	simm.s32 $0x1BFF;
	s22 =	sshll.u32 s8, $0x1;
	s5 =	sadd.s32 s6, s20  }
0x9e: {  	s9 =	simm.s32 $0x0;
	s21 =	sshll.u32 s7, $0x1;
	s7 =	sadd.s32 s22, s5  }
0x9f: {  	[timem:s9], [sflag:s23] =	dma.local [hbm:s7], s21  }
0xa0: {  	_ =	swait.ge [sflag:s23], s21  }
0xa1: {  	s6 =	ssub.s32 $0x0, s21;
	[sflag:s23] =	ssyncset.done $0x0  }
0xa2: {  	[sflag:s23] =	ssyncadd.s32 s6;
	_ =	sdelay $0x1  }
0xa3: {  	s24 =	simm.s32 $0x1B8B  }
0xa4: {  	_ =	swait.ge [sflag:s24], $0x1  }
0xa5: {  	[sflag:s24] =	ssyncset.done $0x0  }
0xa6: {  	s25 =	simm.s32 $0x1B8E;
	[sflag:s24] =	ssyncadd.s32 $0xFFFFFFFF  }
0xa7: {  	s26 =	simm.s32 $execute0_lowered;
	[smem:$0x3FD2] =	sst s25  }
0xa8: {  	s6 =	sshll.u32 s26, $0x1;
	_ =	strace $0x80000046;
	[dreg:$0x1] =	wrdreg $0xFFFFFFFF  }
0xa9: {  	s28 =	simm.s32 $_size_execute0_lowered;
	s5 =	sadd.s32 s5, s6;
	[dreg:$0x0] =	wrdreg $0x0  }
0xaa: {  	s6 =	sshll.u32 s28, $0x1;
	[dreg:$0x2] =	wrdreg s5  }
0xab: {  	[dreg:$0x3] =	wrdreg s6  }
0xac: {  	[dreg:$0x4] =	wrdreg $0xC0  }
0xad: {  	_ =	task [dreg:s9], $0x5FFFF  }
0xae: {  	[dreg:$0x1] =	wrdreg $0xFFFFFFFF  }
0xaf: {  	[dreg:$0x0] =	wrdreg $0x60  }
0xb0: {  	[dreg:$0x2] =	wrdreg s2  }
0xb1: {  	[dreg:$0x3] =	wrdreg s19  }
0xb2: {  	[dreg:$0x4] =	wrdreg s4  }
0xb3: {  	[dreg:$0x5] =	wrdreg $0x9  }
0xb4: {  	_ =	task.clear_ibuf [dreg:s9], $0x6FFFF;
	_ =	strace $0x90000046  }
0xb5: {  	s29 =	simm.s32 $0x9;
	_ =	strace $0x80000048  }
0xb6: {  	_ =	swait.ge [sflag:s29], $0x1  }
0xb7: {  	[sflag:s29] =	ssyncadd.s32 $0xFFFFFFFF  }
0xb8: {  	_ =	strace $0x90000048  }
0xb9: {  	_ =	sfence  }
0xba: {  	s30 =	sld [smem:$0x0];
	_ =	sdelay $0x2  }
0xbb: {  	s31 =	sshll.u32 s1, $0xD;
	s1 =	sshrl.u32 s1, $0x2  }
0xbc: {  	s3 =	sand.u32 $0x4000, s31;
	s1 =	sadd.s32 s1, s30  }
0xbd: {  	s0 =	sor.u32 s3, s0;
	s1 =	sshll.u32 s1, $0x11  }
0xbe: {  	s0 =	sor.u32 s1, s0  }
0xbf: {  	s0 =	sadd.s32 $0x8F2B, s0  }
0xc0: {  	[sflag:s0] =	ssyncadd.remote.s32 $0x1  }
0xc1: {  	_ =	sfence.sel $0xFFFF  }
0xc2: {  	[dreg:$0x0] =	wrdreg $0xFFFFFFFF;
	(pc) =	sbr.abs _section_cstart, $3  }
0xc3: {  	[dreg:$0x1] =	wrdreg $0xFFFFFFFF  }
0xc4: {  	_ =	task.clear_ibuf [dreg:s9], $0x2FFFF;
	_ =	strace $0x9FFFFFFF  }
0xc5: {  	(tm) =	ssettm $0x7FFFFFFF  }
tec
execute0_lowered:
.L_overlay_start_1:
0x0: {  	(tag) =	ssettag $0x1  }
0x1: {  	s0 =	rddreg [dreg:$0x0]  }
0x2: {  	s1 =	rddreg [dreg:$0x1]  }
0x3: {  	s2 =	rddreg [dreg:$0x2]  }
0x4: {  	s4 =	srdreg.scid;
	s7 =	stileid.u32  }
0x5: {  	s3 =	simm.s32 $0x0;
	s4 =	sand.u32 $0x1, s4;
	s5 =	sshll.u32 s7, $0x1  }
0x6: {  	s14 =	sshll.u32 s7, $0x2;
	s6 =	ssub.s32 $0x2, s4;
	s4 =	sor.u32 s4, s5  }
0x7: {  	[smem:$0x7FF] =	sst s3;
	s5 =	sand.u32 $0x30, s14;
	s8 =	sshll.u32 s4, $0x8  }
0x8: {  	s15 =	sshrl.u32 s6, $0x1;
	s0 =	sadd.s32 s0, s5;
	s16 =	sand.u32 $0x700, s8  }
0x9: {  	_ =	strace $0x80000047;
	s9 =	ssub.s32 s6, s15;
	s0 =	sadd.s32 s16, s0  }
0xa: {  	s17 =	sshll.u32 s4, $0x10;
	s13 =	smax.u32 s9, $0x1;
	[dreg:$0x4] =	wrdreg s0  }
0xb: {  	s0 =	sadd.s32 s2, s17;
	[dreg:$0x16] =	wrdreg s13  }
0xc: {  	s2 =	sadd.s32 $0x800, s0;
	[dreg:$0x5] =	wrdreg s0  }
0xd: {  	s18 =	sadd.s32 $0x1000, s0;
	[dreg:$0x6] =	wrdreg s2  }
0xe: {  	s19 =	sadd.s32 $0x1800, s0;
	[dreg:$0x7] =	wrdreg s18  }
0xf: {  	s20 =	sadd.s32 $0x2000, s0;
	[dreg:$0x8] =	wrdreg s19  }
0x10: {  	s21 =	sadd.s32 $0x2800, s0;
	[dreg:$0x9] =	wrdreg s20  }
0x11: {  	s22 =	sadd.s32 $0x3000, s0;
	[dreg:$0xa] =	wrdreg s21  }
0x12: {  	s23 =	sadd.s32 $0x3800, s0;
	[dreg:$0xb] =	wrdreg s22  }
0x13: {  	s24 =	sadd.s32 $0x4000, s0;
	[dreg:$0xc] =	wrdreg s23  }
0x14: {  	s25 =	sadd.s32 $0x4800, s0;
	[dreg:$0xd] =	wrdreg s24  }
0x15: {  	s26 =	sadd.s32 $0x5000, s0;
	[dreg:$0xe] =	wrdreg s25  }
0x16: {  	s28 =	sadd.s32 $0x5800, s0;
	[dreg:$0xf] =	wrdreg s26  }
0x17: {  	s4 =	sadd.s32 $0x6000, s0;
	[dreg:$0x10] =	wrdreg s28  }
0x18: {  	s8 =	sadd.s32 $0x6800, s0;
	[dreg:$0x11] =	wrdreg s4  }
0x19: {  	s10 =	sadd.s32 $0x7000, s0;
	[dreg:$0x12] =	wrdreg s8  }
0x1a: {  	s11 =	sadd.s32 $0x7800, s0;
	[dreg:$0x13] =	wrdreg s10  }
0x1b: {  	s12 =	sadd.s32 $0x8000, s0;
	[dreg:$0x14] =	wrdreg s11  }
0x1c: {  	s29 =	simm.s32 $0x1;
	s14 =	sadd.s32 $0x8800, s0;
	[dreg:$0x15] =	wrdreg s12  }
0x1d: {  	s30 =	simm.s32 $0x8;
	s15 =	sadd.s32 $0x9000, s0;
	[dreg:$0x17] =	wrdreg s14  }
0x1e: {  	s31 =	simm.s32 $0x2;
	s16 =	sadd.s32 $0x9800, s0;
	[dreg:$0x18] =	wrdreg s15  }
0x1f: {  	s7 =	sadd.s32 $0x300, s1;
	s17 =	sadd.s32 $0xA000, s0;
	[dreg:$0x19] =	wrdreg s16  }
0x20: {  	s5 =	sadd.s32 $0x100, s1;
	[dreg:$0x1a] =	wrdreg s17;
	s18 =	sadd.s32 $0xA800, s0  }
0x21: {  	s6 =	sadd.s32 $0x200, s1;
	s19 =	sadd.s32 $0xB000, s0;
	[dreg:$0x1b] =	wrdreg s18  }
0x22: {  	s9 =	simm.s32 $0xA;
	s20 =	sadd.s32 $0xB800, s0;
	[dreg:$0x1c] =	wrdreg s19  }
0x23: {  	s13 =	simm.s32 $0x10200;
	s21 =	sadd.s32 $0xC000, s0;
	[dreg:$0x1d] =	wrdreg s20  }
0x24: {  	s22 =	sadd.s32 $0xC800, s0;
	s23 =	sadd.s32 $0xD000, s0;
	[dreg:$0x1e] =	wrdreg s21  }
0x25: {  	s24 =	sadd.s32 $0xD800, s0;
	s25 =	sadd.s32 $0xE000, s0;
	[dreg:$0x1f] =	wrdreg s22  }
0x26: {  	s26 =	sadd.s32 $0xE800, s0;
	s28 =	sadd.s32 $0xF000, s0;
	[smem:$0x7F8] =	sst s23  }
0x27: {  	s0 =	sadd.s32 $0xF800, s0;
	s16 =	simm.s32 $0x4200;
	[smem:$0x7F9] =	sst s24  }
0x28: {  	s12 =	simm.s32 $0x8200;
	s14 =	simm.s32 $0x14200;
	[smem:$0x7FA] =	sst s25  }
0x29: {  	s15 =	simm.s32 $0x18200;
	s2 =	simm.s32 $0x3;
	[smem:$0x7FB] =	sst s26  }
0x2a: {  	v2 =	vlaneseq.u32;
	s10 =	simm.s32 $0x4;
	s11 =	simm.s32 $0xB;
	[smem:$0x7FC] =	sst s28  }
0x2b: {  	vm0 =	vmmov $0xffff;
	v1 =	vshrl.u32 v2, $0x3;
	s8 =	simm.s32 $0x7;
	[smem:$0x7FD] =	sst s0;
	s21 =	simm.s32 $0xC200  }
0x2c: {  	v0 =	vand.u32 $0x7, v2;
	v2 =	vor.u32 $0x8, v2;
	v1 =	vmul.u32 $0x8, v1;
	s0 =	simm.s32 $0x9;
	s18 =	simm.s32 $0xE;
	s19 =	simm.s32 $0x0  }
.LBB2_1:
0x2d: {  	s4 =	rddreg [dreg:$0x4]  }
0x2e: {  	s17 =	simm.s32 $0x80;
	s20 =	simm.s32 $0x200;
	s28 =	simm.s32 $0xF  }
0x2f: {  	[tilespmem:s3], [sflag:$0xF] =	stream.strided.gather [hbm4b:s4+s17], $0x200, s20, s17, $0x38;
	[tilespmem:$0x1C200] =	vst v63  }
0x30: {  	_ =	swait.ge [sflag:s28], $0x200  }
0x31: {  	[sflag:s28] =	ssyncset.done $0x0  }
0x32: {  	[sflag:s28] =	ssyncadd.s32 $0xFFFFFE00  }
0x33: {  	v3 =	vld [tilespmem:$0x0];
	_ =	sdelay $0x4  }
0x34: {  	v4 =	vshll.u32 v3, $0x3  }
0x35: {  	v3 =	vand.u32 $0x7, v3;
	v4 =	vand.u32 $0xFFFFFFC0, v4  }
0x36: {  	v3 =	vor.u32 v3, v4  }
0x37: {  	v4 =	vperm.xlane v3, v0;
	_ =	sdelay $0x1  }
0x38: {  	v4 =	vadd.s32 v1, v4;
	_ =	sdelay $0x4  }
0x39: {  	[tilespmem:s20], [sflag:$0x1] =	stream.indirect_vreg.gather [hbm4b:s1+s3], $0x80, v4, vm0, $0xb8;
	[tilespmem:$0x1C200] =	vst v63  }
0x3a: {  	s17 =	simm.s32 $0xA00;
	v3 =	vperm.xlane v3, v2  }
0x3b: {  	[tilespmem:s17], [sflag:$0x1] =	stream.indirect_vreg.gather [hbm4b:s5+s3], $0x80, v4, vm0, $0xb8;
	[tilespmem:$0x1C200] =	vst v63  }
0x3c: {  	v3 =	vadd.s32 v1, v3;
	s20 =	simm.s32 $0x1200  }
0x3d: {  	[tilespmem:s20], [sflag:$0x1] =	stream.indirect_vreg.gather [hbm4b:s6+s3], $0x80, v4, vm0, $0xb8;
	[tilespmem:$0x1C200] =	vst v63  }
0x3e: {  	s22 =	simm.s32 $0x1A00  }
0x3f: {  	[tilespmem:s22], [sflag:$0x1] =	stream.indirect_vreg.gather [hbm4b:s7+s3], $0x80, v4, vm0, $0xb8;
	[tilespmem:$0x1C200] =	vst v63  }
0x40: {  	s23 =	simm.s32 $0x2200  }
0x41: {  	[tilespmem:s23], [sflag:$0x1] =	stream.indirect_vreg.gather [hbm4b:s1+s3], $0x80, v3, vm0, $0xb8;
	[tilespmem:$0x1C200] =	vst v63  }
0x42: {  	s24 =	simm.s32 $0x2A00  }
0x43: {  	[tilespmem:s24], [sflag:$0x1] =	stream.indirect_vreg.gather [hbm4b:s5+s3], $0x80, v3, vm0, $0xb8;
	[tilespmem:$0x1C200] =	vst v63  }
0x44: {  	s25 =	simm.s32 $0x3200  }
0x45: {  	[tilespmem:s25], [sflag:$0x1] =	stream.indirect_vreg.gather [hbm4b:s6+s3], $0x80, v3, vm0, $0xb8;
	[tilespmem:$0x1C200] =	vst v63  }
0x46: {  	s26 =	simm.s32 $0x3A00  }
0x47: {  	[tilespmem:s26], [sflag:$0x1] =	stream.indirect_vreg.gather [hbm4b:s7+s3], $0x80, v3, vm0, $0xb8;
	[tilespmem:$0x1C200] =	vst v63  }
0x48: {  	v3 =	vld [tilespmem:$0x10];
	_ =	sdelay $0x4  }
0x49: {  	v4 =	vshll.u32 v3, $0x3  }
0x4a: {  	v3 =	vand.u32 $0x7, v3;
	v4 =	vand.u32 $0xFFFFFFC0, v4  }
0x4b: {  	v3 =	vor.u32 v3, v4  }
0x4c: {  	v4 =	vperm.xlane v3, v0;
	_ =	sdelay $0x1  }
0x4d: {  	v4 =	vadd.s32 v1, v4;
	_ =	sdelay $0x4  }
0x4e: {  	[tilespmem:s16], [sflag:$0x2] =	stream.indirect_vreg.gather [hbm4b:s1+s3], $0x80, v4, vm0, $0xb8;
	[tilespmem:$0x1C200] =	vst v63  }
0x4f: {  	s28 =	simm.s32 $0x4A00;
	v3 =	vperm.xlane v3, v2  }
0x50: {  	[tilespmem:s28], [sflag:$0x2] =	stream.indirect_vreg.gather [hbm4b:s5+s3], $0x80, v4, vm0, $0xb8;
	[tilespmem:$0x1C200] =	vst v63  }
0x51: {  	v3 =	vadd.s32 v1, v3;
	s16 =	simm.s32 $0x5200  }
0x52: {  	[tilespmem:s16], [sflag:$0x2] =	stream.indirect_vreg.gather [hbm4b:s6+s3], $0x80, v4, vm0, $0xb8;
	[tilespmem:$0x1C200] =	vst v63  }
0x53: {  	s17 =	simm.s32 $0x5A00  }
0x54: {  	[tilespmem:s17], [sflag:$0x2] =	stream.indirect_vreg.gather [hbm4b:s7+s3], $0x80, v4, vm0, $0xb8;
	[tilespmem:$0x1C200] =	vst v63  }
0x55: {  	s20 =	simm.s32 $0x6200  }
0x56: {  	[tilespmem:s20], [sflag:$0x2] =	stream.indirect_vreg.gather [hbm4b:s1+s3], $0x80, v3, vm0, $0xb8;
	[tilespmem:$0x1C200] =	vst v63  }
0x57: {  	s22 =	simm.s32 $0x6A00  }
0x58: {  	[tilespmem:s22], [sflag:$0x2] =	stream.indirect_vreg.gather [hbm4b:s5+s3], $0x80, v3, vm0, $0xb8;
	[tilespmem:$0x1C200] =	vst v63  }
0x59: {  	s23 =	simm.s32 $0x7200  }
0x5a: {  	[tilespmem:s23], [sflag:$0x2] =	stream.indirect_vreg.gather [hbm4b:s6+s3], $0x80, v3, vm0, $0xb8;
	[tilespmem:$0x1C200] =	vst v63  }
0x5b: {  	s24 =	simm.s32 $0x7A00  }
0x5c: {  	[tilespmem:s24], [sflag:$0x2] =	stream.indirect_vreg.gather [hbm4b:s7+s3], $0x80, v3, vm0, $0xb8;
	[tilespmem:$0x1C200] =	vst v63  }
0x5d: {  	v3 =	vld [tilespmem:$0x20];
	_ =	sdelay $0x4  }
0x5e: {  	v4 =	vshll.u32 v3, $0x3  }
0x5f: {  	v3 =	vand.u32 $0x7, v3;
	v4 =	vand.u32 $0xFFFFFFC0, v4  }
0x60: {  	v3 =	vor.u32 v3, v4  }
0x61: {  	v4 =	vperm.xlane v3, v0;
	_ =	sdelay $0x1  }
0x62: {  	v4 =	vadd.s32 v1, v4;
	_ =	sdelay $0x4  }
0x63: {  	[tilespmem:s12], [sflag:$0x3] =	stream.indirect_vreg.gather [hbm4b:s1+s3], $0x80, v4, vm0, $0xb8;
	[tilespmem:$0x1C200] =	vst v63  }
0x64: {  	s25 =	simm.s32 $0x8A00;
	v3 =	vperm.xlane v3, v2  }
0x65: {  	[tilespmem:s25], [sflag:$0x3] =	stream.indirect_vreg.gather [hbm4b:s5+s3], $0x80, v4, vm0, $0xb8;
	[tilespmem:$0x1C200] =	vst v63  }
0x66: {  	s26 =	simm.s32 $0x9200;
	v3 =	vadd.s32 v1, v3  }
0x67: {  	[tilespmem:s26], [sflag:$0x3] =	stream.indirect_vreg.gather [hbm4b:s6+s3], $0x80, v4, vm0, $0xb8;
	[tilespmem:$0x1C200] =	vst v63  }
0x68: {  	s28 =	simm.s32 $0x9A00  }
0x69: {  	[tilespmem:s28], [sflag:$0x3] =	stream.indirect_vreg.gather [hbm4b:s7+s3], $0x80, v4, vm0, $0xb8;
	[tilespmem:$0x1C200] =	vst v63  }
0x6a: {  	s12 =	simm.s32 $0xA200  }
0x6b: {  	[tilespmem:s12], [sflag:$0x3] =	stream.indirect_vreg.gather [hbm4b:s1+s3], $0x80, v3, vm0, $0xb8;
	[tilespmem:$0x1C200] =	vst v63  }
0x6c: {  	s16 =	simm.s32 $0xAA00  }
0x6d: {  	[tilespmem:s16], [sflag:$0x3] =	stream.indirect_vreg.gather [hbm4b:s5+s3], $0x80, v3, vm0, $0xb8;
	[tilespmem:$0x1C200] =	vst v63  }
0x6e: {  	s17 =	simm.s32 $0xB200  }
0x6f: {  	[tilespmem:s17], [sflag:$0x3] =	stream.indirect_vreg.gather [hbm4b:s6+s3], $0x80, v3, vm0, $0xb8;
	[tilespmem:$0x1C200] =	vst v63  }
0x70: {  	s20 =	simm.s32 $0xBA00  }
0x71: {  	[tilespmem:s20], [sflag:$0x3] =	stream.indirect_vreg.gather [hbm4b:s7+s3], $0x80, v3, vm0, $0xb8;
	[tilespmem:$0x1C200] =	vst v63  }
0x72: {  	v3 =	vld [tilespmem:$0x30];
	_ =	sdelay $0x4  }
0x73: {  	v4 =	vshll.u32 v3, $0x3  }
0x74: {  	v3 =	vand.u32 $0x7, v3;
	v4 =	vand.u32 $0xFFFFFFC0, v4  }
0x75: {  	v3 =	vor.u32 v3, v4  }
0x76: {  	v4 =	vperm.xlane v3, v0;
	_ =	sdelay $0x1  }
0x77: {  	v4 =	vadd.s32 v1, v4;
	_ =	sdelay $0x4  }
0x78: {  	[tilespmem:s21], [sflag:$0x4] =	stream.indirect_vreg.gather [hbm4b:s1+s3], $0x80, v4, vm0, $0xb8;
	[tilespmem:$0x1C200] =	vst v63  }
0x79: {  	s22 =	simm.s32 $0xCA00;
	v3 =	vperm.xlane v3, v2  }
0x7a: {  	[tilespmem:s22], [sflag:$0x4] =	stream.indirect_vreg.gather [hbm4b:s5+s3], $0x80, v4, vm0, $0xb8;
	[tilespmem:$0x1C200] =	vst v63  }
0x7b: {  	s23 =	simm.s32 $0xD200;
	v3 =	vadd.s32 v1, v3  }
0x7c: {  	[tilespmem:s23], [sflag:$0x4] =	stream.indirect_vreg.gather [hbm4b:s6+s3], $0x80, v4, vm0, $0xb8;
	[tilespmem:$0x1C200] =	vst v63  }
0x7d: {  	s24 =	simm.s32 $0xDA00  }
0x7e: {  	[tilespmem:s24], [sflag:$0x4] =	stream.indirect_vreg.gather [hbm4b:s7+s3], $0x80, v4, vm0, $0xb8;
	[tilespmem:$0x1C200] =	vst v63  }
0x7f: {  	s25 =	simm.s32 $0xE200  }
0x80: {  	[tilespmem:s25], [sflag:$0x4] =	stream.indirect_vreg.gather [hbm4b:s1+s3], $0x80, v3, vm0, $0xb8;
	[tilespmem:$0x1C200] =	vst v63  }
0x81: {  	s26 =	simm.s32 $0xEA00  }
0x82: {  	[tilespmem:s26], [sflag:$0x4] =	stream.indirect_vreg.gather [hbm4b:s5+s3], $0x80, v3, vm0, $0xb8;
	[tilespmem:$0x1C200] =	vst v63  }
0x83: {  	s28 =	simm.s32 $0xF200  }
0x84: {  	[tilespmem:s28], [sflag:$0x4] =	stream.indirect_vreg.gather [hbm4b:s6+s3], $0x80, v3, vm0, $0xb8;
	[tilespmem:$0x1C200] =	vst v63  }
0x85: {  	s12 =	simm.s32 $0xFA00  }
0x86: {  	[tilespmem:s12], [sflag:$0x4] =	stream.indirect_vreg.gather [hbm4b:s7+s3], $0x80, v3, vm0, $0xb8;
	[tilespmem:$0x1C200] =	vst v63  }
0x87: {  	v3 =	vld [tilespmem:$0x40];
	_ =	sdelay $0x4  }
0x88: {  	v4 =	vshll.u32 v3, $0x3  }
0x89: {  	v3 =	vand.u32 $0x7, v3;
	v4 =	vand.u32 $0xFFFFFFC0, v4  }
0x8a: {  	v3 =	vor.u32 v3, v4  }
0x8b: {  	v4 =	vperm.xlane v3, v0;
	_ =	sdelay $0x1  }
0x8c: {  	v4 =	vadd.s32 v1, v4;
	_ =	sdelay $0x4  }
0x8d: {  	[tilespmem:s13], [sflag:$0x5] =	stream.indirect_vreg.gather [hbm4b:s1+s3], $0x80, v4, vm0, $0xb8;
	[tilespmem:$0x1C200] =	vst v63  }
0x8e: {  	v3 =	vperm.xlane v3, v2;
	s13 =	simm.s32 $0x10A00  }
0x8f: {  	[tilespmem:s13], [sflag:$0x5] =	stream.indirect_vreg.gather [hbm4b:s5+s3], $0x80, v4, vm0, $0xb8;
	[tilespmem:$0x1C200] =	vst v63  }
0x90: {  	s16 =	simm.s32 $0x11200;
	v3 =	vadd.s32 v1, v3  }
0x91: {  	[tilespmem:s16], [sflag:$0x5] =	stream.indirect_vreg.gather [hbm4b:s6+s3], $0x80, v4, vm0, $0xb8;
	[tilespmem:$0x1C200] =	vst v63  }
0x92: {  	s17 =	simm.s32 $0x11A00  }
0x93: {  	[tilespmem:s17], [sflag:$0x5] =	stream.indirect_vreg.gather [hbm4b:s7+s3], $0x80, v4, vm0, $0xb8;
	[tilespmem:$0x1C200] =	vst v63  }
0x94: {  	s20 =	simm.s32 $0x12200  }
0x95: {  	[tilespmem:s20], [sflag:$0x5] =	stream.indirect_vreg.gather [hbm4b:s1+s3], $0x80, v3, vm0, $0xb8;
	[tilespmem:$0x1C200] =	vst v63  }
0x96: {  	s21 =	simm.s32 $0x12A00  }
0x97: {  	[tilespmem:s21], [sflag:$0x5] =	stream.indirect_vreg.gather [hbm4b:s5+s3], $0x80, v3, vm0, $0xb8;
	[tilespmem:$0x1C200] =	vst v63  }
0x98: {  	s22 =	simm.s32 $0x13200  }
0x99: {  	[tilespmem:s22], [sflag:$0x5] =	stream.indirect_vreg.gather [hbm4b:s6+s3], $0x80, v3, vm0, $0xb8;
	[tilespmem:$0x1C200] =	vst v63  }
0x9a: {  	s23 =	simm.s32 $0x13A00  }
0x9b: {  	[tilespmem:s23], [sflag:$0x5] =	stream.indirect_vreg.gather [hbm4b:s7+s3], $0x80, v3, vm0, $0xb8;
	[tilespmem:$0x1C200] =	vst v63  }
0x9c: {  	v3 =	vld [tilespmem:$0x50];
	_ =	sdelay $0x4  }
0x9d: {  	v4 =	vshll.u32 v3, $0x3  }
0x9e: {  	v3 =	vand.u32 $0x7, v3;
	v4 =	vand.u32 $0xFFFFFFC0, v4  }
0x9f: {  	v3 =	vor.u32 v3, v4  }
0xa0: {  	v4 =	vperm.xlane v3, v0;
	_ =	sdelay $0x1  }
0xa1: {  	v4 =	vadd.s32 v1, v4;
	_ =	sdelay $0x4  }
0xa2: {  	[tilespmem:s14], [sflag:$0x6] =	stream.indirect_vreg.gather [hbm4b:s1+s3], $0x80, v4, vm0, $0xb8;
	[tilespmem:$0x1C200] =	vst v63  }
0xa3: {  	s24 =	simm.s32 $0x14A00;
	v3 =	vperm.xlane v3, v2  }
0xa4: {  	[tilespmem:s24], [sflag:$0x6] =	stream.indirect_vreg.gather [hbm4b:s5+s3], $0x80, v4, vm0, $0xb8;
	[tilespmem:$0x1C200] =	vst v63  }
0xa5: {  	s25 =	simm.s32 $0x15200;
	v3 =	vadd.s32 v1, v3  }
0xa6: {  	[tilespmem:s25], [sflag:$0x6] =	stream.indirect_vreg.gather [hbm4b:s6+s3], $0x80, v4, vm0, $0xb8;
	[tilespmem:$0x1C200] =	vst v63  }
0xa7: {  	s26 =	simm.s32 $0x15A00  }
0xa8: {  	[tilespmem:s26], [sflag:$0x6] =	stream.indirect_vreg.gather [hbm4b:s7+s3], $0x80, v4, vm0, $0xb8;
	[tilespmem:$0x1C200] =	vst v63  }
0xa9: {  	s28 =	simm.s32 $0x16200  }
0xaa: {  	[tilespmem:s28], [sflag:$0x6] =	stream.indirect_vreg.gather [hbm4b:s1+s3], $0x80, v3, vm0, $0xb8;
	[tilespmem:$0x1C200] =	vst v63  }
0xab: {  	s12 =	simm.s32 $0x16A00  }
0xac: {  	[tilespmem:s12], [sflag:$0x6] =	stream.indirect_vreg.gather [hbm4b:s5+s3], $0x80, v3, vm0, $0xb8;
	[tilespmem:$0x1C200] =	vst v63  }
0xad: {  	s13 =	simm.s32 $0x17200  }
0xae: {  	[tilespmem:s13], [sflag:$0x6] =	stream.indirect_vreg.gather [hbm4b:s6+s3], $0x80, v3, vm0, $0xb8;
	[tilespmem:$0x1C200] =	vst v63  }
0xaf: {  	s14 =	simm.s32 $0x17A00  }
0xb0: {  	[tilespmem:s14], [sflag:$0x6] =	stream.indirect_vreg.gather [hbm4b:s7+s3], $0x80, v3, vm0, $0xb8;
	[tilespmem:$0x1C200] =	vst v63  }
0xb1: {  	v3 =	vld [tilespmem:$0x60];
	_ =	sdelay $0x4  }
0xb2: {  	v4 =	vshll.u32 v3, $0x3  }
0xb3: {  	v3 =	vand.u32 $0x7, v3;
	v4 =	vand.u32 $0xFFFFFFC0, v4  }
0xb4: {  	v3 =	vor.u32 v3, v4  }
0xb5: {  	v4 =	vperm.xlane v3, v0;
	_ =	sdelay $0x1  }
0xb6: {  	v4 =	vadd.s32 v1, v4;
	_ =	sdelay $0x4  }
0xb7: {  	[tilespmem:s15], [sflag:$0x7] =	stream.indirect_vreg.gather [hbm4b:s1+s3], $0x80, v4, vm0, $0xb8;
	[tilespmem:$0x1C200] =	vst v63  }
0xb8: {  	v3 =	vperm.xlane v3, v2;
	s15 =	simm.s32 $0x18A00  }
0xb9: {  	[tilespmem:s15], [sflag:$0x7] =	stream.indirect_vreg.gather [hbm4b:s5+s3], $0x80, v4, vm0, $0xb8;
	[tilespmem:$0x1C200] =	vst v63  }
0xba: {  	s16 =	simm.s32 $0x19200;
	v3 =	vadd.s32 v1, v3  }
0xbb: {  	[tilespmem:s16], [sflag:$0x7] =	stream.indirect_vreg.gather [hbm4b:s6+s3], $0x80, v4, vm0, $0xb8;
	[tilespmem:$0x1C200] =	vst v63  }
0xbc: {  	s17 =	simm.s32 $0x19A00  }
0xbd: {  	[tilespmem:s17], [sflag:$0x7] =	stream.indirect_vreg.gather [hbm4b:s7+s3], $0x80, v4, vm0, $0xb8;
	[tilespmem:$0x1C200] =	vst v63  }
0xbe: {  	s20 =	simm.s32 $0x1A200  }
0xbf: {  	[tilespmem:s20], [sflag:$0x7] =	stream.indirect_vreg.gather [hbm4b:s1+s3], $0x80, v3, vm0, $0xb8;
	[tilespmem:$0x1C200] =	vst v63  }
0xc0: {  	s21 =	simm.s32 $0x1AA00  }
0xc1: {  	[tilespmem:s21], [sflag:$0x7] =	stream.indirect_vreg.gather [hbm4b:s5+s3], $0x80, v3, vm0, $0xb8;
	[tilespmem:$0x1C200] =	vst v63  }
0xc2: {  	s22 =	simm.s32 $0x1B200  }
0xc3: {  	[tilespmem:s22], [sflag:$0x7] =	stream.indirect_vreg.gather [hbm4b:s6+s3], $0x80, v3, vm0, $0xb8;
	[tilespmem:$0x1C200] =	vst v63  }
0xc4: {  	s23 =	simm.s32 $0x1BA00  }
0xc5: {  	[tilespmem:s23], [sflag:$0x7] =	stream.indirect_vreg.gather [hbm4b:s7+s3], $0x80, v3, vm0, $0xb8;
	[tilespmem:$0x1C200] =	vst v63  }
0xc6: {  	s24 =	sand.u32 $0x2000, s3;
	s25 =	sand.u32 $0x1C00, s3;
	_ =	swait.ge [sflag:s29], $0x4000  }
0xc7: {  	s20 =	sor.u32 s25, s24;
	s22 =	sand.u32 $0x380, s3;
	[sflag:s29] =	ssyncset.done $0x0  }
0xc8: {  	s21 =	sor.u32 s20, s22;
	[sflag:s29] =	ssyncadd.s32 $0xFFFFC000  }
0xc9: {  	v3 =	vld [tilespmem:s21+$0x270]  }
0xca: {  	v4 =	vld [tilespmem:s21+$0x200]  }
0xcb: {  	v5 =	vld [tilespmem:s21+$0x210]  }
0xcc: {  	v9 =	vld [tilespmem:s21+$0x240]  }
0xcd: {  	s26 =	simm.s32 $0x400;
	s28 =	simm.s32 $0x80;
	v6 =	vld [tilespmem:s21+$0x220]  }
0xce: {  	s22 =	sand.u32 $0x2000, s28;
	s20 =	sand.u32 $0x1C00, s26;
	s23 =	simm.s32 $0x10;
	v8 =	vld [tilespmem:s21+$0x230];
	v3 =	vmul.f32 $3.200000000e+01, v3  }
0xcf: {  	s20 =	sor.u32 s20, s22;
	s23 =	sand.u32 $0x380, s23;
	v10 =	vld [tilespmem:s21+$0x250];
	v4 =	vmul.f32 $3.200000000e+01, v4  }
0xd0: {  	s20 =	sor.u32 s20, s23;
	v12 =	vld [tilespmem:s21+$0x260];
	v11 =	vmul.f32 $3.200000000e+01, v5;
	[tilespmem:s21+$0x270] =	vst v3  }
0xd1: {  	v7 =	vld [tilespmem:s20+$0x270];
	v9 =	vmul.f32 $3.200000000e+01, v9;
	[tilespmem:s21+$0x200] =	vst v4  }
0xd2: {  	v5 =	vld [tilespmem:s20+$0x200];
	v3 =	vmul.f32 $3.200000000e+01, v6;
	[tilespmem:s21+$0x210] =	vst v11  }
0xd3: {  	v4 =	vmul.f32 $3.200000000e+01, v8;
	v6 =	vld [tilespmem:s20+$0x210];
	[tilespmem:s21+$0x240] =	vst v9  }
0xd4: {  	s24 =	simm.s32 $0x800;
	v8 =	vmul.f32 $3.200000000e+01, v10;
	[tilespmem:s21+$0x220] =	vst v3;
	v3 =	vld [tilespmem:s20+$0x220]  }
0xd5: {  	s26 =	simm.s32 $0x100;
	s22 =	simm.s32 $0x8;
	s23 =	simm.s32 $0x20;
	v9 =	vmul.f32 $3.200000000e+01, v12;
	[tilespmem:s21+$0x230] =	vst v4;
	v4 =	vld [tilespmem:s20+$0x230]  }
.LBB2_2:
0xd6: {  	s28 =	sand.u32 $0x2000, s26;
	s25 =	sand.u32 $0x1C00, s24;
	s22 =	sadd.s32 $0x8, s22;
	v10 =	vld [tilespmem:s20+$0x240];
	v7 =	vmul.f32 $3.200000000e+01, v7;
	[tilespmem:s21+$0x250] =	vst v8  }
0xd7: {  	s4 =	sand.u32 $0x380, s23;
	s25 =	sor.u32 s25, s28;
	p0 =	slt.u32 s22, $0x3F8;
	v5 =	vmul.f32 $3.200000000e+01, v5;
	v8 =	vld [tilespmem:s20+$0x250];
	[tilespmem:s21+$0x260] =	vst v9  }
0xd8: {  	s21 =	smov.u32 s20;
	v6 =	vmul.f32 $3.200000000e+01, v6;
	v9 =	vld [tilespmem:s20+$0x260];
	[tilespmem:s20+$0x270] =	vst v7;
	s20 =	sor.u32 s25, s4  }
.Ltmp0:
0xd9: {  	v7 =	vld [tilespmem:s20+$0x270];
	[tilespmem:s21+$0x200] =	vst v5;
	v3 =	vmul.f32 $3.200000000e+01, v3;
	(pc) =	sbr.rel @p0 .LBB2_2-.Ltmp0, $4  }
0xda: {  	v5 =	vld [tilespmem:s20+$0x200];
	[tilespmem:s21+$0x210] =	vst v6;
	v4 =	vmul.f32 $3.200000000e+01, v4  }
0xdb: {  	v6 =	vld [tilespmem:s20+$0x210];
	[tilespmem:s21+$0x220] =	vst v3;
	v10 =	vmul.f32 $3.200000000e+01, v10  }
0xdc: {  	v3 =	vld [tilespmem:s20+$0x220];
	[tilespmem:s21+$0x230] =	vst v4;
	v8 =	vmul.f32 $3.200000000e+01, v8  }
0xdd: {  	s23 =	sadd.s32 $0x10, s23;
	s24 =	sadd.s32 $0x400, s24;
	s26 =	sadd.s32 $0x80, s26;
	v4 =	vld [tilespmem:s20+$0x230];
	[tilespmem:s21+$0x240] =	vst v10;
	v9 =	vmul.f32 $3.200000000e+01, v9  }
0xde: {  	v10 =	vld [tilespmem:s20+$0x240];
	v7 =	vmul.f32 $3.200000000e+01, v7;
	[tilespmem:s21+$0x250] =	vst v8  }
0xdf: {  	v8 =	vld [tilespmem:s20+$0x250];
	v5 =	vmul.f32 $3.200000000e+01, v5;
	[tilespmem:s21+$0x260] =	vst v9  }
0xe0: {  	v9 =	vld [tilespmem:s20+$0x260];
	v6 =	vmul.f32 $3.200000000e+01, v6;
	[tilespmem:s20+$0x270] =	vst v7  }
0xe1: {  	[tilespmem:s20+$0x200] =	vst v5;
	v3 =	vmul.f32 $3.200000000e+01, v3  }
0xe2: {  	[tilespmem:s20+$0x210] =	vst v6;
	v4 =	vmul.f32 $3.200000000e+01, v4  }
0xe3: {  	[tilespmem:s20+$0x220] =	vst v3;
	v3 =	vmul.f32 $3.200000000e+01, v10  }
0xe4: {  	[tilespmem:s20+$0x230] =	vst v4;
	v4 =	vmul.f32 $3.200000000e+01, v8  }
0xe5: {  	[tilespmem:s20+$0x240] =	vst v3;
	v3 =	vmul.f32 $3.200000000e+01, v9  }
0xe6: {  	[tilespmem:s20+$0x250] =	vst v4  }
0xe7: {  	[tilespmem:s20+$0x260] =	vst v3  }
0xe8: {  	s4 =	simm.s32 $0x0;
	s16 =	simm.s32 $0x200;
	s17 =	rddreg [dreg:$0x5]  }
0xe9: {  	[hbm4b:s17+s4] =	stream.linear.scatter [tilespmem:s16], [sflag:$0x8], $0x4000, $0x38;
	[tilespmem:$0x1C200] =	vst v63  }
0xea: {  	_ =	swait.ge [sflag:s30], $0x4000  }
0xeb: {  	[sflag:s30] =	ssyncset.done $0x0  }
0xec: {  	[sflag:s30] =	ssyncadd.s32 $0xFFFFC000  }
0xed: {  	v3 =	vld [tilespmem:$0x70];
	_ =	sdelay $0x4  }
0xee: {  	v4 =	vshll.u32 v3, $0x3  }
0xef: {  	v3 =	vand.u32 $0x7, v3;
	v4 =	vand.u32 $0xFFFFFFC0, v4  }
0xf0: {  	v3 =	vor.u32 v3, v4  }
0xf1: {  	v4 =	vperm.xlane v3, v0;
	_ =	sdelay $0x1  }
0xf2: {  	v4 =	vadd.s32 v1, v4;
	_ =	sdelay $0x4  }
0xf3: {  	[tilespmem:s16], [sflag:$0x1] =	stream.indirect_vreg.gather [hbm4b:s1+s4], $0x80, v4, vm0, $0xb8;
	[tilespmem:$0x1C200] =	vst v63  }
0xf4: {  	s14 =	simm.s32 $0xA00;
	v3 =	vperm.xlane v3, v2  }
0xf5: {  	[tilespmem:s14], [sflag:$0x1] =	stream.indirect_vreg.gather [hbm4b:s5+s4], $0x80, v4, vm0, $0xb8;
	[tilespmem:$0x1C200] =	vst v63  }
0xf6: {  	s15 =	simm.s32 $0x1200;
	v3 =	vadd.s32 v1, v3  }
0xf7: {  	[tilespmem:s15], [sflag:$0x1] =	stream.indirect_vreg.gather [hbm4b:s6+s4], $0x80, v4, vm0, $0xb8;
	[tilespmem:$0x1C200] =	vst v63  }
0xf8: {  	s16 =	simm.s32 $0x1A00  }
0xf9: {  	[tilespmem:s16], [sflag:$0x1] =	stream.indirect_vreg.gather [hbm4b:s7+s4], $0x80, v4, vm0, $0xb8;
	[tilespmem:$0x1C200] =	vst v63  }
0xfa: {  	s20 =	simm.s32 $0x2200  }
0xfb: {  	[tilespmem:s20], [sflag:$0x1] =	stream.indirect_vreg.gather [hbm4b:s1+s4], $0x80, v3, vm0, $0xb8;
	[tilespmem:$0x1C200] =	vst v63  }
0xfc: {  	s21 =	simm.s32 $0x2A00  }
0xfd: {  	[tilespmem:s21], [sflag:$0x1] =	stream.indirect_vreg.gather [hbm4b:s5+s4], $0x80, v3, vm0, $0xb8;
	[tilespmem:$0x1C200] =	vst v63  }
0xfe: {  	s22 =	simm.s32 $0x3200  }
0xff: {  	[tilespmem:s22], [sflag:$0x1] =	stream.indirect_vreg.gather [hbm4b:s6+s4], $0x80, v3, vm0, $0xb8;
	[tilespmem:$0x1C200] =	vst v63  }
0x100: {  	s23 =	simm.s32 $0x3A00  }
0x101: {  	[tilespmem:s23], [sflag:$0x1] =	stream.indirect_vreg.gather [hbm4b:s7+s4], $0x80, v3, vm0, $0xb8;
	[tilespmem:$0x1C200] =	vst v63  }
0x102: {  	s24 =	sand.u32 $0x2000, s4;
	s25 =	sand.u32 $0x1C00, s4;
	_ =	swait.ge [sflag:s31], $0x4000  }
0x103: {  	s20 =	sor.u32 s25, s24;
	s4 =	sand.u32 $0x380, s4;
	[sflag:s31] =	ssyncset.done $0x0  }
0x104: {  	s21 =	sor.u32 s20, s4;
	[sflag:s31] =	ssyncadd.s32 $0xFFFFC000  }
0x105: {  	v3 =	vld [tilespmem:s21+$0x4270]  }
0x106: {  	v4 =	vld [tilespmem:s21+$0x4200]  }
0x107: {  	v5 =	vld [tilespmem:s21+$0x4210]  }
0x108: {  	v9 =	vld [tilespmem:s21+$0x4240]  }
0x109: {  	s26 =	simm.s32 $0x400;
	s28 =	simm.s32 $0x80;
	v6 =	vld [tilespmem:s21+$0x4220]  }
0x10a: {  	s22 =	simm.s32 $0x10;
	s20 =	sand.u32 $0x2000, s28;
	s4 =	sand.u32 $0x1C00, s26;
	v8 =	vld [tilespmem:s21+$0x4230];
	v3 =	vmul.f32 $3.200000000e+01, v3  }
0x10b: {  	s22 =	sand.u32 $0x380, s22;
	s4 =	sor.u32 s4, s20;
	v10 =	vld [tilespmem:s21+$0x4250];
	v4 =	vmul.f32 $3.200000000e+01, v4  }
0x10c: {  	s20 =	sor.u32 s4, s22;
	v12 =	vld [tilespmem:s21+$0x4260];
	v11 =	vmul.f32 $3.200000000e+01, v5;
	[tilespmem:s21+$0x4270] =	vst v3  }
0x10d: {  	v7 =	vld [tilespmem:s20+$0x4270];
	v9 =	vmul.f32 $3.200000000e+01, v9;
	[tilespmem:s21+$0x4200] =	vst v4  }
0x10e: {  	v5 =	vld [tilespmem:s20+$0x4200];
	v3 =	vmul.f32 $3.200000000e+01, v6;
	[tilespmem:s21+$0x4210] =	vst v11  }
0x10f: {  	v4 =	vmul.f32 $3.200000000e+01, v8;
	v6 =	vld [tilespmem:s20+$0x4210];
	[tilespmem:s21+$0x4240] =	vst v9  }
0x110: {  	s24 =	simm.s32 $0x800;
	v8 =	vmul.f32 $3.200000000e+01, v10;
	[tilespmem:s21+$0x4220] =	vst v3;
	v3 =	vld [tilespmem:s20+$0x4220]  }
0x111: {  	s23 =	simm.s32 $0x20;
	s26 =	simm.s32 $0x100;
	s22 =	simm.s32 $0x8;
	v9 =	vmul.f32 $3.200000000e+01, v12;
	[tilespmem:s21+$0x4230] =	vst v4;
	v4 =	vld [tilespmem:s20+$0x4230]  }
.LBB2_4:
0x112: {  	s4 =	sand.u32 $0x2000, s26;
	s25 =	sand.u32 $0x1C00, s24;
	s22 =	sadd.s32 $0x8, s22;
	v10 =	vld [tilespmem:s20+$0x4240];
	v7 =	vmul.f32 $3.200000000e+01, v7;
	[tilespmem:s21+$0x4250] =	vst v8  }
0x113: {  	s28 =	sand.u32 $0x380, s23;
	s4 =	sor.u32 s25, s4;
	p0 =	slt.u32 s22, $0x3F8;
	v5 =	vmul.f32 $3.200000000e+01, v5;
	v8 =	vld [tilespmem:s20+$0x4250];
	[tilespmem:s21+$0x4260] =	vst v9  }
0x114: {  	s21 =	smov.u32 s20;
	v6 =	vmul.f32 $3.200000000e+01, v6;
	v9 =	vld [tilespmem:s20+$0x4260];
	[tilespmem:s20+$0x4270] =	vst v7;
	s20 =	sor.u32 s4, s28  }
.Ltmp1:
0x115: {  	v7 =	vld [tilespmem:s20+$0x4270];
	[tilespmem:s21+$0x4200] =	vst v5;
	v3 =	vmul.f32 $3.200000000e+01, v3;
	(pc) =	sbr.rel @p0 .LBB2_4-.Ltmp1, $4  }
0x116: {  	v5 =	vld [tilespmem:s20+$0x4200];
	[tilespmem:s21+$0x4210] =	vst v6;
	v4 =	vmul.f32 $3.200000000e+01, v4  }
0x117: {  	v6 =	vld [tilespmem:s20+$0x4210];
	[tilespmem:s21+$0x4220] =	vst v3;
	v10 =	vmul.f32 $3.200000000e+01, v10  }
0x118: {  	v3 =	vld [tilespmem:s20+$0x4220];
	[tilespmem:s21+$0x4230] =	vst v4;
	v8 =	vmul.f32 $3.200000000e+01, v8  }
0x119: {  	s23 =	sadd.s32 $0x10, s23;
	s24 =	sadd.s32 $0x400, s24;
	s26 =	sadd.s32 $0x80, s26;
	v4 =	vld [tilespmem:s20+$0x4230];
	[tilespmem:s21+$0x4240] =	vst v10;
	v9 =	vmul.f32 $3.200000000e+01, v9  }
0x11a: {  	v10 =	vld [tilespmem:s20+$0x4240];
	v7 =	vmul.f32 $3.200000000e+01, v7;
	[tilespmem:s21+$0x4250] =	vst v8  }
0x11b: {  	v8 =	vld [tilespmem:s20+$0x4250];
	v5 =	vmul.f32 $3.200000000e+01, v5;
	[tilespmem:s21+$0x4260] =	vst v9  }
0x11c: {  	v9 =	vld [tilespmem:s20+$0x4260];
	v6 =	vmul.f32 $3.200000000e+01, v6;
	[tilespmem:s20+$0x4270] =	vst v7  }
0x11d: {  	[tilespmem:s20+$0x4200] =	vst v5;
	v3 =	vmul.f32 $3.200000000e+01, v3  }
0x11e: {  	[tilespmem:s20+$0x4210] =	vst v6;
	v4 =	vmul.f32 $3.200000000e+01, v4  }
0x11f: {  	[tilespmem:s20+$0x4220] =	vst v3;
	v3 =	vmul.f32 $3.200000000e+01, v10  }
0x120: {  	[tilespmem:s20+$0x4230] =	vst v4;
	v4 =	vmul.f32 $3.200000000e+01, v8  }
0x121: {  	[tilespmem:s20+$0x4240] =	vst v3;
	v3 =	vmul.f32 $3.200000000e+01, v9  }
0x122: {  	[tilespmem:s20+$0x4250] =	vst v4  }
0x123: {  	[tilespmem:s20+$0x4260] =	vst v3  }
0x124: {  	s4 =	simm.s32 $0x0;
	s16 =	simm.s32 $0x4200;
	s17 =	rddreg [dreg:$0x6]  }
0x125: {  	[hbm4b:s17+s4] =	stream.linear.scatter [tilespmem:s16], [sflag:$0x9], $0x4000, $0x38;
	[tilespmem:$0x1C200] =	vst v63  }
0x126: {  	_ =	swait.ge [sflag:s0], $0x4000  }
0x127: {  	[sflag:s0] =	ssyncset.done $0x0  }
0x128: {  	[sflag:s0] =	ssyncadd.s32 $0xFFFFC000  }
0x129: {  	v3 =	vld [tilespmem:$0x80];
	_ =	sdelay $0x4  }
0x12a: {  	v4 =	vshll.u32 v3, $0x3  }
0x12b: {  	v3 =	vand.u32 $0x7, v3;
	v4 =	vand.u32 $0xFFFFFFC0, v4  }
0x12c: {  	v3 =	vor.u32 v3, v4  }
0x12d: {  	v4 =	vperm.xlane v3, v0;
	_ =	sdelay $0x1  }
0x12e: {  	v4 =	vadd.s32 v1, v4;
	_ =	sdelay $0x4  }
0x12f: {  	[tilespmem:s16], [sflag:$0x2] =	stream.indirect_vreg.gather [hbm4b:s1+s4], $0x80, v4, vm0, $0xb8;
	[tilespmem:$0x1C200] =	vst v63  }
0x130: {  	s14 =	simm.s32 $0x4A00;
	v3 =	vperm.xlane v3, v2  }
0x131: {  	[tilespmem:s14], [sflag:$0x2] =	stream.indirect_vreg.gather [hbm4b:s5+s4], $0x80, v4, vm0, $0xb8;
	[tilespmem:$0x1C200] =	vst v63  }
0x132: {  	s15 =	simm.s32 $0x5200;
	v3 =	vadd.s32 v1, v3  }
0x133: {  	[tilespmem:s15], [sflag:$0x2] =	stream.indirect_vreg.gather [hbm4b:s6+s4], $0x80, v4, vm0, $0xb8;
	[tilespmem:$0x1C200] =	vst v63  }
0x134: {  	s17 =	simm.s32 $0x5A00  }
0x135: {  	[tilespmem:s17], [sflag:$0x2] =	stream.indirect_vreg.gather [hbm4b:s7+s4], $0x80, v4, vm0, $0xb8;
	[tilespmem:$0x1C200] =	vst v63  }
0x136: {  	s20 =	simm.s32 $0x6200  }
0x137: {  	[tilespmem:s20], [sflag:$0x2] =	stream.indirect_vreg.gather [hbm4b:s1+s4], $0x80, v3, vm0, $0xb8;
	[tilespmem:$0x1C200] =	vst v63  }
0x138: {  	s21 =	simm.s32 $0x6A00  }
0x139: {  	[tilespmem:s21], [sflag:$0x2] =	stream.indirect_vreg.gather [hbm4b:s5+s4], $0x80, v3, vm0, $0xb8;
	[tilespmem:$0x1C200] =	vst v63  }
0x13a: {  	s22 =	simm.s32 $0x7200  }
0x13b: {  	[tilespmem:s22], [sflag:$0x2] =	stream.indirect_vreg.gather [hbm4b:s6+s4], $0x80, v3, vm0, $0xb8;
	[tilespmem:$0x1C200] =	vst v63  }
0x13c: {  	s23 =	simm.s32 $0x7A00  }
0x13d: {  	[tilespmem:s23], [sflag:$0x2] =	stream.indirect_vreg.gather [hbm4b:s7+s4], $0x80, v3, vm0, $0xb8;
	[tilespmem:$0x1C200] =	vst v63  }
0x13e: {  	s24 =	sand.u32 $0x2000, s4;
	s25 =	sand.u32 $0x1C00, s4;
	_ =	swait.ge [sflag:s2], $0x4000  }
0x13f: {  	s20 =	sor.u32 s25, s24;
	s4 =	sand.u32 $0x380, s4;
	[sflag:s2] =	ssyncset.done $0x0  }
0x140: {  	s21 =	sor.u32 s20, s4;
	[sflag:s2] =	ssyncadd.s32 $0xFFFFC000  }
0x141: {  	v3 =	vld [tilespmem:s21+$0x8270]  }
0x142: {  	v4 =	vld [tilespmem:s21+$0x8200]  }
0x143: {  	v5 =	vld [tilespmem:s21+$0x8210]  }
0x144: {  	v9 =	vld [tilespmem:s21+$0x8240]  }
0x145: {  	s26 =	simm.s32 $0x400;
	s28 =	simm.s32 $0x80;
	v6 =	vld [tilespmem:s21+$0x8220]  }
0x146: {  	s22 =	simm.s32 $0x10;
	s20 =	sand.u32 $0x2000, s28;
	s4 =	sand.u32 $0x1C00, s26;
	v8 =	vld [tilespmem:s21+$0x8230];
	v3 =	vmul.f32 $3.200000000e+01, v3  }
0x147: {  	s22 =	sand.u32 $0x380, s22;
	s4 =	sor.u32 s4, s20;
	v10 =	vld [tilespmem:s21+$0x8250];
	v4 =	vmul.f32 $3.200000000e+01, v4  }
0x148: {  	s20 =	sor.u32 s4, s22;
	v12 =	vld [tilespmem:s21+$0x8260];
	v11 =	vmul.f32 $3.200000000e+01, v5;
	[tilespmem:s21+$0x8270] =	vst v3  }
0x149: {  	v7 =	vld [tilespmem:s20+$0x8270];
	v9 =	vmul.f32 $3.200000000e+01, v9;
	[tilespmem:s21+$0x8200] =	vst v4  }
0x14a: {  	v5 =	vld [tilespmem:s20+$0x8200];
	v3 =	vmul.f32 $3.200000000e+01, v6;
	[tilespmem:s21+$0x8210] =	vst v11  }
0x14b: {  	v4 =	vmul.f32 $3.200000000e+01, v8;
	v6 =	vld [tilespmem:s20+$0x8210];
	[tilespmem:s21+$0x8240] =	vst v9  }
0x14c: {  	s24 =	simm.s32 $0x800;
	v8 =	vmul.f32 $3.200000000e+01, v10;
	[tilespmem:s21+$0x8220] =	vst v3;
	v3 =	vld [tilespmem:s20+$0x8220]  }
0x14d: {  	s23 =	simm.s32 $0x20;
	s26 =	simm.s32 $0x100;
	s22 =	simm.s32 $0x8;
	v9 =	vmul.f32 $3.200000000e+01, v12;
	[tilespmem:s21+$0x8230] =	vst v4;
	v4 =	vld [tilespmem:s20+$0x8230]  }
.LBB2_6:
0x14e: {  	s4 =	sand.u32 $0x2000, s26;
	s25 =	sand.u32 $0x1C00, s24;
	s22 =	sadd.s32 $0x8, s22;
	v10 =	vld [tilespmem:s20+$0x8240];
	v7 =	vmul.f32 $3.200000000e+01, v7;
	[tilespmem:s21+$0x8250] =	vst v8  }
0x14f: {  	s28 =	sand.u32 $0x380, s23;
	s4 =	sor.u32 s25, s4;
	p0 =	slt.u32 s22, $0x3F8;
	v5 =	vmul.f32 $3.200000000e+01, v5;
	v8 =	vld [tilespmem:s20+$0x8250];
	[tilespmem:s21+$0x8260] =	vst v9  }
0x150: {  	s21 =	smov.u32 s20;
	v6 =	vmul.f32 $3.200000000e+01, v6;
	v9 =	vld [tilespmem:s20+$0x8260];
	[tilespmem:s20+$0x8270] =	vst v7;
	s20 =	sor.u32 s4, s28  }
.Ltmp2:
0x151: {  	v7 =	vld [tilespmem:s20+$0x8270];
	[tilespmem:s21+$0x8200] =	vst v5;
	v3 =	vmul.f32 $3.200000000e+01, v3;
	(pc) =	sbr.rel @p0 .LBB2_6-.Ltmp2, $4  }
0x152: {  	v5 =	vld [tilespmem:s20+$0x8200];
	[tilespmem:s21+$0x8210] =	vst v6;
	v4 =	vmul.f32 $3.200000000e+01, v4  }
0x153: {  	v6 =	vld [tilespmem:s20+$0x8210];
	[tilespmem:s21+$0x8220] =	vst v3;
	v10 =	vmul.f32 $3.200000000e+01, v10  }
0x154: {  	v3 =	vld [tilespmem:s20+$0x8220];
	[tilespmem:s21+$0x8230] =	vst v4;
	v8 =	vmul.f32 $3.200000000e+01, v8  }
0x155: {  	s23 =	sadd.s32 $0x10, s23;
	s24 =	sadd.s32 $0x400, s24;
	s26 =	sadd.s32 $0x80, s26;
	v4 =	vld [tilespmem:s20+$0x8230];
	[tilespmem:s21+$0x8240] =	vst v10;
	v9 =	vmul.f32 $3.200000000e+01, v9  }
0x156: {  	v10 =	vld [tilespmem:s20+$0x8240];
	v7 =	vmul.f32 $3.200000000e+01, v7;
	[tilespmem:s21+$0x8250] =	vst v8  }
0x157: {  	v8 =	vld [tilespmem:s20+$0x8250];
	v5 =	vmul.f32 $3.200000000e+01, v5;
	[tilespmem:s21+$0x8260] =	vst v9  }
0x158: {  	v9 =	vld [tilespmem:s20+$0x8260];
	v6 =	vmul.f32 $3.200000000e+01, v6;
	[tilespmem:s20+$0x8270] =	vst v7  }
0x159: {  	[tilespmem:s20+$0x8200] =	vst v5;
	v3 =	vmul.f32 $3.200000000e+01, v3  }
0x15a: {  	[tilespmem:s20+$0x8210] =	vst v6;
	v4 =	vmul.f32 $3.200000000e+01, v4  }
0x15b: {  	[tilespmem:s20+$0x8220] =	vst v3;
	v3 =	vmul.f32 $3.200000000e+01, v10  }
0x15c: {  	[tilespmem:s20+$0x8230] =	vst v4;
	v4 =	vmul.f32 $3.200000000e+01, v8  }
0x15d: {  	[tilespmem:s20+$0x8240] =	vst v3;
	v3 =	vmul.f32 $3.200000000e+01, v9  }
0x15e: {  	[tilespmem:s20+$0x8250] =	vst v4  }
0x15f: {  	[tilespmem:s20+$0x8260] =	vst v3  }
0x160: {  	s4 =	simm.s32 $0x0;
	s12 =	simm.s32 $0x8200;
	s17 =	rddreg [dreg:$0x7]  }
0x161: {  	[hbm4b:s17+s4] =	stream.linear.scatter [tilespmem:s12], [sflag:$0xA], $0x4000, $0x38;
	[tilespmem:$0x1C200] =	vst v63  }
0x162: {  	_ =	swait.ge [sflag:s9], $0x4000  }
0x163: {  	[sflag:s9] =	ssyncset.done $0x0  }
0x164: {  	[sflag:s9] =	ssyncadd.s32 $0xFFFFC000  }
0x165: {  	v3 =	vld [tilespmem:$0x90];
	_ =	sdelay $0x4  }
0x166: {  	v4 =	vshll.u32 v3, $0x3  }
0x167: {  	v3 =	vand.u32 $0x7, v3;
	v4 =	vand.u32 $0xFFFFFFC0, v4  }
0x168: {  	v3 =	vor.u32 v3, v4  }
0x169: {  	v4 =	vperm.xlane v3, v0;
	_ =	sdelay $0x1  }
0x16a: {  	v4 =	vadd.s32 v1, v4;
	_ =	sdelay $0x4  }
0x16b: {  	[tilespmem:s12], [sflag:$0x3] =	stream.indirect_vreg.gather [hbm4b:s1+s4], $0x80, v4, vm0, $0xb8;
	[tilespmem:$0x1C200] =	vst v63  }
0x16c: {  	s15 =	simm.s32 $0x8A00;
	v3 =	vperm.xlane v3, v2  }
0x16d: {  	[tilespmem:s15], [sflag:$0x3] =	stream.indirect_vreg.gather [hbm4b:s5+s4], $0x80, v4, vm0, $0xb8;
	[tilespmem:$0x1C200] =	vst v63  }
0x16e: {  	s16 =	simm.s32 $0x9200;
	v3 =	vadd.s32 v1, v3  }
0x16f: {  	[tilespmem:s16], [sflag:$0x3] =	stream.indirect_vreg.gather [hbm4b:s6+s4], $0x80, v4, vm0, $0xb8;
	[tilespmem:$0x1C200] =	vst v63  }
0x170: {  	s17 =	simm.s32 $0x9A00  }
0x171: {  	[tilespmem:s17], [sflag:$0x3] =	stream.indirect_vreg.gather [hbm4b:s7+s4], $0x80, v4, vm0, $0xb8;
	[tilespmem:$0x1C200] =	vst v63  }
0x172: {  	s20 =	simm.s32 $0xA200  }
0x173: {  	[tilespmem:s20], [sflag:$0x3] =	stream.indirect_vreg.gather [hbm4b:s1+s4], $0x80, v3, vm0, $0xb8;
	[tilespmem:$0x1C200] =	vst v63  }
0x174: {  	s21 =	simm.s32 $0xAA00  }
0x175: {  	[tilespmem:s21], [sflag:$0x3] =	stream.indirect_vreg.gather [hbm4b:s5+s4], $0x80, v3, vm0, $0xb8;
	[tilespmem:$0x1C200] =	vst v63  }
0x176: {  	s22 =	simm.s32 $0xB200  }
0x177: {  	[tilespmem:s22], [sflag:$0x3] =	stream.indirect_vreg.gather [hbm4b:s6+s4], $0x80, v3, vm0, $0xb8;
	[tilespmem:$0x1C200] =	vst v63  }
0x178: {  	s23 =	simm.s32 $0xBA00  }
0x179: {  	[tilespmem:s23], [sflag:$0x3] =	stream.indirect_vreg.gather [hbm4b:s7+s4], $0x80, v3, vm0, $0xb8;
	[tilespmem:$0x1C200] =	vst v63  }
0x17a: {  	s24 =	sand.u32 $0x2000, s4;
	s25 =	sand.u32 $0x1C00, s4;
	_ =	swait.ge [sflag:s10], $0x4000  }
0x17b: {  	s20 =	sor.u32 s25, s24;
	s4 =	sand.u32 $0x380, s4;
	[sflag:s10] =	ssyncset.done $0x0  }
0x17c: {  	s21 =	sor.u32 s20, s4;
	[sflag:s10] =	ssyncadd.s32 $0xFFFFC000  }
0x17d: {  	v3 =	vld [tilespmem:s21+$0xC270]  }
0x17e: {  	v4 =	vld [tilespmem:s21+$0xC200]  }
0x17f: {  	v5 =	vld [tilespmem:s21+$0xC210]  }
0x180: {  	v9 =	vld [tilespmem:s21+$0xC240]  }
0x181: {  	s26 =	simm.s32 $0x400;
	s28 =	simm.s32 $0x80;
	v6 =	vld [tilespmem:s21+$0xC220]  }
0x182: {  	s22 =	simm.s32 $0x10;
	s20 =	sand.u32 $0x2000, s28;
	s4 =	sand.u32 $0x1C00, s26;
	v8 =	vld [tilespmem:s21+$0xC230];
	v3 =	vmul.f32 $3.200000000e+01, v3  }
0x183: {  	s22 =	sand.u32 $0x380, s22;
	s4 =	sor.u32 s4, s20;
	v10 =	vld [tilespmem:s21+$0xC250];
	v4 =	vmul.f32 $3.200000000e+01, v4  }
0x184: {  	s20 =	sor.u32 s4, s22;
	v12 =	vld [tilespmem:s21+$0xC260];
	v11 =	vmul.f32 $3.200000000e+01, v5;
	[tilespmem:s21+$0xC270] =	vst v3  }
0x185: {  	v7 =	vld [tilespmem:s20+$0xC270];
	v9 =	vmul.f32 $3.200000000e+01, v9;
	[tilespmem:s21+$0xC200] =	vst v4  }
0x186: {  	v5 =	vld [tilespmem:s20+$0xC200];
	v3 =	vmul.f32 $3.200000000e+01, v6;
	[tilespmem:s21+$0xC210] =	vst v11  }
0x187: {  	v4 =	vmul.f32 $3.200000000e+01, v8;
	v6 =	vld [tilespmem:s20+$0xC210];
	[tilespmem:s21+$0xC240] =	vst v9  }
0x188: {  	s24 =	simm.s32 $0x800;
	v8 =	vmul.f32 $3.200000000e+01, v10;
	[tilespmem:s21+$0xC220] =	vst v3;
	v3 =	vld [tilespmem:s20+$0xC220]  }
0x189: {  	s23 =	simm.s32 $0x20;
	s26 =	simm.s32 $0x100;
	s22 =	simm.s32 $0x8;
	v9 =	vmul.f32 $3.200000000e+01, v12;
	[tilespmem:s21+$0xC230] =	vst v4;
	v4 =	vld [tilespmem:s20+$0xC230]  }
.LBB2_8:
0x18a: {  	s4 =	sand.u32 $0x2000, s26;
	s25 =	sand.u32 $0x1C00, s24;
	s22 =	sadd.s32 $0x8, s22;
	v10 =	vld [tilespmem:s20+$0xC240];
	v7 =	vmul.f32 $3.200000000e+01, v7;
	[tilespmem:s21+$0xC250] =	vst v8  }
0x18b: {  	s28 =	sand.u32 $0x380, s23;
	s4 =	sor.u32 s25, s4;
	p0 =	slt.u32 s22, $0x3F8;
	v5 =	vmul.f32 $3.200000000e+01, v5;
	v8 =	vld [tilespmem:s20+$0xC250];
	[tilespmem:s21+$0xC260] =	vst v9  }
0x18c: {  	s21 =	smov.u32 s20;
	v6 =	vmul.f32 $3.200000000e+01, v6;
	v9 =	vld [tilespmem:s20+$0xC260];
	[tilespmem:s20+$0xC270] =	vst v7;
	s20 =	sor.u32 s4, s28  }
.Ltmp3:
0x18d: {  	v7 =	vld [tilespmem:s20+$0xC270];
	[tilespmem:s21+$0xC200] =	vst v5;
	v3 =	vmul.f32 $3.200000000e+01, v3;
	(pc) =	sbr.rel @p0 .LBB2_8-.Ltmp3, $4  }
0x18e: {  	v5 =	vld [tilespmem:s20+$0xC200];
	[tilespmem:s21+$0xC210] =	vst v6;
	v4 =	vmul.f32 $3.200000000e+01, v4  }
0x18f: {  	v6 =	vld [tilespmem:s20+$0xC210];
	[tilespmem:s21+$0xC220] =	vst v3;
	v10 =	vmul.f32 $3.200000000e+01, v10  }
0x190: {  	v3 =	vld [tilespmem:s20+$0xC220];
	[tilespmem:s21+$0xC230] =	vst v4;
	v8 =	vmul.f32 $3.200000000e+01, v8  }
0x191: {  	s23 =	sadd.s32 $0x10, s23;
	s24 =	sadd.s32 $0x400, s24;
	s26 =	sadd.s32 $0x80, s26;
	v4 =	vld [tilespmem:s20+$0xC230];
	[tilespmem:s21+$0xC240] =	vst v10;
	v9 =	vmul.f32 $3.200000000e+01, v9  }
0x192: {  	v10 =	vld [tilespmem:s20+$0xC240];
	v7 =	vmul.f32 $3.200000000e+01, v7;
	[tilespmem:s21+$0xC250] =	vst v8  }
0x193: {  	v8 =	vld [tilespmem:s20+$0xC250];
	v5 =	vmul.f32 $3.200000000e+01, v5;
	[tilespmem:s21+$0xC260] =	vst v9  }
0x194: {  	v9 =	vld [tilespmem:s20+$0xC260];
	v6 =	vmul.f32 $3.200000000e+01, v6;
	[tilespmem:s20+$0xC270] =	vst v7  }
0x195: {  	[tilespmem:s20+$0xC200] =	vst v5;
	v3 =	vmul.f32 $3.200000000e+01, v3  }
0x196: {  	[tilespmem:s20+$0xC210] =	vst v6;
	v4 =	vmul.f32 $3.200000000e+01, v4  }
0x197: {  	[tilespmem:s20+$0xC220] =	vst v3;
	v3 =	vmul.f32 $3.200000000e+01, v10  }
0x198: {  	[tilespmem:s20+$0xC230] =	vst v4;
	v4 =	vmul.f32 $3.200000000e+01, v8  }
0x199: {  	[tilespmem:s20+$0xC240] =	vst v3;
	v3 =	vmul.f32 $3.200000000e+01, v9  }
0x19a: {  	[tilespmem:s20+$0xC250] =	vst v4  }
0x19b: {  	[tilespmem:s20+$0xC260] =	vst v3  }
0x19c: {  	s4 =	simm.s32 $0x0;
	s12 =	simm.s32 $0xC200;
	s17 =	rddreg [dreg:$0x8]  }
0x19d: {  	[hbm4b:s17+s4] =	stream.linear.scatter [tilespmem:s12], [sflag:$0xB], $0x4000, $0x38;
	[tilespmem:$0x1C200] =	vst v63  }
0x19e: {  	_ =	swait.ge [sflag:s11], $0x4000  }
0x19f: {  	[sflag:s11] =	ssyncset.done $0x0  }
0x1a0: {  	[sflag:s11] =	ssyncadd.s32 $0xFFFFC000  }
0x1a1: {  	v3 =	vld [tilespmem:$0xA0];
	_ =	sdelay $0x4  }
0x1a2: {  	v4 =	vshll.u32 v3, $0x3  }
0x1a3: {  	v3 =	vand.u32 $0x7, v3;
	v4 =	vand.u32 $0xFFFFFFC0, v4  }
0x1a4: {  	v3 =	vor.u32 v3, v4  }
0x1a5: {  	v4 =	vperm.xlane v3, v0;
	_ =	sdelay $0x1  }
0x1a6: {  	v4 =	vadd.s32 v1, v4;
	_ =	sdelay $0x4  }
0x1a7: {  	[tilespmem:s12], [sflag:$0x4] =	stream.indirect_vreg.gather [hbm4b:s1+s4], $0x80, v4, vm0, $0xb8;
	[tilespmem:$0x1C200] =	vst v63  }
0x1a8: {  	s14 =	simm.s32 $0xCA00;
	v3 =	vperm.xlane v3, v2  }
0x1a9: {  	[tilespmem:s14], [sflag:$0x4] =	stream.indirect_vreg.gather [hbm4b:s5+s4], $0x80, v4, vm0, $0xb8;
	[tilespmem:$0x1C200] =	vst v63  }
0x1aa: {  	s15 =	simm.s32 $0xD200;
	v3 =	vadd.s32 v1, v3  }
0x1ab: {  	[tilespmem:s15], [sflag:$0x4] =	stream.indirect_vreg.gather [hbm4b:s6+s4], $0x80, v4, vm0, $0xb8;
	[tilespmem:$0x1C200] =	vst v63  }
0x1ac: {  	s16 =	simm.s32 $0xDA00  }
0x1ad: {  	[tilespmem:s16], [sflag:$0x4] =	stream.indirect_vreg.gather [hbm4b:s7+s4], $0x80, v4, vm0, $0xb8;
	[tilespmem:$0x1C200] =	vst v63  }
0x1ae: {  	s17 =	simm.s32 $0xE200  }
0x1af: {  	[tilespmem:s17], [sflag:$0x4] =	stream.indirect_vreg.gather [hbm4b:s1+s4], $0x80, v3, vm0, $0xb8;
	[tilespmem:$0x1C200] =	vst v63  }
0x1b0: {  	s20 =	simm.s32 $0xEA00  }
0x1b1: {  	[tilespmem:s20], [sflag:$0x4] =	stream.indirect_vreg.gather [hbm4b:s5+s4], $0x80, v3, vm0, $0xb8;
	[tilespmem:$0x1C200] =	vst v63  }
0x1b2: {  	s21 =	simm.s32 $0xF200  }
0x1b3: {  	[tilespmem:s21], [sflag:$0x4] =	stream.indirect_vreg.gather [hbm4b:s6+s4], $0x80, v3, vm0, $0xb8;
	[tilespmem:$0x1C200] =	vst v63  }
0x1b4: {  	s22 =	simm.s32 $0xFA00;
	s23 =	simm.s32 $0x5  }
0x1b5: {  	[tilespmem:s22], [sflag:$0x4] =	stream.indirect_vreg.gather [hbm4b:s7+s4], $0x80, v3, vm0, $0xb8;
	[tilespmem:$0x1C200] =	vst v63  }
0x1b6: {  	s24 =	sand.u32 $0x2000, s4;
	s25 =	sand.u32 $0x1C00, s4;
	_ =	swait.ge [sflag:s23], $0x4000  }
0x1b7: {  	s20 =	sor.u32 s25, s24;
	s4 =	sand.u32 $0x380, s4;
	[sflag:s23] =	ssyncset.done $0x0  }
0x1b8: {  	s4 =	sor.u32 s20, s4;
	[sflag:s23] =	ssyncadd.s32 $0xFFFFC000  }
0x1b9: {  	s20 =	sadd.s32 $0x10200, s4;
	v3 =	vld [tilespmem:s4+$0x10200]  }
0x1ba: {  	v4 =	vld [tilespmem:s20+$0x70]  }
0x1bb: {  	v9 =	vld [tilespmem:s20+$0x40]  }
0x1bc: {  	v5 =	vld [tilespmem:s20+$0x10]  }
0x1bd: {  	s26 =	simm.s32 $0x400;
	s22 =	simm.s32 $0x80;
	v6 =	vld [tilespmem:s20+$0x20]  }
0x1be: {  	s21 =	sand.u32 $0x1C00, s26;
	s22 =	sand.u32 $0x2000, s22;
	s23 =	simm.s32 $0x10;
	v8 =	vld [tilespmem:s20+$0x30];
	v3 =	vmul.f32 $3.200000000e+01, v3  }
0x1bf: {  	s21 =	sor.u32 s21, s22;
	s23 =	sand.u32 $0x380, s23;
	v10 =	vld [tilespmem:s20+$0x50];
	v4 =	vmul.f32 $3.200000000e+01, v4  }
0x1c0: {  	v11 =	vld [tilespmem:s20+$0x60];
	s22 =	sor.u32 s21, s23;
	v9 =	vmul.f32 $3.200000000e+01, v9;
	[tilespmem:s4+$0x10200] =	vst v3  }
0x1c1: {  	s21 =	sadd.s32 $0x10200, s22;
	v7 =	vld [tilespmem:s22+$0x10200];
	v3 =	vmul.f32 $3.200000000e+01, v5;
	[tilespmem:s20+$0x70] =	vst v4  }
0x1c2: {  	v5 =	vmul.f32 $3.200000000e+01, v6;
	v6 =	vld [tilespmem:s21+$0x70];
	[tilespmem:s20+$0x40] =	vst v9  }
0x1c3: {  	v4 =	vld [tilespmem:s21+$0x10];
	[tilespmem:s20+$0x10] =	vst v3;
	v3 =	vmul.f32 $3.200000000e+01, v8  }
0x1c4: {  	s28 =	simm.s32 $0x100;
	[tilespmem:s20+$0x20] =	vst v5;
	v5 =	vld [tilespmem:s21+$0x20];
	v8 =	vmul.f32 $3.200000000e+01, v10  }
0x1c5: {  	s24 =	simm.s32 $0x20;
	s26 =	simm.s32 $0x800;
	s23 =	simm.s32 $0x8;
	v9 =	vmul.f32 $3.200000000e+01, v11;
	[tilespmem:s20+$0x30] =	vst v3;
	v3 =	vld [tilespmem:s21+$0x30]  }
.LBB2_10:
0x1c6: {  	s4 =	sand.u32 $0x2000, s28;
	s25 =	sand.u32 $0x1C00, s26;
	s23 =	sadd.s32 $0x8, s23;
	v7 =	vmul.f32 $3.200000000e+01, v7;
	v10 =	vld [tilespmem:s21+$0x40];
	[tilespmem:s20+$0x50] =	vst v8  }
0x1c7: {  	s17 =	sand.u32 $0x380, s24;
	s4 =	sor.u32 s25, s4;
	p0 =	slt.u32 s23, $0x3F8;
	v8 =	vld [tilespmem:s21+$0x50];
	v6 =	vmul.f32 $3.200000000e+01, v6;
	[tilespmem:s20+$0x60] =	vst v9  }
0x1c8: {  	s20 =	smov.u32 s21;
	[tilespmem:s22+$0x10200] =	vst v7;
	s22 =	sor.u32 s4, s17;
	v4 =	vmul.f32 $3.200000000e+01, v4;
	v9 =	vld [tilespmem:s21+$0x60]  }
.Ltmp4:
0x1c9: {  	s21 =	sadd.s32 $0x10200, s22;
	v7 =	vld [tilespmem:s22+$0x10200];
	v5 =	vmul.f32 $3.200000000e+01, v5;
	[tilespmem:s20+$0x70] =	vst v6;
	(pc) =	sbr.rel @p0 .LBB2_10-.Ltmp4, $4  }
0x1ca: {  	v6 =	vld [tilespmem:s21+$0x70];
	[tilespmem:s20+$0x10] =	vst v4;
	v3 =	vmul.f32 $3.200000000e+01, v3  }
0x1cb: {  	v4 =	vld [tilespmem:s21+$0x10];
	[tilespmem:s20+$0x20] =	vst v5;
	v10 =	vmul.f32 $3.200000000e+01, v10  }
0x1cc: {  	v5 =	vld [tilespmem:s21+$0x20];
	[tilespmem:s20+$0x30] =	vst v3;
	v8 =	vmul.f32 $3.200000000e+01, v8  }
0x1cd: {  	s24 =	sadd.s32 $0x10, s24;
	s26 =	sadd.s32 $0x400, s26;
	s28 =	sadd.s32 $0x80, s28;
	v3 =	vld [tilespmem:s21+$0x30];
	[tilespmem:s20+$0x40] =	vst v10;
	v9 =	vmul.f32 $3.200000000e+01, v9  }
0x1ce: {  	v7 =	vmul.f32 $3.200000000e+01, v7;
	v10 =	vld [tilespmem:s21+$0x40];
	[tilespmem:s20+$0x50] =	vst v8  }
0x1cf: {  	v8 =	vld [tilespmem:s21+$0x50];
	v6 =	vmul.f32 $3.200000000e+01, v6;
	[tilespmem:s20+$0x60] =	vst v9  }
0x1d0: {  	[tilespmem:s22+$0x10200] =	vst v7;
	v4 =	vmul.f32 $3.200000000e+01, v4;
	v7 =	vld [tilespmem:s21+$0x60]  }
0x1d1: {  	v5 =	vmul.f32 $3.200000000e+01, v5;
	[tilespmem:s21+$0x70] =	vst v6  }
0x1d2: {  	[tilespmem:s21+$0x10] =	vst v4;
	v3 =	vmul.f32 $3.200000000e+01, v3  }
0x1d3: {  	[tilespmem:s21+$0x20] =	vst v5;
	v4 =	vmul.f32 $3.200000000e+01, v10  }
0x1d4: {  	[tilespmem:s21+$0x30] =	vst v3;
	v3 =	vmul.f32 $3.200000000e+01, v8  }
0x1d5: {  	[tilespmem:s21+$0x40] =	vst v4;
	v4 =	vmul.f32 $3.200000000e+01, v7  }
0x1d6: {  	[tilespmem:s21+$0x50] =	vst v3  }
0x1d7: {  	s4 =	simm.s32 $0x0;
	[tilespmem:s21+$0x60] =	vst v4  }
0x1d8: {  	s12 =	simm.s32 $0x10200;
	s13 =	simm.s32 $0xC;
	s17 =	rddreg [dreg:$0x9]  }
0x1d9: {  	[hbm4b:s17+s4] =	stream.linear.scatter [tilespmem:s12], [sflag:$0xC], $0x4000, $0x38;
	[tilespmem:$0x1C200] =	vst v63  }
0x1da: {  	_ =	swait.ge [sflag:s13], $0x4000  }
0x1db: {  	[sflag:s13] =	ssyncset.done $0x0  }
0x1dc: {  	[sflag:s13] =	ssyncadd.s32 $0xFFFFC000  }
0x1dd: {  	v3 =	vld [tilespmem:$0xB0];
	_ =	sdelay $0x4  }
0x1de: {  	v4 =	vshll.u32 v3, $0x3  }
0x1df: {  	v3 =	vand.u32 $0x7, v3;
	v4 =	vand.u32 $0xFFFFFFC0, v4  }
0x1e0: {  	v3 =	vor.u32 v3, v4  }
0x1e1: {  	v4 =	vperm.xlane v3, v0;
	_ =	sdelay $0x1  }
0x1e2: {  	v4 =	vadd.s32 v1, v4;
	_ =	sdelay $0x4  }
0x1e3: {  	[tilespmem:s12], [sflag:$0x5] =	stream.indirect_vreg.gather [hbm4b:s1+s4], $0x80, v4, vm0, $0xb8;
	[tilespmem:$0x1C200] =	vst v63  }
0x1e4: {  	s26 =	simm.s32 $0x10A00;
	v3 =	vperm.xlane v3, v2  }
0x1e5: {  	[tilespmem:s26], [sflag:$0x5] =	stream.indirect_vreg.gather [hbm4b:s5+s4], $0x80, v4, vm0, $0xb8;
	[tilespmem:$0x1C200] =	vst v63  }
0x1e6: {  	s13 =	simm.s32 $0x11200;
	v3 =	vadd.s32 v1, v3  }
0x1e7: {  	[tilespmem:s13], [sflag:$0x5] =	stream.indirect_vreg.gather [hbm4b:s6+s4], $0x80, v4, vm0, $0xb8;
	[tilespmem:$0x1C200] =	vst v63  }
0x1e8: {  	s14 =	simm.s32 $0x11A00  }
0x1e9: {  	[tilespmem:s14], [sflag:$0x5] =	stream.indirect_vreg.gather [hbm4b:s7+s4], $0x80, v4, vm0, $0xb8;
	[tilespmem:$0x1C200] =	vst v63  }
0x1ea: {  	s15 =	simm.s32 $0x12200  }
0x1eb: {  	[tilespmem:s15], [sflag:$0x5] =	stream.indirect_vreg.gather [hbm4b:s1+s4], $0x80, v3, vm0, $0xb8;
	[tilespmem:$0x1C200] =	vst v63  }
0x1ec: {  	s16 =	simm.s32 $0x12A00  }
0x1ed: {  	[tilespmem:s16], [sflag:$0x5] =	stream.indirect_vreg.gather [hbm4b:s5+s4], $0x80, v3, vm0, $0xb8;
	[tilespmem:$0x1C200] =	vst v63  }
0x1ee: {  	s17 =	simm.s32 $0x13200  }
0x1ef: {  	[tilespmem:s17], [sflag:$0x5] =	stream.indirect_vreg.gather [hbm4b:s6+s4], $0x80, v3, vm0, $0xb8;
	[tilespmem:$0x1C200] =	vst v63  }
0x1f0: {  	s20 =	simm.s32 $0x13A00;
	s21 =	simm.s32 $0x6  }
0x1f1: {  	[tilespmem:s20], [sflag:$0x5] =	stream.indirect_vreg.gather [hbm4b:s7+s4], $0x80, v3, vm0, $0xb8;
	[tilespmem:$0x1C200] =	vst v63  }
0x1f2: {  	s23 =	sand.u32 $0x1C00, s4;
	s22 =	sand.u32 $0x2000, s4;
	_ =	swait.ge [sflag:s21], $0x4000  }
0x1f3: {  	s17 =	sor.u32 s23, s22;
	s4 =	sand.u32 $0x380, s4;
	[sflag:s21] =	ssyncset.done $0x0  }
0x1f4: {  	s4 =	sor.u32 s17, s4;
	[sflag:s21] =	ssyncadd.s32 $0xFFFFC000  }
0x1f5: {  	s20 =	sadd.s32 $0x14200, s4;
	v3 =	vld [tilespmem:s4+$0x14200]  }
0x1f6: {  	v4 =	vld [tilespmem:s20+$0x70]  }
0x1f7: {  	v9 =	vld [tilespmem:s20+$0x40]  }
0x1f8: {  	v5 =	vld [tilespmem:s20+$0x10]  }
0x1f9: {  	s24 =	simm.s32 $0x400;
	s25 =	simm.s32 $0x80;
	v6 =	vld [tilespmem:s20+$0x20]  }
0x1fa: {  	s26 =	simm.s32 $0x10;
	s17 =	sand.u32 $0x1C00, s24;
	s21 =	sand.u32 $0x2000, s25;
	v8 =	vld [tilespmem:s20+$0x30];
	v3 =	vmul.f32 $3.200000000e+01, v3  }
0x1fb: {  	s22 =	sand.u32 $0x380, s26;
	s17 =	sor.u32 s17, s21;
	v10 =	vld [tilespmem:s20+$0x50];
	v4 =	vmul.f32 $3.200000000e+01, v4  }
0x1fc: {  	v11 =	vld [tilespmem:s20+$0x60];
	s22 =	sor.u32 s17, s22;
	v9 =	vmul.f32 $3.200000000e+01, v9;
	[tilespmem:s4+$0x14200] =	vst v3  }
0x1fd: {  	s21 =	sadd.s32 $0x14200, s22;
	v7 =	vld [tilespmem:s22+$0x14200];
	v3 =	vmul.f32 $3.200000000e+01, v5;
	[tilespmem:s20+$0x70] =	vst v4  }
0x1fe: {  	v5 =	vmul.f32 $3.200000000e+01, v6;
	v6 =	vld [tilespmem:s21+$0x70];
	[tilespmem:s20+$0x40] =	vst v9  }
0x1ff: {  	v4 =	vld [tilespmem:s21+$0x10];
	[tilespmem:s20+$0x10] =	vst v3;
	v3 =	vmul.f32 $3.200000000e+01, v8  }
0x200: {  	s28 =	simm.s32 $0x100;
	[tilespmem:s20+$0x20] =	vst v5;
	v5 =	vld [tilespmem:s21+$0x20];
	v8 =	vmul.f32 $3.200000000e+01, v10  }
0x201: {  	s23 =	simm.s32 $0x8;
	s26 =	simm.s32 $0x800;
	s24 =	simm.s32 $0x20;
	v9 =	vmul.f32 $3.200000000e+01, v11;
	[tilespmem:s20+$0x30] =	vst v3;
	v3 =	vld [tilespmem:s21+$0x30]  }
.LBB2_12:
0x202: {  	s4 =	sand.u32 $0x2000, s28;
	s17 =	sand.u32 $0x1C00, s26;
	s23 =	sadd.s32 $0x8, s23;
	v7 =	vmul.f32 $3.200000000e+01, v7;
	v10 =	vld [tilespmem:s21+$0x40];
	[tilespmem:s20+$0x50] =	vst v8  }
0x203: {  	s25 =	sand.u32 $0x380, s24;
	s4 =	sor.u32 s17, s4;
	p0 =	slt.u32 s23, $0x3F8;
	v8 =	vld [tilespmem:s21+$0x50];
	v6 =	vmul.f32 $3.200000000e+01, v6;
	[tilespmem:s20+$0x60] =	vst v9  }
0x204: {  	s20 =	smov.u32 s21;
	[tilespmem:s22+$0x14200] =	vst v7;
	s22 =	sor.u32 s4, s25;
	v4 =	vmul.f32 $3.200000000e+01, v4;
	v9 =	vld [tilespmem:s21+$0x60]  }
.Ltmp5:
0x205: {  	s21 =	sadd.s32 $0x14200, s22;
	v7 =	vld [tilespmem:s22+$0x14200];
	v5 =	vmul.f32 $3.200000000e+01, v5;
	[tilespmem:s20+$0x70] =	vst v6;
	(pc) =	sbr.rel @p0 .LBB2_12-.Ltmp5, $4  }
0x206: {  	v6 =	vld [tilespmem:s21+$0x70];
	[tilespmem:s20+$0x10] =	vst v4;
	v3 =	vmul.f32 $3.200000000e+01, v3  }
0x207: {  	v4 =	vld [tilespmem:s21+$0x10];
	[tilespmem:s20+$0x20] =	vst v5;
	v10 =	vmul.f32 $3.200000000e+01, v10  }
0x208: {  	v5 =	vld [tilespmem:s21+$0x20];
	[tilespmem:s20+$0x30] =	vst v3;
	v8 =	vmul.f32 $3.200000000e+01, v8  }
0x209: {  	s24 =	sadd.s32 $0x10, s24;
	s26 =	sadd.s32 $0x400, s26;
	s28 =	sadd.s32 $0x80, s28;
	v3 =	vld [tilespmem:s21+$0x30];
	[tilespmem:s20+$0x40] =	vst v10;
	v9 =	vmul.f32 $3.200000000e+01, v9  }
0x20a: {  	v7 =	vmul.f32 $3.200000000e+01, v7;
	v10 =	vld [tilespmem:s21+$0x40];
	[tilespmem:s20+$0x50] =	vst v8  }
0x20b: {  	v8 =	vld [tilespmem:s21+$0x50];
	v6 =	vmul.f32 $3.200000000e+01, v6;
	[tilespmem:s20+$0x60] =	vst v9  }
0x20c: {  	[tilespmem:s22+$0x14200] =	vst v7;
	v4 =	vmul.f32 $3.200000000e+01, v4;
	v7 =	vld [tilespmem:s21+$0x60]  }
0x20d: {  	v5 =	vmul.f32 $3.200000000e+01, v5;
	[tilespmem:s21+$0x70] =	vst v6  }
0x20e: {  	[tilespmem:s21+$0x10] =	vst v4;
	v3 =	vmul.f32 $3.200000000e+01, v3  }
0x20f: {  	[tilespmem:s21+$0x20] =	vst v5;
	v4 =	vmul.f32 $3.200000000e+01, v10  }
0x210: {  	[tilespmem:s21+$0x30] =	vst v3;
	v3 =	vmul.f32 $3.200000000e+01, v8  }
0x211: {  	[tilespmem:s21+$0x40] =	vst v4;
	v4 =	vmul.f32 $3.200000000e+01, v7  }
0x212: {  	[tilespmem:s21+$0x50] =	vst v3  }
0x213: {  	s4 =	simm.s32 $0x0;
	[tilespmem:s21+$0x60] =	vst v4  }
0x214: {  	s12 =	simm.s32 $0x14200;
	s13 =	simm.s32 $0xD;
	s17 =	rddreg [dreg:$0xa]  }
0x215: {  	[hbm4b:s17+s4] =	stream.linear.scatter [tilespmem:s12], [sflag:$0xD], $0x4000, $0x38;
	[tilespmem:$0x1C200] =	vst v63  }
0x216: {  	_ =	swait.ge [sflag:s13], $0x4000  }
0x217: {  	[sflag:s13] =	ssyncset.done $0x0  }
0x218: {  	[sflag:s13] =	ssyncadd.s32 $0xFFFFC000  }
0x219: {  	v3 =	vld [tilespmem:$0xC0];
	_ =	sdelay $0x4  }
0x21a: {  	v4 =	vshll.u32 v3, $0x3  }
0x21b: {  	v3 =	vand.u32 $0x7, v3;
	v4 =	vand.u32 $0xFFFFFFC0, v4  }
0x21c: {  	v3 =	vor.u32 v3, v4  }
0x21d: {  	v4 =	vperm.xlane v3, v0;
	_ =	sdelay $0x1  }
0x21e: {  	v4 =	vadd.s32 v1, v4;
	_ =	sdelay $0x4  }
0x21f: {  	[tilespmem:s12], [sflag:$0x6] =	stream.indirect_vreg.gather [hbm4b:s1+s4], $0x80, v4, vm0, $0xb8;
	[tilespmem:$0x1C200] =	vst v63  }
0x220: {  	s13 =	simm.s32 $0x14A00;
	v3 =	vperm.xlane v3, v2  }
0x221: {  	[tilespmem:s13], [sflag:$0x6] =	stream.indirect_vreg.gather [hbm4b:s5+s4], $0x80, v4, vm0, $0xb8;
	[tilespmem:$0x1C200] =	vst v63  }
0x222: {  	s14 =	simm.s32 $0x15200;
	v3 =	vadd.s32 v1, v3  }
0x223: {  	[tilespmem:s14], [sflag:$0x6] =	stream.indirect_vreg.gather [hbm4b:s6+s4], $0x80, v4, vm0, $0xb8;
	[tilespmem:$0x1C200] =	vst v63  }
0x224: {  	s15 =	simm.s32 $0x15A00  }
0x225: {  	[tilespmem:s15], [sflag:$0x6] =	stream.indirect_vreg.gather [hbm4b:s7+s4], $0x80, v4, vm0, $0xb8;
	[tilespmem:$0x1C200] =	vst v63  }
0x226: {  	s16 =	simm.s32 $0x16200  }
0x227: {  	[tilespmem:s16], [sflag:$0x6] =	stream.indirect_vreg.gather [hbm4b:s1+s4], $0x80, v3, vm0, $0xb8;
	[tilespmem:$0x1C200] =	vst v63  }
0x228: {  	s17 =	simm.s32 $0x16A00  }
0x229: {  	[tilespmem:s17], [sflag:$0x6] =	stream.indirect_vreg.gather [hbm4b:s5+s4], $0x80, v3, vm0, $0xb8;
	[tilespmem:$0x1C200] =	vst v63  }
0x22a: {  	s20 =	simm.s32 $0x17200  }
0x22b: {  	[tilespmem:s20], [sflag:$0x6] =	stream.indirect_vreg.gather [hbm4b:s6+s4], $0x80, v3, vm0, $0xb8;
	[tilespmem:$0x1C200] =	vst v63  }
0x22c: {  	s21 =	simm.s32 $0x17A00  }
0x22d: {  	[tilespmem:s21], [sflag:$0x6] =	stream.indirect_vreg.gather [hbm4b:s7+s4], $0x80, v3, vm0, $0xb8;
	[tilespmem:$0x1C200] =	vst v63  }
0x22e: {  	s23 =	sand.u32 $0x1C00, s4;
	s22 =	sand.u32 $0x2000, s4;
	_ =	swait.ge [sflag:s8], $0x4000  }
0x22f: {  	s17 =	sor.u32 s23, s22;
	s4 =	sand.u32 $0x380, s4;
	[sflag:s8] =	ssyncset.done $0x0  }
0x230: {  	s4 =	sor.u32 s17, s4;
	[sflag:s8] =	ssyncadd.s32 $0xFFFFC000  }
0x231: {  	s20 =	sadd.s32 $0x18200, s4;
	v3 =	vld [tilespmem:s4+$0x18200]  }
0x232: {  	v4 =	vld [tilespmem:s20+$0x70]  }
0x233: {  	v9 =	vld [tilespmem:s20+$0x40]  }
0x234: {  	v5 =	vld [tilespmem:s20+$0x10]  }
0x235: {  	s24 =	simm.s32 $0x400;
	s25 =	simm.s32 $0x80;
	v6 =	vld [tilespmem:s20+$0x20]  }
0x236: {  	s26 =	simm.s32 $0x10;
	s21 =	sand.u32 $0x2000, s25;
	s17 =	sand.u32 $0x1C00, s24;
	v8 =	vld [tilespmem:s20+$0x30];
	v3 =	vmul.f32 $3.200000000e+01, v3  }
0x237: {  	s22 =	sand.u32 $0x380, s26;
	s17 =	sor.u32 s17, s21;
	v10 =	vld [tilespmem:s20+$0x50];
	v4 =	vmul.f32 $3.200000000e+01, v4  }
0x238: {  	s22 =	sor.u32 s17, s22;
	v11 =	vld [tilespmem:s20+$0x60];
	v9 =	vmul.f32 $3.200000000e+01, v9;
	[tilespmem:s4+$0x18200] =	vst v3  }
0x239: {  	s21 =	sadd.s32 $0x18200, s22;
	v7 =	vld [tilespmem:s22+$0x18200];
	v3 =	vmul.f32 $3.200000000e+01, v5;
	[tilespmem:s20+$0x70] =	vst v4  }
0x23a: {  	v5 =	vmul.f32 $3.200000000e+01, v6;
	v6 =	vld [tilespmem:s21+$0x70];
	[tilespmem:s20+$0x40] =	vst v9  }
0x23b: {  	v4 =	vld [tilespmem:s21+$0x10];
	[tilespmem:s20+$0x10] =	vst v3;
	v3 =	vmul.f32 $3.200000000e+01, v8  }
0x23c: {  	s28 =	simm.s32 $0x100;
	[tilespmem:s20+$0x20] =	vst v5;
	v5 =	vld [tilespmem:s21+$0x20];
	v8 =	vmul.f32 $3.200000000e+01, v10  }
0x23d: {  	s23 =	simm.s32 $0x8;
	s26 =	simm.s32 $0x800;
	s24 =	simm.s32 $0x20;
	v9 =	vmul.f32 $3.200000000e+01, v11;
	[tilespmem:s20+$0x30] =	vst v3;
	v3 =	vld [tilespmem:s21+$0x30]  }
.LBB2_14:
0x23e: {  	s4 =	sand.u32 $0x2000, s28;
	s17 =	sand.u32 $0x1C00, s26;
	s23 =	sadd.s32 $0x8, s23;
	v7 =	vmul.f32 $3.200000000e+01, v7;
	v10 =	vld [tilespmem:s21+$0x40];
	[tilespmem:s20+$0x50] =	vst v8  }
0x23f: {  	s25 =	sand.u32 $0x380, s24;
	s4 =	sor.u32 s17, s4;
	p0 =	slt.u32 s23, $0x3F8;
	v8 =	vld [tilespmem:s21+$0x50];
	v6 =	vmul.f32 $3.200000000e+01, v6;
	[tilespmem:s20+$0x60] =	vst v9  }
0x240: {  	s20 =	smov.u32 s21;
	[tilespmem:s22+$0x18200] =	vst v7;
	s22 =	sor.u32 s4, s25;
	v4 =	vmul.f32 $3.200000000e+01, v4;
	v9 =	vld [tilespmem:s21+$0x60]  }
.Ltmp6:
0x241: {  	s21 =	sadd.s32 $0x18200, s22;
	v7 =	vld [tilespmem:s22+$0x18200];
	v5 =	vmul.f32 $3.200000000e+01, v5;
	[tilespmem:s20+$0x70] =	vst v6;
	(pc) =	sbr.rel @p0 .LBB2_14-.Ltmp6, $4  }
0x242: {  	v6 =	vld [tilespmem:s21+$0x70];
	[tilespmem:s20+$0x10] =	vst v4;
	v3 =	vmul.f32 $3.200000000e+01, v3  }
0x243: {  	v4 =	vld [tilespmem:s21+$0x10];
	[tilespmem:s20+$0x20] =	vst v5;
	v10 =	vmul.f32 $3.200000000e+01, v10  }
0x244: {  	v5 =	vld [tilespmem:s21+$0x20];
	[tilespmem:s20+$0x30] =	vst v3;
	v8 =	vmul.f32 $3.200000000e+01, v8  }
0x245: {  	s24 =	sadd.s32 $0x10, s24;
	s26 =	sadd.s32 $0x400, s26;
	s28 =	sadd.s32 $0x80, s28;
	v3 =	vld [tilespmem:s21+$0x30];
	[tilespmem:s20+$0x40] =	vst v10;
	v9 =	vmul.f32 $3.200000000e+01, v9  }
0x246: {  	v7 =	vmul.f32 $3.200000000e+01, v7;
	v10 =	vld [tilespmem:s21+$0x40];
	[tilespmem:s20+$0x50] =	vst v8  }
0x247: {  	v8 =	vld [tilespmem:s21+$0x50];
	v6 =	vmul.f32 $3.200000000e+01, v6;
	[tilespmem:s20+$0x60] =	vst v9  }
0x248: {  	[tilespmem:s22+$0x18200] =	vst v7;
	v4 =	vmul.f32 $3.200000000e+01, v4;
	v7 =	vld [tilespmem:s21+$0x60]  }
0x249: {  	v5 =	vmul.f32 $3.200000000e+01, v5;
	[tilespmem:s21+$0x70] =	vst v6  }
0x24a: {  	[tilespmem:s21+$0x10] =	vst v4;
	v3 =	vmul.f32 $3.200000000e+01, v3  }
0x24b: {  	[tilespmem:s21+$0x20] =	vst v5;
	v4 =	vmul.f32 $3.200000000e+01, v10  }
0x24c: {  	[tilespmem:s21+$0x30] =	vst v3;
	v3 =	vmul.f32 $3.200000000e+01, v8  }
0x24d: {  	[tilespmem:s21+$0x40] =	vst v4;
	v4 =	vmul.f32 $3.200000000e+01, v7  }
0x24e: {  	[tilespmem:s21+$0x50] =	vst v3  }
0x24f: {  	[tilespmem:s21+$0x60] =	vst v4  }
0x250: {  	s4 =	simm.s32 $0x0;
	s12 =	simm.s32 $0x18200;
	s17 =	rddreg [dreg:$0xb]  }
0x251: {  	[hbm4b:s17+s4] =	stream.linear.scatter [tilespmem:s12], [sflag:$0xE], $0x4000, $0x38;
	[tilespmem:$0x1C200] =	vst v63  }
0x252: {  	_ =	swait.ge [sflag:s18], $0x4000  }
0x253: {  	[sflag:s18] =	ssyncset.done $0x0  }
0x254: {  	[sflag:s18] =	ssyncadd.s32 $0xFFFFC000  }
0x255: {  	v3 =	vld [tilespmem:$0xD0];
	_ =	sdelay $0x4  }
0x256: {  	v4 =	vshll.u32 v3, $0x3  }
0x257: {  	v3 =	vand.u32 $0x7, v3;
	v4 =	vand.u32 $0xFFFFFFC0, v4  }
0x258: {  	v3 =	vor.u32 v3, v4  }
0x259: {  	v4 =	vperm.xlane v3, v0;
	_ =	sdelay $0x1  }
0x25a: {  	v4 =	vadd.s32 v1, v4;
	_ =	sdelay $0x4  }
0x25b: {  	[tilespmem:s12], [sflag:$0x7] =	stream.indirect_vreg.gather [hbm4b:s1+s4], $0x80, v4, vm0, $0xb8;
	[tilespmem:$0x1C200] =	vst v63  }
0x25c: {  	s14 =	simm.s32 $0x18A00;
	v3 =	vperm.xlane v3, v2  }
0x25d: {  	[tilespmem:s14], [sflag:$0x7] =	stream.indirect_vreg.gather [hbm4b:s5+s4], $0x80, v4, vm0, $0xb8;
	[tilespmem:$0x1C200] =	vst v63  }
0x25e: {  	s15 =	simm.s32 $0x19200;
	v3 =	vadd.s32 v1, v3  }
0x25f: {  	[tilespmem:s15], [sflag:$0x7] =	stream.indirect_vreg.gather [hbm4b:s6+s4], $0x80, v4, vm0, $0xb8;
	[tilespmem:$0x1C200] =	vst v63  }
0x260: {  	s16 =	simm.s32 $0x19A00  }
0x261: {  	[tilespmem:s16], [sflag:$0x7] =	stream.indirect_vreg.gather [hbm4b:s7+s4], $0x80, v4, vm0, $0xb8;
	[tilespmem:$0x1C200] =	vst v63  }
0x262: {  	s17 =	simm.s32 $0x1A200  }
0x263: {  	[tilespmem:s17], [sflag:$0x7] =	stream.indirect_vreg.gather [hbm4b:s1+s4], $0x80, v3, vm0, $0xb8;
	[tilespmem:$0x1C200] =	vst v63  }
0x264: {  	s20 =	simm.s32 $0x1AA00  }
0x265: {  	[tilespmem:s20], [sflag:$0x7] =	stream.indirect_vreg.gather [hbm4b:s5+s4], $0x80, v3, vm0, $0xb8;
	[tilespmem:$0x1C200] =	vst v63  }
0x266: {  	s21 =	simm.s32 $0x1B200  }
0x267: {  	[tilespmem:s21], [sflag:$0x7] =	stream.indirect_vreg.gather [hbm4b:s6+s4], $0x80, v3, vm0, $0xb8;
	[tilespmem:$0x1C200] =	vst v63  }
0x268: {  	s22 =	simm.s32 $0x1BA00  }
0x269: {  	[tilespmem:s22], [sflag:$0x7] =	stream.indirect_vreg.gather [hbm4b:s7+s4], $0x80, v3, vm0, $0xb8;
	[tilespmem:$0x1C200] =	vst v63  }
0x26a: {  	s23 =	sand.u32 $0x2000, s4;
	s24 =	sand.u32 $0x1C00, s4;
	_ =	swait.ge [sflag:s29], $0x4000  }
0x26b: {  	s17 =	sor.u32 s24, s23;
	s4 =	sand.u32 $0x380, s4;
	[sflag:s29] =	ssyncset.done $0x0  }
0x26c: {  	s21 =	sor.u32 s17, s4;
	[sflag:s29] =	ssyncadd.s32 $0xFFFFC000  }
0x26d: {  	v3 =	vld [tilespmem:s21+$0x270]  }
0x26e: {  	v4 =	vld [tilespmem:s21+$0x200]  }
0x26f: {  	v5 =	vld [tilespmem:s21+$0x210]  }
0x270: {  	v9 =	vld [tilespmem:s21+$0x240]  }
0x271: {  	s25 =	simm.s32 $0x400;
	s26 =	simm.s32 $0x80;
	v6 =	vld [tilespmem:s21+$0x220]  }
0x272: {  	s28 =	simm.s32 $0x10;
	s17 =	sand.u32 $0x2000, s26;
	s4 =	sand.u32 $0x1C00, s25;
	v8 =	vld [tilespmem:s21+$0x230];
	v3 =	vmul.f32 $3.200000000e+01, v3  }
0x273: {  	s20 =	sand.u32 $0x380, s28;
	s4 =	sor.u32 s4, s17;
	v10 =	vld [tilespmem:s21+$0x250];
	v4 =	vmul.f32 $3.200000000e+01, v4  }
0x274: {  	s20 =	sor.u32 s4, s20;
	v12 =	vld [tilespmem:s21+$0x260];
	v11 =	vmul.f32 $3.200000000e+01, v5;
	[tilespmem:s21+$0x270] =	vst v3  }
0x275: {  	v7 =	vld [tilespmem:s20+$0x270];
	v9 =	vmul.f32 $3.200000000e+01, v9;
	[tilespmem:s21+$0x200] =	vst v4  }
0x276: {  	v5 =	vld [tilespmem:s20+$0x200];
	v3 =	vmul.f32 $3.200000000e+01, v6;
	[tilespmem:s21+$0x210] =	vst v11  }
0x277: {  	v4 =	vmul.f32 $3.200000000e+01, v8;
	v6 =	vld [tilespmem:s20+$0x210];
	[tilespmem:s21+$0x240] =	vst v9  }
0x278: {  	s23 =	simm.s32 $0x20;
	v8 =	vmul.f32 $3.200000000e+01, v10;
	[tilespmem:s21+$0x220] =	vst v3;
	v3 =	vld [tilespmem:s20+$0x220]  }
0x279: {  	s24 =	simm.s32 $0x800;
	s22 =	simm.s32 $0x8;
	s26 =	simm.s32 $0x100;
	v9 =	vmul.f32 $3.200000000e+01, v12;
	[tilespmem:s21+$0x230] =	vst v4;
	v4 =	vld [tilespmem:s20+$0x230]  }
.LBB2_16:
0x27a: {  	s4 =	sand.u32 $0x2000, s26;
	s17 =	sand.u32 $0x1C00, s24;
	s22 =	sadd.s32 $0x8, s22;
	v10 =	vld [tilespmem:s20+$0x240];
	v7 =	vmul.f32 $3.200000000e+01, v7;
	[tilespmem:s21+$0x250] =	vst v8  }
0x27b: {  	s25 =	sand.u32 $0x380, s23;
	s4 =	sor.u32 s17, s4;
	p0 =	slt.u32 s22, $0x3F8;
	v5 =	vmul.f32 $3.200000000e+01, v5;
	v8 =	vld [tilespmem:s20+$0x250];
	[tilespmem:s21+$0x260] =	vst v9  }
0x27c: {  	s21 =	smov.u32 s20;
	v6 =	vmul.f32 $3.200000000e+01, v6;
	v9 =	vld [tilespmem:s20+$0x260];
	[tilespmem:s20+$0x270] =	vst v7;
	s20 =	sor.u32 s4, s25  }
.Ltmp7:
0x27d: {  	v7 =	vld [tilespmem:s20+$0x270];
	[tilespmem:s21+$0x200] =	vst v5;
	v3 =	vmul.f32 $3.200000000e+01, v3;
	(pc) =	sbr.rel @p0 .LBB2_16-.Ltmp7, $4  }
0x27e: {  	v5 =	vld [tilespmem:s20+$0x200];
	[tilespmem:s21+$0x210] =	vst v6;
	v4 =	vmul.f32 $3.200000000e+01, v4  }
0x27f: {  	v6 =	vld [tilespmem:s20+$0x210];
	[tilespmem:s21+$0x220] =	vst v3;
	v10 =	vmul.f32 $3.200000000e+01, v10  }
0x280: {  	v3 =	vld [tilespmem:s20+$0x220];
	[tilespmem:s21+$0x230] =	vst v4;
	v8 =	vmul.f32 $3.200000000e+01, v8  }
0x281: {  	s23 =	sadd.s32 $0x10, s23;
	s24 =	sadd.s32 $0x400, s24;
	s26 =	sadd.s32 $0x80, s26;
	v4 =	vld [tilespmem:s20+$0x230];
	[tilespmem:s21+$0x240] =	vst v10;
	v9 =	vmul.f32 $3.200000000e+01, v9  }
0x282: {  	v10 =	vld [tilespmem:s20+$0x240];
	v7 =	vmul.f32 $3.200000000e+01, v7;
	[tilespmem:s21+$0x250] =	vst v8  }
0x283: {  	v8 =	vld [tilespmem:s20+$0x250];
	v5 =	vmul.f32 $3.200000000e+01, v5;
	[tilespmem:s21+$0x260] =	vst v9  }
0x284: {  	v9 =	vld [tilespmem:s20+$0x260];
	v6 =	vmul.f32 $3.200000000e+01, v6;
	[tilespmem:s20+$0x270] =	vst v7  }
0x285: {  	[tilespmem:s20+$0x200] =	vst v5;
	v3 =	vmul.f32 $3.200000000e+01, v3  }
0x286: {  	[tilespmem:s20+$0x210] =	vst v6;
	v4 =	vmul.f32 $3.200000000e+01, v4  }
0x287: {  	[tilespmem:s20+$0x220] =	vst v3;
	v3 =	vmul.f32 $3.200000000e+01, v10  }
0x288: {  	[tilespmem:s20+$0x230] =	vst v4;
	v4 =	vmul.f32 $3.200000000e+01, v8  }
0x289: {  	[tilespmem:s20+$0x240] =	vst v3;
	v3 =	vmul.f32 $3.200000000e+01, v9  }
0x28a: {  	[tilespmem:s20+$0x250] =	vst v4  }
0x28b: {  	[tilespmem:s20+$0x260] =	vst v3  }
0x28c: {  	s4 =	simm.s32 $0x0;
	s16 =	simm.s32 $0x200;
	s17 =	rddreg [dreg:$0xc]  }
0x28d: {  	[hbm4b:s17+s4] =	stream.linear.scatter [tilespmem:s16], [sflag:$0x8], $0x4000, $0x38;
	[tilespmem:$0x1C200] =	vst v63  }
0x28e: {  	_ =	swait.ge [sflag:s30], $0x4000  }
0x28f: {  	[sflag:s30] =	ssyncset.done $0x0  }
0x290: {  	[sflag:s30] =	ssyncadd.s32 $0xFFFFC000  }
0x291: {  	v3 =	vld [tilespmem:$0xE0];
	_ =	sdelay $0x4  }
0x292: {  	v4 =	vshll.u32 v3, $0x3  }
0x293: {  	v3 =	vand.u32 $0x7, v3;
	v4 =	vand.u32 $0xFFFFFFC0, v4  }
0x294: {  	v3 =	vor.u32 v3, v4  }
0x295: {  	v4 =	vperm.xlane v3, v0;
	_ =	sdelay $0x1  }
0x296: {  	v4 =	vadd.s32 v1, v4;
	_ =	sdelay $0x4  }
0x297: {  	[tilespmem:s16], [sflag:$0x1] =	stream.indirect_vreg.gather [hbm4b:s1+s4], $0x80, v4, vm0, $0xb8;
	[tilespmem:$0x1C200] =	vst v63  }
0x298: {  	s13 =	simm.s32 $0xA00;
	v3 =	vperm.xlane v3, v2  }
0x299: {  	[tilespmem:s13], [sflag:$0x1] =	stream.indirect_vreg.gather [hbm4b:s5+s4], $0x80, v4, vm0, $0xb8;
	[tilespmem:$0x1C200] =	vst v63  }
0x29a: {  	s14 =	simm.s32 $0x1200;
	v3 =	vadd.s32 v1, v3  }
0x29b: {  	[tilespmem:s14], [sflag:$0x1] =	stream.indirect_vreg.gather [hbm4b:s6+s4], $0x80, v4, vm0, $0xb8;
	[tilespmem:$0x1C200] =	vst v63  }
0x29c: {  	s15 =	simm.s32 $0x1A00  }
0x29d: {  	[tilespmem:s15], [sflag:$0x1] =	stream.indirect_vreg.gather [hbm4b:s7+s4], $0x80, v4, vm0, $0xb8;
	[tilespmem:$0x1C200] =	vst v63  }
0x29e: {  	s16 =	simm.s32 $0x2200  }
0x29f: {  	[tilespmem:s16], [sflag:$0x1] =	stream.indirect_vreg.gather [hbm4b:s1+s4], $0x80, v3, vm0, $0xb8;
	[tilespmem:$0x1C200] =	vst v63  }
0x2a0: {  	s20 =	simm.s32 $0x2A00  }
0x2a1: {  	[tilespmem:s20], [sflag:$0x1] =	stream.indirect_vreg.gather [hbm4b:s5+s4], $0x80, v3, vm0, $0xb8;
	[tilespmem:$0x1C200] =	vst v63  }
0x2a2: {  	s21 =	simm.s32 $0x3200  }
0x2a3: {  	[tilespmem:s21], [sflag:$0x1] =	stream.indirect_vreg.gather [hbm4b:s6+s4], $0x80, v3, vm0, $0xb8;
	[tilespmem:$0x1C200] =	vst v63  }
0x2a4: {  	s22 =	simm.s32 $0x3A00  }
0x2a5: {  	[tilespmem:s22], [sflag:$0x1] =	stream.indirect_vreg.gather [hbm4b:s7+s4], $0x80, v3, vm0, $0xb8;
	[tilespmem:$0x1C200] =	vst v63  }
0x2a6: {  	s23 =	sand.u32 $0x2000, s4;
	s24 =	sand.u32 $0x1C00, s4;
	_ =	swait.ge [sflag:s31], $0x4000  }
0x2a7: {  	s17 =	sor.u32 s24, s23;
	s4 =	sand.u32 $0x380, s4;
	[sflag:s31] =	ssyncset.done $0x0  }
0x2a8: {  	s21 =	sor.u32 s17, s4;
	[sflag:s31] =	ssyncadd.s32 $0xFFFFC000  }
0x2a9: {  	v3 =	vld [tilespmem:s21+$0x4270]  }
0x2aa: {  	v4 =	vld [tilespmem:s21+$0x4200]  }
0x2ab: {  	v5 =	vld [tilespmem:s21+$0x4210]  }
0x2ac: {  	v9 =	vld [tilespmem:s21+$0x4240]  }
0x2ad: {  	s25 =	simm.s32 $0x400;
	s26 =	simm.s32 $0x80;
	v6 =	vld [tilespmem:s21+$0x4220]  }
0x2ae: {  	s28 =	simm.s32 $0x10;
	s17 =	sand.u32 $0x2000, s26;
	s4 =	sand.u32 $0x1C00, s25;
	v8 =	vld [tilespmem:s21+$0x4230];
	v3 =	vmul.f32 $3.200000000e+01, v3  }
0x2af: {  	s20 =	sand.u32 $0x380, s28;
	s4 =	sor.u32 s4, s17;
	v10 =	vld [tilespmem:s21+$0x4250];
	v4 =	vmul.f32 $3.200000000e+01, v4  }
0x2b0: {  	s20 =	sor.u32 s4, s20;
	v12 =	vld [tilespmem:s21+$0x4260];
	v11 =	vmul.f32 $3.200000000e+01, v5;
	[tilespmem:s21+$0x4270] =	vst v3  }
0x2b1: {  	v7 =	vld [tilespmem:s20+$0x4270];
	v9 =	vmul.f32 $3.200000000e+01, v9;
	[tilespmem:s21+$0x4200] =	vst v4  }
0x2b2: {  	v5 =	vld [tilespmem:s20+$0x4200];
	v3 =	vmul.f32 $3.200000000e+01, v6;
	[tilespmem:s21+$0x4210] =	vst v11  }
0x2b3: {  	v4 =	vmul.f32 $3.200000000e+01, v8;
	v6 =	vld [tilespmem:s20+$0x4210];
	[tilespmem:s21+$0x4240] =	vst v9  }
0x2b4: {  	s23 =	simm.s32 $0x20;
	v8 =	vmul.f32 $3.200000000e+01, v10;
	[tilespmem:s21+$0x4220] =	vst v3;
	v3 =	vld [tilespmem:s20+$0x4220]  }
0x2b5: {  	s24 =	simm.s32 $0x800;
	s22 =	simm.s32 $0x8;
	s26 =	simm.s32 $0x100;
	v9 =	vmul.f32 $3.200000000e+01, v12;
	[tilespmem:s21+$0x4230] =	vst v4;
	v4 =	vld [tilespmem:s20+$0x4230]  }
.LBB2_18:
0x2b6: {  	s4 =	sand.u32 $0x2000, s26;
	s17 =	sand.u32 $0x1C00, s24;
	s22 =	sadd.s32 $0x8, s22;
	v10 =	vld [tilespmem:s20+$0x4240];
	v7 =	vmul.f32 $3.200000000e+01, v7;
	[tilespmem:s21+$0x4250] =	vst v8  }
0x2b7: {  	s25 =	sand.u32 $0x380, s23;
	s4 =	sor.u32 s17, s4;
	p0 =	slt.u32 s22, $0x3F8;
	v5 =	vmul.f32 $3.200000000e+01, v5;
	v8 =	vld [tilespmem:s20+$0x4250];
	[tilespmem:s21+$0x4260] =	vst v9  }
0x2b8: {  	s21 =	smov.u32 s20;
	v6 =	vmul.f32 $3.200000000e+01, v6;
	v9 =	vld [tilespmem:s20+$0x4260];
	[tilespmem:s20+$0x4270] =	vst v7;
	s20 =	sor.u32 s4, s25  }
.Ltmp8:
0x2b9: {  	v7 =	vld [tilespmem:s20+$0x4270];
	[tilespmem:s21+$0x4200] =	vst v5;
	v3 =	vmul.f32 $3.200000000e+01, v3;
	(pc) =	sbr.rel @p0 .LBB2_18-.Ltmp8, $4  }
0x2ba: {  	v5 =	vld [tilespmem:s20+$0x4200];
	[tilespmem:s21+$0x4210] =	vst v6;
	v4 =	vmul.f32 $3.200000000e+01, v4  }
0x2bb: {  	v6 =	vld [tilespmem:s20+$0x4210];
	[tilespmem:s21+$0x4220] =	vst v3;
	v10 =	vmul.f32 $3.200000000e+01, v10  }
0x2bc: {  	v3 =	vld [tilespmem:s20+$0x4220];
	[tilespmem:s21+$0x4230] =	vst v4;
	v8 =	vmul.f32 $3.200000000e+01, v8  }
0x2bd: {  	s23 =	sadd.s32 $0x10, s23;
	s24 =	sadd.s32 $0x400, s24;
	s26 =	sadd.s32 $0x80, s26;
	v4 =	vld [tilespmem:s20+$0x4230];
	[tilespmem:s21+$0x4240] =	vst v10;
	v9 =	vmul.f32 $3.200000000e+01, v9  }
0x2be: {  	v10 =	vld [tilespmem:s20+$0x4240];
	v7 =	vmul.f32 $3.200000000e+01, v7;
	[tilespmem:s21+$0x4250] =	vst v8  }
0x2bf: {  	v8 =	vld [tilespmem:s20+$0x4250];
	v5 =	vmul.f32 $3.200000000e+01, v5;
	[tilespmem:s21+$0x4260] =	vst v9  }
0x2c0: {  	v9 =	vld [tilespmem:s20+$0x4260];
	v6 =	vmul.f32 $3.200000000e+01, v6;
	[tilespmem:s20+$0x4270] =	vst v7  }
0x2c1: {  	[tilespmem:s20+$0x4200] =	vst v5;
	v3 =	vmul.f32 $3.200000000e+01, v3  }
0x2c2: {  	[tilespmem:s20+$0x4210] =	vst v6;
	v4 =	vmul.f32 $3.200000000e+01, v4  }
0x2c3: {  	[tilespmem:s20+$0x4220] =	vst v3;
	v3 =	vmul.f32 $3.200000000e+01, v10  }
0x2c4: {  	[tilespmem:s20+$0x4230] =	vst v4;
	v4 =	vmul.f32 $3.200000000e+01, v8  }
0x2c5: {  	[tilespmem:s20+$0x4240] =	vst v3;
	v3 =	vmul.f32 $3.200000000e+01, v9  }
0x2c6: {  	[tilespmem:s20+$0x4250] =	vst v4  }
0x2c7: {  	[tilespmem:s20+$0x4260] =	vst v3  }
0x2c8: {  	s4 =	simm.s32 $0x0;
	s16 =	simm.s32 $0x4200;
	s17 =	rddreg [dreg:$0xd]  }
0x2c9: {  	[hbm4b:s17+s4] =	stream.linear.scatter [tilespmem:s16], [sflag:$0x9], $0x4000, $0x38;
	[tilespmem:$0x1C200] =	vst v63  }
0x2ca: {  	_ =	swait.ge [sflag:s0], $0x4000  }
0x2cb: {  	[sflag:s0] =	ssyncset.done $0x0  }
0x2cc: {  	[sflag:s0] =	ssyncadd.s32 $0xFFFFC000  }
0x2cd: {  	v3 =	vld [tilespmem:$0xF0];
	_ =	sdelay $0x4  }
0x2ce: {  	v4 =	vshll.u32 v3, $0x3  }
0x2cf: {  	v3 =	vand.u32 $0x7, v3;
	v4 =	vand.u32 $0xFFFFFFC0, v4  }
0x2d0: {  	v3 =	vor.u32 v3, v4  }
0x2d1: {  	v4 =	vperm.xlane v3, v0;
	_ =	sdelay $0x1  }
0x2d2: {  	v4 =	vadd.s32 v1, v4;
	_ =	sdelay $0x4  }
0x2d3: {  	[tilespmem:s16], [sflag:$0x2] =	stream.indirect_vreg.gather [hbm4b:s1+s4], $0x80, v4, vm0, $0xb8;
	[tilespmem:$0x1C200] =	vst v63  }
0x2d4: {  	s13 =	simm.s32 $0x4A00;
	v3 =	vperm.xlane v3, v2  }
0x2d5: {  	[tilespmem:s13], [sflag:$0x2] =	stream.indirect_vreg.gather [hbm4b:s5+s4], $0x80, v4, vm0, $0xb8;
	[tilespmem:$0x1C200] =	vst v63  }
0x2d6: {  	s14 =	simm.s32 $0x5200;
	v3 =	vadd.s32 v1, v3  }
0x2d7: {  	[tilespmem:s14], [sflag:$0x2] =	stream.indirect_vreg.gather [hbm4b:s6+s4], $0x80, v4, vm0, $0xb8;
	[tilespmem:$0x1C200] =	vst v63  }
0x2d8: {  	s15 =	simm.s32 $0x5A00  }
0x2d9: {  	[tilespmem:s15], [sflag:$0x2] =	stream.indirect_vreg.gather [hbm4b:s7+s4], $0x80, v4, vm0, $0xb8;
	[tilespmem:$0x1C200] =	vst v63  }
0x2da: {  	s17 =	simm.s32 $0x6200  }
0x2db: {  	[tilespmem:s17], [sflag:$0x2] =	stream.indirect_vreg.gather [hbm4b:s1+s4], $0x80, v3, vm0, $0xb8;
	[tilespmem:$0x1C200] =	vst v63  }
0x2dc: {  	s20 =	simm.s32 $0x6A00  }
0x2dd: {  	[tilespmem:s20], [sflag:$0x2] =	stream.indirect_vreg.gather [hbm4b:s5+s4], $0x80, v3, vm0, $0xb8;
	[tilespmem:$0x1C200] =	vst v63  }
0x2de: {  	s21 =	simm.s32 $0x7200  }
0x2df: {  	[tilespmem:s21], [sflag:$0x2] =	stream.indirect_vreg.gather [hbm4b:s6+s4], $0x80, v3, vm0, $0xb8;
	[tilespmem:$0x1C200] =	vst v63  }
0x2e0: {  	s22 =	simm.s32 $0x7A00  }
0x2e1: {  	[tilespmem:s22], [sflag:$0x2] =	stream.indirect_vreg.gather [hbm4b:s7+s4], $0x80, v3, vm0, $0xb8;
	[tilespmem:$0x1C200] =	vst v63  }
0x2e2: {  	s23 =	sand.u32 $0x2000, s4;
	s24 =	sand.u32 $0x1C00, s4;
	_ =	swait.ge [sflag:s2], $0x4000  }
0x2e3: {  	s17 =	sor.u32 s24, s23;
	s4 =	sand.u32 $0x380, s4;
	[sflag:s2] =	ssyncset.done $0x0  }
0x2e4: {  	s21 =	sor.u32 s17, s4;
	[sflag:s2] =	ssyncadd.s32 $0xFFFFC000  }
0x2e5: {  	v3 =	vld [tilespmem:s21+$0x8270]  }
0x2e6: {  	v4 =	vld [tilespmem:s21+$0x8200]  }
0x2e7: {  	v5 =	vld [tilespmem:s21+$0x8210]  }
0x2e8: {  	v9 =	vld [tilespmem:s21+$0x8240]  }
0x2e9: {  	s25 =	simm.s32 $0x400;
	s26 =	simm.s32 $0x80;
	v6 =	vld [tilespmem:s21+$0x8220]  }
0x2ea: {  	s28 =	simm.s32 $0x10;
	s17 =	sand.u32 $0x2000, s26;
	s4 =	sand.u32 $0x1C00, s25;
	v8 =	vld [tilespmem:s21+$0x8230];
	v3 =	vmul.f32 $3.200000000e+01, v3  }
0x2eb: {  	s20 =	sand.u32 $0x380, s28;
	s4 =	sor.u32 s4, s17;
	v10 =	vld [tilespmem:s21+$0x8250];
	v4 =	vmul.f32 $3.200000000e+01, v4  }
0x2ec: {  	s20 =	sor.u32 s4, s20;
	v12 =	vld [tilespmem:s21+$0x8260];
	v11 =	vmul.f32 $3.200000000e+01, v5;
	[tilespmem:s21+$0x8270] =	vst v3  }
0x2ed: {  	v7 =	vld [tilespmem:s20+$0x8270];
	v9 =	vmul.f32 $3.200000000e+01, v9;
	[tilespmem:s21+$0x8200] =	vst v4  }
0x2ee: {  	v5 =	vld [tilespmem:s20+$0x8200];
	v3 =	vmul.f32 $3.200000000e+01, v6;
	[tilespmem:s21+$0x8210] =	vst v11  }
0x2ef: {  	v4 =	vmul.f32 $3.200000000e+01, v8;
	v6 =	vld [tilespmem:s20+$0x8210];
	[tilespmem:s21+$0x8240] =	vst v9  }
0x2f0: {  	s23 =	simm.s32 $0x20;
	v8 =	vmul.f32 $3.200000000e+01, v10;
	[tilespmem:s21+$0x8220] =	vst v3;
	v3 =	vld [tilespmem:s20+$0x8220]  }
0x2f1: {  	s24 =	simm.s32 $0x800;
	s22 =	simm.s32 $0x8;
	s26 =	simm.s32 $0x100;
	v9 =	vmul.f32 $3.200000000e+01, v12;
	[tilespmem:s21+$0x8230] =	vst v4;
	v4 =	vld [tilespmem:s20+$0x8230]  }
.LBB2_20:
0x2f2: {  	s4 =	sand.u32 $0x2000, s26;
	s17 =	sand.u32 $0x1C00, s24;
	s22 =	sadd.s32 $0x8, s22;
	v10 =	vld [tilespmem:s20+$0x8240];
	v7 =	vmul.f32 $3.200000000e+01, v7;
	[tilespmem:s21+$0x8250] =	vst v8  }
0x2f3: {  	s25 =	sand.u32 $0x380, s23;
	s4 =	sor.u32 s17, s4;
	p0 =	slt.u32 s22, $0x3F8;
	v5 =	vmul.f32 $3.200000000e+01, v5;
	v8 =	vld [tilespmem:s20+$0x8250];
	[tilespmem:s21+$0x8260] =	vst v9  }
0x2f4: {  	s21 =	smov.u32 s20;
	v6 =	vmul.f32 $3.200000000e+01, v6;
	v9 =	vld [tilespmem:s20+$0x8260];
	[tilespmem:s20+$0x8270] =	vst v7;
	s20 =	sor.u32 s4, s25  }
.Ltmp9:
0x2f5: {  	v7 =	vld [tilespmem:s20+$0x8270];
	[tilespmem:s21+$0x8200] =	vst v5;
	v3 =	vmul.f32 $3.200000000e+01, v3;
	(pc) =	sbr.rel @p0 .LBB2_20-.Ltmp9, $4  }
0x2f6: {  	v5 =	vld [tilespmem:s20+$0x8200];
	[tilespmem:s21+$0x8210] =	vst v6;
	v4 =	vmul.f32 $3.200000000e+01, v4  }
0x2f7: {  	v6 =	vld [tilespmem:s20+$0x8210];
	[tilespmem:s21+$0x8220] =	vst v3;
	v10 =	vmul.f32 $3.200000000e+01, v10  }
0x2f8: {  	v3 =	vld [tilespmem:s20+$0x8220];
	[tilespmem:s21+$0x8230] =	vst v4;
	v8 =	vmul.f32 $3.200000000e+01, v8  }
0x2f9: {  	s23 =	sadd.s32 $0x10, s23;
	s24 =	sadd.s32 $0x400, s24;
	s26 =	sadd.s32 $0x80, s26;
	v4 =	vld [tilespmem:s20+$0x8230];
	[tilespmem:s21+$0x8240] =	vst v10;
	v9 =	vmul.f32 $3.200000000e+01, v9  }
0x2fa: {  	v10 =	vld [tilespmem:s20+$0x8240];
	v7 =	vmul.f32 $3.200000000e+01, v7;
	[tilespmem:s21+$0x8250] =	vst v8  }
0x2fb: {  	v8 =	vld [tilespmem:s20+$0x8250];
	v5 =	vmul.f32 $3.200000000e+01, v5;
	[tilespmem:s21+$0x8260] =	vst v9  }
0x2fc: {  	v9 =	vld [tilespmem:s20+$0x8260];
	v6 =	vmul.f32 $3.200000000e+01, v6;
	[tilespmem:s20+$0x8270] =	vst v7  }
0x2fd: {  	[tilespmem:s20+$0x8200] =	vst v5;
	v3 =	vmul.f32 $3.200000000e+01, v3  }
0x2fe: {  	[tilespmem:s20+$0x8210] =	vst v6;
	v4 =	vmul.f32 $3.200000000e+01, v4  }
0x2ff: {  	[tilespmem:s20+$0x8220] =	vst v3;
	v3 =	vmul.f32 $3.200000000e+01, v10  }
0x300: {  	[tilespmem:s20+$0x8230] =	vst v4;
	v4 =	vmul.f32 $3.200000000e+01, v8  }
0x301: {  	[tilespmem:s20+$0x8240] =	vst v3;
	v3 =	vmul.f32 $3.200000000e+01, v9  }
0x302: {  	[tilespmem:s20+$0x8250] =	vst v4  }
0x303: {  	[tilespmem:s20+$0x8260] =	vst v3  }
0x304: {  	s4 =	simm.s32 $0x0;
	s12 =	simm.s32 $0x8200;
	s17 =	rddreg [dreg:$0xe]  }
0x305: {  	[hbm4b:s17+s4] =	stream.linear.scatter [tilespmem:s12], [sflag:$0xA], $0x4000, $0x38;
	[tilespmem:$0x1C200] =	vst v63  }
0x306: {  	_ =	swait.ge [sflag:s9], $0x4000  }
0x307: {  	[sflag:s9] =	ssyncset.done $0x0  }
0x308: {  	[sflag:s9] =	ssyncadd.s32 $0xFFFFC000  }
0x309: {  	v3 =	vld [tilespmem:$0x100];
	_ =	sdelay $0x4  }
0x30a: {  	v4 =	vshll.u32 v3, $0x3  }
0x30b: {  	v3 =	vand.u32 $0x7, v3;
	v4 =	vand.u32 $0xFFFFFFC0, v4  }
0x30c: {  	v3 =	vor.u32 v3, v4  }
0x30d: {  	v4 =	vperm.xlane v3, v0;
	_ =	sdelay $0x1  }
0x30e: {  	v4 =	vadd.s32 v1, v4;
	_ =	sdelay $0x4  }
0x30f: {  	[tilespmem:s12], [sflag:$0x3] =	stream.indirect_vreg.gather [hbm4b:s1+s4], $0x80, v4, vm0, $0xb8;
	[tilespmem:$0x1C200] =	vst v63  }
0x310: {  	s14 =	simm.s32 $0x8A00;
	v3 =	vperm.xlane v3, v2  }
0x311: {  	[tilespmem:s14], [sflag:$0x3] =	stream.indirect_vreg.gather [hbm4b:s5+s4], $0x80, v4, vm0, $0xb8;
	[tilespmem:$0x1C200] =	vst v63  }
0x312: {  	s15 =	simm.s32 $0x9200;
	v3 =	vadd.s32 v1, v3  }
0x313: {  	[tilespmem:s15], [sflag:$0x3] =	stream.indirect_vreg.gather [hbm4b:s6+s4], $0x80, v4, vm0, $0xb8;
	[tilespmem:$0x1C200] =	vst v63  }
0x314: {  	s16 =	simm.s32 $0x9A00  }
0x315: {  	[tilespmem:s16], [sflag:$0x3] =	stream.indirect_vreg.gather [hbm4b:s7+s4], $0x80, v4, vm0, $0xb8;
	[tilespmem:$0x1C200] =	vst v63  }
0x316: {  	s17 =	simm.s32 $0xA200  }
0x317: {  	[tilespmem:s17], [sflag:$0x3] =	stream.indirect_vreg.gather [hbm4b:s1+s4], $0x80, v3, vm0, $0xb8;
	[tilespmem:$0x1C200] =	vst v63  }
0x318: {  	s20 =	simm.s32 $0xAA00  }
0x319: {  	[tilespmem:s20], [sflag:$0x3] =	stream.indirect_vreg.gather [hbm4b:s5+s4], $0x80, v3, vm0, $0xb8;
	[tilespmem:$0x1C200] =	vst v63  }
0x31a: {  	s21 =	simm.s32 $0xB200  }
0x31b: {  	[tilespmem:s21], [sflag:$0x3] =	stream.indirect_vreg.gather [hbm4b:s6+s4], $0x80, v3, vm0, $0xb8;
	[tilespmem:$0x1C200] =	vst v63  }
0x31c: {  	s22 =	simm.s32 $0xBA00  }
0x31d: {  	[tilespmem:s22], [sflag:$0x3] =	stream.indirect_vreg.gather [hbm4b:s7+s4], $0x80, v3, vm0, $0xb8;
	[tilespmem:$0x1C200] =	vst v63  }
0x31e: {  	s23 =	sand.u32 $0x2000, s4;
	s24 =	sand.u32 $0x1C00, s4;
	_ =	swait.ge [sflag:s10], $0x4000  }
0x31f: {  	s17 =	sor.u32 s24, s23;
	s4 =	sand.u32 $0x380, s4;
	[sflag:s10] =	ssyncset.done $0x0  }
0x320: {  	s21 =	sor.u32 s17, s4;
	[sflag:s10] =	ssyncadd.s32 $0xFFFFC000  }
0x321: {  	v3 =	vld [tilespmem:s21+$0xC270]  }
0x322: {  	v4 =	vld [tilespmem:s21+$0xC200]  }
0x323: {  	v5 =	vld [tilespmem:s21+$0xC210]  }
0x324: {  	v9 =	vld [tilespmem:s21+$0xC240]  }
0x325: {  	s25 =	simm.s32 $0x400;
	s26 =	simm.s32 $0x80;
	v6 =	vld [tilespmem:s21+$0xC220]  }
0x326: {  	s28 =	simm.s32 $0x10;
	s17 =	sand.u32 $0x2000, s26;
	s4 =	sand.u32 $0x1C00, s25;
	v8 =	vld [tilespmem:s21+$0xC230];
	v3 =	vmul.f32 $3.200000000e+01, v3  }
0x327: {  	s20 =	sand.u32 $0x380, s28;
	s4 =	sor.u32 s4, s17;
	v10 =	vld [tilespmem:s21+$0xC250];
	v4 =	vmul.f32 $3.200000000e+01, v4  }
0x328: {  	s20 =	sor.u32 s4, s20;
	v12 =	vld [tilespmem:s21+$0xC260];
	v11 =	vmul.f32 $3.200000000e+01, v5;
	[tilespmem:s21+$0xC270] =	vst v3  }
0x329: {  	v7 =	vld [tilespmem:s20+$0xC270];
	v9 =	vmul.f32 $3.200000000e+01, v9;
	[tilespmem:s21+$0xC200] =	vst v4  }
0x32a: {  	v5 =	vld [tilespmem:s20+$0xC200];
	v3 =	vmul.f32 $3.200000000e+01, v6;
	[tilespmem:s21+$0xC210] =	vst v11  }
0x32b: {  	v4 =	vmul.f32 $3.200000000e+01, v8;
	v6 =	vld [tilespmem:s20+$0xC210];
	[tilespmem:s21+$0xC240] =	vst v9  }
0x32c: {  	s23 =	simm.s32 $0x20;
	v8 =	vmul.f32 $3.200000000e+01, v10;
	[tilespmem:s21+$0xC220] =	vst v3;
	v3 =	vld [tilespmem:s20+$0xC220]  }
0x32d: {  	s24 =	simm.s32 $0x800;
	s22 =	simm.s32 $0x8;
	s26 =	simm.s32 $0x100;
	v9 =	vmul.f32 $3.200000000e+01, v12;
	[tilespmem:s21+$0xC230] =	vst v4;
	v4 =	vld [tilespmem:s20+$0xC230]  }
.LBB2_22:
0x32e: {  	s4 =	sand.u32 $0x2000, s26;
	s17 =	sand.u32 $0x1C00, s24;
	s22 =	sadd.s32 $0x8, s22;
	v10 =	vld [tilespmem:s20+$0xC240];
	v7 =	vmul.f32 $3.200000000e+01, v7;
	[tilespmem:s21+$0xC250] =	vst v8  }
0x32f: {  	s25 =	sand.u32 $0x380, s23;
	s4 =	sor.u32 s17, s4;
	p0 =	slt.u32 s22, $0x3F8;
	v5 =	vmul.f32 $3.200000000e+01, v5;
	v8 =	vld [tilespmem:s20+$0xC250];
	[tilespmem:s21+$0xC260] =	vst v9  }
0x330: {  	s21 =	smov.u32 s20;
	v6 =	vmul.f32 $3.200000000e+01, v6;
	v9 =	vld [tilespmem:s20+$0xC260];
	[tilespmem:s20+$0xC270] =	vst v7;
	s20 =	sor.u32 s4, s25  }
.Ltmp10:
0x331: {  	v7 =	vld [tilespmem:s20+$0xC270];
	[tilespmem:s21+$0xC200] =	vst v5;
	v3 =	vmul.f32 $3.200000000e+01, v3;
	(pc) =	sbr.rel @p0 .LBB2_22-.Ltmp10, $4  }
0x332: {  	v5 =	vld [tilespmem:s20+$0xC200];
	[tilespmem:s21+$0xC210] =	vst v6;
	v4 =	vmul.f32 $3.200000000e+01, v4  }
0x333: {  	v6 =	vld [tilespmem:s20+$0xC210];
	[tilespmem:s21+$0xC220] =	vst v3;
	v10 =	vmul.f32 $3.200000000e+01, v10  }
0x334: {  	v3 =	vld [tilespmem:s20+$0xC220];
	[tilespmem:s21+$0xC230] =	vst v4;
	v8 =	vmul.f32 $3.200000000e+01, v8  }
0x335: {  	s23 =	sadd.s32 $0x10, s23;
	s24 =	sadd.s32 $0x400, s24;
	s26 =	sadd.s32 $0x80, s26;
	v4 =	vld [tilespmem:s20+$0xC230];
	[tilespmem:s21+$0xC240] =	vst v10;
	v9 =	vmul.f32 $3.200000000e+01, v9  }
0x336: {  	v10 =	vld [tilespmem:s20+$0xC240];
	v7 =	vmul.f32 $3.200000000e+01, v7;
	[tilespmem:s21+$0xC250] =	vst v8  }
0x337: {  	v8 =	vld [tilespmem:s20+$0xC250];
	v5 =	vmul.f32 $3.200000000e+01, v5;
	[tilespmem:s21+$0xC260] =	vst v9  }
0x338: {  	v9 =	vld [tilespmem:s20+$0xC260];
	v6 =	vmul.f32 $3.200000000e+01, v6;
	[tilespmem:s20+$0xC270] =	vst v7  }
0x339: {  	[tilespmem:s20+$0xC200] =	vst v5;
	v3 =	vmul.f32 $3.200000000e+01, v3  }
0x33a: {  	[tilespmem:s20+$0xC210] =	vst v6;
	v4 =	vmul.f32 $3.200000000e+01, v4  }
0x33b: {  	[tilespmem:s20+$0xC220] =	vst v3;
	v3 =	vmul.f32 $3.200000000e+01, v10  }
0x33c: {  	[tilespmem:s20+$0xC230] =	vst v4;
	v4 =	vmul.f32 $3.200000000e+01, v8  }
0x33d: {  	[tilespmem:s20+$0xC240] =	vst v3;
	v3 =	vmul.f32 $3.200000000e+01, v9  }
0x33e: {  	[tilespmem:s20+$0xC250] =	vst v4  }
0x33f: {  	[tilespmem:s20+$0xC260] =	vst v3  }
0x340: {  	s4 =	simm.s32 $0x0;
	s12 =	simm.s32 $0xC200;
	s17 =	rddreg [dreg:$0xf]  }
0x341: {  	[hbm4b:s17+s4] =	stream.linear.scatter [tilespmem:s12], [sflag:$0xB], $0x4000, $0x38;
	[tilespmem:$0x1C200] =	vst v63  }
0x342: {  	_ =	swait.ge [sflag:s11], $0x4000  }
0x343: {  	[sflag:s11] =	ssyncset.done $0x0  }
0x344: {  	[sflag:s11] =	ssyncadd.s32 $0xFFFFC000  }
0x345: {  	v3 =	vld [tilespmem:$0x110];
	_ =	sdelay $0x4  }
0x346: {  	v4 =	vshll.u32 v3, $0x3  }
0x347: {  	v3 =	vand.u32 $0x7, v3;
	v4 =	vand.u32 $0xFFFFFFC0, v4  }
0x348: {  	v3 =	vor.u32 v3, v4  }
0x349: {  	v4 =	vperm.xlane v3, v0;
	_ =	sdelay $0x1  }
0x34a: {  	v4 =	vadd.s32 v1, v4;
	_ =	sdelay $0x4  }
0x34b: {  	[tilespmem:s12], [sflag:$0x4] =	stream.indirect_vreg.gather [hbm4b:s1+s4], $0x80, v4, vm0, $0xb8;
	[tilespmem:$0x1C200] =	vst v63  }
0x34c: {  	s13 =	simm.s32 $0xCA00;
	v3 =	vperm.xlane v3, v2  }
0x34d: {  	[tilespmem:s13], [sflag:$0x4] =	stream.indirect_vreg.gather [hbm4b:s5+s4], $0x80, v4, vm0, $0xb8;
	[tilespmem:$0x1C200] =	vst v63  }
0x34e: {  	s14 =	simm.s32 $0xD200;
	v3 =	vadd.s32 v1, v3  }
0x34f: {  	[tilespmem:s14], [sflag:$0x4] =	stream.indirect_vreg.gather [hbm4b:s6+s4], $0x80, v4, vm0, $0xb8;
	[tilespmem:$0x1C200] =	vst v63  }
0x350: {  	s15 =	simm.s32 $0xDA00  }
0x351: {  	[tilespmem:s15], [sflag:$0x4] =	stream.indirect_vreg.gather [hbm4b:s7+s4], $0x80, v4, vm0, $0xb8;
	[tilespmem:$0x1C200] =	vst v63  }
0x352: {  	s16 =	simm.s32 $0xE200  }
0x353: {  	[tilespmem:s16], [sflag:$0x4] =	stream.indirect_vreg.gather [hbm4b:s1+s4], $0x80, v3, vm0, $0xb8;
	[tilespmem:$0x1C200] =	vst v63  }
0x354: {  	s17 =	simm.s32 $0xEA00  }
0x355: {  	[tilespmem:s17], [sflag:$0x4] =	stream.indirect_vreg.gather [hbm4b:s5+s4], $0x80, v3, vm0, $0xb8;
	[tilespmem:$0x1C200] =	vst v63  }
0x356: {  	s20 =	simm.s32 $0xF200  }
0x357: {  	[tilespmem:s20], [sflag:$0x4] =	stream.indirect_vreg.gather [hbm4b:s6+s4], $0x80, v3, vm0, $0xb8;
	[tilespmem:$0x1C200] =	vst v63  }
0x358: {  	s22 =	simm.s32 $0x5;
	s21 =	simm.s32 $0xFA00  }
0x359: {  	[tilespmem:s21], [sflag:$0x4] =	stream.indirect_vreg.gather [hbm4b:s7+s4], $0x80, v3, vm0, $0xb8;
	[tilespmem:$0x1C200] =	vst v63  }
0x35a: {  	s23 =	sand.u32 $0x2000, s4;
	s24 =	sand.u32 $0x1C00, s4;
	_ =	swait.ge [sflag:s22], $0x4000  }
0x35b: {  	s17 =	sor.u32 s24, s23;
	s4 =	sand.u32 $0x380, s4;
	[sflag:s22] =	ssyncset.done $0x0  }
0x35c: {  	s4 =	sor.u32 s17, s4;
	[sflag:s22] =	ssyncadd.s32 $0xFFFFC000  }
0x35d: {  	s20 =	sadd.s32 $0x10200, s4;
	v3 =	vld [tilespmem:s4+$0x10200]  }
0x35e: {  	v4 =	vld [tilespmem:s20+$0x70]  }
0x35f: {  	v9 =	vld [tilespmem:s20+$0x40]  }
0x360: {  	v5 =	vld [tilespmem:s20+$0x10]  }
0x361: {  	s25 =	simm.s32 $0x400;
	s26 =	simm.s32 $0x80;
	v6 =	vld [tilespmem:s20+$0x20]  }
0x362: {  	s21 =	sand.u32 $0x2000, s26;
	s17 =	sand.u32 $0x1C00, s25;
	s22 =	simm.s32 $0x10;
	v8 =	vld [tilespmem:s20+$0x30];
	v3 =	vmul.f32 $3.200000000e+01, v3  }
0x363: {  	s17 =	sor.u32 s17, s21;
	s22 =	sand.u32 $0x380, s22;
	v10 =	vld [tilespmem:s20+$0x50];
	v4 =	vmul.f32 $3.200000000e+01, v4  }
0x364: {  	v11 =	vld [tilespmem:s20+$0x60];
	s22 =	sor.u32 s17, s22;
	v9 =	vmul.f32 $3.200000000e+01, v9;
	[tilespmem:s4+$0x10200] =	vst v3  }
0x365: {  	s21 =	sadd.s32 $0x10200, s22;
	v7 =	vld [tilespmem:s22+$0x10200];
	v3 =	vmul.f32 $3.200000000e+01, v5;
	[tilespmem:s20+$0x70] =	vst v4  }
0x366: {  	v5 =	vmul.f32 $3.200000000e+01, v6;
	v6 =	vld [tilespmem:s21+$0x70];
	[tilespmem:s20+$0x40] =	vst v9  }
0x367: {  	v4 =	vld [tilespmem:s21+$0x10];
	[tilespmem:s20+$0x10] =	vst v3;
	v3 =	vmul.f32 $3.200000000e+01, v8  }
0x368: {  	s28 =	simm.s32 $0x100;
	[tilespmem:s20+$0x20] =	vst v5;
	v5 =	vld [tilespmem:s21+$0x20];
	v8 =	vmul.f32 $3.200000000e+01, v10  }
0x369: {  	s23 =	simm.s32 $0x8;
	s24 =	simm.s32 $0x20;
	s26 =	simm.s32 $0x800;
	v9 =	vmul.f32 $3.200000000e+01, v11;
	[tilespmem:s20+$0x30] =	vst v3;
	v3 =	vld [tilespmem:s21+$0x30]  }
.LBB2_24:
0x36a: {  	s4 =	sand.u32 $0x2000, s28;
	s17 =	sand.u32 $0x1C00, s26;
	s23 =	sadd.s32 $0x8, s23;
	v7 =	vmul.f32 $3.200000000e+01, v7;
	v10 =	vld [tilespmem:s21+$0x40];
	[tilespmem:s20+$0x50] =	vst v8  }
0x36b: {  	s25 =	sand.u32 $0x380, s24;
	s4 =	sor.u32 s17, s4;
	p0 =	slt.u32 s23, $0x3F8;
	v8 =	vld [tilespmem:s21+$0x50];
	v6 =	vmul.f32 $3.200000000e+01, v6;
	[tilespmem:s20+$0x60] =	vst v9  }
0x36c: {  	s20 =	smov.u32 s21;
	[tilespmem:s22+$0x10200] =	vst v7;
	s22 =	sor.u32 s4, s25;
	v4 =	vmul.f32 $3.200000000e+01, v4;
	v9 =	vld [tilespmem:s21+$0x60]  }
.Ltmp11:
0x36d: {  	s21 =	sadd.s32 $0x10200, s22;
	v7 =	vld [tilespmem:s22+$0x10200];
	v5 =	vmul.f32 $3.200000000e+01, v5;
	[tilespmem:s20+$0x70] =	vst v6;
	(pc) =	sbr.rel @p0 .LBB2_24-.Ltmp11, $4  }
0x36e: {  	v6 =	vld [tilespmem:s21+$0x70];
	[tilespmem:s20+$0x10] =	vst v4;
	v3 =	vmul.f32 $3.200000000e+01, v3  }
0x36f: {  	v4 =	vld [tilespmem:s21+$0x10];
	[tilespmem:s20+$0x20] =	vst v5;
	v10 =	vmul.f32 $3.200000000e+01, v10  }
0x370: {  	v5 =	vld [tilespmem:s21+$0x20];
	[tilespmem:s20+$0x30] =	vst v3;
	v8 =	vmul.f32 $3.200000000e+01, v8  }
0x371: {  	s24 =	sadd.s32 $0x10, s24;
	s26 =	sadd.s32 $0x400, s26;
	s28 =	sadd.s32 $0x80, s28;
	v3 =	vld [tilespmem:s21+$0x30];
	[tilespmem:s20+$0x40] =	vst v10;
	v9 =	vmul.f32 $3.200000000e+01, v9  }
0x372: {  	v7 =	vmul.f32 $3.200000000e+01, v7;
	v10 =	vld [tilespmem:s21+$0x40];
	[tilespmem:s20+$0x50] =	vst v8  }
0x373: {  	v8 =	vld [tilespmem:s21+$0x50];
	v6 =	vmul.f32 $3.200000000e+01, v6;
	[tilespmem:s20+$0x60] =	vst v9  }
0x374: {  	[tilespmem:s22+$0x10200] =	vst v7;
	v4 =	vmul.f32 $3.200000000e+01, v4;
	v7 =	vld [tilespmem:s21+$0x60]  }
0x375: {  	v5 =	vmul.f32 $3.200000000e+01, v5;
	[tilespmem:s21+$0x70] =	vst v6  }
0x376: {  	[tilespmem:s21+$0x10] =	vst v4;
	v3 =	vmul.f32 $3.200000000e+01, v3  }
0x377: {  	[tilespmem:s21+$0x20] =	vst v5;
	v4 =	vmul.f32 $3.200000000e+01, v10  }
0x378: {  	[tilespmem:s21+$0x30] =	vst v3;
	v3 =	vmul.f32 $3.200000000e+01, v8  }
0x379: {  	[tilespmem:s21+$0x40] =	vst v4;
	v4 =	vmul.f32 $3.200000000e+01, v7  }
0x37a: {  	[tilespmem:s21+$0x50] =	vst v3  }
0x37b: {  	s4 =	simm.s32 $0x0;
	[tilespmem:s21+$0x60] =	vst v4  }
0x37c: {  	s12 =	simm.s32 $0x10200;
	s13 =	simm.s32 $0xC;
	s17 =	rddreg [dreg:$0x10]  }
0x37d: {  	[hbm4b:s17+s4] =	stream.linear.scatter [tilespmem:s12], [sflag:$0xC], $0x4000, $0x38;
	[tilespmem:$0x1C200] =	vst v63  }
0x37e: {  	_ =	swait.ge [sflag:s13], $0x4000  }
0x37f: {  	[sflag:s13] =	ssyncset.done $0x0  }
0x380: {  	[sflag:s13] =	ssyncadd.s32 $0xFFFFC000  }
0x381: {  	v3 =	vld [tilespmem:$0x120];
	_ =	sdelay $0x4  }
0x382: {  	v4 =	vshll.u32 v3, $0x3  }
0x383: {  	v3 =	vand.u32 $0x7, v3;
	v4 =	vand.u32 $0xFFFFFFC0, v4  }
0x384: {  	v3 =	vor.u32 v3, v4  }
0x385: {  	v4 =	vperm.xlane v3, v0;
	_ =	sdelay $0x1  }
0x386: {  	v4 =	vadd.s32 v1, v4;
	_ =	sdelay $0x4  }
0x387: {  	[tilespmem:s12], [sflag:$0x5] =	stream.indirect_vreg.gather [hbm4b:s1+s4], $0x80, v4, vm0, $0xb8;
	[tilespmem:$0x1C200] =	vst v63  }
0x388: {  	s26 =	simm.s32 $0x10A00;
	v3 =	vperm.xlane v3, v2  }
0x389: {  	[tilespmem:s26], [sflag:$0x5] =	stream.indirect_vreg.gather [hbm4b:s5+s4], $0x80, v4, vm0, $0xb8;
	[tilespmem:$0x1C200] =	vst v63  }
0x38a: {  	s13 =	simm.s32 $0x11200;
	v3 =	vadd.s32 v1, v3  }
0x38b: {  	[tilespmem:s13], [sflag:$0x5] =	stream.indirect_vreg.gather [hbm4b:s6+s4], $0x80, v4, vm0, $0xb8;
	[tilespmem:$0x1C200] =	vst v63  }
0x38c: {  	s14 =	simm.s32 $0x11A00  }
0x38d: {  	[tilespmem:s14], [sflag:$0x5] =	stream.indirect_vreg.gather [hbm4b:s7+s4], $0x80, v4, vm0, $0xb8;
	[tilespmem:$0x1C200] =	vst v63  }
0x38e: {  	s15 =	simm.s32 $0x12200  }
0x38f: {  	[tilespmem:s15], [sflag:$0x5] =	stream.indirect_vreg.gather [hbm4b:s1+s4], $0x80, v3, vm0, $0xb8;
	[tilespmem:$0x1C200] =	vst v63  }
0x390: {  	s16 =	simm.s32 $0x12A00  }
0x391: {  	[tilespmem:s16], [sflag:$0x5] =	stream.indirect_vreg.gather [hbm4b:s5+s4], $0x80, v3, vm0, $0xb8;
	[tilespmem:$0x1C200] =	vst v63  }
0x392: {  	s17 =	simm.s32 $0x13200  }
0x393: {  	[tilespmem:s17], [sflag:$0x5] =	stream.indirect_vreg.gather [hbm4b:s6+s4], $0x80, v3, vm0, $0xb8;
	[tilespmem:$0x1C200] =	vst v63  }
0x394: {  	s20 =	simm.s32 $0x13A00;
	s21 =	simm.s32 $0x6  }
0x395: {  	[tilespmem:s20], [sflag:$0x5] =	stream.indirect_vreg.gather [hbm4b:s7+s4], $0x80, v3, vm0, $0xb8;
	[tilespmem:$0x1C200] =	vst v63  }
0x396: {  	s23 =	sand.u32 $0x1C00, s4;
	s22 =	sand.u32 $0x2000, s4;
	_ =	swait.ge [sflag:s21], $0x4000  }
0x397: {  	s17 =	sor.u32 s23, s22;
	s4 =	sand.u32 $0x380, s4;
	[sflag:s21] =	ssyncset.done $0x0  }
0x398: {  	s4 =	sor.u32 s17, s4;
	[sflag:s21] =	ssyncadd.s32 $0xFFFFC000  }
0x399: {  	s20 =	sadd.s32 $0x14200, s4;
	v3 =	vld [tilespmem:s4+$0x14200]  }
0x39a: {  	v4 =	vld [tilespmem:s20+$0x70]  }
0x39b: {  	v9 =	vld [tilespmem:s20+$0x40]  }
0x39c: {  	v5 =	vld [tilespmem:s20+$0x10]  }
0x39d: {  	s24 =	simm.s32 $0x400;
	s25 =	simm.s32 $0x80;
	v6 =	vld [tilespmem:s20+$0x20]  }
0x39e: {  	s26 =	simm.s32 $0x10;
	s17 =	sand.u32 $0x1C00, s24;
	s21 =	sand.u32 $0x2000, s25;
	v8 =	vld [tilespmem:s20+$0x30];
	v3 =	vmul.f32 $3.200000000e+01, v3  }
0x39f: {  	s22 =	sand.u32 $0x380, s26;
	s17 =	sor.u32 s17, s21;
	v10 =	vld [tilespmem:s20+$0x50];
	v4 =	vmul.f32 $3.200000000e+01, v4  }
0x3a0: {  	v11 =	vld [tilespmem:s20+$0x60];
	s22 =	sor.u32 s17, s22;
	v9 =	vmul.f32 $3.200000000e+01, v9;
	[tilespmem:s4+$0x14200] =	vst v3  }
0x3a1: {  	s21 =	sadd.s32 $0x14200, s22;
	v7 =	vld [tilespmem:s22+$0x14200];
	v3 =	vmul.f32 $3.200000000e+01, v5;
	[tilespmem:s20+$0x70] =	vst v4  }
0x3a2: {  	v5 =	vmul.f32 $3.200000000e+01, v6;
	v6 =	vld [tilespmem:s21+$0x70];
	[tilespmem:s20+$0x40] =	vst v9  }
0x3a3: {  	v4 =	vld [tilespmem:s21+$0x10];
	[tilespmem:s20+$0x10] =	vst v3;
	v3 =	vmul.f32 $3.200000000e+01, v8  }
0x3a4: {  	s28 =	simm.s32 $0x100;
	[tilespmem:s20+$0x20] =	vst v5;
	v5 =	vld [tilespmem:s21+$0x20];
	v8 =	vmul.f32 $3.200000000e+01, v10  }
0x3a5: {  	s23 =	simm.s32 $0x8;
	s26 =	simm.s32 $0x800;
	s24 =	simm.s32 $0x20;
	v9 =	vmul.f32 $3.200000000e+01, v11;
	[tilespmem:s20+$0x30] =	vst v3;
	v3 =	vld [tilespmem:s21+$0x30]  }
.LBB2_26:
0x3a6: {  	s4 =	sand.u32 $0x2000, s28;
	s17 =	sand.u32 $0x1C00, s26;
	s23 =	sadd.s32 $0x8, s23;
	v7 =	vmul.f32 $3.200000000e+01, v7;
	v10 =	vld [tilespmem:s21+$0x40];
	[tilespmem:s20+$0x50] =	vst v8  }
0x3a7: {  	s25 =	sand.u32 $0x380, s24;
	s4 =	sor.u32 s17, s4;
	p0 =	slt.u32 s23, $0x3F8;
	v8 =	vld [tilespmem:s21+$0x50];
	v6 =	vmul.f32 $3.200000000e+01, v6;
	[tilespmem:s20+$0x60] =	vst v9  }
0x3a8: {  	s20 =	smov.u32 s21;
	[tilespmem:s22+$0x14200] =	vst v7;
	s22 =	sor.u32 s4, s25;
	v4 =	vmul.f32 $3.200000000e+01, v4;
	v9 =	vld [tilespmem:s21+$0x60]  }
.Ltmp12:
0x3a9: {  	s21 =	sadd.s32 $0x14200, s22;
	v7 =	vld [tilespmem:s22+$0x14200];
	v5 =	vmul.f32 $3.200000000e+01, v5;
	[tilespmem:s20+$0x70] =	vst v6;
	(pc) =	sbr.rel @p0 .LBB2_26-.Ltmp12, $4  }
0x3aa: {  	v6 =	vld [tilespmem:s21+$0x70];
	[tilespmem:s20+$0x10] =	vst v4;
	v3 =	vmul.f32 $3.200000000e+01, v3  }
0x3ab: {  	v4 =	vld [tilespmem:s21+$0x10];
	[tilespmem:s20+$0x20] =	vst v5;
	v10 =	vmul.f32 $3.200000000e+01, v10  }
0x3ac: {  	v5 =	vld [tilespmem:s21+$0x20];
	[tilespmem:s20+$0x30] =	vst v3;
	v8 =	vmul.f32 $3.200000000e+01, v8  }
0x3ad: {  	s24 =	sadd.s32 $0x10, s24;
	s26 =	sadd.s32 $0x400, s26;
	s28 =	sadd.s32 $0x80, s28;
	v3 =	vld [tilespmem:s21+$0x30];
	[tilespmem:s20+$0x40] =	vst v10;
	v9 =	vmul.f32 $3.200000000e+01, v9  }
0x3ae: {  	v7 =	vmul.f32 $3.200000000e+01, v7;
	v10 =	vld [tilespmem:s21+$0x40];
	[tilespmem:s20+$0x50] =	vst v8  }
0x3af: {  	v8 =	vld [tilespmem:s21+$0x50];
	v6 =	vmul.f32 $3.200000000e+01, v6;
	[tilespmem:s20+$0x60] =	vst v9  }
0x3b0: {  	[tilespmem:s22+$0x14200] =	vst v7;
	v4 =	vmul.f32 $3.200000000e+01, v4;
	v7 =	vld [tilespmem:s21+$0x60]  }
0x3b1: {  	v5 =	vmul.f32 $3.200000000e+01, v5;
	[tilespmem:s21+$0x70] =	vst v6  }
0x3b2: {  	[tilespmem:s21+$0x10] =	vst v4;
	v3 =	vmul.f32 $3.200000000e+01, v3  }
0x3b3: {  	[tilespmem:s21+$0x20] =	vst v5;
	v4 =	vmul.f32 $3.200000000e+01, v10  }
0x3b4: {  	[tilespmem:s21+$0x30] =	vst v3;
	v3 =	vmul.f32 $3.200000000e+01, v8  }
0x3b5: {  	[tilespmem:s21+$0x40] =	vst v4;
	v4 =	vmul.f32 $3.200000000e+01, v7  }
0x3b6: {  	[tilespmem:s21+$0x50] =	vst v3  }
0x3b7: {  	s4 =	simm.s32 $0x0;
	[tilespmem:s21+$0x60] =	vst v4  }
0x3b8: {  	s12 =	simm.s32 $0x14200;
	s13 =	simm.s32 $0xD;
	s17 =	rddreg [dreg:$0x11]  }
0x3b9: {  	[hbm4b:s17+s4] =	stream.linear.scatter [tilespmem:s12], [sflag:$0xD], $0x4000, $0x38;
	[tilespmem:$0x1C200] =	vst v63  }
0x3ba: {  	_ =	swait.ge [sflag:s13], $0x4000  }
0x3bb: {  	[sflag:s13] =	ssyncset.done $0x0  }
0x3bc: {  	[sflag:s13] =	ssyncadd.s32 $0xFFFFC000  }
0x3bd: {  	v3 =	vld [tilespmem:$0x130];
	_ =	sdelay $0x4  }
0x3be: {  	v4 =	vshll.u32 v3, $0x3  }
0x3bf: {  	v3 =	vand.u32 $0x7, v3;
	v4 =	vand.u32 $0xFFFFFFC0, v4  }
0x3c0: {  	v3 =	vor.u32 v3, v4  }
0x3c1: {  	v4 =	vperm.xlane v3, v0;
	_ =	sdelay $0x1  }
0x3c2: {  	v4 =	vadd.s32 v1, v4;
	_ =	sdelay $0x4  }
0x3c3: {  	[tilespmem:s12], [sflag:$0x6] =	stream.indirect_vreg.gather [hbm4b:s1+s4], $0x80, v4, vm0, $0xb8;
	[tilespmem:$0x1C200] =	vst v63  }
0x3c4: {  	s13 =	simm.s32 $0x14A00;
	v3 =	vperm.xlane v3, v2  }
0x3c5: {  	[tilespmem:s13], [sflag:$0x6] =	stream.indirect_vreg.gather [hbm4b:s5+s4], $0x80, v4, vm0, $0xb8;
	[tilespmem:$0x1C200] =	vst v63  }
0x3c6: {  	s14 =	simm.s32 $0x15200;
	v3 =	vadd.s32 v1, v3  }
0x3c7: {  	[tilespmem:s14], [sflag:$0x6] =	stream.indirect_vreg.gather [hbm4b:s6+s4], $0x80, v4, vm0, $0xb8;
	[tilespmem:$0x1C200] =	vst v63  }
0x3c8: {  	s15 =	simm.s32 $0x15A00  }
0x3c9: {  	[tilespmem:s15], [sflag:$0x6] =	stream.indirect_vreg.gather [hbm4b:s7+s4], $0x80, v4, vm0, $0xb8;
	[tilespmem:$0x1C200] =	vst v63  }
0x3ca: {  	s16 =	simm.s32 $0x16200  }
0x3cb: {  	[tilespmem:s16], [sflag:$0x6] =	stream.indirect_vreg.gather [hbm4b:s1+s4], $0x80, v3, vm0, $0xb8;
	[tilespmem:$0x1C200] =	vst v63  }
0x3cc: {  	s17 =	simm.s32 $0x16A00  }
0x3cd: {  	[tilespmem:s17], [sflag:$0x6] =	stream.indirect_vreg.gather [hbm4b:s5+s4], $0x80, v3, vm0, $0xb8;
	[tilespmem:$0x1C200] =	vst v63  }
0x3ce: {  	s20 =	simm.s32 $0x17200  }
0x3cf: {  	[tilespmem:s20], [sflag:$0x6] =	stream.indirect_vreg.gather [hbm4b:s6+s4], $0x80, v3, vm0, $0xb8;
	[tilespmem:$0x1C200] =	vst v63  }
0x3d0: {  	s21 =	simm.s32 $0x17A00  }
0x3d1: {  	[tilespmem:s21], [sflag:$0x6] =	stream.indirect_vreg.gather [hbm4b:s7+s4], $0x80, v3, vm0, $0xb8;
	[tilespmem:$0x1C200] =	vst v63  }
0x3d2: {  	s23 =	sand.u32 $0x1C00, s4;
	s22 =	sand.u32 $0x2000, s4;
	_ =	swait.ge [sflag:s8], $0x4000  }
0x3d3: {  	s17 =	sor.u32 s23, s22;
	s4 =	sand.u32 $0x380, s4;
	[sflag:s8] =	ssyncset.done $0x0  }
0x3d4: {  	s4 =	sor.u32 s17, s4;
	[sflag:s8] =	ssyncadd.s32 $0xFFFFC000  }
0x3d5: {  	s20 =	sadd.s32 $0x18200, s4;
	v3 =	vld [tilespmem:s4+$0x18200]  }
0x3d6: {  	v4 =	vld [tilespmem:s20+$0x70]  }
0x3d7: {  	v9 =	vld [tilespmem:s20+$0x40]  }
0x3d8: {  	v5 =	vld [tilespmem:s20+$0x10]  }
0x3d9: {  	s24 =	simm.s32 $0x400;
	s25 =	simm.s32 $0x80;
	v6 =	vld [tilespmem:s20+$0x20]  }
0x3da: {  	s26 =	simm.s32 $0x10;
	s21 =	sand.u32 $0x2000, s25;
	s17 =	sand.u32 $0x1C00, s24;
	v8 =	vld [tilespmem:s20+$0x30];
	v3 =	vmul.f32 $3.200000000e+01, v3  }
0x3db: {  	s22 =	sand.u32 $0x380, s26;
	s17 =	sor.u32 s17, s21;
	v10 =	vld [tilespmem:s20+$0x50];
	v4 =	vmul.f32 $3.200000000e+01, v4  }
0x3dc: {  	s22 =	sor.u32 s17, s22;
	v11 =	vld [tilespmem:s20+$0x60];
	v9 =	vmul.f32 $3.200000000e+01, v9;
	[tilespmem:s4+$0x18200] =	vst v3  }
0x3dd: {  	s21 =	sadd.s32 $0x18200, s22;
	v7 =	vld [tilespmem:s22+$0x18200];
	v3 =	vmul.f32 $3.200000000e+01, v5;
	[tilespmem:s20+$0x70] =	vst v4  }
0x3de: {  	v5 =	vmul.f32 $3.200000000e+01, v6;
	v6 =	vld [tilespmem:s21+$0x70];
	[tilespmem:s20+$0x40] =	vst v9  }
0x3df: {  	v4 =	vld [tilespmem:s21+$0x10];
	[tilespmem:s20+$0x10] =	vst v3;
	v3 =	vmul.f32 $3.200000000e+01, v8  }
0x3e0: {  	s28 =	simm.s32 $0x100;
	[tilespmem:s20+$0x20] =	vst v5;
	v5 =	vld [tilespmem:s21+$0x20];
	v8 =	vmul.f32 $3.200000000e+01, v10  }
0x3e1: {  	s23 =	simm.s32 $0x8;
	s26 =	simm.s32 $0x800;
	s24 =	simm.s32 $0x20;
	v9 =	vmul.f32 $3.200000000e+01, v11;
	[tilespmem:s20+$0x30] =	vst v3;
	v3 =	vld [tilespmem:s21+$0x30]  }
.LBB2_28:
0x3e2: {  	s4 =	sand.u32 $0x2000, s28;
	s17 =	sand.u32 $0x1C00, s26;
	s23 =	sadd.s32 $0x8, s23;
	v7 =	vmul.f32 $3.200000000e+01, v7;
	v10 =	vld [tilespmem:s21+$0x40];
	[tilespmem:s20+$0x50] =	vst v8  }
0x3e3: {  	s25 =	sand.u32 $0x380, s24;
	s4 =	sor.u32 s17, s4;
	p0 =	slt.u32 s23, $0x3F8;
	v8 =	vld [tilespmem:s21+$0x50];
	v6 =	vmul.f32 $3.200000000e+01, v6;
	[tilespmem:s20+$0x60] =	vst v9  }
0x3e4: {  	s20 =	smov.u32 s21;
	[tilespmem:s22+$0x18200] =	vst v7;
	s22 =	sor.u32 s4, s25;
	v4 =	vmul.f32 $3.200000000e+01, v4;
	v9 =	vld [tilespmem:s21+$0x60]  }
.Ltmp13:
0x3e5: {  	s21 =	sadd.s32 $0x18200, s22;
	v7 =	vld [tilespmem:s22+$0x18200];
	v5 =	vmul.f32 $3.200000000e+01, v5;
	[tilespmem:s20+$0x70] =	vst v6;
	(pc) =	sbr.rel @p0 .LBB2_28-.Ltmp13, $4  }
0x3e6: {  	v6 =	vld [tilespmem:s21+$0x70];
	[tilespmem:s20+$0x10] =	vst v4;
	v3 =	vmul.f32 $3.200000000e+01, v3  }
0x3e7: {  	v4 =	vld [tilespmem:s21+$0x10];
	[tilespmem:s20+$0x20] =	vst v5;
	v10 =	vmul.f32 $3.200000000e+01, v10  }
0x3e8: {  	v5 =	vld [tilespmem:s21+$0x20];
	[tilespmem:s20+$0x30] =	vst v3;
	v8 =	vmul.f32 $3.200000000e+01, v8  }
0x3e9: {  	s24 =	sadd.s32 $0x10, s24;
	s26 =	sadd.s32 $0x400, s26;
	s28 =	sadd.s32 $0x80, s28;
	v3 =	vld [tilespmem:s21+$0x30];
	[tilespmem:s20+$0x40] =	vst v10;
	v9 =	vmul.f32 $3.200000000e+01, v9  }
0x3ea: {  	v7 =	vmul.f32 $3.200000000e+01, v7;
	v10 =	vld [tilespmem:s21+$0x40];
	[tilespmem:s20+$0x50] =	vst v8  }
0x3eb: {  	v8 =	vld [tilespmem:s21+$0x50];
	v6 =	vmul.f32 $3.200000000e+01, v6;
	[tilespmem:s20+$0x60] =	vst v9  }
0x3ec: {  	[tilespmem:s22+$0x18200] =	vst v7;
	v4 =	vmul.f32 $3.200000000e+01, v4;
	v7 =	vld [tilespmem:s21+$0x60]  }
0x3ed: {  	v5 =	vmul.f32 $3.200000000e+01, v5;
	[tilespmem:s21+$0x70] =	vst v6  }
0x3ee: {  	[tilespmem:s21+$0x10] =	vst v4;
	v3 =	vmul.f32 $3.200000000e+01, v3  }
0x3ef: {  	[tilespmem:s21+$0x20] =	vst v5;
	v4 =	vmul.f32 $3.200000000e+01, v10  }
0x3f0: {  	[tilespmem:s21+$0x30] =	vst v3;
	v3 =	vmul.f32 $3.200000000e+01, v8  }
0x3f1: {  	[tilespmem:s21+$0x40] =	vst v4;
	v4 =	vmul.f32 $3.200000000e+01, v7  }
0x3f2: {  	[tilespmem:s21+$0x50] =	vst v3  }
0x3f3: {  	[tilespmem:s21+$0x60] =	vst v4  }
0x3f4: {  	s4 =	simm.s32 $0x0;
	s12 =	simm.s32 $0x18200;
	s17 =	rddreg [dreg:$0x12]  }
0x3f5: {  	[hbm4b:s17+s4] =	stream.linear.scatter [tilespmem:s12], [sflag:$0xE], $0x4000, $0x38;
	[tilespmem:$0x1C200] =	vst v63  }
0x3f6: {  	_ =	swait.ge [sflag:s18], $0x4000  }
0x3f7: {  	[sflag:s18] =	ssyncset.done $0x0  }
0x3f8: {  	[sflag:s18] =	ssyncadd.s32 $0xFFFFC000  }
0x3f9: {  	v3 =	vld [tilespmem:$0x140];
	_ =	sdelay $0x4  }
0x3fa: {  	v4 =	vshll.u32 v3, $0x3  }
0x3fb: {  	v3 =	vand.u32 $0x7, v3;
	v4 =	vand.u32 $0xFFFFFFC0, v4  }
0x3fc: {  	v3 =	vor.u32 v3, v4  }
0x3fd: {  	v4 =	vperm.xlane v3, v0;
	_ =	sdelay $0x1  }
0x3fe: {  	v4 =	vadd.s32 v1, v4;
	_ =	sdelay $0x4  }
0x3ff: {  	[tilespmem:s12], [sflag:$0x7] =	stream.indirect_vreg.gather [hbm4b:s1+s4], $0x80, v4, vm0, $0xb8;
	[tilespmem:$0x1C200] =	vst v63  }
0x400: {  	s14 =	simm.s32 $0x18A00;
	v3 =	vperm.xlane v3, v2  }
0x401: {  	[tilespmem:s14], [sflag:$0x7] =	stream.indirect_vreg.gather [hbm4b:s5+s4], $0x80, v4, vm0, $0xb8;
	[tilespmem:$0x1C200] =	vst v63  }
0x402: {  	s15 =	simm.s32 $0x19200;
	v3 =	vadd.s32 v1, v3  }
0x403: {  	[tilespmem:s15], [sflag:$0x7] =	stream.indirect_vreg.gather [hbm4b:s6+s4], $0x80, v4, vm0, $0xb8;
	[tilespmem:$0x1C200] =	vst v63  }
0x404: {  	s16 =	simm.s32 $0x19A00  }
0x405: {  	[tilespmem:s16], [sflag:$0x7] =	stream.indirect_vreg.gather [hbm4b:s7+s4], $0x80, v4, vm0, $0xb8;
	[tilespmem:$0x1C200] =	vst v63  }
0x406: {  	s17 =	simm.s32 $0x1A200  }
0x407: {  	[tilespmem:s17], [sflag:$0x7] =	stream.indirect_vreg.gather [hbm4b:s1+s4], $0x80, v3, vm0, $0xb8;
	[tilespmem:$0x1C200] =	vst v63  }
0x408: {  	s20 =	simm.s32 $0x1AA00  }
0x409: {  	[tilespmem:s20], [sflag:$0x7] =	stream.indirect_vreg.gather [hbm4b:s5+s4], $0x80, v3, vm0, $0xb8;
	[tilespmem:$0x1C200] =	vst v63  }
0x40a: {  	s21 =	simm.s32 $0x1B200  }
0x40b: {  	[tilespmem:s21], [sflag:$0x7] =	stream.indirect_vreg.gather [hbm4b:s6+s4], $0x80, v3, vm0, $0xb8;
	[tilespmem:$0x1C200] =	vst v63  }
0x40c: {  	s22 =	simm.s32 $0x1BA00  }
0x40d: {  	[tilespmem:s22], [sflag:$0x7] =	stream.indirect_vreg.gather [hbm4b:s7+s4], $0x80, v3, vm0, $0xb8;
	[tilespmem:$0x1C200] =	vst v63  }
0x40e: {  	s23 =	sand.u32 $0x2000, s4;
	s24 =	sand.u32 $0x1C00, s4;
	_ =	swait.ge [sflag:s29], $0x4000  }
0x40f: {  	s17 =	sor.u32 s24, s23;
	s4 =	sand.u32 $0x380, s4;
	[sflag:s29] =	ssyncset.done $0x0  }
0x410: {  	s21 =	sor.u32 s17, s4;
	[sflag:s29] =	ssyncadd.s32 $0xFFFFC000  }
0x411: {  	v3 =	vld [tilespmem:s21+$0x270]  }
0x412: {  	v4 =	vld [tilespmem:s21+$0x200]  }
0x413: {  	v5 =	vld [tilespmem:s21+$0x210]  }
0x414: {  	v9 =	vld [tilespmem:s21+$0x240]  }
0x415: {  	s25 =	simm.s32 $0x400;
	s26 =	simm.s32 $0x80;
	v6 =	vld [tilespmem:s21+$0x220]  }
0x416: {  	s28 =	simm.s32 $0x10;
	s17 =	sand.u32 $0x2000, s26;
	s4 =	sand.u32 $0x1C00, s25;
	v8 =	vld [tilespmem:s21+$0x230];
	v3 =	vmul.f32 $3.200000000e+01, v3  }
0x417: {  	s20 =	sand.u32 $0x380, s28;
	s4 =	sor.u32 s4, s17;
	v10 =	vld [tilespmem:s21+$0x250];
	v4 =	vmul.f32 $3.200000000e+01, v4  }
0x418: {  	s20 =	sor.u32 s4, s20;
	v12 =	vld [tilespmem:s21+$0x260];
	v11 =	vmul.f32 $3.200000000e+01, v5;
	[tilespmem:s21+$0x270] =	vst v3  }
0x419: {  	v7 =	vld [tilespmem:s20+$0x270];
	v9 =	vmul.f32 $3.200000000e+01, v9;
	[tilespmem:s21+$0x200] =	vst v4  }
0x41a: {  	v5 =	vld [tilespmem:s20+$0x200];
	v3 =	vmul.f32 $3.200000000e+01, v6;
	[tilespmem:s21+$0x210] =	vst v11  }
0x41b: {  	v4 =	vmul.f32 $3.200000000e+01, v8;
	v6 =	vld [tilespmem:s20+$0x210];
	[tilespmem:s21+$0x240] =	vst v9  }
0x41c: {  	s23 =	simm.s32 $0x20;
	v8 =	vmul.f32 $3.200000000e+01, v10;
	[tilespmem:s21+$0x220] =	vst v3;
	v3 =	vld [tilespmem:s20+$0x220]  }
0x41d: {  	s24 =	simm.s32 $0x800;
	s22 =	simm.s32 $0x8;
	s26 =	simm.s32 $0x100;
	v9 =	vmul.f32 $3.200000000e+01, v12;
	[tilespmem:s21+$0x230] =	vst v4;
	v4 =	vld [tilespmem:s20+$0x230]  }
.LBB2_30:
0x41e: {  	s4 =	sand.u32 $0x2000, s26;
	s17 =	sand.u32 $0x1C00, s24;
	s22 =	sadd.s32 $0x8, s22;
	v10 =	vld [tilespmem:s20+$0x240];
	v7 =	vmul.f32 $3.200000000e+01, v7;
	[tilespmem:s21+$0x250] =	vst v8  }
0x41f: {  	s25 =	sand.u32 $0x380, s23;
	s4 =	sor.u32 s17, s4;
	p0 =	slt.u32 s22, $0x3F8;
	v5 =	vmul.f32 $3.200000000e+01, v5;
	v8 =	vld [tilespmem:s20+$0x250];
	[tilespmem:s21+$0x260] =	vst v9  }
0x420: {  	s21 =	smov.u32 s20;
	v6 =	vmul.f32 $3.200000000e+01, v6;
	v9 =	vld [tilespmem:s20+$0x260];
	[tilespmem:s20+$0x270] =	vst v7;
	s20 =	sor.u32 s4, s25  }
.Ltmp14:
0x421: {  	v7 =	vld [tilespmem:s20+$0x270];
	[tilespmem:s21+$0x200] =	vst v5;
	v3 =	vmul.f32 $3.200000000e+01, v3;
	(pc) =	sbr.rel @p0 .LBB2_30-.Ltmp14, $4  }
0x422: {  	v5 =	vld [tilespmem:s20+$0x200];
	[tilespmem:s21+$0x210] =	vst v6;
	v4 =	vmul.f32 $3.200000000e+01, v4  }
0x423: {  	v6 =	vld [tilespmem:s20+$0x210];
	[tilespmem:s21+$0x220] =	vst v3;
	v10 =	vmul.f32 $3.200000000e+01, v10  }
0x424: {  	v3 =	vld [tilespmem:s20+$0x220];
	[tilespmem:s21+$0x230] =	vst v4;
	v8 =	vmul.f32 $3.200000000e+01, v8  }
0x425: {  	s23 =	sadd.s32 $0x10, s23;
	s24 =	sadd.s32 $0x400, s24;
	s26 =	sadd.s32 $0x80, s26;
	v4 =	vld [tilespmem:s20+$0x230];
	[tilespmem:s21+$0x240] =	vst v10;
	v9 =	vmul.f32 $3.200000000e+01, v9  }
0x426: {  	v10 =	vld [tilespmem:s20+$0x240];
	v7 =	vmul.f32 $3.200000000e+01, v7;
	[tilespmem:s21+$0x250] =	vst v8  }
0x427: {  	v8 =	vld [tilespmem:s20+$0x250];
	v5 =	vmul.f32 $3.200000000e+01, v5;
	[tilespmem:s21+$0x260] =	vst v9  }
0x428: {  	v9 =	vld [tilespmem:s20+$0x260];
	v6 =	vmul.f32 $3.200000000e+01, v6;
	[tilespmem:s20+$0x270] =	vst v7  }
0x429: {  	[tilespmem:s20+$0x200] =	vst v5;
	v3 =	vmul.f32 $3.200000000e+01, v3  }
0x42a: {  	[tilespmem:s20+$0x210] =	vst v6;
	v4 =	vmul.f32 $3.200000000e+01, v4  }
0x42b: {  	[tilespmem:s20+$0x220] =	vst v3;
	v3 =	vmul.f32 $3.200000000e+01, v10  }
0x42c: {  	[tilespmem:s20+$0x230] =	vst v4;
	v4 =	vmul.f32 $3.200000000e+01, v8  }
0x42d: {  	[tilespmem:s20+$0x240] =	vst v3;
	v3 =	vmul.f32 $3.200000000e+01, v9  }
0x42e: {  	[tilespmem:s20+$0x250] =	vst v4  }
0x42f: {  	[tilespmem:s20+$0x260] =	vst v3  }
0x430: {  	s4 =	simm.s32 $0x0;
	s16 =	simm.s32 $0x200;
	s17 =	rddreg [dreg:$0x13]  }
0x431: {  	[hbm4b:s17+s4] =	stream.linear.scatter [tilespmem:s16], [sflag:$0x8], $0x4000, $0x38;
	[tilespmem:$0x1C200] =	vst v63  }
0x432: {  	_ =	swait.ge [sflag:s30], $0x4000  }
0x433: {  	[sflag:s30] =	ssyncset.done $0x0  }
0x434: {  	[sflag:s30] =	ssyncadd.s32 $0xFFFFC000  }
0x435: {  	v3 =	vld [tilespmem:$0x150];
	_ =	sdelay $0x4  }
0x436: {  	v4 =	vshll.u32 v3, $0x3  }
0x437: {  	v3 =	vand.u32 $0x7, v3;
	v4 =	vand.u32 $0xFFFFFFC0, v4  }
0x438: {  	v3 =	vor.u32 v3, v4  }
0x439: {  	v4 =	vperm.xlane v3, v0;
	_ =	sdelay $0x1  }
0x43a: {  	v4 =	vadd.s32 v1, v4;
	_ =	sdelay $0x4  }
0x43b: {  	[tilespmem:s16], [sflag:$0x1] =	stream.indirect_vreg.gather [hbm4b:s1+s4], $0x80, v4, vm0, $0xb8;
	[tilespmem:$0x1C200] =	vst v63  }
0x43c: {  	s13 =	simm.s32 $0xA00;
	v3 =	vperm.xlane v3, v2  }
0x43d: {  	[tilespmem:s13], [sflag:$0x1] =	stream.indirect_vreg.gather [hbm4b:s5+s4], $0x80, v4, vm0, $0xb8;
	[tilespmem:$0x1C200] =	vst v63  }
0x43e: {  	s14 =	simm.s32 $0x1200;
	v3 =	vadd.s32 v1, v3  }
0x43f: {  	[tilespmem:s14], [sflag:$0x1] =	stream.indirect_vreg.gather [hbm4b:s6+s4], $0x80, v4, vm0, $0xb8;
	[tilespmem:$0x1C200] =	vst v63  }
0x440: {  	s15 =	simm.s32 $0x1A00  }
0x441: {  	[tilespmem:s15], [sflag:$0x1] =	stream.indirect_vreg.gather [hbm4b:s7+s4], $0x80, v4, vm0, $0xb8;
	[tilespmem:$0x1C200] =	vst v63  }
0x442: {  	s16 =	simm.s32 $0x2200  }
0x443: {  	[tilespmem:s16], [sflag:$0x1] =	stream.indirect_vreg.gather [hbm4b:s1+s4], $0x80, v3, vm0, $0xb8;
	[tilespmem:$0x1C200] =	vst v63  }
0x444: {  	s20 =	simm.s32 $0x2A00  }
0x445: {  	[tilespmem:s20], [sflag:$0x1] =	stream.indirect_vreg.gather [hbm4b:s5+s4], $0x80, v3, vm0, $0xb8;
	[tilespmem:$0x1C200] =	vst v63  }
0x446: {  	s21 =	simm.s32 $0x3200  }
0x447: {  	[tilespmem:s21], [sflag:$0x1] =	stream.indirect_vreg.gather [hbm4b:s6+s4], $0x80, v3, vm0, $0xb8;
	[tilespmem:$0x1C200] =	vst v63  }
0x448: {  	s22 =	simm.s32 $0x3A00  }
0x449: {  	[tilespmem:s22], [sflag:$0x1] =	stream.indirect_vreg.gather [hbm4b:s7+s4], $0x80, v3, vm0, $0xb8;
	[tilespmem:$0x1C200] =	vst v63  }
0x44a: {  	s23 =	sand.u32 $0x2000, s4;
	s24 =	sand.u32 $0x1C00, s4;
	_ =	swait.ge [sflag:s31], $0x4000  }
0x44b: {  	s17 =	sor.u32 s24, s23;
	s4 =	sand.u32 $0x380, s4;
	[sflag:s31] =	ssyncset.done $0x0  }
0x44c: {  	s21 =	sor.u32 s17, s4;
	[sflag:s31] =	ssyncadd.s32 $0xFFFFC000  }
0x44d: {  	v3 =	vld [tilespmem:s21+$0x4270]  }
0x44e: {  	v4 =	vld [tilespmem:s21+$0x4200]  }
0x44f: {  	v5 =	vld [tilespmem:s21+$0x4210]  }
0x450: {  	v9 =	vld [tilespmem:s21+$0x4240]  }
0x451: {  	s25 =	simm.s32 $0x400;
	s26 =	simm.s32 $0x80;
	v6 =	vld [tilespmem:s21+$0x4220]  }
0x452: {  	s28 =	simm.s32 $0x10;
	s17 =	sand.u32 $0x2000, s26;
	s4 =	sand.u32 $0x1C00, s25;
	v8 =	vld [tilespmem:s21+$0x4230];
	v3 =	vmul.f32 $3.200000000e+01, v3  }
0x453: {  	s20 =	sand.u32 $0x380, s28;
	s4 =	sor.u32 s4, s17;
	v10 =	vld [tilespmem:s21+$0x4250];
	v4 =	vmul.f32 $3.200000000e+01, v4  }
0x454: {  	s20 =	sor.u32 s4, s20;
	v12 =	vld [tilespmem:s21+$0x4260];
	v11 =	vmul.f32 $3.200000000e+01, v5;
	[tilespmem:s21+$0x4270] =	vst v3  }
0x455: {  	v7 =	vld [tilespmem:s20+$0x4270];
	v9 =	vmul.f32 $3.200000000e+01, v9;
	[tilespmem:s21+$0x4200] =	vst v4  }
0x456: {  	v5 =	vld [tilespmem:s20+$0x4200];
	v3 =	vmul.f32 $3.200000000e+01, v6;
	[tilespmem:s21+$0x4210] =	vst v11  }
0x457: {  	v4 =	vmul.f32 $3.200000000e+01, v8;
	v6 =	vld [tilespmem:s20+$0x4210];
	[tilespmem:s21+$0x4240] =	vst v9  }
0x458: {  	s23 =	simm.s32 $0x20;
	v8 =	vmul.f32 $3.200000000e+01, v10;
	[tilespmem:s21+$0x4220] =	vst v3;
	v3 =	vld [tilespmem:s20+$0x4220]  }
0x459: {  	s24 =	simm.s32 $0x800;
	s22 =	simm.s32 $0x8;
	s26 =	simm.s32 $0x100;
	v9 =	vmul.f32 $3.200000000e+01, v12;
	[tilespmem:s21+$0x4230] =	vst v4;
	v4 =	vld [tilespmem:s20+$0x4230]  }
.LBB2_32:
0x45a: {  	s4 =	sand.u32 $0x2000, s26;
	s17 =	sand.u32 $0x1C00, s24;
	s22 =	sadd.s32 $0x8, s22;
	v10 =	vld [tilespmem:s20+$0x4240];
	v7 =	vmul.f32 $3.200000000e+01, v7;
	[tilespmem:s21+$0x4250] =	vst v8  }
0x45b: {  	s25 =	sand.u32 $0x380, s23;
	s4 =	sor.u32 s17, s4;
	p0 =	slt.u32 s22, $0x3F8;
	v5 =	vmul.f32 $3.200000000e+01, v5;
	v8 =	vld [tilespmem:s20+$0x4250];
	[tilespmem:s21+$0x4260] =	vst v9  }
0x45c: {  	s21 =	smov.u32 s20;
	v6 =	vmul.f32 $3.200000000e+01, v6;
	v9 =	vld [tilespmem:s20+$0x4260];
	[tilespmem:s20+$0x4270] =	vst v7;
	s20 =	sor.u32 s4, s25  }
.Ltmp15:
0x45d: {  	v7 =	vld [tilespmem:s20+$0x4270];
	[tilespmem:s21+$0x4200] =	vst v5;
	v3 =	vmul.f32 $3.200000000e+01, v3;
	(pc) =	sbr.rel @p0 .LBB2_32-.Ltmp15, $4  }
0x45e: {  	v5 =	vld [tilespmem:s20+$0x4200];
	[tilespmem:s21+$0x4210] =	vst v6;
	v4 =	vmul.f32 $3.200000000e+01, v4  }
0x45f: {  	v6 =	vld [tilespmem:s20+$0x4210];
	[tilespmem:s21+$0x4220] =	vst v3;
	v10 =	vmul.f32 $3.200000000e+01, v10  }
0x460: {  	v3 =	vld [tilespmem:s20+$0x4220];
	[tilespmem:s21+$0x4230] =	vst v4;
	v8 =	vmul.f32 $3.200000000e+01, v8  }
0x461: {  	s23 =	sadd.s32 $0x10, s23;
	s24 =	sadd.s32 $0x400, s24;
	s26 =	sadd.s32 $0x80, s26;
	v4 =	vld [tilespmem:s20+$0x4230];
	[tilespmem:s21+$0x4240] =	vst v10;
	v9 =	vmul.f32 $3.200000000e+01, v9  }
0x462: {  	v10 =	vld [tilespmem:s20+$0x4240];
	v7 =	vmul.f32 $3.200000000e+01, v7;
	[tilespmem:s21+$0x4250] =	vst v8  }
0x463: {  	v8 =	vld [tilespmem:s20+$0x4250];
	v5 =	vmul.f32 $3.200000000e+01, v5;
	[tilespmem:s21+$0x4260] =	vst v9  }
0x464: {  	v9 =	vld [tilespmem:s20+$0x4260];
	v6 =	vmul.f32 $3.200000000e+01, v6;
	[tilespmem:s20+$0x4270] =	vst v7  }
0x465: {  	[tilespmem:s20+$0x4200] =	vst v5;
	v3 =	vmul.f32 $3.200000000e+01, v3  }
0x466: {  	[tilespmem:s20+$0x4210] =	vst v6;
	v4 =	vmul.f32 $3.200000000e+01, v4  }
0x467: {  	[tilespmem:s20+$0x4220] =	vst v3;
	v3 =	vmul.f32 $3.200000000e+01, v10  }
0x468: {  	[tilespmem:s20+$0x4230] =	vst v4;
	v4 =	vmul.f32 $3.200000000e+01, v8  }
0x469: {  	[tilespmem:s20+$0x4240] =	vst v3;
	v3 =	vmul.f32 $3.200000000e+01, v9  }
0x46a: {  	[tilespmem:s20+$0x4250] =	vst v4  }
0x46b: {  	[tilespmem:s20+$0x4260] =	vst v3  }
0x46c: {  	s4 =	simm.s32 $0x0;
	s16 =	simm.s32 $0x4200;
	s17 =	rddreg [dreg:$0x14]  }
0x46d: {  	[hbm4b:s17+s4] =	stream.linear.scatter [tilespmem:s16], [sflag:$0x9], $0x4000, $0x38;
	[tilespmem:$0x1C200] =	vst v63  }
0x46e: {  	_ =	swait.ge [sflag:s0], $0x4000  }
0x46f: {  	[sflag:s0] =	ssyncset.done $0x0  }
0x470: {  	[sflag:s0] =	ssyncadd.s32 $0xFFFFC000  }
0x471: {  	v3 =	vld [tilespmem:$0x160];
	_ =	sdelay $0x4  }
0x472: {  	v4 =	vshll.u32 v3, $0x3  }
0x473: {  	v3 =	vand.u32 $0x7, v3;
	v4 =	vand.u32 $0xFFFFFFC0, v4  }
0x474: {  	v3 =	vor.u32 v3, v4  }
0x475: {  	v4 =	vperm.xlane v3, v0;
	_ =	sdelay $0x1  }
0x476: {  	v4 =	vadd.s32 v1, v4;
	_ =	sdelay $0x4  }
0x477: {  	[tilespmem:s16], [sflag:$0x2] =	stream.indirect_vreg.gather [hbm4b:s1+s4], $0x80, v4, vm0, $0xb8;
	[tilespmem:$0x1C200] =	vst v63  }
0x478: {  	s13 =	simm.s32 $0x4A00;
	v3 =	vperm.xlane v3, v2  }
0x479: {  	[tilespmem:s13], [sflag:$0x2] =	stream.indirect_vreg.gather [hbm4b:s5+s4], $0x80, v4, vm0, $0xb8;
	[tilespmem:$0x1C200] =	vst v63  }
0x47a: {  	s14 =	simm.s32 $0x5200;
	v3 =	vadd.s32 v1, v3  }
0x47b: {  	[tilespmem:s14], [sflag:$0x2] =	stream.indirect_vreg.gather [hbm4b:s6+s4], $0x80, v4, vm0, $0xb8;
	[tilespmem:$0x1C200] =	vst v63  }
0x47c: {  	s15 =	simm.s32 $0x5A00  }
0x47d: {  	[tilespmem:s15], [sflag:$0x2] =	stream.indirect_vreg.gather [hbm4b:s7+s4], $0x80, v4, vm0, $0xb8;
	[tilespmem:$0x1C200] =	vst v63  }
0x47e: {  	s17 =	simm.s32 $0x6200  }
0x47f: {  	[tilespmem:s17], [sflag:$0x2] =	stream.indirect_vreg.gather [hbm4b:s1+s4], $0x80, v3, vm0, $0xb8;
	[tilespmem:$0x1C200] =	vst v63  }
0x480: {  	s20 =	simm.s32 $0x6A00  }
0x481: {  	[tilespmem:s20], [sflag:$0x2] =	stream.indirect_vreg.gather [hbm4b:s5+s4], $0x80, v3, vm0, $0xb8;
	[tilespmem:$0x1C200] =	vst v63  }
0x482: {  	s21 =	simm.s32 $0x7200  }
0x483: {  	[tilespmem:s21], [sflag:$0x2] =	stream.indirect_vreg.gather [hbm4b:s6+s4], $0x80, v3, vm0, $0xb8;
	[tilespmem:$0x1C200] =	vst v63  }
0x484: {  	s22 =	simm.s32 $0x7A00  }
0x485: {  	[tilespmem:s22], [sflag:$0x2] =	stream.indirect_vreg.gather [hbm4b:s7+s4], $0x80, v3, vm0, $0xb8;
	[tilespmem:$0x1C200] =	vst v63  }
0x486: {  	s23 =	sand.u32 $0x2000, s4;
	s24 =	sand.u32 $0x1C00, s4;
	_ =	swait.ge [sflag:s2], $0x4000  }
0x487: {  	s17 =	sor.u32 s24, s23;
	s4 =	sand.u32 $0x380, s4;
	[sflag:s2] =	ssyncset.done $0x0  }
0x488: {  	s21 =	sor.u32 s17, s4;
	[sflag:s2] =	ssyncadd.s32 $0xFFFFC000  }
0x489: {  	v3 =	vld [tilespmem:s21+$0x8270]  }
0x48a: {  	v4 =	vld [tilespmem:s21+$0x8200]  }
0x48b: {  	v5 =	vld [tilespmem:s21+$0x8210]  }
0x48c: {  	v9 =	vld [tilespmem:s21+$0x8240]  }
0x48d: {  	s25 =	simm.s32 $0x400;
	s26 =	simm.s32 $0x80;
	v6 =	vld [tilespmem:s21+$0x8220]  }
0x48e: {  	s28 =	simm.s32 $0x10;
	s17 =	sand.u32 $0x2000, s26;
	s4 =	sand.u32 $0x1C00, s25;
	v8 =	vld [tilespmem:s21+$0x8230];
	v3 =	vmul.f32 $3.200000000e+01, v3  }
0x48f: {  	s20 =	sand.u32 $0x380, s28;
	s4 =	sor.u32 s4, s17;
	v10 =	vld [tilespmem:s21+$0x8250];
	v4 =	vmul.f32 $3.200000000e+01, v4  }
0x490: {  	s20 =	sor.u32 s4, s20;
	v12 =	vld [tilespmem:s21+$0x8260];
	v11 =	vmul.f32 $3.200000000e+01, v5;
	[tilespmem:s21+$0x8270] =	vst v3  }
0x491: {  	v7 =	vld [tilespmem:s20+$0x8270];
	v9 =	vmul.f32 $3.200000000e+01, v9;
	[tilespmem:s21+$0x8200] =	vst v4  }
0x492: {  	v5 =	vld [tilespmem:s20+$0x8200];
	v3 =	vmul.f32 $3.200000000e+01, v6;
	[tilespmem:s21+$0x8210] =	vst v11  }
0x493: {  	v4 =	vmul.f32 $3.200000000e+01, v8;
	v6 =	vld [tilespmem:s20+$0x8210];
	[tilespmem:s21+$0x8240] =	vst v9  }
0x494: {  	s23 =	simm.s32 $0x20;
	v8 =	vmul.f32 $3.200000000e+01, v10;
	[tilespmem:s21+$0x8220] =	vst v3;
	v3 =	vld [tilespmem:s20+$0x8220]  }
0x495: {  	s24 =	simm.s32 $0x800;
	s22 =	simm.s32 $0x8;
	s26 =	simm.s32 $0x100;
	v9 =	vmul.f32 $3.200000000e+01, v12;
	[tilespmem:s21+$0x8230] =	vst v4;
	v4 =	vld [tilespmem:s20+$0x8230]  }
.LBB2_34:
0x496: {  	s4 =	sand.u32 $0x2000, s26;
	s17 =	sand.u32 $0x1C00, s24;
	s22 =	sadd.s32 $0x8, s22;
	v10 =	vld [tilespmem:s20+$0x8240];
	v7 =	vmul.f32 $3.200000000e+01, v7;
	[tilespmem:s21+$0x8250] =	vst v8  }
0x497: {  	s25 =	sand.u32 $0x380, s23;
	s4 =	sor.u32 s17, s4;
	p0 =	slt.u32 s22, $0x3F8;
	v5 =	vmul.f32 $3.200000000e+01, v5;
	v8 =	vld [tilespmem:s20+$0x8250];
	[tilespmem:s21+$0x8260] =	vst v9  }
0x498: {  	s21 =	smov.u32 s20;
	v6 =	vmul.f32 $3.200000000e+01, v6;
	v9 =	vld [tilespmem:s20+$0x8260];
	[tilespmem:s20+$0x8270] =	vst v7;
	s20 =	sor.u32 s4, s25  }
.Ltmp16:
0x499: {  	v7 =	vld [tilespmem:s20+$0x8270];
	[tilespmem:s21+$0x8200] =	vst v5;
	v3 =	vmul.f32 $3.200000000e+01, v3;
	(pc) =	sbr.rel @p0 .LBB2_34-.Ltmp16, $4  }
0x49a: {  	v5 =	vld [tilespmem:s20+$0x8200];
	[tilespmem:s21+$0x8210] =	vst v6;
	v4 =	vmul.f32 $3.200000000e+01, v4  }
0x49b: {  	v6 =	vld [tilespmem:s20+$0x8210];
	[tilespmem:s21+$0x8220] =	vst v3;
	v10 =	vmul.f32 $3.200000000e+01, v10  }
0x49c: {  	v3 =	vld [tilespmem:s20+$0x8220];
	[tilespmem:s21+$0x8230] =	vst v4;
	v8 =	vmul.f32 $3.200000000e+01, v8  }
0x49d: {  	s23 =	sadd.s32 $0x10, s23;
	s24 =	sadd.s32 $0x400, s24;
	s26 =	sadd.s32 $0x80, s26;
	v4 =	vld [tilespmem:s20+$0x8230];
	[tilespmem:s21+$0x8240] =	vst v10;
	v9 =	vmul.f32 $3.200000000e+01, v9  }
0x49e: {  	v10 =	vld [tilespmem:s20+$0x8240];
	v7 =	vmul.f32 $3.200000000e+01, v7;
	[tilespmem:s21+$0x8250] =	vst v8  }
0x49f: {  	v8 =	vld [tilespmem:s20+$0x8250];
	v5 =	vmul.f32 $3.200000000e+01, v5;
	[tilespmem:s21+$0x8260] =	vst v9  }
0x4a0: {  	v9 =	vld [tilespmem:s20+$0x8260];
	v6 =	vmul.f32 $3.200000000e+01, v6;
	[tilespmem:s20+$0x8270] =	vst v7  }
0x4a1: {  	[tilespmem:s20+$0x8200] =	vst v5;
	v3 =	vmul.f32 $3.200000000e+01, v3  }
0x4a2: {  	[tilespmem:s20+$0x8210] =	vst v6;
	v4 =	vmul.f32 $3.200000000e+01, v4  }
0x4a3: {  	[tilespmem:s20+$0x8220] =	vst v3;
	v3 =	vmul.f32 $3.200000000e+01, v10  }
0x4a4: {  	[tilespmem:s20+$0x8230] =	vst v4;
	v4 =	vmul.f32 $3.200000000e+01, v8  }
0x4a5: {  	[tilespmem:s20+$0x8240] =	vst v3;
	v3 =	vmul.f32 $3.200000000e+01, v9  }
0x4a6: {  	[tilespmem:s20+$0x8250] =	vst v4  }
0x4a7: {  	[tilespmem:s20+$0x8260] =	vst v3  }
0x4a8: {  	s4 =	simm.s32 $0x0;
	s12 =	simm.s32 $0x8200;
	s17 =	rddreg [dreg:$0x15]  }
0x4a9: {  	[hbm4b:s17+s4] =	stream.linear.scatter [tilespmem:s12], [sflag:$0xA], $0x4000, $0x38;
	[tilespmem:$0x1C200] =	vst v63  }
0x4aa: {  	_ =	swait.ge [sflag:s9], $0x4000  }
0x4ab: {  	[sflag:s9] =	ssyncset.done $0x0  }
0x4ac: {  	[sflag:s9] =	ssyncadd.s32 $0xFFFFC000  }
0x4ad: {  	v3 =	vld [tilespmem:$0x170];
	_ =	sdelay $0x4  }
0x4ae: {  	v4 =	vshll.u32 v3, $0x3  }
0x4af: {  	v3 =	vand.u32 $0x7, v3;
	v4 =	vand.u32 $0xFFFFFFC0, v4  }
0x4b0: {  	v3 =	vor.u32 v3, v4  }
0x4b1: {  	v4 =	vperm.xlane v3, v0;
	_ =	sdelay $0x1  }
0x4b2: {  	v4 =	vadd.s32 v1, v4;
	_ =	sdelay $0x4  }
0x4b3: {  	[tilespmem:s12], [sflag:$0x3] =	stream.indirect_vreg.gather [hbm4b:s1+s4], $0x80, v4, vm0, $0xb8;
	[tilespmem:$0x1C200] =	vst v63  }
0x4b4: {  	s14 =	simm.s32 $0x8A00;
	v3 =	vperm.xlane v3, v2  }
0x4b5: {  	[tilespmem:s14], [sflag:$0x3] =	stream.indirect_vreg.gather [hbm4b:s5+s4], $0x80, v4, vm0, $0xb8;
	[tilespmem:$0x1C200] =	vst v63  }
0x4b6: {  	s15 =	simm.s32 $0x9200;
	v3 =	vadd.s32 v1, v3  }
0x4b7: {  	[tilespmem:s15], [sflag:$0x3] =	stream.indirect_vreg.gather [hbm4b:s6+s4], $0x80, v4, vm0, $0xb8;
	[tilespmem:$0x1C200] =	vst v63  }
0x4b8: {  	s16 =	simm.s32 $0x9A00  }
0x4b9: {  	[tilespmem:s16], [sflag:$0x3] =	stream.indirect_vreg.gather [hbm4b:s7+s4], $0x80, v4, vm0, $0xb8;
	[tilespmem:$0x1C200] =	vst v63  }
0x4ba: {  	s17 =	simm.s32 $0xA200  }
0x4bb: {  	[tilespmem:s17], [sflag:$0x3] =	stream.indirect_vreg.gather [hbm4b:s1+s4], $0x80, v3, vm0, $0xb8;
	[tilespmem:$0x1C200] =	vst v63  }
0x4bc: {  	s20 =	simm.s32 $0xAA00  }
0x4bd: {  	[tilespmem:s20], [sflag:$0x3] =	stream.indirect_vreg.gather [hbm4b:s5+s4], $0x80, v3, vm0, $0xb8;
	[tilespmem:$0x1C200] =	vst v63  }
0x4be: {  	s21 =	simm.s32 $0xB200  }
0x4bf: {  	[tilespmem:s21], [sflag:$0x3] =	stream.indirect_vreg.gather [hbm4b:s6+s4], $0x80, v3, vm0, $0xb8;
	[tilespmem:$0x1C200] =	vst v63  }
0x4c0: {  	s22 =	simm.s32 $0xBA00  }
0x4c1: {  	[tilespmem:s22], [sflag:$0x3] =	stream.indirect_vreg.gather [hbm4b:s7+s4], $0x80, v3, vm0, $0xb8;
	[tilespmem:$0x1C200] =	vst v63  }
0x4c2: {  	s23 =	sand.u32 $0x2000, s4;
	s24 =	sand.u32 $0x1C00, s4;
	_ =	swait.ge [sflag:s10], $0x4000  }
0x4c3: {  	s17 =	sor.u32 s24, s23;
	s4 =	sand.u32 $0x380, s4;
	[sflag:s10] =	ssyncset.done $0x0  }
0x4c4: {  	s21 =	sor.u32 s17, s4;
	[sflag:s10] =	ssyncadd.s32 $0xFFFFC000  }
0x4c5: {  	v3 =	vld [tilespmem:s21+$0xC270]  }
0x4c6: {  	v4 =	vld [tilespmem:s21+$0xC200]  }
0x4c7: {  	v5 =	vld [tilespmem:s21+$0xC210]  }
0x4c8: {  	v9 =	vld [tilespmem:s21+$0xC240]  }
0x4c9: {  	s25 =	simm.s32 $0x400;
	s26 =	simm.s32 $0x80;
	v6 =	vld [tilespmem:s21+$0xC220]  }
0x4ca: {  	s28 =	simm.s32 $0x10;
	s17 =	sand.u32 $0x2000, s26;
	s4 =	sand.u32 $0x1C00, s25;
	v8 =	vld [tilespmem:s21+$0xC230];
	v3 =	vmul.f32 $3.200000000e+01, v3  }
0x4cb: {  	s20 =	sand.u32 $0x380, s28;
	s4 =	sor.u32 s4, s17;
	v10 =	vld [tilespmem:s21+$0xC250];
	v4 =	vmul.f32 $3.200000000e+01, v4  }
0x4cc: {  	s20 =	sor.u32 s4, s20;
	v12 =	vld [tilespmem:s21+$0xC260];
	v11 =	vmul.f32 $3.200000000e+01, v5;
	[tilespmem:s21+$0xC270] =	vst v3  }
0x4cd: {  	v7 =	vld [tilespmem:s20+$0xC270];
	v9 =	vmul.f32 $3.200000000e+01, v9;
	[tilespmem:s21+$0xC200] =	vst v4  }
0x4ce: {  	v5 =	vld [tilespmem:s20+$0xC200];
	v3 =	vmul.f32 $3.200000000e+01, v6;
	[tilespmem:s21+$0xC210] =	vst v11  }
0x4cf: {  	v4 =	vmul.f32 $3.200000000e+01, v8;
	v6 =	vld [tilespmem:s20+$0xC210];
	[tilespmem:s21+$0xC240] =	vst v9  }
0x4d0: {  	s23 =	simm.s32 $0x20;
	v8 =	vmul.f32 $3.200000000e+01, v10;
	[tilespmem:s21+$0xC220] =	vst v3;
	v3 =	vld [tilespmem:s20+$0xC220]  }
0x4d1: {  	s24 =	simm.s32 $0x800;
	s22 =	simm.s32 $0x8;
	s26 =	simm.s32 $0x100;
	v9 =	vmul.f32 $3.200000000e+01, v12;
	[tilespmem:s21+$0xC230] =	vst v4;
	v4 =	vld [tilespmem:s20+$0xC230]  }
.LBB2_36:
0x4d2: {  	s4 =	sand.u32 $0x2000, s26;
	s17 =	sand.u32 $0x1C00, s24;
	s22 =	sadd.s32 $0x8, s22;
	v10 =	vld [tilespmem:s20+$0xC240];
	v7 =	vmul.f32 $3.200000000e+01, v7;
	[tilespmem:s21+$0xC250] =	vst v8  }
0x4d3: {  	s25 =	sand.u32 $0x380, s23;
	s4 =	sor.u32 s17, s4;
	p0 =	slt.u32 s22, $0x3F8;
	v5 =	vmul.f32 $3.200000000e+01, v5;
	v8 =	vld [tilespmem:s20+$0xC250];
	[tilespmem:s21+$0xC260] =	vst v9  }
0x4d4: {  	s21 =	smov.u32 s20;
	v6 =	vmul.f32 $3.200000000e+01, v6;
	v9 =	vld [tilespmem:s20+$0xC260];
	[tilespmem:s20+$0xC270] =	vst v7;
	s20 =	sor.u32 s4, s25  }
.Ltmp17:
0x4d5: {  	v7 =	vld [tilespmem:s20+$0xC270];
	[tilespmem:s21+$0xC200] =	vst v5;
	v3 =	vmul.f32 $3.200000000e+01, v3;
	(pc) =	sbr.rel @p0 .LBB2_36-.Ltmp17, $4  }
0x4d6: {  	v5 =	vld [tilespmem:s20+$0xC200];
	[tilespmem:s21+$0xC210] =	vst v6;
	v4 =	vmul.f32 $3.200000000e+01, v4  }
0x4d7: {  	v6 =	vld [tilespmem:s20+$0xC210];
	[tilespmem:s21+$0xC220] =	vst v3;
	v10 =	vmul.f32 $3.200000000e+01, v10  }
0x4d8: {  	v3 =	vld [tilespmem:s20+$0xC220];
	[tilespmem:s21+$0xC230] =	vst v4;
	v8 =	vmul.f32 $3.200000000e+01, v8  }
0x4d9: {  	s23 =	sadd.s32 $0x10, s23;
	s24 =	sadd.s32 $0x400, s24;
	s26 =	sadd.s32 $0x80, s26;
	v4 =	vld [tilespmem:s20+$0xC230];
	[tilespmem:s21+$0xC240] =	vst v10;
	v9 =	vmul.f32 $3.200000000e+01, v9  }
0x4da: {  	v10 =	vld [tilespmem:s20+$0xC240];
	v7 =	vmul.f32 $3.200000000e+01, v7;
	[tilespmem:s21+$0xC250] =	vst v8  }
0x4db: {  	v8 =	vld [tilespmem:s20+$0xC250];
	v5 =	vmul.f32 $3.200000000e+01, v5;
	[tilespmem:s21+$0xC260] =	vst v9  }
0x4dc: {  	v9 =	vld [tilespmem:s20+$0xC260];
	v6 =	vmul.f32 $3.200000000e+01, v6;
	[tilespmem:s20+$0xC270] =	vst v7  }
0x4dd: {  	[tilespmem:s20+$0xC200] =	vst v5;
	v3 =	vmul.f32 $3.200000000e+01, v3  }
0x4de: {  	[tilespmem:s20+$0xC210] =	vst v6;
	v4 =	vmul.f32 $3.200000000e+01, v4  }
0x4df: {  	[tilespmem:s20+$0xC220] =	vst v3;
	v3 =	vmul.f32 $3.200000000e+01, v10  }
0x4e0: {  	[tilespmem:s20+$0xC230] =	vst v4;
	v4 =	vmul.f32 $3.200000000e+01, v8  }
0x4e1: {  	[tilespmem:s20+$0xC240] =	vst v3;
	v3 =	vmul.f32 $3.200000000e+01, v9  }
0x4e2: {  	[tilespmem:s20+$0xC250] =	vst v4  }
0x4e3: {  	[tilespmem:s20+$0xC260] =	vst v3  }
0x4e4: {  	s4 =	simm.s32 $0x0;
	s12 =	simm.s32 $0xC200;
	s17 =	rddreg [dreg:$0x17]  }
0x4e5: {  	[hbm4b:s17+s4] =	stream.linear.scatter [tilespmem:s12], [sflag:$0xB], $0x4000, $0x38;
	[tilespmem:$0x1C200] =	vst v63  }
0x4e6: {  	_ =	swait.ge [sflag:s11], $0x4000  }
0x4e7: {  	[sflag:s11] =	ssyncset.done $0x0  }
0x4e8: {  	[sflag:s11] =	ssyncadd.s32 $0xFFFFC000  }
0x4e9: {  	v3 =	vld [tilespmem:$0x180];
	_ =	sdelay $0x4  }
0x4ea: {  	v4 =	vshll.u32 v3, $0x3  }
0x4eb: {  	v3 =	vand.u32 $0x7, v3;
	v4 =	vand.u32 $0xFFFFFFC0, v4  }
0x4ec: {  	v3 =	vor.u32 v3, v4  }
0x4ed: {  	v4 =	vperm.xlane v3, v0;
	_ =	sdelay $0x1  }
0x4ee: {  	v4 =	vadd.s32 v1, v4;
	_ =	sdelay $0x4  }
0x4ef: {  	[tilespmem:s12], [sflag:$0x4] =	stream.indirect_vreg.gather [hbm4b:s1+s4], $0x80, v4, vm0, $0xb8;
	[tilespmem:$0x1C200] =	vst v63  }
0x4f0: {  	s13 =	simm.s32 $0xCA00;
	v3 =	vperm.xlane v3, v2  }
0x4f1: {  	[tilespmem:s13], [sflag:$0x4] =	stream.indirect_vreg.gather [hbm4b:s5+s4], $0x80, v4, vm0, $0xb8;
	[tilespmem:$0x1C200] =	vst v63  }
0x4f2: {  	s14 =	simm.s32 $0xD200;
	v3 =	vadd.s32 v1, v3  }
0x4f3: {  	[tilespmem:s14], [sflag:$0x4] =	stream.indirect_vreg.gather [hbm4b:s6+s4], $0x80, v4, vm0, $0xb8;
	[tilespmem:$0x1C200] =	vst v63  }
0x4f4: {  	s15 =	simm.s32 $0xDA00  }
0x4f5: {  	[tilespmem:s15], [sflag:$0x4] =	stream.indirect_vreg.gather [hbm4b:s7+s4], $0x80, v4, vm0, $0xb8;
	[tilespmem:$0x1C200] =	vst v63  }
0x4f6: {  	s16 =	simm.s32 $0xE200  }
0x4f7: {  	[tilespmem:s16], [sflag:$0x4] =	stream.indirect_vreg.gather [hbm4b:s1+s4], $0x80, v3, vm0, $0xb8;
	[tilespmem:$0x1C200] =	vst v63  }
0x4f8: {  	s17 =	simm.s32 $0xEA00  }
0x4f9: {  	[tilespmem:s17], [sflag:$0x4] =	stream.indirect_vreg.gather [hbm4b:s5+s4], $0x80, v3, vm0, $0xb8;
	[tilespmem:$0x1C200] =	vst v63  }
0x4fa: {  	s20 =	simm.s32 $0xF200  }
0x4fb: {  	[tilespmem:s20], [sflag:$0x4] =	stream.indirect_vreg.gather [hbm4b:s6+s4], $0x80, v3, vm0, $0xb8;
	[tilespmem:$0x1C200] =	vst v63  }
0x4fc: {  	s22 =	simm.s32 $0x5;
	s21 =	simm.s32 $0xFA00  }
0x4fd: {  	[tilespmem:s21], [sflag:$0x4] =	stream.indirect_vreg.gather [hbm4b:s7+s4], $0x80, v3, vm0, $0xb8;
	[tilespmem:$0x1C200] =	vst v63  }
0x4fe: {  	s23 =	sand.u32 $0x2000, s4;
	s24 =	sand.u32 $0x1C00, s4;
	_ =	swait.ge [sflag:s22], $0x4000  }
0x4ff: {  	s17 =	sor.u32 s24, s23;
	s4 =	sand.u32 $0x380, s4;
	[sflag:s22] =	ssyncset.done $0x0  }
0x500: {  	s4 =	sor.u32 s17, s4;
	[sflag:s22] =	ssyncadd.s32 $0xFFFFC000  }
0x501: {  	s20 =	sadd.s32 $0x10200, s4;
	v3 =	vld [tilespmem:s4+$0x10200]  }
0x502: {  	v4 =	vld [tilespmem:s20+$0x70]  }
0x503: {  	v9 =	vld [tilespmem:s20+$0x40]  }
0x504: {  	v5 =	vld [tilespmem:s20+$0x10]  }
0x505: {  	s25 =	simm.s32 $0x400;
	s26 =	simm.s32 $0x80;
	v6 =	vld [tilespmem:s20+$0x20]  }
0x506: {  	s21 =	sand.u32 $0x2000, s26;
	s17 =	sand.u32 $0x1C00, s25;
	s22 =	simm.s32 $0x10;
	v8 =	vld [tilespmem:s20+$0x30];
	v3 =	vmul.f32 $3.200000000e+01, v3  }
0x507: {  	s17 =	sor.u32 s17, s21;
	s22 =	sand.u32 $0x380, s22;
	v10 =	vld [tilespmem:s20+$0x50];
	v4 =	vmul.f32 $3.200000000e+01, v4  }
0x508: {  	v11 =	vld [tilespmem:s20+$0x60];
	s22 =	sor.u32 s17, s22;
	v9 =	vmul.f32 $3.200000000e+01, v9;
	[tilespmem:s4+$0x10200] =	vst v3  }
0x509: {  	s21 =	sadd.s32 $0x10200, s22;
	v7 =	vld [tilespmem:s22+$0x10200];
	v3 =	vmul.f32 $3.200000000e+01, v5;
	[tilespmem:s20+$0x70] =	vst v4  }
0x50a: {  	v5 =	vmul.f32 $3.200000000e+01, v6;
	v6 =	vld [tilespmem:s21+$0x70];
	[tilespmem:s20+$0x40] =	vst v9  }
0x50b: {  	v4 =	vld [tilespmem:s21+$0x10];
	[tilespmem:s20+$0x10] =	vst v3;
	v3 =	vmul.f32 $3.200000000e+01, v8  }
0x50c: {  	s28 =	simm.s32 $0x100;
	[tilespmem:s20+$0x20] =	vst v5;
	v5 =	vld [tilespmem:s21+$0x20];
	v8 =	vmul.f32 $3.200000000e+01, v10  }
0x50d: {  	s23 =	simm.s32 $0x8;
	s24 =	simm.s32 $0x20;
	s26 =	simm.s32 $0x800;
	v9 =	vmul.f32 $3.200000000e+01, v11;
	[tilespmem:s20+$0x30] =	vst v3;
	v3 =	vld [tilespmem:s21+$0x30]  }
.LBB2_38:
0x50e: {  	s4 =	sand.u32 $0x2000, s28;
	s17 =	sand.u32 $0x1C00, s26;
	s23 =	sadd.s32 $0x8, s23;
	v7 =	vmul.f32 $3.200000000e+01, v7;
	v10 =	vld [tilespmem:s21+$0x40];
	[tilespmem:s20+$0x50] =	vst v8  }
0x50f: {  	s25 =	sand.u32 $0x380, s24;
	s4 =	sor.u32 s17, s4;
	p0 =	slt.u32 s23, $0x3F8;
	v8 =	vld [tilespmem:s21+$0x50];
	v6 =	vmul.f32 $3.200000000e+01, v6;
	[tilespmem:s20+$0x60] =	vst v9  }
0x510: {  	s20 =	smov.u32 s21;
	[tilespmem:s22+$0x10200] =	vst v7;
	s22 =	sor.u32 s4, s25;
	v4 =	vmul.f32 $3.200000000e+01, v4;
	v9 =	vld [tilespmem:s21+$0x60]  }
.Ltmp18:
0x511: {  	s21 =	sadd.s32 $0x10200, s22;
	v7 =	vld [tilespmem:s22+$0x10200];
	v5 =	vmul.f32 $3.200000000e+01, v5;
	[tilespmem:s20+$0x70] =	vst v6;
	(pc) =	sbr.rel @p0 .LBB2_38-.Ltmp18, $4  }
0x512: {  	v6 =	vld [tilespmem:s21+$0x70];
	[tilespmem:s20+$0x10] =	vst v4;
	v3 =	vmul.f32 $3.200000000e+01, v3  }
0x513: {  	v4 =	vld [tilespmem:s21+$0x10];
	[tilespmem:s20+$0x20] =	vst v5;
	v10 =	vmul.f32 $3.200000000e+01, v10  }
0x514: {  	v5 =	vld [tilespmem:s21+$0x20];
	[tilespmem:s20+$0x30] =	vst v3;
	v8 =	vmul.f32 $3.200000000e+01, v8  }
0x515: {  	s24 =	sadd.s32 $0x10, s24;
	s26 =	sadd.s32 $0x400, s26;
	s28 =	sadd.s32 $0x80, s28;
	v3 =	vld [tilespmem:s21+$0x30];
	[tilespmem:s20+$0x40] =	vst v10;
	v9 =	vmul.f32 $3.200000000e+01, v9  }
0x516: {  	v7 =	vmul.f32 $3.200000000e+01, v7;
	v10 =	vld [tilespmem:s21+$0x40];
	[tilespmem:s20+$0x50] =	vst v8  }
0x517: {  	v8 =	vld [tilespmem:s21+$0x50];
	v6 =	vmul.f32 $3.200000000e+01, v6;
	[tilespmem:s20+$0x60] =	vst v9  }
0x518: {  	[tilespmem:s22+$0x10200] =	vst v7;
	v4 =	vmul.f32 $3.200000000e+01, v4;
	v7 =	vld [tilespmem:s21+$0x60]  }
0x519: {  	v5 =	vmul.f32 $3.200000000e+01, v5;
	[tilespmem:s21+$0x70] =	vst v6  }
0x51a: {  	[tilespmem:s21+$0x10] =	vst v4;
	v3 =	vmul.f32 $3.200000000e+01, v3  }
0x51b: {  	[tilespmem:s21+$0x20] =	vst v5;
	v4 =	vmul.f32 $3.200000000e+01, v10  }
0x51c: {  	[tilespmem:s21+$0x30] =	vst v3;
	v3 =	vmul.f32 $3.200000000e+01, v8  }
0x51d: {  	[tilespmem:s21+$0x40] =	vst v4;
	v4 =	vmul.f32 $3.200000000e+01, v7  }
0x51e: {  	[tilespmem:s21+$0x50] =	vst v3  }
0x51f: {  	s4 =	simm.s32 $0x0;
	[tilespmem:s21+$0x60] =	vst v4  }
0x520: {  	s12 =	simm.s32 $0x10200;
	s13 =	simm.s32 $0xC;
	s17 =	rddreg [dreg:$0x18]  }
0x521: {  	[hbm4b:s17+s4] =	stream.linear.scatter [tilespmem:s12], [sflag:$0xC], $0x4000, $0x38;
	[tilespmem:$0x1C200] =	vst v63  }
0x522: {  	_ =	swait.ge [sflag:s13], $0x4000  }
0x523: {  	[sflag:s13] =	ssyncset.done $0x0  }
0x524: {  	[sflag:s13] =	ssyncadd.s32 $0xFFFFC000  }
0x525: {  	v3 =	vld [tilespmem:$0x190];
	_ =	sdelay $0x4  }
0x526: {  	v4 =	vshll.u32 v3, $0x3  }
0x527: {  	v3 =	vand.u32 $0x7, v3;
	v4 =	vand.u32 $0xFFFFFFC0, v4  }
0x528: {  	v3 =	vor.u32 v3, v4  }
0x529: {  	v4 =	vperm.xlane v3, v0;
	_ =	sdelay $0x1  }
0x52a: {  	v4 =	vadd.s32 v1, v4;
	_ =	sdelay $0x4  }
0x52b: {  	[tilespmem:s12], [sflag:$0x5] =	stream.indirect_vreg.gather [hbm4b:s1+s4], $0x80, v4, vm0, $0xb8;
	[tilespmem:$0x1C200] =	vst v63  }
0x52c: {  	s25 =	simm.s32 $0x10A00;
	v3 =	vperm.xlane v3, v2  }
0x52d: {  	[tilespmem:s25], [sflag:$0x5] =	stream.indirect_vreg.gather [hbm4b:s5+s4], $0x80, v4, vm0, $0xb8;
	[tilespmem:$0x1C200] =	vst v63  }
0x52e: {  	s26 =	simm.s32 $0x11200;
	v3 =	vadd.s32 v1, v3  }
0x52f: {  	[tilespmem:s26], [sflag:$0x5] =	stream.indirect_vreg.gather [hbm4b:s6+s4], $0x80, v4, vm0, $0xb8;
	[tilespmem:$0x1C200] =	vst v63  }
0x530: {  	s14 =	simm.s32 $0x11A00  }
0x531: {  	[tilespmem:s14], [sflag:$0x5] =	stream.indirect_vreg.gather [hbm4b:s7+s4], $0x80, v4, vm0, $0xb8;
	[tilespmem:$0x1C200] =	vst v63  }
0x532: {  	s15 =	simm.s32 $0x12200  }
0x533: {  	[tilespmem:s15], [sflag:$0x5] =	stream.indirect_vreg.gather [hbm4b:s1+s4], $0x80, v3, vm0, $0xb8;
	[tilespmem:$0x1C200] =	vst v63  }
0x534: {  	s16 =	simm.s32 $0x12A00  }
0x535: {  	[tilespmem:s16], [sflag:$0x5] =	stream.indirect_vreg.gather [hbm4b:s5+s4], $0x80, v3, vm0, $0xb8;
	[tilespmem:$0x1C200] =	vst v63  }
0x536: {  	s17 =	simm.s32 $0x13200  }
0x537: {  	[tilespmem:s17], [sflag:$0x5] =	stream.indirect_vreg.gather [hbm4b:s6+s4], $0x80, v3, vm0, $0xb8;
	[tilespmem:$0x1C200] =	vst v63  }
0x538: {  	s20 =	simm.s32 $0x13A00;
	s21 =	simm.s32 $0x6  }
0x539: {  	[tilespmem:s20], [sflag:$0x5] =	stream.indirect_vreg.gather [hbm4b:s7+s4], $0x80, v3, vm0, $0xb8;
	[tilespmem:$0x1C200] =	vst v63  }
0x53a: {  	s23 =	sand.u32 $0x1C00, s4;
	s22 =	sand.u32 $0x2000, s4;
	_ =	swait.ge [sflag:s21], $0x4000  }
0x53b: {  	s17 =	sor.u32 s23, s22;
	s4 =	sand.u32 $0x380, s4;
	[sflag:s21] =	ssyncset.done $0x0  }
0x53c: {  	s4 =	sor.u32 s17, s4;
	[sflag:s21] =	ssyncadd.s32 $0xFFFFC000  }
0x53d: {  	s20 =	sadd.s32 $0x14200, s4;
	v3 =	vld [tilespmem:s4+$0x14200]  }
0x53e: {  	v4 =	vld [tilespmem:s20+$0x70]  }
0x53f: {  	v9 =	vld [tilespmem:s20+$0x40]  }
0x540: {  	v5 =	vld [tilespmem:s20+$0x10]  }
0x541: {  	s24 =	simm.s32 $0x400;
	s25 =	simm.s32 $0x80;
	v6 =	vld [tilespmem:s20+$0x20]  }
0x542: {  	s26 =	simm.s32 $0x10;
	s17 =	sand.u32 $0x1C00, s24;
	s21 =	sand.u32 $0x2000, s25;
	v8 =	vld [tilespmem:s20+$0x30];
	v3 =	vmul.f32 $3.200000000e+01, v3  }
0x543: {  	s22 =	sand.u32 $0x380, s26;
	s17 =	sor.u32 s17, s21;
	v10 =	vld [tilespmem:s20+$0x50];
	v4 =	vmul.f32 $3.200000000e+01, v4  }
0x544: {  	v11 =	vld [tilespmem:s20+$0x60];
	s22 =	sor.u32 s17, s22;
	v9 =	vmul.f32 $3.200000000e+01, v9;
	[tilespmem:s4+$0x14200] =	vst v3  }
0x545: {  	s21 =	sadd.s32 $0x14200, s22;
	v7 =	vld [tilespmem:s22+$0x14200];
	v3 =	vmul.f32 $3.200000000e+01, v5;
	[tilespmem:s20+$0x70] =	vst v4  }
0x546: {  	v5 =	vmul.f32 $3.200000000e+01, v6;
	v6 =	vld [tilespmem:s21+$0x70];
	[tilespmem:s20+$0x40] =	vst v9  }
0x547: {  	v4 =	vld [tilespmem:s21+$0x10];
	[tilespmem:s20+$0x10] =	vst v3;
	v3 =	vmul.f32 $3.200000000e+01, v8  }
0x548: {  	s28 =	simm.s32 $0x100;
	s13 =	simm.s32 $0x10200;
	[tilespmem:s20+$0x20] =	vst v5;
	v5 =	vld [tilespmem:s21+$0x20];
	v8 =	vmul.f32 $3.200000000e+01, v10  }
0x549: {  	s23 =	simm.s32 $0x8;
	s26 =	simm.s32 $0x800;
	s24 =	simm.s32 $0x20;
	v9 =	vmul.f32 $3.200000000e+01, v11;
	[tilespmem:s20+$0x30] =	vst v3;
	v3 =	vld [tilespmem:s21+$0x30]  }
.LBB2_40:
0x54a: {  	s4 =	sand.u32 $0x2000, s28;
	s17 =	sand.u32 $0x1C00, s26;
	s23 =	sadd.s32 $0x8, s23;
	v7 =	vmul.f32 $3.200000000e+01, v7;
	v10 =	vld [tilespmem:s21+$0x40];
	[tilespmem:s20+$0x50] =	vst v8  }
0x54b: {  	s25 =	sand.u32 $0x380, s24;
	s4 =	sor.u32 s17, s4;
	p0 =	slt.u32 s23, $0x3F8;
	v8 =	vld [tilespmem:s21+$0x50];
	v6 =	vmul.f32 $3.200000000e+01, v6;
	[tilespmem:s20+$0x60] =	vst v9  }
0x54c: {  	s20 =	smov.u32 s21;
	[tilespmem:s22+$0x14200] =	vst v7;
	s22 =	sor.u32 s4, s25;
	v4 =	vmul.f32 $3.200000000e+01, v4;
	v9 =	vld [tilespmem:s21+$0x60]  }
.Ltmp19:
0x54d: {  	s21 =	sadd.s32 $0x14200, s22;
	v7 =	vld [tilespmem:s22+$0x14200];
	v5 =	vmul.f32 $3.200000000e+01, v5;
	[tilespmem:s20+$0x70] =	vst v6;
	(pc) =	sbr.rel @p0 .LBB2_40-.Ltmp19, $4  }
0x54e: {  	v6 =	vld [tilespmem:s21+$0x70];
	[tilespmem:s20+$0x10] =	vst v4;
	v3 =	vmul.f32 $3.200000000e+01, v3  }
0x54f: {  	v4 =	vld [tilespmem:s21+$0x10];
	[tilespmem:s20+$0x20] =	vst v5;
	v10 =	vmul.f32 $3.200000000e+01, v10  }
0x550: {  	v5 =	vld [tilespmem:s21+$0x20];
	[tilespmem:s20+$0x30] =	vst v3;
	v8 =	vmul.f32 $3.200000000e+01, v8  }
0x551: {  	s24 =	sadd.s32 $0x10, s24;
	s26 =	sadd.s32 $0x400, s26;
	s28 =	sadd.s32 $0x80, s28;
	v3 =	vld [tilespmem:s21+$0x30];
	[tilespmem:s20+$0x40] =	vst v10;
	v9 =	vmul.f32 $3.200000000e+01, v9  }
0x552: {  	v7 =	vmul.f32 $3.200000000e+01, v7;
	v10 =	vld [tilespmem:s21+$0x40];
	[tilespmem:s20+$0x50] =	vst v8  }
0x553: {  	v8 =	vld [tilespmem:s21+$0x50];
	v6 =	vmul.f32 $3.200000000e+01, v6;
	[tilespmem:s20+$0x60] =	vst v9  }
0x554: {  	[tilespmem:s22+$0x14200] =	vst v7;
	v4 =	vmul.f32 $3.200000000e+01, v4;
	v7 =	vld [tilespmem:s21+$0x60]  }
0x555: {  	v5 =	vmul.f32 $3.200000000e+01, v5;
	[tilespmem:s21+$0x70] =	vst v6  }
0x556: {  	[tilespmem:s21+$0x10] =	vst v4;
	v3 =	vmul.f32 $3.200000000e+01, v3  }
0x557: {  	[tilespmem:s21+$0x20] =	vst v5;
	v4 =	vmul.f32 $3.200000000e+01, v10  }
0x558: {  	[tilespmem:s21+$0x30] =	vst v3;
	v3 =	vmul.f32 $3.200000000e+01, v8  }
0x559: {  	[tilespmem:s21+$0x40] =	vst v4;
	v4 =	vmul.f32 $3.200000000e+01, v7  }
0x55a: {  	[tilespmem:s21+$0x50] =	vst v3  }
0x55b: {  	s4 =	simm.s32 $0x0;
	[tilespmem:s21+$0x60] =	vst v4  }
0x55c: {  	s12 =	simm.s32 $0x14200;
	s14 =	simm.s32 $0xD;
	s17 =	rddreg [dreg:$0x19]  }
0x55d: {  	[hbm4b:s17+s4] =	stream.linear.scatter [tilespmem:s12], [sflag:$0xD], $0x4000, $0x38;
	[tilespmem:$0x1C200] =	vst v63  }
0x55e: {  	_ =	swait.ge [sflag:s14], $0x4000  }
0x55f: {  	[sflag:s14] =	ssyncset.done $0x0  }
0x560: {  	[sflag:s14] =	ssyncadd.s32 $0xFFFFC000  }
0x561: {  	v3 =	vld [tilespmem:$0x1A0];
	_ =	sdelay $0x4  }
0x562: {  	v4 =	vshll.u32 v3, $0x3  }
0x563: {  	v3 =	vand.u32 $0x7, v3;
	v4 =	vand.u32 $0xFFFFFFC0, v4  }
0x564: {  	v3 =	vor.u32 v3, v4  }
0x565: {  	v4 =	vperm.xlane v3, v0;
	_ =	sdelay $0x1  }
0x566: {  	v4 =	vadd.s32 v1, v4;
	_ =	sdelay $0x4  }
0x567: {  	[tilespmem:s12], [sflag:$0x6] =	stream.indirect_vreg.gather [hbm4b:s1+s4], $0x80, v4, vm0, $0xb8;
	[tilespmem:$0x1C200] =	vst v63  }
0x568: {  	s25 =	simm.s32 $0x14A00;
	v3 =	vperm.xlane v3, v2  }
0x569: {  	[tilespmem:s25], [sflag:$0x6] =	stream.indirect_vreg.gather [hbm4b:s5+s4], $0x80, v4, vm0, $0xb8;
	[tilespmem:$0x1C200] =	vst v63  }
0x56a: {  	s26 =	simm.s32 $0x15200;
	v3 =	vadd.s32 v1, v3  }
0x56b: {  	[tilespmem:s26], [sflag:$0x6] =	stream.indirect_vreg.gather [hbm4b:s6+s4], $0x80, v4, vm0, $0xb8;
	[tilespmem:$0x1C200] =	vst v63  }
0x56c: {  	s15 =	simm.s32 $0x15A00  }
0x56d: {  	[tilespmem:s15], [sflag:$0x6] =	stream.indirect_vreg.gather [hbm4b:s7+s4], $0x80, v4, vm0, $0xb8;
	[tilespmem:$0x1C200] =	vst v63  }
0x56e: {  	s16 =	simm.s32 $0x16200  }
0x56f: {  	[tilespmem:s16], [sflag:$0x6] =	stream.indirect_vreg.gather [hbm4b:s1+s4], $0x80, v3, vm0, $0xb8;
	[tilespmem:$0x1C200] =	vst v63  }
0x570: {  	s17 =	simm.s32 $0x16A00  }
0x571: {  	[tilespmem:s17], [sflag:$0x6] =	stream.indirect_vreg.gather [hbm4b:s5+s4], $0x80, v3, vm0, $0xb8;
	[tilespmem:$0x1C200] =	vst v63  }
0x572: {  	s20 =	simm.s32 $0x17200  }
0x573: {  	[tilespmem:s20], [sflag:$0x6] =	stream.indirect_vreg.gather [hbm4b:s6+s4], $0x80, v3, vm0, $0xb8;
	[tilespmem:$0x1C200] =	vst v63  }
0x574: {  	s21 =	simm.s32 $0x17A00  }
0x575: {  	[tilespmem:s21], [sflag:$0x6] =	stream.indirect_vreg.gather [hbm4b:s7+s4], $0x80, v3, vm0, $0xb8;
	[tilespmem:$0x1C200] =	vst v63  }
0x576: {  	s23 =	sand.u32 $0x1C00, s4;
	s22 =	sand.u32 $0x2000, s4;
	_ =	swait.ge [sflag:s8], $0x4000  }
0x577: {  	s17 =	sor.u32 s23, s22;
	s4 =	sand.u32 $0x380, s4;
	[sflag:s8] =	ssyncset.done $0x0  }
0x578: {  	s4 =	sor.u32 s17, s4;
	[sflag:s8] =	ssyncadd.s32 $0xFFFFC000  }
0x579: {  	s20 =	sadd.s32 $0x18200, s4;
	v3 =	vld [tilespmem:s4+$0x18200]  }
0x57a: {  	v4 =	vld [tilespmem:s20+$0x70]  }
0x57b: {  	v9 =	vld [tilespmem:s20+$0x40]  }
0x57c: {  	v5 =	vld [tilespmem:s20+$0x10]  }
0x57d: {  	s24 =	simm.s32 $0x400;
	s25 =	simm.s32 $0x80;
	v6 =	vld [tilespmem:s20+$0x20]  }
0x57e: {  	s26 =	simm.s32 $0x10;
	s21 =	sand.u32 $0x2000, s25;
	s17 =	sand.u32 $0x1C00, s24;
	v8 =	vld [tilespmem:s20+$0x30];
	v3 =	vmul.f32 $3.200000000e+01, v3  }
0x57f: {  	s22 =	sand.u32 $0x380, s26;
	s17 =	sor.u32 s17, s21;
	v10 =	vld [tilespmem:s20+$0x50];
	v4 =	vmul.f32 $3.200000000e+01, v4  }
0x580: {  	s22 =	sor.u32 s17, s22;
	v11 =	vld [tilespmem:s20+$0x60];
	v9 =	vmul.f32 $3.200000000e+01, v9;
	[tilespmem:s4+$0x18200] =	vst v3  }
0x581: {  	s21 =	sadd.s32 $0x18200, s22;
	v7 =	vld [tilespmem:s22+$0x18200];
	v3 =	vmul.f32 $3.200000000e+01, v5;
	[tilespmem:s20+$0x70] =	vst v4  }
0x582: {  	v5 =	vmul.f32 $3.200000000e+01, v6;
	v6 =	vld [tilespmem:s21+$0x70];
	[tilespmem:s20+$0x40] =	vst v9  }
0x583: {  	v4 =	vld [tilespmem:s21+$0x10];
	[tilespmem:s20+$0x10] =	vst v3;
	v3 =	vmul.f32 $3.200000000e+01, v8  }
0x584: {  	s28 =	simm.s32 $0x100;
	s14 =	simm.s32 $0x14200;
	[tilespmem:s20+$0x20] =	vst v5;
	v5 =	vld [tilespmem:s21+$0x20];
	v8 =	vmul.f32 $3.200000000e+01, v10  }
0x585: {  	s23 =	simm.s32 $0x8;
	s26 =	simm.s32 $0x800;
	s24 =	simm.s32 $0x20;
	v9 =	vmul.f32 $3.200000000e+01, v11;
	[tilespmem:s20+$0x30] =	vst v3;
	v3 =	vld [tilespmem:s21+$0x30]  }
.LBB2_42:
0x586: {  	s4 =	sand.u32 $0x2000, s28;
	s17 =	sand.u32 $0x1C00, s26;
	s23 =	sadd.s32 $0x8, s23;
	v7 =	vmul.f32 $3.200000000e+01, v7;
	v10 =	vld [tilespmem:s21+$0x40];
	[tilespmem:s20+$0x50] =	vst v8  }
0x587: {  	s25 =	sand.u32 $0x380, s24;
	s4 =	sor.u32 s17, s4;
	p0 =	slt.u32 s23, $0x3F8;
	v8 =	vld [tilespmem:s21+$0x50];
	v6 =	vmul.f32 $3.200000000e+01, v6;
	[tilespmem:s20+$0x60] =	vst v9  }
0x588: {  	s20 =	smov.u32 s21;
	[tilespmem:s22+$0x18200] =	vst v7;
	s22 =	sor.u32 s4, s25;
	v4 =	vmul.f32 $3.200000000e+01, v4;
	v9 =	vld [tilespmem:s21+$0x60]  }
.Ltmp20:
0x589: {  	s21 =	sadd.s32 $0x18200, s22;
	v7 =	vld [tilespmem:s22+$0x18200];
	v5 =	vmul.f32 $3.200000000e+01, v5;
	[tilespmem:s20+$0x70] =	vst v6;
	(pc) =	sbr.rel @p0 .LBB2_42-.Ltmp20, $4  }
0x58a: {  	v6 =	vld [tilespmem:s21+$0x70];
	[tilespmem:s20+$0x10] =	vst v4;
	v3 =	vmul.f32 $3.200000000e+01, v3  }
0x58b: {  	v4 =	vld [tilespmem:s21+$0x10];
	[tilespmem:s20+$0x20] =	vst v5;
	v10 =	vmul.f32 $3.200000000e+01, v10  }
0x58c: {  	v5 =	vld [tilespmem:s21+$0x20];
	[tilespmem:s20+$0x30] =	vst v3;
	v8 =	vmul.f32 $3.200000000e+01, v8  }
0x58d: {  	s24 =	sadd.s32 $0x10, s24;
	s26 =	sadd.s32 $0x400, s26;
	s28 =	sadd.s32 $0x80, s28;
	v3 =	vld [tilespmem:s21+$0x30];
	[tilespmem:s20+$0x40] =	vst v10;
	v9 =	vmul.f32 $3.200000000e+01, v9  }
0x58e: {  	v7 =	vmul.f32 $3.200000000e+01, v7;
	v10 =	vld [tilespmem:s21+$0x40];
	[tilespmem:s20+$0x50] =	vst v8  }
0x58f: {  	v8 =	vld [tilespmem:s21+$0x50];
	v6 =	vmul.f32 $3.200000000e+01, v6;
	[tilespmem:s20+$0x60] =	vst v9  }
0x590: {  	[tilespmem:s22+$0x18200] =	vst v7;
	v4 =	vmul.f32 $3.200000000e+01, v4;
	v7 =	vld [tilespmem:s21+$0x60]  }
0x591: {  	v5 =	vmul.f32 $3.200000000e+01, v5;
	[tilespmem:s21+$0x70] =	vst v6  }
0x592: {  	[tilespmem:s21+$0x10] =	vst v4;
	v3 =	vmul.f32 $3.200000000e+01, v3  }
0x593: {  	[tilespmem:s21+$0x20] =	vst v5;
	v4 =	vmul.f32 $3.200000000e+01, v10  }
0x594: {  	[tilespmem:s21+$0x30] =	vst v3;
	v3 =	vmul.f32 $3.200000000e+01, v8  }
0x595: {  	[tilespmem:s21+$0x40] =	vst v4;
	v4 =	vmul.f32 $3.200000000e+01, v7  }
0x596: {  	[tilespmem:s21+$0x50] =	vst v3  }
0x597: {  	[tilespmem:s21+$0x60] =	vst v4  }
0x598: {  	s4 =	simm.s32 $0x0;
	s12 =	simm.s32 $0x18200;
	s17 =	rddreg [dreg:$0x1a]  }
0x599: {  	[hbm4b:s17+s4] =	stream.linear.scatter [tilespmem:s12], [sflag:$0xE], $0x4000, $0x38;
	[tilespmem:$0x1C200] =	vst v63  }
0x59a: {  	_ =	swait.ge [sflag:s18], $0x4000  }
0x59b: {  	[sflag:s18] =	ssyncset.done $0x0  }
0x59c: {  	[sflag:s18] =	ssyncadd.s32 $0xFFFFC000  }
0x59d: {  	v3 =	vld [tilespmem:$0x1B0];
	_ =	sdelay $0x4  }
0x59e: {  	v4 =	vshll.u32 v3, $0x3  }
0x59f: {  	v3 =	vand.u32 $0x7, v3;
	v4 =	vand.u32 $0xFFFFFFC0, v4  }
0x5a0: {  	v3 =	vor.u32 v3, v4  }
0x5a1: {  	v4 =	vperm.xlane v3, v0;
	_ =	sdelay $0x1  }
0x5a2: {  	v4 =	vadd.s32 v1, v4;
	_ =	sdelay $0x4  }
0x5a3: {  	[tilespmem:s12], [sflag:$0x7] =	stream.indirect_vreg.gather [hbm4b:s1+s4], $0x80, v4, vm0, $0xb8;
	[tilespmem:$0x1C200] =	vst v63  }
0x5a4: {  	s26 =	simm.s32 $0x18A00;
	v3 =	vperm.xlane v3, v2  }
0x5a5: {  	[tilespmem:s26], [sflag:$0x7] =	stream.indirect_vreg.gather [hbm4b:s5+s4], $0x80, v4, vm0, $0xb8;
	[tilespmem:$0x1C200] =	vst v63  }
0x5a6: {  	s28 =	simm.s32 $0x19200;
	v3 =	vadd.s32 v1, v3  }
0x5a7: {  	[tilespmem:s28], [sflag:$0x7] =	stream.indirect_vreg.gather [hbm4b:s6+s4], $0x80, v4, vm0, $0xb8;
	[tilespmem:$0x1C200] =	vst v63  }
0x5a8: {  	s16 =	simm.s32 $0x19A00  }
0x5a9: {  	[tilespmem:s16], [sflag:$0x7] =	stream.indirect_vreg.gather [hbm4b:s7+s4], $0x80, v4, vm0, $0xb8;
	[tilespmem:$0x1C200] =	vst v63  }
0x5aa: {  	s17 =	simm.s32 $0x1A200  }
0x5ab: {  	[tilespmem:s17], [sflag:$0x7] =	stream.indirect_vreg.gather [hbm4b:s1+s4], $0x80, v3, vm0, $0xb8;
	[tilespmem:$0x1C200] =	vst v63  }
0x5ac: {  	s20 =	simm.s32 $0x1AA00  }
0x5ad: {  	[tilespmem:s20], [sflag:$0x7] =	stream.indirect_vreg.gather [hbm4b:s5+s4], $0x80, v3, vm0, $0xb8;
	[tilespmem:$0x1C200] =	vst v63  }
0x5ae: {  	s21 =	simm.s32 $0x1B200  }
0x5af: {  	[tilespmem:s21], [sflag:$0x7] =	stream.indirect_vreg.gather [hbm4b:s6+s4], $0x80, v3, vm0, $0xb8;
	[tilespmem:$0x1C200] =	vst v63  }
0x5b0: {  	s22 =	simm.s32 $0x1BA00  }
0x5b1: {  	[tilespmem:s22], [sflag:$0x7] =	stream.indirect_vreg.gather [hbm4b:s7+s4], $0x80, v3, vm0, $0xb8;
	[tilespmem:$0x1C200] =	vst v63  }
0x5b2: {  	s23 =	sand.u32 $0x2000, s4;
	s24 =	sand.u32 $0x1C00, s4;
	_ =	swait.ge [sflag:s29], $0x4000  }
0x5b3: {  	s17 =	sor.u32 s24, s23;
	s4 =	sand.u32 $0x380, s4;
	[sflag:s29] =	ssyncset.done $0x0  }
0x5b4: {  	s21 =	sor.u32 s17, s4;
	[sflag:s29] =	ssyncadd.s32 $0xFFFFC000  }
0x5b5: {  	v3 =	vld [tilespmem:s21+$0x270]  }
0x5b6: {  	v4 =	vld [tilespmem:s21+$0x200]  }
0x5b7: {  	v5 =	vld [tilespmem:s21+$0x210]  }
0x5b8: {  	v9 =	vld [tilespmem:s21+$0x240]  }
0x5b9: {  	s25 =	simm.s32 $0x400;
	s26 =	simm.s32 $0x80;
	v6 =	vld [tilespmem:s21+$0x220]  }
0x5ba: {  	s28 =	simm.s32 $0x10;
	s17 =	sand.u32 $0x2000, s26;
	s4 =	sand.u32 $0x1C00, s25;
	v8 =	vld [tilespmem:s21+$0x230];
	v3 =	vmul.f32 $3.200000000e+01, v3  }
0x5bb: {  	s20 =	sand.u32 $0x380, s28;
	s4 =	sor.u32 s4, s17;
	v10 =	vld [tilespmem:s21+$0x250];
	v4 =	vmul.f32 $3.200000000e+01, v4  }
0x5bc: {  	s20 =	sor.u32 s4, s20;
	v12 =	vld [tilespmem:s21+$0x260];
	v11 =	vmul.f32 $3.200000000e+01, v5;
	[tilespmem:s21+$0x270] =	vst v3  }
0x5bd: {  	v7 =	vld [tilespmem:s20+$0x270];
	v9 =	vmul.f32 $3.200000000e+01, v9;
	[tilespmem:s21+$0x200] =	vst v4  }
0x5be: {  	v5 =	vld [tilespmem:s20+$0x200];
	v3 =	vmul.f32 $3.200000000e+01, v6;
	[tilespmem:s21+$0x210] =	vst v11  }
0x5bf: {  	v4 =	vmul.f32 $3.200000000e+01, v8;
	v6 =	vld [tilespmem:s20+$0x210];
	[tilespmem:s21+$0x240] =	vst v9  }
0x5c0: {  	s15 =	simm.s32 $0x18200;
	s23 =	simm.s32 $0x20;
	v8 =	vmul.f32 $3.200000000e+01, v10;
	[tilespmem:s21+$0x220] =	vst v3;
	v3 =	vld [tilespmem:s20+$0x220]  }
0x5c1: {  	s24 =	simm.s32 $0x800;
	s22 =	simm.s32 $0x8;
	s26 =	simm.s32 $0x100;
	v9 =	vmul.f32 $3.200000000e+01, v12;
	[tilespmem:s21+$0x230] =	vst v4;
	v4 =	vld [tilespmem:s20+$0x230]  }
.LBB2_44:
0x5c2: {  	s4 =	sand.u32 $0x2000, s26;
	s17 =	sand.u32 $0x1C00, s24;
	s22 =	sadd.s32 $0x8, s22;
	v10 =	vld [tilespmem:s20+$0x240];
	v7 =	vmul.f32 $3.200000000e+01, v7;
	[tilespmem:s21+$0x250] =	vst v8  }
0x5c3: {  	s25 =	sand.u32 $0x380, s23;
	s4 =	sor.u32 s17, s4;
	p0 =	slt.u32 s22, $0x3F8;
	v5 =	vmul.f32 $3.200000000e+01, v5;
	v8 =	vld [tilespmem:s20+$0x250];
	[tilespmem:s21+$0x260] =	vst v9  }
0x5c4: {  	s21 =	smov.u32 s20;
	v6 =	vmul.f32 $3.200000000e+01, v6;
	v9 =	vld [tilespmem:s20+$0x260];
	[tilespmem:s20+$0x270] =	vst v7;
	s20 =	sor.u32 s4, s25  }
.Ltmp21:
0x5c5: {  	v7 =	vld [tilespmem:s20+$0x270];
	[tilespmem:s21+$0x200] =	vst v5;
	v3 =	vmul.f32 $3.200000000e+01, v3;
	(pc) =	sbr.rel @p0 .LBB2_44-.Ltmp21, $4  }
0x5c6: {  	v5 =	vld [tilespmem:s20+$0x200];
	[tilespmem:s21+$0x210] =	vst v6;
	v4 =	vmul.f32 $3.200000000e+01, v4  }
0x5c7: {  	v6 =	vld [tilespmem:s20+$0x210];
	[tilespmem:s21+$0x220] =	vst v3;
	v10 =	vmul.f32 $3.200000000e+01, v10  }
0x5c8: {  	v3 =	vld [tilespmem:s20+$0x220];
	[tilespmem:s21+$0x230] =	vst v4;
	v8 =	vmul.f32 $3.200000000e+01, v8  }
0x5c9: {  	s23 =	sadd.s32 $0x10, s23;
	s24 =	sadd.s32 $0x400, s24;
	s26 =	sadd.s32 $0x80, s26;
	v4 =	vld [tilespmem:s20+$0x230];
	[tilespmem:s21+$0x240] =	vst v10;
	v9 =	vmul.f32 $3.200000000e+01, v9  }
0x5ca: {  	v10 =	vld [tilespmem:s20+$0x240];
	v7 =	vmul.f32 $3.200000000e+01, v7;
	[tilespmem:s21+$0x250] =	vst v8  }
0x5cb: {  	v8 =	vld [tilespmem:s20+$0x250];
	v5 =	vmul.f32 $3.200000000e+01, v5;
	[tilespmem:s21+$0x260] =	vst v9  }
0x5cc: {  	v9 =	vld [tilespmem:s20+$0x260];
	v6 =	vmul.f32 $3.200000000e+01, v6;
	[tilespmem:s20+$0x270] =	vst v7  }
0x5cd: {  	[tilespmem:s20+$0x200] =	vst v5;
	v3 =	vmul.f32 $3.200000000e+01, v3  }
0x5ce: {  	[tilespmem:s20+$0x210] =	vst v6;
	v4 =	vmul.f32 $3.200000000e+01, v4  }
0x5cf: {  	[tilespmem:s20+$0x220] =	vst v3;
	v3 =	vmul.f32 $3.200000000e+01, v10  }
0x5d0: {  	[tilespmem:s20+$0x230] =	vst v4;
	v4 =	vmul.f32 $3.200000000e+01, v8  }
0x5d1: {  	[tilespmem:s20+$0x240] =	vst v3;
	v3 =	vmul.f32 $3.200000000e+01, v9  }
0x5d2: {  	[tilespmem:s20+$0x250] =	vst v4  }
0x5d3: {  	[tilespmem:s20+$0x260] =	vst v3  }
0x5d4: {  	s4 =	simm.s32 $0x0;
	s16 =	simm.s32 $0x200;
	s17 =	rddreg [dreg:$0x1b]  }
0x5d5: {  	[hbm4b:s17+s4] =	stream.linear.scatter [tilespmem:s16], [sflag:$0x8], $0x4000, $0x38;
	[tilespmem:$0x1C200] =	vst v63  }
0x5d6: {  	_ =	swait.ge [sflag:s30], $0x4000  }
0x5d7: {  	[sflag:s30] =	ssyncset.done $0x0  }
0x5d8: {  	[sflag:s30] =	ssyncadd.s32 $0xFFFFC000  }
0x5d9: {  	v3 =	vld [tilespmem:$0x1C0];
	_ =	sdelay $0x4  }
0x5da: {  	v4 =	vshll.u32 v3, $0x3  }
0x5db: {  	v3 =	vand.u32 $0x7, v3;
	v4 =	vand.u32 $0xFFFFFFC0, v4  }
0x5dc: {  	v3 =	vor.u32 v3, v4  }
0x5dd: {  	v4 =	vperm.xlane v3, v0;
	_ =	sdelay $0x1  }
0x5de: {  	v4 =	vadd.s32 v1, v4;
	_ =	sdelay $0x4  }
0x5df: {  	[tilespmem:s16], [sflag:$0x1] =	stream.indirect_vreg.gather [hbm4b:s1+s4], $0x80, v4, vm0, $0xb8;
	[tilespmem:$0x1C200] =	vst v63  }
0x5e0: {  	s26 =	simm.s32 $0xA00;
	v3 =	vperm.xlane v3, v2  }
0x5e1: {  	[tilespmem:s26], [sflag:$0x1] =	stream.indirect_vreg.gather [hbm4b:s5+s4], $0x80, v4, vm0, $0xb8;
	[tilespmem:$0x1C200] =	vst v63  }
0x5e2: {  	s28 =	simm.s32 $0x1200;
	v3 =	vadd.s32 v1, v3  }
0x5e3: {  	[tilespmem:s28], [sflag:$0x1] =	stream.indirect_vreg.gather [hbm4b:s6+s4], $0x80, v4, vm0, $0xb8;
	[tilespmem:$0x1C200] =	vst v63  }
0x5e4: {  	s12 =	simm.s32 $0x1A00  }
0x5e5: {  	[tilespmem:s12], [sflag:$0x1] =	stream.indirect_vreg.gather [hbm4b:s7+s4], $0x80, v4, vm0, $0xb8;
	[tilespmem:$0x1C200] =	vst v63  }
0x5e6: {  	s16 =	simm.s32 $0x2200  }
0x5e7: {  	[tilespmem:s16], [sflag:$0x1] =	stream.indirect_vreg.gather [hbm4b:s1+s4], $0x80, v3, vm0, $0xb8;
	[tilespmem:$0x1C200] =	vst v63  }
0x5e8: {  	s20 =	simm.s32 $0x2A00  }
0x5e9: {  	[tilespmem:s20], [sflag:$0x1] =	stream.indirect_vreg.gather [hbm4b:s5+s4], $0x80, v3, vm0, $0xb8;
	[tilespmem:$0x1C200] =	vst v63  }
0x5ea: {  	s21 =	simm.s32 $0x3200  }
0x5eb: {  	[tilespmem:s21], [sflag:$0x1] =	stream.indirect_vreg.gather [hbm4b:s6+s4], $0x80, v3, vm0, $0xb8;
	[tilespmem:$0x1C200] =	vst v63  }
0x5ec: {  	s22 =	simm.s32 $0x3A00  }
0x5ed: {  	[tilespmem:s22], [sflag:$0x1] =	stream.indirect_vreg.gather [hbm4b:s7+s4], $0x80, v3, vm0, $0xb8;
	[tilespmem:$0x1C200] =	vst v63  }
0x5ee: {  	s23 =	sand.u32 $0x2000, s4;
	s24 =	sand.u32 $0x1C00, s4;
	_ =	swait.ge [sflag:s31], $0x4000  }
0x5ef: {  	s17 =	sor.u32 s24, s23;
	s4 =	sand.u32 $0x380, s4;
	[sflag:s31] =	ssyncset.done $0x0  }
0x5f0: {  	s21 =	sor.u32 s17, s4;
	[sflag:s31] =	ssyncadd.s32 $0xFFFFC000  }
0x5f1: {  	v3 =	vld [tilespmem:s21+$0x4270]  }
0x5f2: {  	v4 =	vld [tilespmem:s21+$0x4200]  }
0x5f3: {  	v5 =	vld [tilespmem:s21+$0x4210]  }
0x5f4: {  	v9 =	vld [tilespmem:s21+$0x4240]  }
0x5f5: {  	s25 =	simm.s32 $0x400;
	s26 =	simm.s32 $0x80;
	v6 =	vld [tilespmem:s21+$0x4220]  }
0x5f6: {  	s28 =	simm.s32 $0x10;
	s17 =	sand.u32 $0x2000, s26;
	s4 =	sand.u32 $0x1C00, s25;
	v8 =	vld [tilespmem:s21+$0x4230];
	v3 =	vmul.f32 $3.200000000e+01, v3  }
0x5f7: {  	s20 =	sand.u32 $0x380, s28;
	s4 =	sor.u32 s4, s17;
	v10 =	vld [tilespmem:s21+$0x4250];
	v4 =	vmul.f32 $3.200000000e+01, v4  }
0x5f8: {  	s20 =	sor.u32 s4, s20;
	v12 =	vld [tilespmem:s21+$0x4260];
	v11 =	vmul.f32 $3.200000000e+01, v5;
	[tilespmem:s21+$0x4270] =	vst v3  }
0x5f9: {  	v7 =	vld [tilespmem:s20+$0x4270];
	v9 =	vmul.f32 $3.200000000e+01, v9;
	[tilespmem:s21+$0x4200] =	vst v4  }
0x5fa: {  	v5 =	vld [tilespmem:s20+$0x4200];
	v3 =	vmul.f32 $3.200000000e+01, v6;
	[tilespmem:s21+$0x4210] =	vst v11  }
0x5fb: {  	v4 =	vmul.f32 $3.200000000e+01, v8;
	v6 =	vld [tilespmem:s20+$0x4210];
	[tilespmem:s21+$0x4240] =	vst v9  }
0x5fc: {  	s23 =	simm.s32 $0x20;
	v8 =	vmul.f32 $3.200000000e+01, v10;
	[tilespmem:s21+$0x4220] =	vst v3;
	v3 =	vld [tilespmem:s20+$0x4220]  }
0x5fd: {  	s24 =	simm.s32 $0x800;
	s22 =	simm.s32 $0x8;
	s26 =	simm.s32 $0x100;
	v9 =	vmul.f32 $3.200000000e+01, v12;
	[tilespmem:s21+$0x4230] =	vst v4;
	v4 =	vld [tilespmem:s20+$0x4230]  }
.LBB2_46:
0x5fe: {  	s4 =	sand.u32 $0x2000, s26;
	s17 =	sand.u32 $0x1C00, s24;
	s22 =	sadd.s32 $0x8, s22;
	v10 =	vld [tilespmem:s20+$0x4240];
	v7 =	vmul.f32 $3.200000000e+01, v7;
	[tilespmem:s21+$0x4250] =	vst v8  }
0x5ff: {  	s25 =	sand.u32 $0x380, s23;
	s4 =	sor.u32 s17, s4;
	p0 =	slt.u32 s22, $0x3F8;
	v5 =	vmul.f32 $3.200000000e+01, v5;
	v8 =	vld [tilespmem:s20+$0x4250];
	[tilespmem:s21+$0x4260] =	vst v9  }
0x600: {  	s21 =	smov.u32 s20;
	v6 =	vmul.f32 $3.200000000e+01, v6;
	v9 =	vld [tilespmem:s20+$0x4260];
	[tilespmem:s20+$0x4270] =	vst v7;
	s20 =	sor.u32 s4, s25  }
.Ltmp22:
0x601: {  	v7 =	vld [tilespmem:s20+$0x4270];
	[tilespmem:s21+$0x4200] =	vst v5;
	v3 =	vmul.f32 $3.200000000e+01, v3;
	(pc) =	sbr.rel @p0 .LBB2_46-.Ltmp22, $4  }
0x602: {  	v5 =	vld [tilespmem:s20+$0x4200];
	[tilespmem:s21+$0x4210] =	vst v6;
	v4 =	vmul.f32 $3.200000000e+01, v4  }
0x603: {  	v6 =	vld [tilespmem:s20+$0x4210];
	[tilespmem:s21+$0x4220] =	vst v3;
	v10 =	vmul.f32 $3.200000000e+01, v10  }
0x604: {  	v3 =	vld [tilespmem:s20+$0x4220];
	[tilespmem:s21+$0x4230] =	vst v4;
	v8 =	vmul.f32 $3.200000000e+01, v8  }
0x605: {  	s23 =	sadd.s32 $0x10, s23;
	s24 =	sadd.s32 $0x400, s24;
	s26 =	sadd.s32 $0x80, s26;
	v4 =	vld [tilespmem:s20+$0x4230];
	[tilespmem:s21+$0x4240] =	vst v10;
	v9 =	vmul.f32 $3.200000000e+01, v9  }
0x606: {  	v10 =	vld [tilespmem:s20+$0x4240];
	v7 =	vmul.f32 $3.200000000e+01, v7;
	[tilespmem:s21+$0x4250] =	vst v8  }
0x607: {  	v8 =	vld [tilespmem:s20+$0x4250];
	v5 =	vmul.f32 $3.200000000e+01, v5;
	[tilespmem:s21+$0x4260] =	vst v9  }
0x608: {  	v9 =	vld [tilespmem:s20+$0x4260];
	v6 =	vmul.f32 $3.200000000e+01, v6;
	[tilespmem:s20+$0x4270] =	vst v7  }
0x609: {  	[tilespmem:s20+$0x4200] =	vst v5;
	v3 =	vmul.f32 $3.200000000e+01, v3  }
0x60a: {  	[tilespmem:s20+$0x4210] =	vst v6;
	v4 =	vmul.f32 $3.200000000e+01, v4  }
0x60b: {  	[tilespmem:s20+$0x4220] =	vst v3;
	v3 =	vmul.f32 $3.200000000e+01, v10  }
0x60c: {  	[tilespmem:s20+$0x4230] =	vst v4;
	v4 =	vmul.f32 $3.200000000e+01, v8  }
0x60d: {  	[tilespmem:s20+$0x4240] =	vst v3;
	v3 =	vmul.f32 $3.200000000e+01, v9  }
0x60e: {  	[tilespmem:s20+$0x4250] =	vst v4  }
0x60f: {  	[tilespmem:s20+$0x4260] =	vst v3  }
0x610: {  	s4 =	simm.s32 $0x0;
	s24 =	simm.s32 $0x4200;
	s17 =	rddreg [dreg:$0x1c]  }
0x611: {  	[hbm4b:s17+s4] =	stream.linear.scatter [tilespmem:s24], [sflag:$0x9], $0x4000, $0x38;
	[tilespmem:$0x1C200] =	vst v63  }
0x612: {  	_ =	swait.ge [sflag:s0], $0x4000  }
0x613: {  	[sflag:s0] =	ssyncset.done $0x0  }
0x614: {  	[sflag:s0] =	ssyncadd.s32 $0xFFFFC000  }
0x615: {  	v3 =	vld [tilespmem:$0x1D0];
	_ =	sdelay $0x4  }
0x616: {  	v4 =	vshll.u32 v3, $0x3  }
0x617: {  	v3 =	vand.u32 $0x7, v3;
	v4 =	vand.u32 $0xFFFFFFC0, v4  }
0x618: {  	v3 =	vor.u32 v3, v4  }
0x619: {  	v4 =	vperm.xlane v3, v0;
	_ =	sdelay $0x1  }
0x61a: {  	v4 =	vadd.s32 v1, v4;
	_ =	sdelay $0x4  }
0x61b: {  	[tilespmem:s24], [sflag:$0x2] =	stream.indirect_vreg.gather [hbm4b:s1+s4], $0x80, v4, vm0, $0xb8;
	[tilespmem:$0x1C200] =	vst v63  }
0x61c: {  	s25 =	simm.s32 $0x4A00;
	v3 =	vperm.xlane v3, v2  }
0x61d: {  	[tilespmem:s25], [sflag:$0x2] =	stream.indirect_vreg.gather [hbm4b:s5+s4], $0x80, v4, vm0, $0xb8;
	[tilespmem:$0x1C200] =	vst v63  }
0x61e: {  	s26 =	simm.s32 $0x5200;
	v3 =	vadd.s32 v1, v3  }
0x61f: {  	[tilespmem:s26], [sflag:$0x2] =	stream.indirect_vreg.gather [hbm4b:s6+s4], $0x80, v4, vm0, $0xb8;
	[tilespmem:$0x1C200] =	vst v63  }
0x620: {  	s28 =	simm.s32 $0x5A00  }
0x621: {  	[tilespmem:s28], [sflag:$0x2] =	stream.indirect_vreg.gather [hbm4b:s7+s4], $0x80, v4, vm0, $0xb8;
	[tilespmem:$0x1C200] =	vst v63  }
0x622: {  	s12 =	simm.s32 $0x6200  }
0x623: {  	[tilespmem:s12], [sflag:$0x2] =	stream.indirect_vreg.gather [hbm4b:s1+s4], $0x80, v3, vm0, $0xb8;
	[tilespmem:$0x1C200] =	vst v63  }
0x624: {  	s20 =	simm.s32 $0x6A00  }
0x625: {  	[tilespmem:s20], [sflag:$0x2] =	stream.indirect_vreg.gather [hbm4b:s5+s4], $0x80, v3, vm0, $0xb8;
	[tilespmem:$0x1C200] =	vst v63  }
0x626: {  	s21 =	simm.s32 $0x7200  }
0x627: {  	[tilespmem:s21], [sflag:$0x2] =	stream.indirect_vreg.gather [hbm4b:s6+s4], $0x80, v3, vm0, $0xb8;
	[tilespmem:$0x1C200] =	vst v63  }
0x628: {  	s22 =	simm.s32 $0x7A00  }
0x629: {  	[tilespmem:s22], [sflag:$0x2] =	stream.indirect_vreg.gather [hbm4b:s7+s4], $0x80, v3, vm0, $0xb8;
	[tilespmem:$0x1C200] =	vst v63  }
0x62a: {  	s23 =	sand.u32 $0x2000, s4;
	s24 =	sand.u32 $0x1C00, s4;
	_ =	swait.ge [sflag:s2], $0x4000  }
0x62b: {  	s17 =	sor.u32 s24, s23;
	s4 =	sand.u32 $0x380, s4;
	[sflag:s2] =	ssyncset.done $0x0  }
0x62c: {  	s21 =	sor.u32 s17, s4;
	[sflag:s2] =	ssyncadd.s32 $0xFFFFC000  }
0x62d: {  	v3 =	vld [tilespmem:s21+$0x8270]  }
0x62e: {  	v4 =	vld [tilespmem:s21+$0x8200]  }
0x62f: {  	v5 =	vld [tilespmem:s21+$0x8210]  }
0x630: {  	v9 =	vld [tilespmem:s21+$0x8240]  }
0x631: {  	s25 =	simm.s32 $0x400;
	s26 =	simm.s32 $0x80;
	v6 =	vld [tilespmem:s21+$0x8220]  }
0x632: {  	s28 =	simm.s32 $0x10;
	s17 =	sand.u32 $0x2000, s26;
	s4 =	sand.u32 $0x1C00, s25;
	v8 =	vld [tilespmem:s21+$0x8230];
	v3 =	vmul.f32 $3.200000000e+01, v3  }
0x633: {  	s20 =	sand.u32 $0x380, s28;
	s4 =	sor.u32 s4, s17;
	v10 =	vld [tilespmem:s21+$0x8250];
	v4 =	vmul.f32 $3.200000000e+01, v4  }
0x634: {  	s20 =	sor.u32 s4, s20;
	v12 =	vld [tilespmem:s21+$0x8260];
	v11 =	vmul.f32 $3.200000000e+01, v5;
	[tilespmem:s21+$0x8270] =	vst v3  }
0x635: {  	v7 =	vld [tilespmem:s20+$0x8270];
	v9 =	vmul.f32 $3.200000000e+01, v9;
	[tilespmem:s21+$0x8200] =	vst v4  }
0x636: {  	v5 =	vld [tilespmem:s20+$0x8200];
	v3 =	vmul.f32 $3.200000000e+01, v6;
	[tilespmem:s21+$0x8210] =	vst v11  }
0x637: {  	v4 =	vmul.f32 $3.200000000e+01, v8;
	v6 =	vld [tilespmem:s20+$0x8210];
	[tilespmem:s21+$0x8240] =	vst v9  }
0x638: {  	s16 =	simm.s32 $0x4200;
	s23 =	simm.s32 $0x20;
	v8 =	vmul.f32 $3.200000000e+01, v10;
	[tilespmem:s21+$0x8220] =	vst v3;
	v3 =	vld [tilespmem:s20+$0x8220]  }
0x639: {  	s24 =	simm.s32 $0x800;
	s22 =	simm.s32 $0x8;
	s26 =	simm.s32 $0x100;
	v9 =	vmul.f32 $3.200000000e+01, v12;
	[tilespmem:s21+$0x8230] =	vst v4;
	v4 =	vld [tilespmem:s20+$0x8230]  }
.LBB2_48:
0x63a: {  	s4 =	sand.u32 $0x2000, s26;
	s17 =	sand.u32 $0x1C00, s24;
	s22 =	sadd.s32 $0x8, s22;
	v10 =	vld [tilespmem:s20+$0x8240];
	v7 =	vmul.f32 $3.200000000e+01, v7;
	[tilespmem:s21+$0x8250] =	vst v8  }
0x63b: {  	s25 =	sand.u32 $0x380, s23;
	s4 =	sor.u32 s17, s4;
	p0 =	slt.u32 s22, $0x3F8;
	v5 =	vmul.f32 $3.200000000e+01, v5;
	v8 =	vld [tilespmem:s20+$0x8250];
	[tilespmem:s21+$0x8260] =	vst v9  }
0x63c: {  	s21 =	smov.u32 s20;
	v6 =	vmul.f32 $3.200000000e+01, v6;
	v9 =	vld [tilespmem:s20+$0x8260];
	[tilespmem:s20+$0x8270] =	vst v7;
	s20 =	sor.u32 s4, s25  }
.Ltmp23:
0x63d: {  	v7 =	vld [tilespmem:s20+$0x8270];
	[tilespmem:s21+$0x8200] =	vst v5;
	v3 =	vmul.f32 $3.200000000e+01, v3;
	(pc) =	sbr.rel @p0 .LBB2_48-.Ltmp23, $4  }
0x63e: {  	v5 =	vld [tilespmem:s20+$0x8200];
	[tilespmem:s21+$0x8210] =	vst v6;
	v4 =	vmul.f32 $3.200000000e+01, v4  }
0x63f: {  	v6 =	vld [tilespmem:s20+$0x8210];
	[tilespmem:s21+$0x8220] =	vst v3;
	v10 =	vmul.f32 $3.200000000e+01, v10  }
0x640: {  	v3 =	vld [tilespmem:s20+$0x8220];
	[tilespmem:s21+$0x8230] =	vst v4;
	v8 =	vmul.f32 $3.200000000e+01, v8  }
0x641: {  	s23 =	sadd.s32 $0x10, s23;
	s24 =	sadd.s32 $0x400, s24;
	s26 =	sadd.s32 $0x80, s26;
	v4 =	vld [tilespmem:s20+$0x8230];
	[tilespmem:s21+$0x8240] =	vst v10;
	v9 =	vmul.f32 $3.200000000e+01, v9  }
0x642: {  	v10 =	vld [tilespmem:s20+$0x8240];
	v7 =	vmul.f32 $3.200000000e+01, v7;
	[tilespmem:s21+$0x8250] =	vst v8  }
0x643: {  	v8 =	vld [tilespmem:s20+$0x8250];
	v5 =	vmul.f32 $3.200000000e+01, v5;
	[tilespmem:s21+$0x8260] =	vst v9  }
0x644: {  	v9 =	vld [tilespmem:s20+$0x8260];
	v6 =	vmul.f32 $3.200000000e+01, v6;
	[tilespmem:s20+$0x8270] =	vst v7  }
0x645: {  	[tilespmem:s20+$0x8200] =	vst v5;
	v3 =	vmul.f32 $3.200000000e+01, v3  }
0x646: {  	[tilespmem:s20+$0x8210] =	vst v6;
	v4 =	vmul.f32 $3.200000000e+01, v4  }
0x647: {  	[tilespmem:s20+$0x8220] =	vst v3;
	v3 =	vmul.f32 $3.200000000e+01, v10  }
0x648: {  	[tilespmem:s20+$0x8230] =	vst v4;
	v4 =	vmul.f32 $3.200000000e+01, v8  }
0x649: {  	[tilespmem:s20+$0x8240] =	vst v3;
	v3 =	vmul.f32 $3.200000000e+01, v9  }
0x64a: {  	[tilespmem:s20+$0x8250] =	vst v4  }
0x64b: {  	[tilespmem:s20+$0x8260] =	vst v3  }
0x64c: {  	s4 =	simm.s32 $0x0;
	s23 =	simm.s32 $0x8200;
	s17 =	rddreg [dreg:$0x1d]  }
0x64d: {  	[hbm4b:s17+s4] =	stream.linear.scatter [tilespmem:s23], [sflag:$0xA], $0x4000, $0x38;
	[tilespmem:$0x1C200] =	vst v63  }
0x64e: {  	_ =	swait.ge [sflag:s9], $0x4000  }
0x64f: {  	[sflag:s9] =	ssyncset.done $0x0  }
0x650: {  	[sflag:s9] =	ssyncadd.s32 $0xFFFFC000  }
0x651: {  	v3 =	vld [tilespmem:$0x1E0];
	_ =	sdelay $0x4  }
0x652: {  	v4 =	vshll.u32 v3, $0x3  }
0x653: {  	v3 =	vand.u32 $0x7, v3;
	v4 =	vand.u32 $0xFFFFFFC0, v4  }
0x654: {  	v3 =	vor.u32 v3, v4  }
0x655: {  	v4 =	vperm.xlane v3, v0;
	_ =	sdelay $0x1  }
0x656: {  	v4 =	vadd.s32 v1, v4;
	_ =	sdelay $0x4  }
0x657: {  	[tilespmem:s23], [sflag:$0x3] =	stream.indirect_vreg.gather [hbm4b:s1+s4], $0x80, v4, vm0, $0xb8;
	[tilespmem:$0x1C200] =	vst v63  }
0x658: {  	s24 =	simm.s32 $0x8A00;
	v3 =	vperm.xlane v3, v2  }
0x659: {  	[tilespmem:s24], [sflag:$0x3] =	stream.indirect_vreg.gather [hbm4b:s5+s4], $0x80, v4, vm0, $0xb8;
	[tilespmem:$0x1C200] =	vst v63  }
0x65a: {  	s25 =	simm.s32 $0x9200;
	v3 =	vadd.s32 v1, v3  }
0x65b: {  	[tilespmem:s25], [sflag:$0x3] =	stream.indirect_vreg.gather [hbm4b:s6+s4], $0x80, v4, vm0, $0xb8;
	[tilespmem:$0x1C200] =	vst v63  }
0x65c: {  	s26 =	simm.s32 $0x9A00  }
0x65d: {  	[tilespmem:s26], [sflag:$0x3] =	stream.indirect_vreg.gather [hbm4b:s7+s4], $0x80, v4, vm0, $0xb8;
	[tilespmem:$0x1C200] =	vst v63  }
0x65e: {  	s28 =	simm.s32 $0xA200  }
0x65f: {  	[tilespmem:s28], [sflag:$0x3] =	stream.indirect_vreg.gather [hbm4b:s1+s4], $0x80, v3, vm0, $0xb8;
	[tilespmem:$0x1C200] =	vst v63  }
0x660: {  	s20 =	simm.s32 $0xAA00  }
0x661: {  	[tilespmem:s20], [sflag:$0x3] =	stream.indirect_vreg.gather [hbm4b:s5+s4], $0x80, v3, vm0, $0xb8;
	[tilespmem:$0x1C200] =	vst v63  }
0x662: {  	s21 =	simm.s32 $0xB200  }
0x663: {  	[tilespmem:s21], [sflag:$0x3] =	stream.indirect_vreg.gather [hbm4b:s6+s4], $0x80, v3, vm0, $0xb8;
	[tilespmem:$0x1C200] =	vst v63  }
0x664: {  	s22 =	simm.s32 $0xBA00  }
0x665: {  	[tilespmem:s22], [sflag:$0x3] =	stream.indirect_vreg.gather [hbm4b:s7+s4], $0x80, v3, vm0, $0xb8;
	[tilespmem:$0x1C200] =	vst v63  }
0x666: {  	s23 =	sand.u32 $0x2000, s4;
	s24 =	sand.u32 $0x1C00, s4;
	_ =	swait.ge [sflag:s10], $0x4000  }
0x667: {  	s17 =	sor.u32 s24, s23;
	s4 =	sand.u32 $0x380, s4;
	[sflag:s10] =	ssyncset.done $0x0  }
0x668: {  	s21 =	sor.u32 s17, s4;
	[sflag:s10] =	ssyncadd.s32 $0xFFFFC000  }
0x669: {  	v3 =	vld [tilespmem:s21+$0xC270]  }
0x66a: {  	v4 =	vld [tilespmem:s21+$0xC200]  }
0x66b: {  	v5 =	vld [tilespmem:s21+$0xC210]  }
0x66c: {  	v9 =	vld [tilespmem:s21+$0xC240]  }
0x66d: {  	s25 =	simm.s32 $0x400;
	s26 =	simm.s32 $0x80;
	v6 =	vld [tilespmem:s21+$0xC220]  }
0x66e: {  	s28 =	simm.s32 $0x10;
	s17 =	sand.u32 $0x2000, s26;
	s4 =	sand.u32 $0x1C00, s25;
	v8 =	vld [tilespmem:s21+$0xC230];
	v3 =	vmul.f32 $3.200000000e+01, v3  }
0x66f: {  	s20 =	sand.u32 $0x380, s28;
	s4 =	sor.u32 s4, s17;
	v10 =	vld [tilespmem:s21+$0xC250];
	v4 =	vmul.f32 $3.200000000e+01, v4  }
0x670: {  	s20 =	sor.u32 s4, s20;
	v12 =	vld [tilespmem:s21+$0xC260];
	v11 =	vmul.f32 $3.200000000e+01, v5;
	[tilespmem:s21+$0xC270] =	vst v3  }
0x671: {  	v7 =	vld [tilespmem:s20+$0xC270];
	v9 =	vmul.f32 $3.200000000e+01, v9;
	[tilespmem:s21+$0xC200] =	vst v4  }
0x672: {  	v5 =	vld [tilespmem:s20+$0xC200];
	v3 =	vmul.f32 $3.200000000e+01, v6;
	[tilespmem:s21+$0xC210] =	vst v11  }
0x673: {  	v4 =	vmul.f32 $3.200000000e+01, v8;
	v6 =	vld [tilespmem:s20+$0xC210];
	[tilespmem:s21+$0xC240] =	vst v9  }
0x674: {  	s12 =	simm.s32 $0x8200;
	s23 =	simm.s32 $0x20;
	v8 =	vmul.f32 $3.200000000e+01, v10;
	[tilespmem:s21+$0xC220] =	vst v3;
	v3 =	vld [tilespmem:s20+$0xC220]  }
0x675: {  	s24 =	simm.s32 $0x800;
	s22 =	simm.s32 $0x8;
	s26 =	simm.s32 $0x100;
	v9 =	vmul.f32 $3.200000000e+01, v12;
	[tilespmem:s21+$0xC230] =	vst v4;
	v4 =	vld [tilespmem:s20+$0xC230]  }
.LBB2_50:
0x676: {  	s4 =	sand.u32 $0x2000, s26;
	s17 =	sand.u32 $0x1C00, s24;
	s22 =	sadd.s32 $0x8, s22;
	v10 =	vld [tilespmem:s20+$0xC240];
	v7 =	vmul.f32 $3.200000000e+01, v7;
	[tilespmem:s21+$0xC250] =	vst v8  }
0x677: {  	s25 =	sand.u32 $0x380, s23;
	s4 =	sor.u32 s17, s4;
	p0 =	slt.u32 s22, $0x3F8;
	v5 =	vmul.f32 $3.200000000e+01, v5;
	v8 =	vld [tilespmem:s20+$0xC250];
	[tilespmem:s21+$0xC260] =	vst v9  }
0x678: {  	s21 =	smov.u32 s20;
	v6 =	vmul.f32 $3.200000000e+01, v6;
	v9 =	vld [tilespmem:s20+$0xC260];
	[tilespmem:s20+$0xC270] =	vst v7;
	s20 =	sor.u32 s4, s25  }
.Ltmp24:
0x679: {  	v7 =	vld [tilespmem:s20+$0xC270];
	[tilespmem:s21+$0xC200] =	vst v5;
	v3 =	vmul.f32 $3.200000000e+01, v3;
	(pc) =	sbr.rel @p0 .LBB2_50-.Ltmp24, $4  }
0x67a: {  	v5 =	vld [tilespmem:s20+$0xC200];
	[tilespmem:s21+$0xC210] =	vst v6;
	v4 =	vmul.f32 $3.200000000e+01, v4  }
0x67b: {  	v6 =	vld [tilespmem:s20+$0xC210];
	[tilespmem:s21+$0xC220] =	vst v3;
	v10 =	vmul.f32 $3.200000000e+01, v10  }
0x67c: {  	v3 =	vld [tilespmem:s20+$0xC220];
	[tilespmem:s21+$0xC230] =	vst v4;
	v8 =	vmul.f32 $3.200000000e+01, v8  }
0x67d: {  	s23 =	sadd.s32 $0x10, s23;
	s24 =	sadd.s32 $0x400, s24;
	s26 =	sadd.s32 $0x80, s26;
	v4 =	vld [tilespmem:s20+$0xC230];
	[tilespmem:s21+$0xC240] =	vst v10;
	v9 =	vmul.f32 $3.200000000e+01, v9  }
0x67e: {  	v10 =	vld [tilespmem:s20+$0xC240];
	v7 =	vmul.f32 $3.200000000e+01, v7;
	[tilespmem:s21+$0xC250] =	vst v8  }
0x67f: {  	v8 =	vld [tilespmem:s20+$0xC250];
	v5 =	vmul.f32 $3.200000000e+01, v5;
	[tilespmem:s21+$0xC260] =	vst v9  }
0x680: {  	v9 =	vld [tilespmem:s20+$0xC260];
	v6 =	vmul.f32 $3.200000000e+01, v6;
	[tilespmem:s20+$0xC270] =	vst v7  }
0x681: {  	[tilespmem:s20+$0xC200] =	vst v5;
	v3 =	vmul.f32 $3.200000000e+01, v3  }
0x682: {  	[tilespmem:s20+$0xC210] =	vst v6;
	v4 =	vmul.f32 $3.200000000e+01, v4  }
0x683: {  	[tilespmem:s20+$0xC220] =	vst v3;
	v3 =	vmul.f32 $3.200000000e+01, v10  }
0x684: {  	[tilespmem:s20+$0xC230] =	vst v4;
	v4 =	vmul.f32 $3.200000000e+01, v8  }
0x685: {  	[tilespmem:s20+$0xC240] =	vst v3;
	v3 =	vmul.f32 $3.200000000e+01, v9  }
0x686: {  	[tilespmem:s20+$0xC250] =	vst v4  }
0x687: {  	[tilespmem:s20+$0xC260] =	vst v3  }
0x688: {  	s4 =	simm.s32 $0x0;
	s21 =	simm.s32 $0xC200;
	s17 =	rddreg [dreg:$0x1e]  }
0x689: {  	[hbm4b:s17+s4] =	stream.linear.scatter [tilespmem:s21], [sflag:$0xB], $0x4000, $0x38;
	[tilespmem:$0x1C200] =	vst v63  }
0x68a: {  	_ =	swait.ge [sflag:s11], $0x4000  }
0x68b: {  	[sflag:s11] =	ssyncset.done $0x0  }
0x68c: {  	[sflag:s11] =	ssyncadd.s32 $0xFFFFC000  }
0x68d: {  	v3 =	vld [tilespmem:$0x1F0];
	_ =	sdelay $0x4  }
0x68e: {  	v4 =	vshll.u32 v3, $0x3  }
0x68f: {  	v3 =	vand.u32 $0x7, v3;
	v4 =	vand.u32 $0xFFFFFFC0, v4  }
0x690: {  	v3 =	vor.u32 v3, v4  }
0x691: {  	v4 =	vperm.xlane v3, v0;
	_ =	sdelay $0x1  }
0x692: {  	v4 =	vadd.s32 v1, v4;
	_ =	sdelay $0x4  }
0x693: {  	[tilespmem:s21], [sflag:$0x4] =	stream.indirect_vreg.gather [hbm4b:s1+s4], $0x80, v4, vm0, $0xb8;
	[tilespmem:$0x1C200] =	vst v63  }
0x694: {  	s22 =	simm.s32 $0xCA00;
	v3 =	vperm.xlane v3, v2  }
0x695: {  	[tilespmem:s22], [sflag:$0x4] =	stream.indirect_vreg.gather [hbm4b:s5+s4], $0x80, v4, vm0, $0xb8;
	[tilespmem:$0x1C200] =	vst v63  }
0x696: {  	s23 =	simm.s32 $0xD200;
	v3 =	vadd.s32 v1, v3  }
0x697: {  	[tilespmem:s23], [sflag:$0x4] =	stream.indirect_vreg.gather [hbm4b:s6+s4], $0x80, v4, vm0, $0xb8;
	[tilespmem:$0x1C200] =	vst v63  }
0x698: {  	s24 =	simm.s32 $0xDA00  }
0x699: {  	[tilespmem:s24], [sflag:$0x4] =	stream.indirect_vreg.gather [hbm4b:s7+s4], $0x80, v4, vm0, $0xb8;
	[tilespmem:$0x1C200] =	vst v63  }
0x69a: {  	s25 =	simm.s32 $0xE200  }
0x69b: {  	[tilespmem:s25], [sflag:$0x4] =	stream.indirect_vreg.gather [hbm4b:s1+s4], $0x80, v3, vm0, $0xb8;
	[tilespmem:$0x1C200] =	vst v63  }
0x69c: {  	s26 =	simm.s32 $0xEA00  }
0x69d: {  	[tilespmem:s26], [sflag:$0x4] =	stream.indirect_vreg.gather [hbm4b:s5+s4], $0x80, v3, vm0, $0xb8;
	[tilespmem:$0x1C200] =	vst v63  }
0x69e: {  	s20 =	simm.s32 $0xF200  }
0x69f: {  	[tilespmem:s20], [sflag:$0x4] =	stream.indirect_vreg.gather [hbm4b:s6+s4], $0x80, v3, vm0, $0xb8;
	[tilespmem:$0x1C200] =	vst v63  }
0x6a0: {  	s21 =	simm.s32 $0xFA00;
	s22 =	simm.s32 $0x5  }
0x6a1: {  	[tilespmem:s21], [sflag:$0x4] =	stream.indirect_vreg.gather [hbm4b:s7+s4], $0x80, v3, vm0, $0xb8;
	[tilespmem:$0x1C200] =	vst v63  }
0x6a2: {  	s23 =	sand.u32 $0x2000, s4;
	s24 =	sand.u32 $0x1C00, s4;
	_ =	swait.ge [sflag:s22], $0x4000  }
0x6a3: {  	s17 =	sor.u32 s24, s23;
	s4 =	sand.u32 $0x380, s4;
	[sflag:s22] =	ssyncset.done $0x0  }
0x6a4: {  	s4 =	sor.u32 s17, s4;
	[sflag:s22] =	ssyncadd.s32 $0xFFFFC000  }
0x6a5: {  	s20 =	sadd.s32 $0x10200, s4;
	v3 =	vld [tilespmem:s4+$0x10200]  }
0x6a6: {  	v4 =	vld [tilespmem:s20+$0x70]  }
0x6a7: {  	v9 =	vld [tilespmem:s20+$0x40]  }
0x6a8: {  	v5 =	vld [tilespmem:s20+$0x10]  }
0x6a9: {  	s25 =	simm.s32 $0x400;
	s26 =	simm.s32 $0x80;
	v6 =	vld [tilespmem:s20+$0x20]  }
0x6aa: {  	s21 =	sand.u32 $0x2000, s26;
	s17 =	sand.u32 $0x1C00, s25;
	s22 =	simm.s32 $0x10;
	v8 =	vld [tilespmem:s20+$0x30];
	v3 =	vmul.f32 $3.200000000e+01, v3  }
0x6ab: {  	s17 =	sor.u32 s17, s21;
	s22 =	sand.u32 $0x380, s22;
	v10 =	vld [tilespmem:s20+$0x50];
	v4 =	vmul.f32 $3.200000000e+01, v4  }
0x6ac: {  	v11 =	vld [tilespmem:s20+$0x60];
	s22 =	sor.u32 s17, s22;
	v9 =	vmul.f32 $3.200000000e+01, v9;
	[tilespmem:s4+$0x10200] =	vst v3  }
0x6ad: {  	s21 =	sadd.s32 $0x10200, s22;
	v7 =	vld [tilespmem:s22+$0x10200];
	v3 =	vmul.f32 $3.200000000e+01, v5;
	[tilespmem:s20+$0x70] =	vst v4  }
0x6ae: {  	v5 =	vmul.f32 $3.200000000e+01, v6;
	v6 =	vld [tilespmem:s21+$0x70];
	[tilespmem:s20+$0x40] =	vst v9  }
0x6af: {  	v4 =	vld [tilespmem:s21+$0x10];
	[tilespmem:s20+$0x10] =	vst v3;
	v3 =	vmul.f32 $3.200000000e+01, v8  }
0x6b0: {  	s28 =	simm.s32 $0x100;
	[tilespmem:s20+$0x20] =	vst v5;
	v5 =	vld [tilespmem:s21+$0x20];
	v8 =	vmul.f32 $3.200000000e+01, v10  }
0x6b1: {  	s23 =	simm.s32 $0x8;
	s24 =	simm.s32 $0x20;
	s26 =	simm.s32 $0x800;
	v9 =	vmul.f32 $3.200000000e+01, v11;
	[tilespmem:s20+$0x30] =	vst v3;
	v3 =	vld [tilespmem:s21+$0x30]  }
.LBB2_52:
0x6b2: {  	s4 =	sand.u32 $0x2000, s28;
	s17 =	sand.u32 $0x1C00, s26;
	s23 =	sadd.s32 $0x8, s23;
	v7 =	vmul.f32 $3.200000000e+01, v7;
	v10 =	vld [tilespmem:s21+$0x40];
	[tilespmem:s20+$0x50] =	vst v8  }
0x6b3: {  	s25 =	sand.u32 $0x380, s24;
	s4 =	sor.u32 s17, s4;
	p0 =	slt.u32 s23, $0x3F8;
	v8 =	vld [tilespmem:s21+$0x50];
	v6 =	vmul.f32 $3.200000000e+01, v6;
	[tilespmem:s20+$0x60] =	vst v9  }
0x6b4: {  	s20 =	smov.u32 s21;
	[tilespmem:s22+$0x10200] =	vst v7;
	s22 =	sor.u32 s4, s25;
	v4 =	vmul.f32 $3.200000000e+01, v4;
	v9 =	vld [tilespmem:s21+$0x60]  }
.Ltmp25:
0x6b5: {  	s21 =	sadd.s32 $0x10200, s22;
	v7 =	vld [tilespmem:s22+$0x10200];
	v5 =	vmul.f32 $3.200000000e+01, v5;
	[tilespmem:s20+$0x70] =	vst v6;
	(pc) =	sbr.rel @p0 .LBB2_52-.Ltmp25, $4  }
0x6b6: {  	v6 =	vld [tilespmem:s21+$0x70];
	[tilespmem:s20+$0x10] =	vst v4;
	v3 =	vmul.f32 $3.200000000e+01, v3  }
0x6b7: {  	v4 =	vld [tilespmem:s21+$0x10];
	[tilespmem:s20+$0x20] =	vst v5;
	v10 =	vmul.f32 $3.200000000e+01, v10  }
0x6b8: {  	v5 =	vld [tilespmem:s21+$0x20];
	[tilespmem:s20+$0x30] =	vst v3;
	v8 =	vmul.f32 $3.200000000e+01, v8  }
0x6b9: {  	s24 =	sadd.s32 $0x10, s24;
	s26 =	sadd.s32 $0x400, s26;
	s28 =	sadd.s32 $0x80, s28;
	v3 =	vld [tilespmem:s21+$0x30];
	[tilespmem:s20+$0x40] =	vst v10;
	v9 =	vmul.f32 $3.200000000e+01, v9  }
0x6ba: {  	v7 =	vmul.f32 $3.200000000e+01, v7;
	v10 =	vld [tilespmem:s21+$0x40];
	[tilespmem:s20+$0x50] =	vst v8  }
0x6bb: {  	v8 =	vld [tilespmem:s21+$0x50];
	v6 =	vmul.f32 $3.200000000e+01, v6;
	[tilespmem:s20+$0x60] =	vst v9  }
0x6bc: {  	[tilespmem:s22+$0x10200] =	vst v7;
	v4 =	vmul.f32 $3.200000000e+01, v4;
	v7 =	vld [tilespmem:s21+$0x60]  }
0x6bd: {  	v5 =	vmul.f32 $3.200000000e+01, v5;
	[tilespmem:s21+$0x70] =	vst v6  }
0x6be: {  	[tilespmem:s21+$0x10] =	vst v4;
	v3 =	vmul.f32 $3.200000000e+01, v3  }
0x6bf: {  	[tilespmem:s21+$0x20] =	vst v5;
	v4 =	vmul.f32 $3.200000000e+01, v10  }
0x6c0: {  	[tilespmem:s21+$0x30] =	vst v3;
	v3 =	vmul.f32 $3.200000000e+01, v8  }
0x6c1: {  	[tilespmem:s21+$0x40] =	vst v4;
	v4 =	vmul.f32 $3.200000000e+01, v7  }
0x6c2: {  	[tilespmem:s21+$0x50] =	vst v3  }
0x6c3: {  	[tilespmem:s21+$0x60] =	vst v4  }
0x6c4: {  	s4 =	simm.s32 $0x0;
	s26 =	simm.s32 $0x6;
	s17 =	rddreg [dreg:$0x1f]  }
0x6c5: {  	[hbm4b:s17+s4] =	stream.linear.scatter [tilespmem:s13], [sflag:$0xC], $0x4000, $0x38;
	[tilespmem:$0x1C200] =	vst v63  }
0x6c6: {  	s23 =	sand.u32 $0x1C00, s4;
	s22 =	sand.u32 $0x2000, s4;
	_ =	swait.ge [sflag:s26], $0x4000  }
0x6c7: {  	s4 =	sand.u32 $0x380, s4;
	s17 =	sor.u32 s23, s22;
	[sflag:s26] =	ssyncset.done $0x0  }
0x6c8: {  	s4 =	sor.u32 s17, s4;
	[sflag:s26] =	ssyncadd.s32 $0xFFFFC000  }
0x6c9: {  	s20 =	sadd.s32 $0x14200, s4;
	v3 =	vld [tilespmem:s4+$0x14200]  }
0x6ca: {  	v4 =	vld [tilespmem:s20+$0x70]  }
0x6cb: {  	v9 =	vld [tilespmem:s20+$0x40]  }
0x6cc: {  	v5 =	vld [tilespmem:s20+$0x10]  }
0x6cd: {  	s24 =	simm.s32 $0x400;
	s25 =	simm.s32 $0x80;
	v6 =	vld [tilespmem:s20+$0x20]  }
0x6ce: {  	s21 =	sand.u32 $0x2000, s25;
	s17 =	sand.u32 $0x1C00, s24;
	s26 =	simm.s32 $0x10;
	v8 =	vld [tilespmem:s20+$0x30];
	v3 =	vmul.f32 $3.200000000e+01, v3  }
0x6cf: {  	s17 =	sor.u32 s17, s21;
	s22 =	sand.u32 $0x380, s26;
	v10 =	vld [tilespmem:s20+$0x50];
	v4 =	vmul.f32 $3.200000000e+01, v4  }
0x6d0: {  	v11 =	vld [tilespmem:s20+$0x60];
	s22 =	sor.u32 s17, s22;
	v9 =	vmul.f32 $3.200000000e+01, v9;
	[tilespmem:s4+$0x14200] =	vst v3  }
0x6d1: {  	s21 =	sadd.s32 $0x14200, s22;
	v7 =	vld [tilespmem:s22+$0x14200];
	v3 =	vmul.f32 $3.200000000e+01, v5;
	[tilespmem:s20+$0x70] =	vst v4  }
0x6d2: {  	v5 =	vmul.f32 $3.200000000e+01, v6;
	v6 =	vld [tilespmem:s21+$0x70];
	[tilespmem:s20+$0x40] =	vst v9  }
0x6d3: {  	v4 =	vld [tilespmem:s21+$0x10];
	[tilespmem:s20+$0x10] =	vst v3;
	v3 =	vmul.f32 $3.200000000e+01, v8  }
0x6d4: {  	s28 =	simm.s32 $0x100;
	[tilespmem:s20+$0x20] =	vst v5;
	v5 =	vld [tilespmem:s21+$0x20];
	v8 =	vmul.f32 $3.200000000e+01, v10  }
0x6d5: {  	s23 =	simm.s32 $0x8;
	s24 =	simm.s32 $0x20;
	s26 =	simm.s32 $0x800;
	v9 =	vmul.f32 $3.200000000e+01, v11;
	[tilespmem:s20+$0x30] =	vst v3;
	v3 =	vld [tilespmem:s21+$0x30]  }
.LBB2_54:
0x6d6: {  	s4 =	sand.u32 $0x2000, s28;
	s17 =	sand.u32 $0x1C00, s26;
	s23 =	sadd.s32 $0x8, s23;
	v7 =	vmul.f32 $3.200000000e+01, v7;
	v10 =	vld [tilespmem:s21+$0x40];
	[tilespmem:s20+$0x50] =	vst v8  }
0x6d7: {  	s25 =	sand.u32 $0x380, s24;
	s4 =	sor.u32 s17, s4;
	p0 =	slt.u32 s23, $0x3F8;
	v8 =	vld [tilespmem:s21+$0x50];
	v6 =	vmul.f32 $3.200000000e+01, v6;
	[tilespmem:s20+$0x60] =	vst v9  }
0x6d8: {  	s20 =	smov.u32 s21;
	[tilespmem:s22+$0x14200] =	vst v7;
	s22 =	sor.u32 s4, s25;
	v4 =	vmul.f32 $3.200000000e+01, v4;
	v9 =	vld [tilespmem:s21+$0x60]  }
.Ltmp26:
0x6d9: {  	s21 =	sadd.s32 $0x14200, s22;
	v7 =	vld [tilespmem:s22+$0x14200];
	v5 =	vmul.f32 $3.200000000e+01, v5;
	[tilespmem:s20+$0x70] =	vst v6;
	(pc) =	sbr.rel @p0 .LBB2_54-.Ltmp26, $4  }
0x6da: {  	v6 =	vld [tilespmem:s21+$0x70];
	[tilespmem:s20+$0x10] =	vst v4;
	v3 =	vmul.f32 $3.200000000e+01, v3  }
0x6db: {  	v4 =	vld [tilespmem:s21+$0x10];
	[tilespmem:s20+$0x20] =	vst v5;
	v10 =	vmul.f32 $3.200000000e+01, v10  }
0x6dc: {  	v5 =	vld [tilespmem:s21+$0x20];
	[tilespmem:s20+$0x30] =	vst v3;
	v8 =	vmul.f32 $3.200000000e+01, v8  }
0x6dd: {  	s24 =	sadd.s32 $0x10, s24;
	s26 =	sadd.s32 $0x400, s26;
	s28 =	sadd.s32 $0x80, s28;
	v3 =	vld [tilespmem:s21+$0x30];
	[tilespmem:s20+$0x40] =	vst v10;
	v9 =	vmul.f32 $3.200000000e+01, v9  }
0x6de: {  	v7 =	vmul.f32 $3.200000000e+01, v7;
	v10 =	vld [tilespmem:s21+$0x40];
	[tilespmem:s20+$0x50] =	vst v8  }
0x6df: {  	v8 =	vld [tilespmem:s21+$0x50];
	v6 =	vmul.f32 $3.200000000e+01, v6;
	[tilespmem:s20+$0x60] =	vst v9  }
0x6e0: {  	[tilespmem:s22+$0x14200] =	vst v7;
	v4 =	vmul.f32 $3.200000000e+01, v4;
	v7 =	vld [tilespmem:s21+$0x60]  }
0x6e1: {  	v5 =	vmul.f32 $3.200000000e+01, v5;
	[tilespmem:s21+$0x70] =	vst v6  }
0x6e2: {  	[tilespmem:s21+$0x10] =	vst v4;
	v3 =	vmul.f32 $3.200000000e+01, v3  }
0x6e3: {  	[tilespmem:s21+$0x20] =	vst v5;
	v4 =	vmul.f32 $3.200000000e+01, v10  }
0x6e4: {  	[tilespmem:s21+$0x30] =	vst v3;
	v3 =	vmul.f32 $3.200000000e+01, v8  }
0x6e5: {  	[tilespmem:s21+$0x40] =	vst v4;
	v4 =	vmul.f32 $3.200000000e+01, v7  }
0x6e6: {  	[tilespmem:s21+$0x50] =	vst v3  }
0x6e7: {  	[tilespmem:s21+$0x60] =	vst v4  }
0x6e8: {  	s17 =	sld [smem:$0x7F8];
	_ =	sdelay $0x1  }
0x6e9: {  	s4 =	simm.s32 $0x0  }
0x6ea: {  	[hbm4b:s17+s4] =	stream.linear.scatter [tilespmem:s14], [sflag:$0xD], $0x4000, $0x38;
	[tilespmem:$0x1C200] =	vst v63  }
0x6eb: {  	s23 =	sand.u32 $0x1C00, s4;
	s22 =	sand.u32 $0x2000, s4;
	_ =	swait.ge [sflag:s8], $0x4000  }
0x6ec: {  	s4 =	sand.u32 $0x380, s4;
	s17 =	sor.u32 s23, s22;
	[sflag:s8] =	ssyncset.done $0x0  }
0x6ed: {  	s4 =	sor.u32 s17, s4;
	[sflag:s8] =	ssyncadd.s32 $0xFFFFC000  }
0x6ee: {  	s20 =	sadd.s32 $0x18200, s4;
	v3 =	vld [tilespmem:s4+$0x18200]  }
0x6ef: {  	v4 =	vld [tilespmem:s20+$0x70]  }
0x6f0: {  	v9 =	vld [tilespmem:s20+$0x40]  }
0x6f1: {  	v5 =	vld [tilespmem:s20+$0x10]  }
0x6f2: {  	s24 =	simm.s32 $0x400;
	s25 =	simm.s32 $0x80;
	v6 =	vld [tilespmem:s20+$0x20]  }
0x6f3: {  	s26 =	simm.s32 $0x10;
	s21 =	sand.u32 $0x2000, s25;
	s17 =	sand.u32 $0x1C00, s24;
	v8 =	vld [tilespmem:s20+$0x30];
	v3 =	vmul.f32 $3.200000000e+01, v3  }
0x6f4: {  	s22 =	sand.u32 $0x380, s26;
	s17 =	sor.u32 s17, s21;
	v10 =	vld [tilespmem:s20+$0x50];
	v4 =	vmul.f32 $3.200000000e+01, v4  }
0x6f5: {  	s22 =	sor.u32 s17, s22;
	v11 =	vld [tilespmem:s20+$0x60];
	v9 =	vmul.f32 $3.200000000e+01, v9;
	[tilespmem:s4+$0x18200] =	vst v3  }
0x6f6: {  	s21 =	sadd.s32 $0x18200, s22;
	v7 =	vld [tilespmem:s22+$0x18200];
	v3 =	vmul.f32 $3.200000000e+01, v5;
	[tilespmem:s20+$0x70] =	vst v4  }
0x6f7: {  	v5 =	vmul.f32 $3.200000000e+01, v6;
	v6 =	vld [tilespmem:s21+$0x70];
	[tilespmem:s20+$0x40] =	vst v9  }
0x6f8: {  	v4 =	vld [tilespmem:s21+$0x10];
	[tilespmem:s20+$0x10] =	vst v3;
	v3 =	vmul.f32 $3.200000000e+01, v8  }
0x6f9: {  	s28 =	simm.s32 $0x100;
	[tilespmem:s20+$0x20] =	vst v5;
	v5 =	vld [tilespmem:s21+$0x20];
	v8 =	vmul.f32 $3.200000000e+01, v10  }
0x6fa: {  	s23 =	simm.s32 $0x8;
	s26 =	simm.s32 $0x800;
	s24 =	simm.s32 $0x20;
	v9 =	vmul.f32 $3.200000000e+01, v11;
	[tilespmem:s20+$0x30] =	vst v3;
	v3 =	vld [tilespmem:s21+$0x30]  }
.LBB2_56:
0x6fb: {  	s4 =	sand.u32 $0x2000, s28;
	s17 =	sand.u32 $0x1C00, s26;
	s23 =	sadd.s32 $0x8, s23;
	v7 =	vmul.f32 $3.200000000e+01, v7;
	v10 =	vld [tilespmem:s21+$0x40];
	[tilespmem:s20+$0x50] =	vst v8  }
0x6fc: {  	s25 =	sand.u32 $0x380, s24;
	s4 =	sor.u32 s17, s4;
	p0 =	slt.u32 s23, $0x3F8;
	v8 =	vld [tilespmem:s21+$0x50];
	v6 =	vmul.f32 $3.200000000e+01, v6;
	[tilespmem:s20+$0x60] =	vst v9  }
0x6fd: {  	s20 =	smov.u32 s21;
	[tilespmem:s22+$0x18200] =	vst v7;
	s22 =	sor.u32 s4, s25;
	v4 =	vmul.f32 $3.200000000e+01, v4;
	v9 =	vld [tilespmem:s21+$0x60]  }
.Ltmp27:
0x6fe: {  	s21 =	sadd.s32 $0x18200, s22;
	v7 =	vld [tilespmem:s22+$0x18200];
	v5 =	vmul.f32 $3.200000000e+01, v5;
	[tilespmem:s20+$0x70] =	vst v6;
	(pc) =	sbr.rel @p0 .LBB2_56-.Ltmp27, $4  }
0x6ff: {  	v6 =	vld [tilespmem:s21+$0x70];
	[tilespmem:s20+$0x10] =	vst v4;
	v3 =	vmul.f32 $3.200000000e+01, v3  }
0x700: {  	v4 =	vld [tilespmem:s21+$0x10];
	[tilespmem:s20+$0x20] =	vst v5;
	v10 =	vmul.f32 $3.200000000e+01, v10  }
0x701: {  	v5 =	vld [tilespmem:s21+$0x20];
	[tilespmem:s20+$0x30] =	vst v3;
	v8 =	vmul.f32 $3.200000000e+01, v8  }
0x702: {  	s24 =	sadd.s32 $0x10, s24;
	s26 =	sadd.s32 $0x400, s26;
	s28 =	sadd.s32 $0x80, s28;
	v3 =	vld [tilespmem:s21+$0x30];
	[tilespmem:s20+$0x40] =	vst v10;
	v9 =	vmul.f32 $3.200000000e+01, v9  }
0x703: {  	v7 =	vmul.f32 $3.200000000e+01, v7;
	v10 =	vld [tilespmem:s21+$0x40];
	[tilespmem:s20+$0x50] =	vst v8  }
0x704: {  	v8 =	vld [tilespmem:s21+$0x50];
	v6 =	vmul.f32 $3.200000000e+01, v6;
	[tilespmem:s20+$0x60] =	vst v9  }
0x705: {  	[tilespmem:s22+$0x18200] =	vst v7;
	v4 =	vmul.f32 $3.200000000e+01, v4;
	v7 =	vld [tilespmem:s21+$0x60]  }
0x706: {  	v5 =	vmul.f32 $3.200000000e+01, v5;
	[tilespmem:s21+$0x70] =	vst v6  }
0x707: {  	[tilespmem:s21+$0x10] =	vst v4;
	v3 =	vmul.f32 $3.200000000e+01, v3  }
0x708: {  	[tilespmem:s21+$0x20] =	vst v5;
	v4 =	vmul.f32 $3.200000000e+01, v10  }
0x709: {  	[tilespmem:s21+$0x30] =	vst v3;
	v3 =	vmul.f32 $3.200000000e+01, v8  }
0x70a: {  	[tilespmem:s21+$0x40] =	vst v4;
	v4 =	vmul.f32 $3.200000000e+01, v7  }
0x70b: {  	[tilespmem:s21+$0x50] =	vst v3  }
0x70c: {  	[tilespmem:s21+$0x60] =	vst v4  }
0x70d: {  	s17 =	sld [smem:$0x7F9];
	_ =	sdelay $0x1  }
0x70e: {  	s4 =	simm.s32 $0x0  }
0x70f: {  	[hbm4b:s17+s4] =	stream.linear.scatter [tilespmem:s15], [sflag:$0xE], $0x4000, $0x38;
	[tilespmem:$0x1C200] =	vst v63  }
0x710: {  	s23 =	sand.u32 $0x2000, s4;
	s24 =	sand.u32 $0x1C00, s4;
	_ =	swait.ge [sflag:s29], $0x4000  }
0x711: {  	s4 =	sand.u32 $0x380, s4;
	s17 =	sor.u32 s24, s23;
	[sflag:s29] =	ssyncset.done $0x0  }
0x712: {  	s21 =	sor.u32 s17, s4;
	[sflag:s29] =	ssyncadd.s32 $0xFFFFC000  }
0x713: {  	v3 =	vld [tilespmem:s21+$0x270]  }
0x714: {  	v4 =	vld [tilespmem:s21+$0x200]  }
0x715: {  	v5 =	vld [tilespmem:s21+$0x210]  }
0x716: {  	v9 =	vld [tilespmem:s21+$0x240]  }
0x717: {  	s25 =	simm.s32 $0x400;
	s26 =	simm.s32 $0x80;
	v6 =	vld [tilespmem:s21+$0x220]  }
0x718: {  	s28 =	simm.s32 $0x10;
	s17 =	sand.u32 $0x2000, s26;
	s4 =	sand.u32 $0x1C00, s25;
	v8 =	vld [tilespmem:s21+$0x230];
	v3 =	vmul.f32 $3.200000000e+01, v3  }
0x719: {  	s20 =	sand.u32 $0x380, s28;
	s4 =	sor.u32 s4, s17;
	v10 =	vld [tilespmem:s21+$0x250];
	v4 =	vmul.f32 $3.200000000e+01, v4  }
0x71a: {  	s20 =	sor.u32 s4, s20;
	v12 =	vld [tilespmem:s21+$0x260];
	v11 =	vmul.f32 $3.200000000e+01, v5;
	[tilespmem:s21+$0x270] =	vst v3  }
0x71b: {  	v7 =	vld [tilespmem:s20+$0x270];
	v9 =	vmul.f32 $3.200000000e+01, v9;
	[tilespmem:s21+$0x200] =	vst v4  }
0x71c: {  	v5 =	vld [tilespmem:s20+$0x200];
	v3 =	vmul.f32 $3.200000000e+01, v6;
	[tilespmem:s21+$0x210] =	vst v11  }
0x71d: {  	v4 =	vmul.f32 $3.200000000e+01, v8;
	v6 =	vld [tilespmem:s20+$0x210];
	[tilespmem:s21+$0x240] =	vst v9  }
0x71e: {  	s22 =	simm.s32 $0x8;
	v8 =	vmul.f32 $3.200000000e+01, v10;
	[tilespmem:s21+$0x220] =	vst v3;
	v3 =	vld [tilespmem:s20+$0x220]  }
0x71f: {  	s23 =	simm.s32 $0x20;
	s24 =	simm.s32 $0x800;
	s26 =	simm.s32 $0x100;
	v9 =	vmul.f32 $3.200000000e+01, v12;
	[tilespmem:s21+$0x230] =	vst v4;
	v4 =	vld [tilespmem:s20+$0x230]  }
.LBB2_58:
0x720: {  	s4 =	sand.u32 $0x2000, s26;
	s17 =	sand.u32 $0x1C00, s24;
	s22 =	sadd.s32 $0x8, s22;
	v10 =	vld [tilespmem:s20+$0x240];
	v7 =	vmul.f32 $3.200000000e+01, v7;
	[tilespmem:s21+$0x250] =	vst v8  }
0x721: {  	s25 =	sand.u32 $0x380, s23;
	s4 =	sor.u32 s17, s4;
	p0 =	slt.u32 s22, $0x3F8;
	v5 =	vmul.f32 $3.200000000e+01, v5;
	v8 =	vld [tilespmem:s20+$0x250];
	[tilespmem:s21+$0x260] =	vst v9  }
0x722: {  	s21 =	smov.u32 s20;
	v6 =	vmul.f32 $3.200000000e+01, v6;
	v9 =	vld [tilespmem:s20+$0x260];
	[tilespmem:s20+$0x270] =	vst v7;
	s20 =	sor.u32 s4, s25  }
.Ltmp28:
0x723: {  	v7 =	vld [tilespmem:s20+$0x270];
	[tilespmem:s21+$0x200] =	vst v5;
	v3 =	vmul.f32 $3.200000000e+01, v3;
	(pc) =	sbr.rel @p0 .LBB2_58-.Ltmp28, $4  }
0x724: {  	v5 =	vld [tilespmem:s20+$0x200];
	[tilespmem:s21+$0x210] =	vst v6;
	v4 =	vmul.f32 $3.200000000e+01, v4  }
0x725: {  	v6 =	vld [tilespmem:s20+$0x210];
	[tilespmem:s21+$0x220] =	vst v3;
	v10 =	vmul.f32 $3.200000000e+01, v10  }
0x726: {  	v3 =	vld [tilespmem:s20+$0x220];
	[tilespmem:s21+$0x230] =	vst v4;
	v8 =	vmul.f32 $3.200000000e+01, v8  }
0x727: {  	s23 =	sadd.s32 $0x10, s23;
	s24 =	sadd.s32 $0x400, s24;
	s26 =	sadd.s32 $0x80, s26;
	v4 =	vld [tilespmem:s20+$0x230];
	[tilespmem:s21+$0x240] =	vst v10;
	v9 =	vmul.f32 $3.200000000e+01, v9  }
0x728: {  	v10 =	vld [tilespmem:s20+$0x240];
	v7 =	vmul.f32 $3.200000000e+01, v7;
	[tilespmem:s21+$0x250] =	vst v8  }
0x729: {  	v8 =	vld [tilespmem:s20+$0x250];
	v5 =	vmul.f32 $3.200000000e+01, v5;
	[tilespmem:s21+$0x260] =	vst v9  }
0x72a: {  	v9 =	vld [tilespmem:s20+$0x260];
	v6 =	vmul.f32 $3.200000000e+01, v6;
	[tilespmem:s20+$0x270] =	vst v7  }
0x72b: {  	[tilespmem:s20+$0x200] =	vst v5;
	v3 =	vmul.f32 $3.200000000e+01, v3  }
0x72c: {  	[tilespmem:s20+$0x210] =	vst v6;
	v4 =	vmul.f32 $3.200000000e+01, v4  }
0x72d: {  	[tilespmem:s20+$0x220] =	vst v3;
	v3 =	vmul.f32 $3.200000000e+01, v10  }
0x72e: {  	[tilespmem:s20+$0x230] =	vst v4;
	v4 =	vmul.f32 $3.200000000e+01, v8  }
0x72f: {  	[tilespmem:s20+$0x240] =	vst v3;
	v3 =	vmul.f32 $3.200000000e+01, v9  }
0x730: {  	[tilespmem:s20+$0x250] =	vst v4  }
0x731: {  	[tilespmem:s20+$0x260] =	vst v3  }
0x732: {  	s17 =	sld [smem:$0x7FA];
	_ =	sdelay $0x1  }
0x733: {  	s4 =	simm.s32 $0x0;
	s22 =	simm.s32 $0x200  }
0x734: {  	[hbm4b:s17+s4] =	stream.linear.scatter [tilespmem:s22], [sflag:$0x8], $0x4000, $0x38;
	[tilespmem:$0x1C200] =	vst v63  }
0x735: {  	s23 =	sand.u32 $0x2000, s4;
	s24 =	sand.u32 $0x1C00, s4;
	_ =	swait.ge [sflag:s31], $0x4000  }
0x736: {  	s4 =	sand.u32 $0x380, s4;
	s17 =	sor.u32 s24, s23;
	[sflag:s31] =	ssyncset.done $0x0  }
0x737: {  	s21 =	sor.u32 s17, s4;
	[sflag:s31] =	ssyncadd.s32 $0xFFFFC000  }
0x738: {  	v3 =	vld [tilespmem:s21+$0x4270]  }
0x739: {  	v4 =	vld [tilespmem:s21+$0x4200]  }
0x73a: {  	v5 =	vld [tilespmem:s21+$0x4210]  }
0x73b: {  	v9 =	vld [tilespmem:s21+$0x4240]  }
0x73c: {  	s25 =	simm.s32 $0x400;
	s26 =	simm.s32 $0x80;
	v6 =	vld [tilespmem:s21+$0x4220]  }
0x73d: {  	s28 =	simm.s32 $0x10;
	s17 =	sand.u32 $0x2000, s26;
	s4 =	sand.u32 $0x1C00, s25;
	v8 =	vld [tilespmem:s21+$0x4230];
	v3 =	vmul.f32 $3.200000000e+01, v3  }
0x73e: {  	s20 =	sand.u32 $0x380, s28;
	s4 =	sor.u32 s4, s17;
	v10 =	vld [tilespmem:s21+$0x4250];
	v4 =	vmul.f32 $3.200000000e+01, v4  }
0x73f: {  	s20 =	sor.u32 s4, s20;
	v12 =	vld [tilespmem:s21+$0x4260];
	v11 =	vmul.f32 $3.200000000e+01, v5;
	[tilespmem:s21+$0x4270] =	vst v3  }
0x740: {  	v7 =	vld [tilespmem:s20+$0x4270];
	v9 =	vmul.f32 $3.200000000e+01, v9;
	[tilespmem:s21+$0x4200] =	vst v4  }
0x741: {  	v5 =	vld [tilespmem:s20+$0x4200];
	v3 =	vmul.f32 $3.200000000e+01, v6;
	[tilespmem:s21+$0x4210] =	vst v11  }
0x742: {  	v4 =	vmul.f32 $3.200000000e+01, v8;
	v6 =	vld [tilespmem:s20+$0x4210];
	[tilespmem:s21+$0x4240] =	vst v9  }
0x743: {  	s22 =	simm.s32 $0x8;
	v8 =	vmul.f32 $3.200000000e+01, v10;
	[tilespmem:s21+$0x4220] =	vst v3;
	v3 =	vld [tilespmem:s20+$0x4220]  }
0x744: {  	s23 =	simm.s32 $0x20;
	s24 =	simm.s32 $0x800;
	s26 =	simm.s32 $0x100;
	v9 =	vmul.f32 $3.200000000e+01, v12;
	[tilespmem:s21+$0x4230] =	vst v4;
	v4 =	vld [tilespmem:s20+$0x4230]  }
.LBB2_60:
0x745: {  	s4 =	sand.u32 $0x2000, s26;
	s17 =	sand.u32 $0x1C00, s24;
	s22 =	sadd.s32 $0x8, s22;
	v10 =	vld [tilespmem:s20+$0x4240];
	v7 =	vmul.f32 $3.200000000e+01, v7;
	[tilespmem:s21+$0x4250] =	vst v8  }
0x746: {  	s25 =	sand.u32 $0x380, s23;
	s4 =	sor.u32 s17, s4;
	p0 =	slt.u32 s22, $0x3F8;
	v5 =	vmul.f32 $3.200000000e+01, v5;
	v8 =	vld [tilespmem:s20+$0x4250];
	[tilespmem:s21+$0x4260] =	vst v9  }
0x747: {  	s21 =	smov.u32 s20;
	v6 =	vmul.f32 $3.200000000e+01, v6;
	v9 =	vld [tilespmem:s20+$0x4260];
	[tilespmem:s20+$0x4270] =	vst v7;
	s20 =	sor.u32 s4, s25  }
.Ltmp29:
0x748: {  	v7 =	vld [tilespmem:s20+$0x4270];
	[tilespmem:s21+$0x4200] =	vst v5;
	v3 =	vmul.f32 $3.200000000e+01, v3;
	(pc) =	sbr.rel @p0 .LBB2_60-.Ltmp29, $4  }
0x749: {  	v5 =	vld [tilespmem:s20+$0x4200];
	[tilespmem:s21+$0x4210] =	vst v6;
	v4 =	vmul.f32 $3.200000000e+01, v4  }
0x74a: {  	v6 =	vld [tilespmem:s20+$0x4210];
	[tilespmem:s21+$0x4220] =	vst v3;
	v10 =	vmul.f32 $3.200000000e+01, v10  }
0x74b: {  	v3 =	vld [tilespmem:s20+$0x4220];
	[tilespmem:s21+$0x4230] =	vst v4;
	v8 =	vmul.f32 $3.200000000e+01, v8  }
0x74c: {  	s23 =	sadd.s32 $0x10, s23;
	s24 =	sadd.s32 $0x400, s24;
	s26 =	sadd.s32 $0x80, s26;
	v4 =	vld [tilespmem:s20+$0x4230];
	[tilespmem:s21+$0x4240] =	vst v10;
	v9 =	vmul.f32 $3.200000000e+01, v9  }
0x74d: {  	v10 =	vld [tilespmem:s20+$0x4240];
	v7 =	vmul.f32 $3.200000000e+01, v7;
	[tilespmem:s21+$0x4250] =	vst v8  }
0x74e: {  	v8 =	vld [tilespmem:s20+$0x4250];
	v5 =	vmul.f32 $3.200000000e+01, v5;
	[tilespmem:s21+$0x4260] =	vst v9  }
0x74f: {  	v9 =	vld [tilespmem:s20+$0x4260];
	v6 =	vmul.f32 $3.200000000e+01, v6;
	[tilespmem:s20+$0x4270] =	vst v7  }
0x750: {  	[tilespmem:s20+$0x4200] =	vst v5;
	v3 =	vmul.f32 $3.200000000e+01, v3  }
0x751: {  	[tilespmem:s20+$0x4210] =	vst v6;
	v4 =	vmul.f32 $3.200000000e+01, v4  }
0x752: {  	[tilespmem:s20+$0x4220] =	vst v3;
	v3 =	vmul.f32 $3.200000000e+01, v10  }
0x753: {  	[tilespmem:s20+$0x4230] =	vst v4;
	v4 =	vmul.f32 $3.200000000e+01, v8  }
0x754: {  	[tilespmem:s20+$0x4240] =	vst v3;
	v3 =	vmul.f32 $3.200000000e+01, v9  }
0x755: {  	[tilespmem:s20+$0x4250] =	vst v4  }
0x756: {  	[tilespmem:s20+$0x4260] =	vst v3  }
0x757: {  	s17 =	sld [smem:$0x7FB];
	_ =	sdelay $0x1  }
0x758: {  	s4 =	simm.s32 $0x0  }
0x759: {  	[hbm4b:s17+s4] =	stream.linear.scatter [tilespmem:s16], [sflag:$0x9], $0x4000, $0x38;
	[tilespmem:$0x1C200] =	vst v63  }
0x75a: {  	s23 =	sand.u32 $0x2000, s4;
	s24 =	sand.u32 $0x1C00, s4;
	_ =	swait.ge [sflag:s2], $0x4000  }
0x75b: {  	s4 =	sand.u32 $0x380, s4;
	s17 =	sor.u32 s24, s23;
	[sflag:s2] =	ssyncset.done $0x0  }
0x75c: {  	s21 =	sor.u32 s17, s4;
	[sflag:s2] =	ssyncadd.s32 $0xFFFFC000  }
0x75d: {  	v3 =	vld [tilespmem:s21+$0x8270]  }
0x75e: {  	v4 =	vld [tilespmem:s21+$0x8200]  }
0x75f: {  	v5 =	vld [tilespmem:s21+$0x8210]  }
0x760: {  	v9 =	vld [tilespmem:s21+$0x8240]  }
0x761: {  	s25 =	simm.s32 $0x400;
	s26 =	simm.s32 $0x80;
	v6 =	vld [tilespmem:s21+$0x8220]  }
0x762: {  	s28 =	simm.s32 $0x10;
	s17 =	sand.u32 $0x2000, s26;
	s4 =	sand.u32 $0x1C00, s25;
	v8 =	vld [tilespmem:s21+$0x8230];
	v3 =	vmul.f32 $3.200000000e+01, v3  }
0x763: {  	s20 =	sand.u32 $0x380, s28;
	s4 =	sor.u32 s4, s17;
	v10 =	vld [tilespmem:s21+$0x8250];
	v4 =	vmul.f32 $3.200000000e+01, v4  }
0x764: {  	s20 =	sor.u32 s4, s20;
	v12 =	vld [tilespmem:s21+$0x8260];
	v11 =	vmul.f32 $3.200000000e+01, v5;
	[tilespmem:s21+$0x8270] =	vst v3  }
0x765: {  	v7 =	vld [tilespmem:s20+$0x8270];
	v9 =	vmul.f32 $3.200000000e+01, v9;
	[tilespmem:s21+$0x8200] =	vst v4  }
0x766: {  	v5 =	vld [tilespmem:s20+$0x8200];
	v3 =	vmul.f32 $3.200000000e+01, v6;
	[tilespmem:s21+$0x8210] =	vst v11  }
0x767: {  	v4 =	vmul.f32 $3.200000000e+01, v8;
	v6 =	vld [tilespmem:s20+$0x8210];
	[tilespmem:s21+$0x8240] =	vst v9  }
0x768: {  	s22 =	simm.s32 $0x8;
	v8 =	vmul.f32 $3.200000000e+01, v10;
	[tilespmem:s21+$0x8220] =	vst v3;
	v3 =	vld [tilespmem:s20+$0x8220]  }
0x769: {  	s23 =	simm.s32 $0x20;
	s24 =	simm.s32 $0x800;
	s26 =	simm.s32 $0x100;
	v9 =	vmul.f32 $3.200000000e+01, v12;
	[tilespmem:s21+$0x8230] =	vst v4;
	v4 =	vld [tilespmem:s20+$0x8230]  }
.LBB2_62:
0x76a: {  	s4 =	sand.u32 $0x2000, s26;
	s17 =	sand.u32 $0x1C00, s24;
	s22 =	sadd.s32 $0x8, s22;
	v10 =	vld [tilespmem:s20+$0x8240];
	v7 =	vmul.f32 $3.200000000e+01, v7;
	[tilespmem:s21+$0x8250] =	vst v8  }
0x76b: {  	s25 =	sand.u32 $0x380, s23;
	s4 =	sor.u32 s17, s4;
	p0 =	slt.u32 s22, $0x3F8;
	v5 =	vmul.f32 $3.200000000e+01, v5;
	v8 =	vld [tilespmem:s20+$0x8250];
	[tilespmem:s21+$0x8260] =	vst v9  }
0x76c: {  	s21 =	smov.u32 s20;
	v6 =	vmul.f32 $3.200000000e+01, v6;
	v9 =	vld [tilespmem:s20+$0x8260];
	[tilespmem:s20+$0x8270] =	vst v7;
	s20 =	sor.u32 s4, s25  }
.Ltmp30:
0x76d: {  	v7 =	vld [tilespmem:s20+$0x8270];
	[tilespmem:s21+$0x8200] =	vst v5;
	v3 =	vmul.f32 $3.200000000e+01, v3;
	(pc) =	sbr.rel @p0 .LBB2_62-.Ltmp30, $4  }
0x76e: {  	v5 =	vld [tilespmem:s20+$0x8200];
	[tilespmem:s21+$0x8210] =	vst v6;
	v4 =	vmul.f32 $3.200000000e+01, v4  }
0x76f: {  	v6 =	vld [tilespmem:s20+$0x8210];
	[tilespmem:s21+$0x8220] =	vst v3;
	v10 =	vmul.f32 $3.200000000e+01, v10  }
0x770: {  	v3 =	vld [tilespmem:s20+$0x8220];
	[tilespmem:s21+$0x8230] =	vst v4;
	v8 =	vmul.f32 $3.200000000e+01, v8  }
0x771: {  	s23 =	sadd.s32 $0x10, s23;
	s24 =	sadd.s32 $0x400, s24;
	s26 =	sadd.s32 $0x80, s26;
	v4 =	vld [tilespmem:s20+$0x8230];
	[tilespmem:s21+$0x8240] =	vst v10;
	v9 =	vmul.f32 $3.200000000e+01, v9  }
0x772: {  	v10 =	vld [tilespmem:s20+$0x8240];
	v7 =	vmul.f32 $3.200000000e+01, v7;
	[tilespmem:s21+$0x8250] =	vst v8  }
0x773: {  	v8 =	vld [tilespmem:s20+$0x8250];
	v5 =	vmul.f32 $3.200000000e+01, v5;
	[tilespmem:s21+$0x8260] =	vst v9  }
0x774: {  	v9 =	vld [tilespmem:s20+$0x8260];
	v6 =	vmul.f32 $3.200000000e+01, v6;
	[tilespmem:s20+$0x8270] =	vst v7  }
0x775: {  	[tilespmem:s20+$0x8200] =	vst v5;
	v3 =	vmul.f32 $3.200000000e+01, v3  }
0x776: {  	[tilespmem:s20+$0x8210] =	vst v6;
	v4 =	vmul.f32 $3.200000000e+01, v4  }
0x777: {  	[tilespmem:s20+$0x8220] =	vst v3;
	v3 =	vmul.f32 $3.200000000e+01, v10  }
0x778: {  	[tilespmem:s20+$0x8230] =	vst v4;
	v4 =	vmul.f32 $3.200000000e+01, v8  }
0x779: {  	[tilespmem:s20+$0x8240] =	vst v3;
	v3 =	vmul.f32 $3.200000000e+01, v9  }
0x77a: {  	[tilespmem:s20+$0x8250] =	vst v4  }
0x77b: {  	[tilespmem:s20+$0x8260] =	vst v3  }
0x77c: {  	s17 =	sld [smem:$0x7FC];
	_ =	sdelay $0x1  }
0x77d: {  	s4 =	simm.s32 $0x0  }
0x77e: {  	[hbm4b:s17+s4] =	stream.linear.scatter [tilespmem:s12], [sflag:$0xA], $0x4000, $0x38;
	[tilespmem:$0x1C200] =	vst v63  }
0x77f: {  	s23 =	sand.u32 $0x2000, s4;
	s24 =	sand.u32 $0x1C00, s4;
	_ =	swait.ge [sflag:s10], $0x4000  }
0x780: {  	s4 =	sand.u32 $0x380, s4;
	s17 =	sor.u32 s24, s23;
	[sflag:s10] =	ssyncset.done $0x0  }
0x781: {  	s21 =	sor.u32 s17, s4;
	[sflag:s10] =	ssyncadd.s32 $0xFFFFC000  }
0x782: {  	v3 =	vld [tilespmem:s21+$0xC270]  }
0x783: {  	v4 =	vld [tilespmem:s21+$0xC200]  }
0x784: {  	v5 =	vld [tilespmem:s21+$0xC210]  }
0x785: {  	v9 =	vld [tilespmem:s21+$0xC240]  }
0x786: {  	s25 =	simm.s32 $0x400;
	s26 =	simm.s32 $0x80;
	v6 =	vld [tilespmem:s21+$0xC220]  }
0x787: {  	s28 =	simm.s32 $0x10;
	s17 =	sand.u32 $0x2000, s26;
	s4 =	sand.u32 $0x1C00, s25;
	v8 =	vld [tilespmem:s21+$0xC230];
	v3 =	vmul.f32 $3.200000000e+01, v3  }
0x788: {  	s20 =	sand.u32 $0x380, s28;
	s4 =	sor.u32 s4, s17;
	v10 =	vld [tilespmem:s21+$0xC250];
	v4 =	vmul.f32 $3.200000000e+01, v4  }
0x789: {  	s20 =	sor.u32 s4, s20;
	v12 =	vld [tilespmem:s21+$0xC260];
	v11 =	vmul.f32 $3.200000000e+01, v5;
	[tilespmem:s21+$0xC270] =	vst v3  }
0x78a: {  	v7 =	vld [tilespmem:s20+$0xC270];
	v9 =	vmul.f32 $3.200000000e+01, v9;
	[tilespmem:s21+$0xC200] =	vst v4  }
0x78b: {  	v5 =	vld [tilespmem:s20+$0xC200];
	v3 =	vmul.f32 $3.200000000e+01, v6;
	[tilespmem:s21+$0xC210] =	vst v11  }
0x78c: {  	v4 =	vmul.f32 $3.200000000e+01, v8;
	v6 =	vld [tilespmem:s20+$0xC210];
	[tilespmem:s21+$0xC240] =	vst v9  }
0x78d: {  	s22 =	simm.s32 $0x8;
	v8 =	vmul.f32 $3.200000000e+01, v10;
	[tilespmem:s21+$0xC220] =	vst v3;
	v3 =	vld [tilespmem:s20+$0xC220]  }
0x78e: {  	s23 =	simm.s32 $0x20;
	s24 =	simm.s32 $0x800;
	s26 =	simm.s32 $0x100;
	v9 =	vmul.f32 $3.200000000e+01, v12;
	[tilespmem:s21+$0xC230] =	vst v4;
	v4 =	vld [tilespmem:s20+$0xC230]  }
.LBB2_64:
0x78f: {  	s4 =	sand.u32 $0x2000, s26;
	s17 =	sand.u32 $0x1C00, s24;
	s22 =	sadd.s32 $0x8, s22;
	v10 =	vld [tilespmem:s20+$0xC240];
	v7 =	vmul.f32 $3.200000000e+01, v7;
	[tilespmem:s21+$0xC250] =	vst v8  }
0x790: {  	s25 =	sand.u32 $0x380, s23;
	s4 =	sor.u32 s17, s4;
	p0 =	slt.u32 s22, $0x3F8;
	v5 =	vmul.f32 $3.200000000e+01, v5;
	v8 =	vld [tilespmem:s20+$0xC250];
	[tilespmem:s21+$0xC260] =	vst v9  }
0x791: {  	s21 =	smov.u32 s20;
	v6 =	vmul.f32 $3.200000000e+01, v6;
	v9 =	vld [tilespmem:s20+$0xC260];
	[tilespmem:s20+$0xC270] =	vst v7;
	s20 =	sor.u32 s4, s25  }
.Ltmp31:
0x792: {  	v7 =	vld [tilespmem:s20+$0xC270];
	[tilespmem:s21+$0xC200] =	vst v5;
	v3 =	vmul.f32 $3.200000000e+01, v3;
	(pc) =	sbr.rel @p0 .LBB2_64-.Ltmp31, $4  }
0x793: {  	v5 =	vld [tilespmem:s20+$0xC200];
	[tilespmem:s21+$0xC210] =	vst v6;
	v4 =	vmul.f32 $3.200000000e+01, v4  }
0x794: {  	v6 =	vld [tilespmem:s20+$0xC210];
	[tilespmem:s21+$0xC220] =	vst v3;
	v10 =	vmul.f32 $3.200000000e+01, v10  }
0x795: {  	v3 =	vld [tilespmem:s20+$0xC220];
	[tilespmem:s21+$0xC230] =	vst v4;
	v8 =	vmul.f32 $3.200000000e+01, v8  }
0x796: {  	s23 =	sadd.s32 $0x10, s23;
	s24 =	sadd.s32 $0x400, s24;
	s26 =	sadd.s32 $0x80, s26;
	v4 =	vld [tilespmem:s20+$0xC230];
	[tilespmem:s21+$0xC240] =	vst v10;
	v9 =	vmul.f32 $3.200000000e+01, v9  }
0x797: {  	v10 =	vld [tilespmem:s20+$0xC240];
	v7 =	vmul.f32 $3.200000000e+01, v7;
	[tilespmem:s21+$0xC250] =	vst v8  }
0x798: {  	v61 =	vld [tilespmem:s20+$0xC250];
	v5 =	vmul.f32 $3.200000000e+01, v5;
	[tilespmem:s21+$0xC260] =	vst v9  }
0x799: {  	v62 =	vld [tilespmem:s20+$0xC260];
	v6 =	vmul.f32 $3.200000000e+01, v6;
	[tilespmem:s20+$0xC270] =	vst v7  }
0x79a: {  	[tilespmem:s20+$0xC200] =	vst v5;
	v3 =	vmul.f32 $3.200000000e+01, v3  }
0x79b: {  	[tilespmem:s20+$0xC210] =	vst v6;
	v4 =	vmul.f32 $3.200000000e+01, v4  }
0x79c: {  	[tilespmem:s20+$0xC220] =	vst v3;
	v3 =	vmul.f32 $3.200000000e+01, v10  }
0x79d: {  	v63 =	vmul.f32 $3.200000000e+01, v61;
	[tilespmem:s20+$0xC230] =	vst v4  }
0x79e: {  	[tilespmem:s20+$0xC240] =	vst v3;
	v3 =	vmul.f32 $3.200000000e+01, v62  }
0x79f: {  	[tilespmem:s20+$0xC250] =	vst v63  }
0x7a0: {  	[tilespmem:s20+$0xC260] =	vst v3  }
0x7a1: {  	s4 =	sld [smem:$0x7FD];
	_ =	sdelay $0x1  }
0x7a2: {  	s25 =	simm.s32 $0xC;
	s21 =	simm.s32 $0xC200  }
0x7a3: {  	[hbm4b:s4+s3] =	stream.linear.scatter [tilespmem:s21], [sflag:$0xB], $0x4000, $0x38;
	[tilespmem:$0x1C200] =	vst v63  }
0x7a4: {  	_ =	swait.ge [sflag:s25], $0x4000  }
0x7a5: {  	[sflag:s25] =	ssyncset.done $0x0  }
0x7a6: {  	s26 =	simm.s32 $0xD;
	[sflag:s25] =	ssyncadd.s32 $0xFFFFC000  }
0x7a7: {  	_ =	swait.ge [sflag:s26], $0x4000  }
0x7a8: {  	[sflag:s26] =	ssyncset.done $0x0  }
0x7a9: {  	[sflag:s26] =	ssyncadd.s32 $0xFFFFC000  }
0x7aa: {  	_ =	swait.ge [sflag:s18], $0x4000  }
0x7ab: {  	[sflag:s18] =	ssyncset.done $0x0  }
0x7ac: {  	[sflag:s18] =	ssyncadd.s32 $0xFFFFC000  }
0x7ad: {  	_ =	swait.ge [sflag:s30], $0x4000  }
0x7ae: {  	[sflag:s30] =	ssyncset.done $0x0  }
0x7af: {  	[sflag:s30] =	ssyncadd.s32 $0xFFFFC000  }
0x7b0: {  	_ =	swait.ge [sflag:s0], $0x4000  }
0x7b1: {  	[sflag:s0] =	ssyncset.done $0x0  }
0x7b2: {  	[sflag:s0] =	ssyncadd.s32 $0xFFFFC000  }
0x7b3: {  	_ =	swait.ge [sflag:s9], $0x4000  }
0x7b4: {  	[sflag:s9] =	ssyncset.done $0x0  }
0x7b5: {  	[sflag:s9] =	ssyncadd.s32 $0xFFFFC000  }
0x7b6: {  	_ =	swait.ge [sflag:s11], $0x4000  }
0x7b7: {  	s19 =	sadd.s32 $0x1, s19;
	s28 =	rddreg [dreg:$0x16]  }
0x7b8: {  	p0 =	sne.s32 s19, s28  }
.Ltmp32:
0x7b9: {  	_ = 	snop;
	(pc) =	sbr.rel @p0 .LBB2_1-.Ltmp32, $3  }
0x7ba: {  	_ =	sdelay $0x1  }
0x7bb: {  	[sflag:s11] =	ssyncset.done $0x0  }
0x7bc: {  	[sflag:s11] =	ssyncadd.s32 $0xFFFFC000  }
0x7bd: {  	_ =	sfence.sel $0x180000  }
0x7be: {  	[bflag:$0x0] =	sbarrier.arrive $0xFFFF  }
0x7bf: {  	_ =	strace $0x90000047  }
0x7c0: {  	s0 =	stileid.u32;
	[bflag:$0x2] =	sbarrier.arrive $0xFFFF  }
0x7c1: {  	p0 =	sne.s32 s0, $0x0;
	s0 =	rddreg [dreg:$0x3]  }
0x7c2: {  	s0 =	sadd.s32 @!p0 $0x100000, s0  }
0x7c3: {  	[sflag:s0] =	ssyncadd.tile.s32 @!p0 $0x1;
	_ =	shalt  }
.Lfunc_end2:
_tile_overlayer_lowered:
.L_overlay_start_2:
0x7c4: {  	(tag) =	ssettag $0x2  }
0x7c5: {  	s0 =	rddreg [dreg:$0x0];
	s2 =	stileid.u32  }
0x7c6: {  	s1 =	rddreg [dreg:$0x1];
	p0 =	sne.s32 s2, $0x0  }
0x7c7: {  	s3 =	rddreg [dreg:$0x2];
	[bflag:$0x3] =	sbarrier.arrive $0xFFFF;
	s2 =	simm.s32 @!p0 $0x1C0F  }
0x7c8: {  	[timem:s3], [sflag:s2] =	dma.local @!p0 [hbm:s0], s1  }
0x7c9: {  	s0 =	simm.s32 @!p0 $0xF  }
0x7ca: {  	_ =	swait.ge @!p0 [sflag:s0], s1  }
0x7cb: {  	s1 =	ssub.s32 @!p0 $0x0, s1;
	[sflag:s0] =	ssyncset.done @!p0 $0x0  }
0x7cc: {  	[sflag:s0] =	ssyncadd.s32 @!p0 s1  }
0x7cd: {  	[bflag:$0x3] =	sbarrier.arrive $0xFFFF  }
0x7ce: {  	_ =	shalt  }

</sc_bundles>
